<compile_context>
chip_gen: v7x
topology: tpu7x:2x2x1
jax: 0.10.2.dev20260603
libtpu: 0.0.44.dev20260713+nightly
codegen_flags: <defaults>
</compile_context>

<pallas_src>
import functools

import jax
import jax.numpy as jnp
from jax import lax
from jax.experimental import pallas as pl
from jax.experimental.pallas import tpu as pltpu
from jax.experimental.pallas import tpu_sc as plsc

_HI = lax.Precision.HIGHEST


def _dotT(x, w, precision=lax.Precision.DEFAULT):
    return lax.dot_general(x, w, (((1,), (1,)), ((), ())), precision=precision)



def _lin_bn_relu_body(x_ref, w_ref, b_ref, g_ref, bb_ref, o_ref):
    y = _dotT(x_ref[...], w_ref[...]) + b_ref[...]
    mean = jnp.mean(y, axis=0, keepdims=True)
    var = jnp.mean((y - mean) ** 2, axis=0, keepdims=True)
    yn = g_ref[...] * (y - mean) / jnp.sqrt(var + 1e-5) + bb_ref[...]
    o_ref[...] = jnp.maximum(yn, 0.0)


def _lin_bn_relu(x, w, b, g, bb):
    m = x.shape[0]
    dout = w.shape[0]
    return pl.pallas_call(
        _lin_bn_relu_body,
        out_shape=jax.ShapeDtypeStruct((m, dout), jnp.float32),
    )(x, w, b.reshape(1, -1), g.reshape(1, -1), bb.reshape(1, -1))



def _sq_dist(q, pT):
    e = lax.dot(q, pT, precision=lax.Precision.DEFAULT)
    qn = q[:, 0:1] ** 2 + q[:, 1:2] ** 2 + q[:, 2:3] ** 2
    pn = pT[0:1, :] ** 2 + pT[1:2, :] ** 2 + pT[2:3, :] ** 2
    return -2.0 * e + qn + pn


def _tu_interp_body(n_src, q_ref, pT_ref, f1_ref, f2_ref, o_ref):
    q = q_ref[...]
    pT = pT_ref[0]
    d = _sq_dist(q, pT)
    iota = lax.broadcasted_iota(jnp.int32, d.shape, 1)
    idxs, dists = [], []
    for _ in range(3):
        m = jnp.min(d, axis=1, keepdims=True)
        iv = jnp.argmin(d, axis=1)[:, None]
        idxs.append(iv)
        dists.append(m)
        d = jnp.where(iota == iv, jnp.inf, d)
    recip = [1.0 / (dd + 1e-8) for dd in dists]
    norm = recip[0] + recip[1] + recip[2]
    wmat = jnp.zeros_like(d)
    for iv, r in zip(idxs, recip):
        wmat = wmat + jnp.where(iota == iv, r / norm, 0.0)
    o_ref[...] = lax.dot(wmat, f1_ref[0], precision=_HI) + f2_ref[...]


def _tu_interp(q_xyz_flat, src_xyzT, f1, f2, bsz, n_q, n_src, dout, blk):
    grid = (bsz, n_q // blk)
    return pl.pallas_call(
        functools.partial(_tu_interp_body, n_src),
        grid=grid,
        in_specs=[
            pl.BlockSpec((blk, 3), lambda b, n: (b * (n_q // blk) + n, 0)),
            pl.BlockSpec((1, 3, n_src), lambda b, n: (b, 0, 0)),
            pl.BlockSpec((1, n_src, dout), lambda b, n: (b, 0, 0)),
            pl.BlockSpec((blk, dout), lambda b, n: (b * (n_q // blk) + n, 0)),
        ],
        out_specs=pl.BlockSpec((blk, dout), lambda b, n: (b * (n_q // blk) + n, 0)),
        out_shape=jax.ShapeDtypeStruct((bsz * n_q, dout), jnp.float32),
    )(q_xyz_flat, src_xyzT, f1, f2)



def _rne_hi16(x):
    return (x + 0x7FFF + ((x >> 16) & 1)) & jnp.int32(-65536)


def _tf_proj_body(f_ref, xyz_ref, fc1_ref, fc1b_ref, wq_ref, wk_ref, wv_ref,
                  d1_ref, q_ref, tab_ref):
    x = _dotT(f_ref[...], fc1_ref[...]) + fc1b_ref[...]
    q_ref[...] = _dotT(x, wq_ref[...])
    ki = lax.bitcast_convert_type(_dotT(x, wk_ref[...]), jnp.int32)
    vi = lax.bitcast_convert_type(_dotT(x, wv_ref[...]), jnp.int32)
    kv = _rne_hi16(ki) | ((_rne_hi16(vi) >> 16) & 0xFFFF)
    tab_ref[:, 0:64] = lax.bitcast_convert_type(kv, jnp.float32)
    tab_ref[:, 64:128] = _dotT(xyz_ref[...], d1_ref[...], precision=_HI)


def _tf_proj(feats, xyz_flat, p):
    m = feats.shape[0]
    dm = p['wq'].shape[0]
    return pl.pallas_call(
        _tf_proj_body,
        out_shape=[
            jax.ShapeDtypeStruct((m, dm), jnp.float32),
            jax.ShapeDtypeStruct((m, 128), jnp.float32),
        ],
    )(feats, xyz_flat, p['fc1_w'], p['fc1_b'].reshape(1, -1),
      p['wq'], p['wk'], p['wv'], p['d1_w'])



def _topk_body(n_pts, n_nb, base, q_ref, pT_ref, o_ref):
    q = q_ref[...]
    pT = pT_ref[0]
    d = _sq_dist(q, pT)
    iota = lax.broadcasted_iota(jnp.int32, d.shape, 1)
    iota_nb = lax.broadcasted_iota(jnp.int32, (q.shape[0], n_nb), 1)
    acc = jnp.zeros((q.shape[0], n_nb), jnp.int32)
    for t in range(n_nb):
        iv = jnp.argmin(d, axis=1)[:, None]
        acc = jnp.where(iota_nb == t, iv, acc)
        d = jnp.where(iota == iv, jnp.inf, d)
    o_ref[...] = acc + base


def _tf_topk(xyz_flat_b, xyzT_b, n_pts, n_nb, blk, base):
    return pl.pallas_call(
        functools.partial(_topk_body, n_pts, n_nb, base),
        grid=(n_pts // blk,),
        in_specs=[
            pl.BlockSpec((blk, 3), lambda n: (n, 0)),
            pl.BlockSpec((1, 3, n_pts), lambda n: (0, 0, 0)),
        ],
        out_specs=pl.BlockSpec((blk, n_nb), lambda n: (n, 0)),
        out_shape=jax.ShapeDtypeStruct((n_pts, n_nb), jnp.int32),
    )(xyz_flat_b, xyzT_b)



def _make_sc_gather(n_idx, d):
    info = plsc.get_sparse_core_info()
    nw = info.num_cores * info.num_subcores
    per_w = n_idx // nw
    chunk = per_w // 2
    while chunk > 8 and 2 * chunk * d * 4 + per_w * 4 > 480_000:
        chunk //= 2
    n_pair = per_w // (2 * chunk)
    assert per_w % (2 * chunk) == 0 and n_idx % nw == 0 and d % 128 == 0
    assert chunk % 8 == 0
    mesh = plsc.VectorSubcoreMesh(core_axis_name="c", subcore_axis_name="s")

    @functools.partial(
        pl.kernel, mesh=mesh,
        out_type=jax.ShapeDtypeStruct((n_idx, d), jnp.float32),
        scratch_types=[
            pltpu.VMEM((per_w,), jnp.int32),
            pltpu.VMEM((chunk, d), jnp.float32),
            pltpu.VMEM((chunk, d), jnp.float32),
            pltpu.SemaphoreType.DMA,
            pltpu.SemaphoreType.DMA,
            pltpu.SemaphoreType.DMA,
            pltpu.SemaphoreType.DMA,
        ],
    )
    def gather(table_hbm, idx_hbm, out_hbm, idx_v, rows0, rows1,
               gsem0, gsem1, osem0, osem1):
        wid = lax.axis_index("s") * info.num_cores + lax.axis_index("c")
        base = wid * per_w
        pltpu.sync_copy(idx_hbm.at[pl.ds(base, per_w)], idx_v)

        def body(i, carry):
            c0 = 2 * i * chunk
            c1 = c0 + chunk
            g0 = pltpu.async_copy(
                table_hbm.at[idx_v.at[pl.ds(c0, chunk)]], rows0, gsem0)
            g1 = pltpu.async_copy(
                table_hbm.at[idx_v.at[pl.ds(c1, chunk)]], rows1, gsem1)
            g0.wait()
            o0 = pltpu.async_copy(rows0, out_hbm.at[pl.ds(base + c0, chunk)],
                                  osem0)
            g1.wait()
            o1 = pltpu.async_copy(rows1, out_hbm.at[pl.ds(base + c1, chunk)],
                                  osem1)
            o0.wait()
            o1.wait()
            return carry

        lax.fori_loop(0, n_pair, body, 0)

    return gather



def _tf_attn_body(g_ref, q_ref, px_ref, pre_ref,
                  d1b_ref, d2_ref, d2b_ref,
                  g1_ref, g1b_ref, g2_ref, g2b_ref,
                  fc2_ref, fc2b_ref, o_ref):
    t = q_ref.shape[0]
    q = q_ref[...]
    pxq = px_ref[...] + d1b_ref[...]
    d2 = d2_ref[...]
    g1 = g1_ref[...]
    g2 = g2_ref[...]
    g2d = g_ref[...].reshape(16 * t, 128)
    kv = lax.bitcast_convert_type(g2d[:, 0:64], jnp.int32)
    kk = lax.bitcast_convert_type(kv & jnp.int32(-65536), jnp.float32)
    vv = lax.bitcast_convert_type(kv << 16, jnp.float32)
    qs = jnp.broadcast_to(q[None], (16, t, 64)).reshape(16 * t, 64)
    pxqs = jnp.broadcast_to(pxq[None], (16, t, 64)).reshape(16 * t, 64)
    pe = _dotT(jnp.maximum(pxqs - g2d[:, 64:128], 0.0), d2) + d2b_ref[...]
    a = _dotT(jnp.maximum(_dotT(qs - kk + pe, g1) + g1b_ref[...],
                          0.0), g2) + g2b_ref[...]
    a = a * 0.125
    vpe = vv + pe
    attns = [a[j * t:(j + 1) * t] for j in range(16)]
    mx = attns[0]
    for aj in attns[1:]:
        mx = jnp.maximum(mx, aj)
    es = [jnp.exp(aj - mx) for aj in attns]
    tot = es[0]
    for e in es[1:]:
        tot = tot + e
    res = jnp.zeros_like(q)
    for j, e in enumerate(es):
        res = res + e * vpe[j * t:(j + 1) * t]
    res = res / tot
    o_ref[...] = _dotT(res, fc2_ref[...]) + fc2b_ref[...] + pre_ref[...]


def _tf_attn(gathered, qarr, px, pre, p, blk):
    m, dp = pre.shape
    grid = (m // blk,)
    full = lambda shape: pl.BlockSpec(shape, lambda n: (0,) * len(shape))
    return pl.pallas_call(
        _tf_attn_body,
        grid=grid,
        in_specs=[
            pl.BlockSpec((16, blk, 128), lambda n: (0, n, 0)),
            pl.BlockSpec((blk, 64), lambda n: (n, 0)),
            pl.BlockSpec((blk, 64), lambda n: (n, 0)),
            pl.BlockSpec((blk, dp), lambda n: (n, 0)),
            full((1, 64)), full((64, 64)), full((1, 64)),
            full((64, 64)), full((1, 64)), full((64, 64)), full((1, 64)),
            full((dp, 64)), full((1, dp)),
        ],
        out_specs=pl.BlockSpec((blk, dp), lambda n: (n, 0)),
        out_shape=jax.ShapeDtypeStruct((m, dp), jnp.float32),
    )(gathered, qarr, px, pre,
      p['d1_b'].reshape(1, -1), p['d2_w'], p['d2_b'].reshape(1, -1),
      p['g1_w'], p['g1_b'].reshape(1, -1), p['g2_w'], p['g2_b'].reshape(1, -1),
      p['fc2_w'], p['fc2_b'].reshape(1, -1))



def _transition_up(xyz_src, pts_src, xyz_q, pts_q, p, blk):
    bsz, n_src, d1 = pts_src.shape
    n_q, d2 = pts_q.shape[1], pts_q.shape[2]
    dout = p['fc1_w'].shape[0]
    f1 = _lin_bn_relu(pts_src.reshape(bsz * n_src, d1), p['fc1_w'], p['fc1_b'],
                      p['bn1_g'], p['bn1_b'])
    f2 = _lin_bn_relu(pts_q.reshape(bsz * n_q, d2), p['fc2_w'], p['fc2_b'],
                      p['bn2_g'], p['bn2_b'])
    src_T = jnp.transpose(xyz_src, (0, 2, 1))
    q_flat = xyz_q.reshape(bsz * n_q, 3)
    f1b = f1.reshape(bsz, n_src, dout)
    return _tu_interp(q_flat, src_T, f1b, f2, bsz, n_q, n_src, dout, blk)


def _transformer(xyz, feats_flat, p, blk_topk, blk_attn):
    bsz, n_pts = xyz.shape[:2]
    m = bsz * n_pts
    xyz_flat = xyz.reshape(m, 3)
    xyzT = jnp.transpose(xyz, (0, 2, 1))
    qarr, table = _tf_proj(feats_flat, xyz_flat, p)
    sc_gather = _make_sc_gather(16 * n_pts, 128)
    idxs = [_tf_topk(xyz_flat[b * n_pts:(b + 1) * n_pts], xyzT[b:b + 1],
                     n_pts, 16, blk_topk, b * n_pts) for b in range(bsz)]
    gathers = [sc_gather(table, jnp.transpose(i, (1, 0)).reshape(16 * n_pts))
               for i in idxs]
    outs = []
    for b in range(bsz):
        lo, hi = b * n_pts, (b + 1) * n_pts
        outs.append(_tf_attn(gathers[b].reshape(16, n_pts, 128),
                             qarr[lo:hi], lax.slice(table, (lo, 64), (hi, 128)),
                             feats_flat[lo:hi], p, blk_attn))
    return jnp.concatenate(outs, axis=0)


def kernel(xyz, points, xyz1, feats1_in, xyz0, feats0_in, params):
    bsz, n2 = xyz.shape[:2]
    n1, n0 = xyz1.shape[1], xyz0.shape[1]

    pts = _transition_up(xyz, points, xyz1, feats1_in, params['tu0'], blk=256)
    pts = _transformer(xyz1, pts, params['tf0'], blk_topk=256, blk_attn=128)
    pts3 = pts.reshape(bsz, n1, -1)
    pts = _transition_up(xyz1, pts3, xyz0, feats0_in, params['tu1'], blk=256)
    pts = _transformer(xyz0, pts, params['tf1'], blk_topk=256, blk_attn=128)
    return xyz0, pts.reshape(bsz, n0, -1)

# --- scband reference (transcript-rebuilt; emitter-appended) ---
"""Pipeline reference for scband-decoder-point-trans-84086869721122 (READ-ONLY COPY).

The authoritative reference and input builder live on the scoring server;
editing this copy changes nothing except your own understanding.
"""

import jax, jax.numpy as jnp
import numpy as np

K_NB = 16

def _linear(x, w, b=None):
    y = x @ w.T
    if b is not None:
        y = y + b
    return y

def square_distance(src, dst):
    d = -2.0 * jnp.einsum('bnc,bmc->bnm', src, dst)
    d = d + jnp.sum(src ** 2, -1)[:, :, None] + jnp.sum(dst ** 2, -1)[:, None, :]
    return d

def index_points(points, idx):
    B = points.shape[0]
    batch = jnp.arange(B).reshape((B,) + (1,) * (idx.ndim - 1))
    return points[batch, idx]

def batchnorm(x, g, b):
    mean = jnp.mean(x, axis=(0, 1))
    var = jnp.var(x, axis=(0, 1))
    return g * (x - mean) / jnp.sqrt(var + 1e-5) + b

def transition_up(xyz1, points1, xyz2, points2, p):
    feats1 = jax.nn.relu(batchnorm(_linear(points1, p['fc1_w'], p['fc1_b']), p['bn1_g'], p['bn1_b']))
    feats2 = jax.nn.relu(batchnorm(_linear(points2, p['fc2_w'], p['fc2_b']), p['bn2_g'], p['bn2_b']))
    dists = square_distance(xyz2, xyz1)
    idx = jnp.argsort(dists, axis=-1)[:, :, :3]
    d3 = jnp.take_along_axis(dists, idx, axis=-1)
    recip = 1.0 / (d3 + 1e-8)
    weight = recip / jnp.sum(recip, axis=-1, keepdims=True)
    interp = jnp.sum(index_points(feats1, idx) * weight[..., None], axis=2)
    return interp + feats2

def transformer_block(xyz, features, p):
    dists = square_distance(xyz, xyz)
    knn_idx = jnp.argsort(dists, axis=-1)[:, :, :K_NB]
    knn_xyz = index_points(xyz, knn_idx)
    pre = features
    x = _linear(features, p['fc1_w'], p['fc1_b'])
    q = _linear(x, p['wq'])
    k = index_points(_linear(x, p['wk']), knn_idx)
    v = index_points(_linear(x, p['wv']), knn_idx)
    delta = xyz[:, :, None, :] - knn_xyz
    pos_enc = _linear(jax.nn.relu(_linear(delta, p['d1_w'], p['d1_b'])), p['d2_w'], p['d2_b'])
    attn = _linear(jax.nn.relu(_linear(q[:, :, None, :] - k + pos_enc, p['g1_w'], p['g1_b'])), p['g2_w'], p['g2_b'])
    attn = jax.nn.softmax(attn / np.sqrt(k.shape[-1]), axis=-2)
    res = jnp.einsum('bmnf,bmnf->bmf', attn, v + pos_enc)
    return _linear(res, p['fc2_w'], p['fc2_b']) + pre

def _decoder(xyz, points, xyz1, feats1_in, xyz0, feats0_in, params):
    points = transition_up(xyz, points, xyz1, feats1_in, params['tu0'])
    xyz = xyz1
    points = transformer_block(xyz, points, params['tf0'])
    points = transition_up(xyz, points, xyz0, feats0_in, params['tu1'])
    xyz = xyz0
    points = transformer_block(xyz, points, params['tf1'])
    return xyz, points

def setup_inputs(seed: int = 0):
    key = jax.random.key(seed)
    ks = jax.random.split(key, 12)
    B, N0, N1, N2, DM = 2, 4096, 1024, 256, 64
    xyz0 = jax.random.uniform(ks[0], (B, N0, 3), dtype=jnp.float32)
    xyz1 = jax.random.uniform(ks[1], (B, N1, 3), dtype=jnp.float32)
    xyz = jax.random.uniform(ks[2], (B, N2, 3), dtype=jnp.float32)
    feats0_in = jax.random.normal(ks[3], (B, N0, 32), dtype=jnp.float32)
    feats1_in = jax.random.normal(ks[4], (B, N1, 64), dtype=jnp.float32)
    points = jax.random.normal(ks[5], (B, N2, 128), dtype=jnp.float32)

    def lin(k, o, i):
        return jax.random.normal(k, (o, i), dtype=jnp.float32) * 0.05

    def vec(k, o):
        return jax.random.normal(k, (o,), dtype=jnp.float32) * 0.05

    def tu(kbase, dim1, dim2, dout):
        kk = jax.random.split(kbase, 4)
        return {'fc1_w': lin(kk[0], dout, dim1), 'fc1_b': vec(kk[1], dout),
                'bn1_g': jnp.ones((dout,), jnp.float32), 'bn1_b': jnp.zeros((dout,), jnp.float32),
                'fc2_w': lin(kk[2], dout, dim2), 'fc2_b': vec(kk[3], dout),
                'bn2_g': jnp.ones((dout,), jnp.float32), 'bn2_b': jnp.zeros((dout,), jnp.float32)}

    def tf(kbase, dp, dm):
        kk = jax.random.split(kbase, 15)
        return {'fc1_w': lin(kk[0], dm, dp), 'fc1_b': vec(kk[1], dm),
                'fc2_w': lin(kk[2], dp, dm), 'fc2_b': vec(kk[3], dp),
                'd1_w': lin(kk[4], dm, 3), 'd1_b': vec(kk[5], dm),
                'd2_w': lin(kk[6], dm, dm), 'd2_b': vec(kk[7], dm),
                'g1_w': lin(kk[8], dm, dm), 'g1_b': vec(kk[9], dm),
                'g2_w': lin(kk[10], dm, dm), 'g2_b': vec(kk[11], dm),
                'wq': lin(kk[12], dm, dm), 'wk': lin(kk[13], dm, dm), 'wv': lin(kk[14], dm, dm)}

    params = {'tu0': tu(ks[6], 128, 64, 64), 'tf0': tf(ks[7], 64, DM),
              'tu1': tu(ks[8], 64, 32, 32), 'tf1': tf(ks[9], 32, DM)}
    return {'xyz': xyz, 'points': points, 'xyz1': xyz1, 'feats1_in': feats1_in,
            'xyz0': xyz0, 'feats0_in': feats0_in, 'params': params}

def reference(xyz, points, xyz1, feats1_in, xyz0, feats0_in, params):
    return _decoder(xyz, points, xyz1, feats1_in, xyz0, feats0_in, params)

if __name__ == "__main__":
    import jax
    _d = setup_inputs()
    print(jax.jit(kernel)(*tuple(_d.values())))

</pallas_src>

<mosaic_0001>
#map = affine_map<(d0, d1) -> (0, 0)>
#map1 = affine_map<(d0, d1) -> (0)>
module attributes {stable_mosaic.version = 14 : i64} {
  func.func @gather(%arg0: i32, %arg1: i32, %arg2: memref<2048x128xf32, #tpu.memory_space<hbm>>, %arg3: memref<16384xi32, #tpu.memory_space<hbm>>, %arg4: memref<16384x128xf32, #tpu.memory_space<hbm>>, %arg5: memref<512xi32, #tpu.memory_space<vmem>>, %arg6: memref<256x128xf32, #tpu.memory_space<vmem>>, %arg7: memref<256x128xf32, #tpu.memory_space<vmem>>, %arg8: memref<!tpu.dma_semaphore, #tpu.memory_space<semaphore_mem>>, %arg9: memref<!tpu.dma_semaphore, #tpu.memory_space<semaphore_mem>>, %arg10: memref<!tpu.dma_semaphore, #tpu.memory_space<semaphore_mem>>, %arg11: memref<!tpu.dma_semaphore, #tpu.memory_space<semaphore_mem>>) attributes {dimension_semantics = [#tpu.dimension_semantics<core_parallel>, #tpu.dimension_semantics<subcore_parallel>], iteration_bounds = array<i64: 2, 16>, scalar_prefetch = 0 : i64, scratch_operands = 7 : i64, tpu.core_type = #tpu.core_type<sc_vector_subcore>, window_params = [{transform_indices = #map}, {transform_indices = #map1}, {transform_indices = #map}]} {
    %mul3A = arith.constant 2 : i32
    %mul3A_0 = arith.muli %arg1, %mul3A : i32
    %add3A = arith.addi %mul3A_0, %arg0 : i32
    %mul3A_1 = arith.constant 512 : i32
    %mul3A_2 = arith.muli %add3A, %mul3A_1 : i32
    "tpu.region"() ({
      %run_scoped3A = tpu.sem_alloc : memref<!tpu.dma_semaphore, #tpu.memory_space<semaphore_mem>>
      %dma_start3A_43 = tpu.memref_slice %arg3[%mul3A_2] : memref<16384xi32, #tpu.memory_space<hbm>> -> memref<512xi32, #tpu.memory_space<hbm>>
      %dma_start3A_44 = tpu.memref_slice %arg3[%mul3A_2] : memref<16384xi32, #tpu.memory_space<hbm>> -> memref<512xi32, #tpu.memory_space<hbm>>
      tpu.enqueue_dma source(%dma_start3A_44 : memref<512xi32, #tpu.memory_space<hbm>>) target(%arg5 : memref<512xi32, #tpu.memory_space<vmem>>) target_semaphore(%run_scoped3A : memref<!tpu.dma_semaphore, #tpu.memory_space<semaphore_mem>>)
      %dma_wait3A_45 = tpu.memref_slice %arg3[%mul3A_2] : memref<16384xi32, #tpu.memory_space<hbm>> -> memref<512xi32, #tpu.memory_space<hbm>>
      %dma_wait3A_46 = tpu.memref_slice %arg3[%mul3A_2] : memref<16384xi32, #tpu.memory_space<hbm>> -> memref<512xi32, #tpu.memory_space<hbm>>
      tpu.wait_dma2 semaphore(%run_scoped3A : memref<!tpu.dma_semaphore, #tpu.memory_space<semaphore_mem>>) src(%dma_wait3A_46 : memref<512xi32, #tpu.memory_space<hbm>>) dst(%arg5 : memref<512xi32, #tpu.memory_space<vmem>>)
      tpu.yield
    }) : () -> ()
    %scan3A = arith.constant 0 : i32
    %scan3A_3 = arith.constant 0 : i32
    %mul3A_4 = arith.constant 2 : i32
    %mul3A_5 = arith.muli %mul3A_4, %scan3A_3 : i32
    %mul3A_6 = arith.constant 256 : i32
    %mul3A_7 = arith.muli %mul3A_5, %mul3A_6 : i32
    %add3A_8 = arith.constant 256 : i32
    %add3A_9 = arith.addi %mul3A_7, %add3A_8 : i32
    %dma_start3A = tpu.memref_slice %arg5[%mul3A_7] : memref<512xi32, #tpu.memory_space<vmem>> -> memref<256xi32, #tpu.memory_space<vmem>>
    %dma_start3A_10 = arith.constant 0 : i32
    %dma_start3A_11 = arith.constant 0 : i32
    %dma_start3A_12 = tpu.memref_slice %arg2[%dma_start3A_10, %dma_start3A_11] : memref<2048x128xf32, #tpu.memory_space<hbm>> -> memref<2048x128xf32, #tpu.memory_space<hbm>>
    tpu.enqueue_indirect_dma source(%dma_start3A_12 : memref<2048x128xf32, #tpu.memory_space<hbm>>) target(%arg6 : memref<256x128xf32, #tpu.memory_space<vmem>>) offsets(%dma_start3A : memref<256xi32, #tpu.memory_space<vmem>>) semaphore(%arg8 : memref<!tpu.dma_semaphore, #tpu.memory_space<semaphore_mem>>)
    %dma_start3A_13 = tpu.memref_slice %arg5[%add3A_9] : memref<512xi32, #tpu.memory_space<vmem>> -> memref<256xi32, #tpu.memory_space<vmem>>
    %dma_start3A_14 = arith.constant 0 : i32
    %dma_start3A_15 = arith.constant 0 : i32
    %dma_start3A_16 = tpu.memref_slice %arg2[%dma_start3A_14, %dma_start3A_15] : memref<2048x128xf32, #tpu.memory_space<hbm>> -> memref<2048x128xf32, #tpu.memory_space<hbm>>
    tpu.enqueue_indirect_dma source(%dma_start3A_16 : memref<2048x128xf32, #tpu.memory_space<hbm>>) target(%arg7 : memref<256x128xf32, #tpu.memory_space<vmem>>) offsets(%dma_start3A_13 : memref<256xi32, #tpu.memory_space<vmem>>) semaphore(%arg9 : memref<!tpu.dma_semaphore, #tpu.memory_space<semaphore_mem>>)
    %dma_wait3A = tpu.memref_slice %arg5[%mul3A_7] : memref<512xi32, #tpu.memory_space<vmem>> -> memref<256xi32, #tpu.memory_space<vmem>>
    %dma_wait3A_17 = arith.constant 0 : i32
    %dma_wait3A_18 = arith.constant 0 : i32
    %dma_wait3A_19 = tpu.memref_slice %arg2[%dma_wait3A_17, %dma_wait3A_18] : memref<2048x128xf32, #tpu.memory_space<hbm>> -> memref<2048x128xf32, #tpu.memory_space<hbm>>
    tpu.wait_indirect_dma semaphore(%arg8 : memref<!tpu.dma_semaphore, #tpu.memory_space<semaphore_mem>>) src(%dma_wait3A_19 : memref<2048x128xf32, #tpu.memory_space<hbm>>) dst(%arg6 : memref<256x128xf32, #tpu.memory_space<vmem>>)
    %add3A_20 = arith.addi %mul3A_2, %mul3A_7 : i32
    %dma_start3A_21 = arith.constant 0 : i32
    %dma_start3A_22 = tpu.memref_slice %arg4[%add3A_20, %dma_start3A_21] : memref<16384x128xf32, #tpu.memory_space<hbm>> -> memref<256x128xf32, #tpu.memory_space<hbm>>
    %dma_start3A_23 = arith.constant 0 : i32
    %dma_start3A_24 = tpu.memref_slice %arg4[%add3A_20, %dma_start3A_23] : memref<16384x128xf32, #tpu.memory_space<hbm>> -> memref<256x128xf32, #tpu.memory_space<hbm>>
    tpu.enqueue_dma source(%arg6 : memref<256x128xf32, #tpu.memory_space<vmem>>) target(%dma_start3A_24 : memref<256x128xf32, #tpu.memory_space<hbm>>) target_semaphore(%arg10 : memref<!tpu.dma_semaphore, #tpu.memory_space<semaphore_mem>>)
    %dma_wait3A_25 = tpu.memref_slice %arg5[%add3A_9] : memref<512xi32, #tpu.memory_space<vmem>> -> memref<256xi32, #tpu.memory_space<vmem>>
    %dma_wait3A_26 = arith.constant 0 : i32
    %dma_wait3A_27 = arith.constant 0 : i32
    %dma_wait3A_28 = tpu.memref_slice %arg2[%dma_wait3A_26, %dma_wait3A_27] : memref<2048x128xf32, #tpu.memory_space<hbm>> -> memref<2048x128xf32, #tpu.memory_space<hbm>>
    tpu.wait_indirect_dma semaphore(%arg9 : memref<!tpu.dma_semaphore, #tpu.memory_space<semaphore_mem>>) src(%dma_wait3A_28 : memref<2048x128xf32, #tpu.memory_space<hbm>>) dst(%arg7 : memref<256x128xf32, #tpu.memory_space<vmem>>)
    %add3A_29 = arith.addi %mul3A_2, %add3A_9 : i32
    %dma_start3A_30 = arith.constant 0 : i32
    %dma_start3A_31 = tpu.memref_slice %arg4[%add3A_29, %dma_start3A_30] : memref<16384x128xf32, #tpu.memory_space<hbm>> -> memref<256x128xf32, #tpu.memory_space<hbm>>
    %dma_start3A_32 = arith.constant 0 : i32
    %dma_start3A_33 = tpu.memref_slice %arg4[%add3A_29, %dma_start3A_32] : memref<16384x128xf32, #tpu.memory_space<hbm>> -> memref<256x128xf32, #tpu.memory_space<hbm>>
    tpu.enqueue_dma source(%arg7 : memref<256x128xf32, #tpu.memory_space<vmem>>) target(%dma_start3A_33 : memref<256x128xf32, #tpu.memory_space<hbm>>) target_semaphore(%arg11 : memref<!tpu.dma_semaphore, #tpu.memory_space<semaphore_mem>>)
    %dma_wait3A_34 = arith.constant 0 : i32
    %dma_wait3A_35 = tpu.memref_slice %arg4[%add3A_20, %dma_wait3A_34] : memref<16384x128xf32, #tpu.memory_space<hbm>> -> memref<256x128xf32, #tpu.memory_space<hbm>>
    %dma_wait3A_36 = arith.constant 0 : i32
    %dma_wait3A_37 = tpu.memref_slice %arg4[%add3A_20, %dma_wait3A_36] : memref<16384x128xf32, #tpu.memory_space<hbm>> -> memref<256x128xf32, #tpu.memory_space<hbm>>
    tpu.wait_dma2 semaphore(%arg10 : memref<!tpu.dma_semaphore, #tpu.memory_space<semaphore_mem>>) src(%arg6 : memref<256x128xf32, #tpu.memory_space<vmem>>) dst(%dma_wait3A_37 : memref<256x128xf32, #tpu.memory_space<hbm>>)
    %dma_wait3A_38 = arith.constant 0 : i32
    %dma_wait3A_39 = tpu.memref_slice %arg4[%add3A_29, %dma_wait3A_38] : memref<16384x128xf32, #tpu.memory_space<hbm>> -> memref<256x128xf32, #tpu.memory_space<hbm>>
    %dma_wait3A_40 = arith.constant 0 : i32
    %dma_wait3A_41 = tpu.memref_slice %arg4[%add3A_29, %dma_wait3A_40] : memref<16384x128xf32, #tpu.memory_space<hbm>> -> memref<256x128xf32, #tpu.memory_space<hbm>>
    tpu.wait_dma2 semaphore(%arg11 : memref<!tpu.dma_semaphore, #tpu.memory_space<semaphore_mem>>) src(%arg7 : memref<256x128xf32, #tpu.memory_space<vmem>>) dst(%dma_wait3A_41 : memref<256x128xf32, #tpu.memory_space<hbm>>)
    %scan3A_42 = arith.constant 1 : i32
    return
  }
}

#map = affine_map<(d0, d1) -> (0, 0)>
#map1 = affine_map<(d0, d1) -> (0)>
module attributes {stable_mosaic.version = 14 : i64} {
  func.func @gather(%arg0: i32, %arg1: i32, %arg2: memref<2048x128xf32, #tpu.memory_space<hbm>>, %arg3: memref<16384xi32, #tpu.memory_space<hbm>>, %arg4: memref<16384x128xf32, #tpu.memory_space<hbm>>, %arg5: memref<512xi32, #tpu.memory_space<vmem>>, %arg6: memref<256x128xf32, #tpu.memory_space<vmem>>, %arg7: memref<256x128xf32, #tpu.memory_space<vmem>>, %arg8: memref<!tpu.dma_semaphore, #tpu.memory_space<semaphore_mem>>, %arg9: memref<!tpu.dma_semaphore, #tpu.memory_space<semaphore_mem>>, %arg10: memref<!tpu.dma_semaphore, #tpu.memory_space<semaphore_mem>>, %arg11: memref<!tpu.dma_semaphore, #tpu.memory_space<semaphore_mem>>) attributes {dimension_semantics = [#tpu.dimension_semantics<core_parallel>, #tpu.dimension_semantics<subcore_parallel>], iteration_bounds = array<i64: 2, 16>, scalar_prefetch = 0 : i64, scratch_operands = 7 : i64, tpu.core_type = #tpu.core_type<sc_vector_subcore>, window_params = [{transform_indices = #map}, {transform_indices = #map1}, {transform_indices = #map}]} {
    %mul3A = arith.constant 2 : i32
    %mul3A_0 = arith.muli %arg1, %mul3A : i32
    %add3A = arith.addi %mul3A_0, %arg0 : i32
    %mul3A_1 = arith.constant 512 : i32
    %mul3A_2 = arith.muli %add3A, %mul3A_1 : i32
    "tpu.region"() ({
      %run_scoped3A = tpu.sem_alloc : memref<!tpu.dma_semaphore, #tpu.memory_space<semaphore_mem>>
      %dma_start3A_43 = tpu.memref_slice %arg3[%mul3A_2] : memref<16384xi32, #tpu.memory_space<hbm>> -> memref<512xi32, #tpu.memory_space<hbm>>
      %dma_start3A_44 = tpu.memref_slice %arg3[%mul3A_2] : memref<16384xi32, #tpu.memory_space<hbm>> -> memref<512xi32, #tpu.memory_space<hbm>>
      tpu.enqueue_dma source(%dma_start3A_44 : memref<512xi32, #tpu.memory_space<hbm>>) target(%arg5 : memref<512xi32, #tpu.memory_space<vmem>>) target_semaphore(%run_scoped3A : memref<!tpu.dma_semaphore, #tpu.memory_space<semaphore_mem>>)
      %dma_wait3A_45 = tpu.memref_slice %arg3[%mul3A_2] : memref<16384xi32, #tpu.memory_space<hbm>> -> memref<512xi32, #tpu.memory_space<hbm>>
      %dma_wait3A_46 = tpu.memref_slice %arg3[%mul3A_2] : memref<16384xi32, #tpu.memory_space<hbm>> -> memref<512xi32, #tpu.memory_space<hbm>>
      tpu.wait_dma2 semaphore(%run_scoped3A : memref<!tpu.dma_semaphore, #tpu.memory_space<semaphore_mem>>) src(%dma_wait3A_46 : memref<512xi32, #tpu.memory_space<hbm>>) dst(%arg5 : memref<512xi32, #tpu.memory_space<vmem>>)
      tpu.yield
    }) : () -> ()
    %scan3A = arith.constant 0 : i32
    %scan3A_3 = arith.constant 0 : i32
    %mul3A_4 = arith.constant 2 : i32
    %mul3A_5 = arith.muli %mul3A_4, %scan3A_3 : i32
    %mul3A_6 = arith.constant 256 : i32
    %mul3A_7 = arith.muli %mul3A_5, %mul3A_6 : i32
    %add3A_8 = arith.constant 256 : i32
    %add3A_9 = arith.addi %mul3A_7, %add3A_8 : i32
    %dma_start3A = tpu.memref_slice %arg5[%mul3A_7] : memref<512xi32, #tpu.memory_space<vmem>> -> memref<256xi32, #tpu.memory_space<vmem>>
    %dma_start3A_10 = arith.constant 0 : i32
    %dma_start3A_11 = arith.constant 0 : i32
    %dma_start3A_12 = tpu.memref_slice %arg2[%dma_start3A_10, %dma_start3A_11] : memref<2048x128xf32, #tpu.memory_space<hbm>> -> memref<2048x128xf32, #tpu.memory_space<hbm>>
    tpu.enqueue_indirect_dma source(%dma_start3A_12 : memref<2048x128xf32, #tpu.memory_space<hbm>>) target(%arg6 : memref<256x128xf32, #tpu.memory_space<vmem>>) offsets(%dma_start3A : memref<256xi32, #tpu.memory_space<vmem>>) semaphore(%arg8 : memref<!tpu.dma_semaphore, #tpu.memory_space<semaphore_mem>>)
    %dma_start3A_13 = tpu.memref_slice %arg5[%add3A_9] : memref<512xi32, #tpu.memory_space<vmem>> -> memref<256xi32, #tpu.memory_space<vmem>>
    %dma_start3A_14 = arith.constant 0 : i32
    %dma_start3A_15 = arith.constant 0 : i32
    %dma_start3A_16 = tpu.memref_slice %arg2[%dma_start3A_14, %dma_start3A_15] : memref<2048x128xf32, #tpu.memory_space<hbm>> -> memref<2048x128xf32, #tpu.memory_space<hbm>>
    tpu.enqueue_indirect_dma source(%dma_start3A_16 : memref<2048x128xf32, #tpu.memory_space<hbm>>) target(%arg7 : memref<256x128xf32, #tpu.memory_space<vmem>>) offsets(%dma_start3A_13 : memref<256xi32, #tpu.memory_space<vmem>>) semaphore(%arg9 : memref<!tpu.dma_semaphore, #tpu.memory_space<semaphore_mem>>)
    %dma_wait3A = tpu.memref_slice %arg5[%mul3A_7] : memref<512xi32, #tpu.memory_space<vmem>> -> memref<256xi32, #tpu.memory_space<vmem>>
    %dma_wait3A_17 = arith.constant 0 : i32
    %dma_wait3A_18 = arith.constant 0 : i32
    %dma_wait3A_19 = tpu.memref_slice %arg2[%dma_wait3A_17, %dma_wait3A_18] : memref<2048x128xf32, #tpu.memory_space<hbm>> -> memref<2048x128xf32, #tpu.memory_space<hbm>>
    tpu.wait_indirect_dma semaphore(%arg8 : memref<!tpu.dma_semaphore, #tpu.memory_space<semaphore_mem>>) src(%dma_wait3A_19 : memref<2048x128xf32, #tpu.memory_space<hbm>>) dst(%arg6 : memref<256x128xf32, #tpu.memory_space<vmem>>)
    %add3A_20 = arith.addi %mul3A_2, %mul3A_7 : i32
    %dma_start3A_21 = arith.constant 0 : i32
    %dma_start3A_22 = tpu.memref_slice %arg4[%add3A_20, %dma_start3A_21] : memref<16384x128xf32, #tpu.memory_space<hbm>> -> memref<256x128xf32, #tpu.memory_space<hbm>>
    %dma_start3A_23 = arith.constant 0 : i32
    %dma_start3A_24 = tpu.memref_slice %arg4[%add3A_20, %dma_start3A_23] : memref<16384x128xf32, #tpu.memory_space<hbm>> -> memref<256x128xf32, #tpu.memory_space<hbm>>
    tpu.enqueue_dma source(%arg6 : memref<256x128xf32, #tpu.memory_space<vmem>>) target(%dma_start3A_24 : memref<256x128xf32, #tpu.memory_space<hbm>>) target_semaphore(%arg10 : memref<!tpu.dma_semaphore, #tpu.memory_space<semaphore_mem>>)
    %dma_wait3A_25 = tpu.memref_slice %arg5[%add3A_9] : memref<512xi32, #tpu.memory_space<vmem>> -> memref<256xi32, #tpu.memory_space<vmem>>
    %dma_wait3A_26 = arith.constant 0 : i32
    %dma_wait3A_27 = arith.constant 0 : i32
    %dma_wait3A_28 = tpu.memref_slice %arg2[%dma_wait3A_26, %dma_wait3A_27] : memref<2048x128xf32, #tpu.memory_space<hbm>> -> memref<2048x128xf32, #tpu.memory_space<hbm>>
    tpu.wait_indirect_dma semaphore(%arg9 : memref<!tpu.dma_semaphore, #tpu.memory_space<semaphore_mem>>) src(%dma_wait3A_28 : memref<2048x128xf32, #tpu.memory_space<hbm>>) dst(%arg7 : memref<256x128xf32, #tpu.memory_space<vmem>>)
    %add3A_29 = arith.addi %mul3A_2, %add3A_9 : i32
    %dma_start3A_30 = arith.constant 0 : i32
    %dma_start3A_31 = tpu.memref_slice %arg4[%add3A_29, %dma_start3A_30] : memref<16384x128xf32, #tpu.memory_space<hbm>> -> memref<256x128xf32, #tpu.memory_space<hbm>>
    %dma_start3A_32 = arith.constant 0 : i32
    %dma_start3A_33 = tpu.memref_slice %arg4[%add3A_29, %dma_start3A_32] : memref<16384x128xf32, #tpu.memory_space<hbm>> -> memref<256x128xf32, #tpu.memory_space<hbm>>
    tpu.enqueue_dma source(%arg7 : memref<256x128xf32, #tpu.memory_space<vmem>>) target(%dma_start3A_33 : memref<256x128xf32, #tpu.memory_space<hbm>>) target_semaphore(%arg11 : memref<!tpu.dma_semaphore, #tpu.memory_space<semaphore_mem>>)
    %dma_wait3A_34 = arith.constant 0 : i32
    %dma_wait3A_35 = tpu.memref_slice %arg4[%add3A_20, %dma_wait3A_34] : memref<16384x128xf32, #tpu.memory_space<hbm>> -> memref<256x128xf32, #tpu.memory_space<hbm>>
    %dma_wait3A_36 = arith.constant 0 : i32
    %dma_wait3A_37 = tpu.memref_slice %arg4[%add3A_20, %dma_wait3A_36] : memref<16384x128xf32, #tpu.memory_space<hbm>> -> memref<256x128xf32, #tpu.memory_space<hbm>>
    tpu.wait_dma2 semaphore(%arg10 : memref<!tpu.dma_semaphore, #tpu.memory_space<semaphore_mem>>) src(%arg6 : memref<256x128xf32, #tpu.memory_space<vmem>>) dst(%dma_wait3A_37 : memref<256x128xf32, #tpu.memory_space<hbm>>)
    %dma_wait3A_38 = arith.constant 0 : i32
    %dma_wait3A_39 = tpu.memref_slice %arg4[%add3A_29, %dma_wait3A_38] : memref<16384x128xf32, #tpu.memory_space<hbm>> -> memref<256x128xf32, #tpu.memory_space<hbm>>
    %dma_wait3A_40 = arith.constant 0 : i32
    %dma_wait3A_41 = tpu.memref_slice %arg4[%add3A_29, %dma_wait3A_40] : memref<16384x128xf32, #tpu.memory_space<hbm>> -> memref<256x128xf32, #tpu.memory_space<hbm>>
    tpu.wait_dma2 semaphore(%arg11 : memref<!tpu.dma_semaphore, #tpu.memory_space<semaphore_mem>>) src(%arg7 : memref<256x128xf32, #tpu.memory_space<vmem>>) dst(%dma_wait3A_41 : memref<256x128xf32, #tpu.memory_space<hbm>>)
    %scan3A_42 = arith.constant 1 : i32
    return
  }
}

#map = affine_map<(d0, d1) -> (0, 0)>
#map1 = affine_map<(d0, d1) -> (0)>
module attributes {stable_mosaic.version = 14 : i64} {
  func.func @gather(%arg0: i32, %arg1: i32, %arg2: memref<8192x128xf32, #tpu.memory_space<hbm>>, %arg3: memref<65536xi32, #tpu.memory_space<hbm>>, %arg4: memref<65536x128xf32, #tpu.memory_space<hbm>>, %arg5: memref<2048xi32, #tpu.memory_space<vmem>>, %arg6: memref<256x128xf32, #tpu.memory_space<vmem>>, %arg7: memref<256x128xf32, #tpu.memory_space<vmem>>, %arg8: memref<!tpu.dma_semaphore, #tpu.memory_space<semaphore_mem>>, %arg9: memref<!tpu.dma_semaphore, #tpu.memory_space<semaphore_mem>>, %arg10: memref<!tpu.dma_semaphore, #tpu.memory_space<semaphore_mem>>, %arg11: memref<!tpu.dma_semaphore, #tpu.memory_space<semaphore_mem>>) attributes {dimension_semantics = [#tpu.dimension_semantics<core_parallel>, #tpu.dimension_semantics<subcore_parallel>], iteration_bounds = array<i64: 2, 16>, scalar_prefetch = 0 : i64, scratch_operands = 7 : i64, tpu.core_type = #tpu.core_type<sc_vector_subcore>, window_params = [{transform_indices = #map}, {transform_indices = #map1}, {transform_indices = #map}]} {
    %mul3A = arith.constant 2 : i32
    %mul3A_0 = arith.muli %arg1, %mul3A : i32
    %add3A = arith.addi %mul3A_0, %arg0 : i32
    %mul3A_1 = arith.constant 2048 : i32
    %mul3A_2 = arith.muli %add3A, %mul3A_1 : i32
    "tpu.region"() ({
      %run_scoped3A = tpu.sem_alloc : memref<!tpu.dma_semaphore, #tpu.memory_space<semaphore_mem>>
      %dma_start3A = tpu.memref_slice %arg3[%mul3A_2] : memref<65536xi32, #tpu.memory_space<hbm>> -> memref<2048xi32, #tpu.memory_space<hbm>>
      %dma_start3A_8 = tpu.memref_slice %arg3[%mul3A_2] : memref<65536xi32, #tpu.memory_space<hbm>> -> memref<2048xi32, #tpu.memory_space<hbm>>
      tpu.enqueue_dma source(%dma_start3A_8 : memref<2048xi32, #tpu.memory_space<hbm>>) target(%arg5 : memref<2048xi32, #tpu.memory_space<vmem>>) target_semaphore(%run_scoped3A : memref<!tpu.dma_semaphore, #tpu.memory_space<semaphore_mem>>)
      %dma_wait3A = tpu.memref_slice %arg3[%mul3A_2] : memref<65536xi32, #tpu.memory_space<hbm>> -> memref<2048xi32, #tpu.memory_space<hbm>>
      %dma_wait3A_9 = tpu.memref_slice %arg3[%mul3A_2] : memref<65536xi32, #tpu.memory_space<hbm>> -> memref<2048xi32, #tpu.memory_space<hbm>>
      tpu.wait_dma2 semaphore(%run_scoped3A : memref<!tpu.dma_semaphore, #tpu.memory_space<semaphore_mem>>) src(%dma_wait3A_9 : memref<2048xi32, #tpu.memory_space<hbm>>) dst(%arg5 : memref<2048xi32, #tpu.memory_space<vmem>>)
      tpu.yield
    }) : () -> ()
    %scan3A = arith.constant 0 : i32
    %scan3A_3 = arith.constant 0 : i32
    %scan3A_4 = arith.constant 4 : i32
    %scan3A_5 = arith.addi %scan3A_3, %scan3A_4 : i32
    %scan3A_6 = arith.constant 1 : i32
    scf.for %scan3A_8 = %scan3A_3 to %scan3A_5 step %scan3A_6  : i32 {
      %mul3A_9 = arith.constant 2 : i32
      %mul3A_10 = arith.muli %mul3A_9, %scan3A_8 : i32
      %mul3A_11 = arith.constant 256 : i32
      %mul3A_12 = arith.muli %mul3A_10, %mul3A_11 : i32
      %add3A_13 = arith.constant 256 : i32
      %add3A_14 = arith.addi %mul3A_12, %add3A_13 : i32
      %dma_start3A = tpu.memref_slice %arg5[%mul3A_12] : memref<2048xi32, #tpu.memory_space<vmem>> -> memref<256xi32, #tpu.memory_space<vmem>>
      %dma_start3A_15 = arith.constant 0 : i32
      %dma_start3A_16 = arith.constant 0 : i32
      %dma_start3A_17 = tpu.memref_slice %arg2[%dma_start3A_15, %dma_start3A_16] : memref<8192x128xf32, #tpu.memory_space<hbm>> -> memref<8192x128xf32, #tpu.memory_space<hbm>>
      tpu.enqueue_indirect_dma source(%dma_start3A_17 : memref<8192x128xf32, #tpu.memory_space<hbm>>) target(%arg6 : memref<256x128xf32, #tpu.memory_space<vmem>>) offsets(%dma_start3A : memref<256xi32, #tpu.memory_space<vmem>>) semaphore(%arg8 : memref<!tpu.dma_semaphore, #tpu.memory_space<semaphore_mem>>)
      %dma_start3A_18 = tpu.memref_slice %arg5[%add3A_14] : memref<2048xi32, #tpu.memory_space<vmem>> -> memref<256xi32, #tpu.memory_space<vmem>>
      %dma_start3A_19 = arith.constant 0 : i32
      %dma_start3A_20 = arith.constant 0 : i32
      %dma_start3A_21 = tpu.memref_slice %arg2[%dma_start3A_19, %dma_start3A_20] : memref<8192x128xf32, #tpu.memory_space<hbm>> -> memref<8192x128xf32, #tpu.memory_space<hbm>>
      tpu.enqueue_indirect_dma source(%dma_start3A_21 : memref<8192x128xf32, #tpu.memory_space<hbm>>) target(%arg7 : memref<256x128xf32, #tpu.memory_space<vmem>>) offsets(%dma_start3A_18 : memref<256xi32, #tpu.memory_space<vmem>>) semaphore(%arg9 : memref<!tpu.dma_semaphore, #tpu.memory_space<semaphore_mem>>)
      %dma_wait3A = tpu.memref_slice %arg5[%mul3A_12] : memref<2048xi32, #tpu.memory_space<vmem>> -> memref<256xi32, #tpu.memory_space<vmem>>
      %dma_wait3A_22 = arith.constant 0 : i32
      %dma_wait3A_23 = arith.constant 0 : i32
      %dma_wait3A_24 = tpu.memref_slice %arg2[%dma_wait3A_22, %dma_wait3A_23] : memref<8192x128xf32, #tpu.memory_space<hbm>> -> memref<8192x128xf32, #tpu.memory_space<hbm>>
      tpu.wait_indirect_dma semaphore(%arg8 : memref<!tpu.dma_semaphore, #tpu.memory_space<semaphore_mem>>) src(%dma_wait3A_24 : memref<8192x128xf32, #tpu.memory_space<hbm>>) dst(%arg6 : memref<256x128xf32, #tpu.memory_space<vmem>>)
      %add3A_25 = arith.addi %mul3A_2, %mul3A_12 : i32
      %dma_start3A_26 = arith.constant 0 : i32
      %dma_start3A_27 = tpu.memref_slice %arg4[%add3A_25, %dma_start3A_26] : memref<65536x128xf32, #tpu.memory_space<hbm>> -> memref<256x128xf32, #tpu.memory_space<hbm>>
      %dma_start3A_28 = arith.constant 0 : i32
      %dma_start3A_29 = tpu.memref_slice %arg4[%add3A_25, %dma_start3A_28] : memref<65536x128xf32, #tpu.memory_space<hbm>> -> memref<256x128xf32, #tpu.memory_space<hbm>>
      tpu.enqueue_dma source(%arg6 : memref<256x128xf32, #tpu.memory_space<vmem>>) target(%dma_start3A_29 : memref<256x128xf32, #tpu.memory_space<hbm>>) target_semaphore(%arg10 : memref<!tpu.dma_semaphore, #tpu.memory_space<semaphore_mem>>)
      %dma_wait3A_30 = tpu.memref_slice %arg5[%add3A_14] : memref<2048xi32, #tpu.memory_space<vmem>> -> memref<256xi32, #tpu.memory_space<vmem>>
      %dma_wait3A_31 = arith.constant 0 : i32
      %dma_wait3A_32 = arith.constant 0 : i32
      %dma_wait3A_33 = tpu.memref_slice %arg2[%dma_wait3A_31, %dma_wait3A_32] : memref<8192x128xf32, #tpu.memory_space<hbm>> -> memref<8192x128xf32, #tpu.memory_space<hbm>>
      tpu.wait_indirect_dma semaphore(%arg9 : memref<!tpu.dma_semaphore, #tpu.memory_space<semaphore_mem>>) src(%dma_wait3A_33 : memref<8192x128xf32, #tpu.memory_space<hbm>>) dst(%arg7 : memref<256x128xf32, #tpu.memory_space<vmem>>)
      %add3A_34 = arith.addi %mul3A_2, %add3A_14 : i32
      %dma_start3A_35 = arith.constant 0 : i32
      %dma_start3A_36 = tpu.memref_slice %arg4[%add3A_34, %dma_start3A_35] : memref<65536x128xf32, #tpu.memory_space<hbm>> -> memref<256x128xf32, #tpu.memory_space<hbm>>
      %dma_start3A_37 = arith.constant 0 : i32
      %dma_start3A_38 = tpu.memref_slice %arg4[%add3A_34, %dma_start3A_37] : memref<65536x128xf32, #tpu.memory_space<hbm>> -> memref<256x128xf32, #tpu.memory_space<hbm>>
      tpu.enqueue_dma source(%arg7 : memref<256x128xf32, #tpu.memory_space<vmem>>) target(%dma_start3A_38 : memref<256x128xf32, #tpu.memory_space<hbm>>) target_semaphore(%arg11 : memref<!tpu.dma_semaphore, #tpu.memory_space<semaphore_mem>>)
      %dma_wait3A_39 = arith.constant 0 : i32
      %dma_wait3A_40 = tpu.memref_slice %arg4[%add3A_25, %dma_wait3A_39] : memref<65536x128xf32, #tpu.memory_space<hbm>> -> memref<256x128xf32, #tpu.memory_space<hbm>>
      %dma_wait3A_41 = arith.constant 0 : i32
      %dma_wait3A_42 = tpu.memref_slice %arg4[%add3A_25, %dma_wait3A_41] : memref<65536x128xf32, #tpu.memory_space<hbm>> -> memref<256x128xf32, #tpu.memory_space<hbm>>
      tpu.wait_dma2 semaphore(%arg10 : memref<!tpu.dma_semaphore, #tpu.memory_space<semaphore_mem>>) src(%arg6 : memref<256x128xf32, #tpu.memory_space<vmem>>) dst(%dma_wait3A_42 : memref<256x128xf32, #tpu.memory_space<hbm>>)
      %dma_wait3A_43 = arith.constant 0 : i32
      %dma_wait3A_44 = tpu.memref_slice %arg4[%add3A_34, %dma_wait3A_43] : memref<65536x128xf32, #tpu.memory_space<hbm>> -> memref<256x128xf32, #tpu.memory_space<hbm>>
      %dma_wait3A_45 = arith.constant 0 : i32
      %dma_wait3A_46 = tpu.memref_slice %arg4[%add3A_34, %dma_wait3A_45] : memref<65536x128xf32, #tpu.memory_space<hbm>> -> memref<256x128xf32, #tpu.memory_space<hbm>>
      tpu.wait_dma2 semaphore(%arg11 : memref<!tpu.dma_semaphore, #tpu.memory_space<semaphore_mem>>) src(%arg7 : memref<256x128xf32, #tpu.memory_space<vmem>>) dst(%dma_wait3A_46 : memref<256x128xf32, #tpu.memory_space<hbm>>)
    }
    %scan3A_7 = arith.constant 4 : i32
    return
  }
}

#map = affine_map<(d0, d1) -> (0, 0)>
#map1 = affine_map<(d0, d1) -> (0)>
module attributes {stable_mosaic.version = 14 : i64} {
  func.func @gather(%arg0: i32, %arg1: i32, %arg2: memref<8192x128xf32, #tpu.memory_space<hbm>>, %arg3: memref<65536xi32, #tpu.memory_space<hbm>>, %arg4: memref<65536x128xf32, #tpu.memory_space<hbm>>, %arg5: memref<2048xi32, #tpu.memory_space<vmem>>, %arg6: memref<256x128xf32, #tpu.memory_space<vmem>>, %arg7: memref<256x128xf32, #tpu.memory_space<vmem>>, %arg8: memref<!tpu.dma_semaphore, #tpu.memory_space<semaphore_mem>>, %arg9: memref<!tpu.dma_semaphore, #tpu.memory_space<semaphore_mem>>, %arg10: memref<!tpu.dma_semaphore, #tpu.memory_space<semaphore_mem>>, %arg11: memref<!tpu.dma_semaphore, #tpu.memory_space<semaphore_mem>>) attributes {dimension_semantics = [#tpu.dimension_semantics<core_parallel>, #tpu.dimension_semantics<subcore_parallel>], iteration_bounds = array<i64: 2, 16>, scalar_prefetch = 0 : i64, scratch_operands = 7 : i64, tpu.core_type = #tpu.core_type<sc_vector_subcore>, window_params = [{transform_indices = #map}, {transform_indices = #map1}, {transform_indices = #map}]} {
    %mul3A = arith.constant 2 : i32
    %mul3A_0 = arith.muli %arg1, %mul3A : i32
    %add3A = arith.addi %mul3A_0, %arg0 : i32
    %mul3A_1 = arith.constant 2048 : i32
    %mul3A_2 = arith.muli %add3A, %mul3A_1 : i32
    "tpu.region"() ({
      %run_scoped3A = tpu.sem_alloc : memref<!tpu.dma_semaphore, #tpu.memory_space<semaphore_mem>>
      %dma_start3A = tpu.memref_slice %arg3[%mul3A_2] : memref<65536xi32, #tpu.memory_space<hbm>> -> memref<2048xi32, #tpu.memory_space<hbm>>
      %dma_start3A_8 = tpu.memref_slice %arg3[%mul3A_2] : memref<65536xi32, #tpu.memory_space<hbm>> -> memref<2048xi32, #tpu.memory_space<hbm>>
      tpu.enqueue_dma source(%dma_start3A_8 : memref<2048xi32, #tpu.memory_space<hbm>>) target(%arg5 : memref<2048xi32, #tpu.memory_space<vmem>>) target_semaphore(%run_scoped3A : memref<!tpu.dma_semaphore, #tpu.memory_space<semaphore_mem>>)
      %dma_wait3A = tpu.memref_slice %arg3[%mul3A_2] : memref<65536xi32, #tpu.memory_space<hbm>> -> memref<2048xi32, #tpu.memory_space<hbm>>
      %dma_wait3A_9 = tpu.memref_slice %arg3[%mul3A_2] : memref<65536xi32, #tpu.memory_space<hbm>> -> memref<2048xi32, #tpu.memory_space<hbm>>
      tpu.wait_dma2 semaphore(%run_scoped3A : memref<!tpu.dma_semaphore, #tpu.memory_space<semaphore_mem>>) src(%dma_wait3A_9 : memref<2048xi32, #tpu.memory_space<hbm>>) dst(%arg5 : memref<2048xi32, #tpu.memory_space<vmem>>)
      tpu.yield
    }) : () -> ()
    %scan3A = arith.constant 0 : i32
    %scan3A_3 = arith.constant 0 : i32
    %scan3A_4 = arith.constant 4 : i32
    %scan3A_5 = arith.addi %scan3A_3, %scan3A_4 : i32
    %scan3A_6 = arith.constant 1 : i32
    scf.for %scan3A_8 = %scan3A_3 to %scan3A_5 step %scan3A_6  : i32 {
      %mul3A_9 = arith.constant 2 : i32
      %mul3A_10 = arith.muli %mul3A_9, %scan3A_8 : i32
      %mul3A_11 = arith.constant 256 : i32
      %mul3A_12 = arith.muli %mul3A_10, %mul3A_11 : i32
      %add3A_13 = arith.constant 256 : i32
      %add3A_14 = arith.addi %mul3A_12, %add3A_13 : i32
      %dma_start3A = tpu.memref_slice %arg5[%mul3A_12] : memref<2048xi32, #tpu.memory_space<vmem>> -> memref<256xi32, #tpu.memory_space<vmem>>
      %dma_start3A_15 = arith.constant 0 : i32
      %dma_start3A_16 = arith.constant 0 : i32
      %dma_start3A_17 = tpu.memref_slice %arg2[%dma_start3A_15, %dma_start3A_16] : memref<8192x128xf32, #tpu.memory_space<hbm>> -> memref<8192x128xf32, #tpu.memory_space<hbm>>
      tpu.enqueue_indirect_dma source(%dma_start3A_17 : memref<8192x128xf32, #tpu.memory_space<hbm>>) target(%arg6 : memref<256x128xf32, #tpu.memory_space<vmem>>) offsets(%dma_start3A : memref<256xi32, #tpu.memory_space<vmem>>) semaphore(%arg8 : memref<!tpu.dma_semaphore, #tpu.memory_space<semaphore_mem>>)
      %dma_start3A_18 = tpu.memref_slice %arg5[%add3A_14] : memref<2048xi32, #tpu.memory_space<vmem>> -> memref<256xi32, #tpu.memory_space<vmem>>
      %dma_start3A_19 = arith.constant 0 : i32
      %dma_start3A_20 = arith.constant 0 : i32
      %dma_start3A_21 = tpu.memref_slice %arg2[%dma_start3A_19, %dma_start3A_20] : memref<8192x128xf32, #tpu.memory_space<hbm>> -> memref<8192x128xf32, #tpu.memory_space<hbm>>
      tpu.enqueue_indirect_dma source(%dma_start3A_21 : memref<8192x128xf32, #tpu.memory_space<hbm>>) target(%arg7 : memref<256x128xf32, #tpu.memory_space<vmem>>) offsets(%dma_start3A_18 : memref<256xi32, #tpu.memory_space<vmem>>) semaphore(%arg9 : memref<!tpu.dma_semaphore, #tpu.memory_space<semaphore_mem>>)
      %dma_wait3A = tpu.memref_slice %arg5[%mul3A_12] : memref<2048xi32, #tpu.memory_space<vmem>> -> memref<256xi32, #tpu.memory_space<vmem>>
      %dma_wait3A_22 = arith.constant 0 : i32
      %dma_wait3A_23 = arith.constant 0 : i32
      %dma_wait3A_24 = tpu.memref_slice %arg2[%dma_wait3A_22, %dma_wait3A_23] : memref<8192x128xf32, #tpu.memory_space<hbm>> -> memref<8192x128xf32, #tpu.memory_space<hbm>>
      tpu.wait_indirect_dma semaphore(%arg8 : memref<!tpu.dma_semaphore, #tpu.memory_space<semaphore_mem>>) src(%dma_wait3A_24 : memref<8192x128xf32, #tpu.memory_space<hbm>>) dst(%arg6 : memref<256x128xf32, #tpu.memory_space<vmem>>)
      %add3A_25 = arith.addi %mul3A_2, %mul3A_12 : i32
      %dma_start3A_26 = arith.constant 0 : i32
      %dma_start3A_27 = tpu.memref_slice %arg4[%add3A_25, %dma_start3A_26] : memref<65536x128xf32, #tpu.memory_space<hbm>> -> memref<256x128xf32, #tpu.memory_space<hbm>>
      %dma_start3A_28 = arith.constant 0 : i32
      %dma_start3A_29 = tpu.memref_slice %arg4[%add3A_25, %dma_start3A_28] : memref<65536x128xf32, #tpu.memory_space<hbm>> -> memref<256x128xf32, #tpu.memory_space<hbm>>
      tpu.enqueue_dma source(%arg6 : memref<256x128xf32, #tpu.memory_space<vmem>>) target(%dma_start3A_29 : memref<256x128xf32, #tpu.memory_space<hbm>>) target_semaphore(%arg10 : memref<!tpu.dma_semaphore, #tpu.memory_space<semaphore_mem>>)
      %dma_wait3A_30 = tpu.memref_slice %arg5[%add3A_14] : memref<2048xi32, #tpu.memory_space<vmem>> -> memref<256xi32, #tpu.memory_space<vmem>>
      %dma_wait3A_31 = arith.constant 0 : i32
      %dma_wait3A_32 = arith.constant 0 : i32
      %dma_wait3A_33 = tpu.memref_slice %arg2[%dma_wait3A_31, %dma_wait3A_32] : memref<8192x128xf32, #tpu.memory_space<hbm>> -> memref<8192x128xf32, #tpu.memory_space<hbm>>
      tpu.wait_indirect_dma semaphore(%arg9 : memref<!tpu.dma_semaphore, #tpu.memory_space<semaphore_mem>>) src(%dma_wait3A_33 : memref<8192x128xf32, #tpu.memory_space<hbm>>) dst(%arg7 : memref<256x128xf32, #tpu.memory_space<vmem>>)
      %add3A_34 = arith.addi %mul3A_2, %add3A_14 : i32
      %dma_start3A_35 = arith.constant 0 : i32
      %dma_start3A_36 = tpu.memref_slice %arg4[%add3A_34, %dma_start3A_35] : memref<65536x128xf32, #tpu.memory_space<hbm>> -> memref<256x128xf32, #tpu.memory_space<hbm>>
      %dma_start3A_37 = arith.constant 0 : i32
      %dma_start3A_38 = tpu.memref_slice %arg4[%add3A_34, %dma_start3A_37] : memref<65536x128xf32, #tpu.memory_space<hbm>> -> memref<256x128xf32, #tpu.memory_space<hbm>>
      tpu.enqueue_dma source(%arg7 : memref<256x128xf32, #tpu.memory_space<vmem>>) target(%dma_start3A_38 : memref<256x128xf32, #tpu.memory_space<hbm>>) target_semaphore(%arg11 : memref<!tpu.dma_semaphore, #tpu.memory_space<semaphore_mem>>)
      %dma_wait3A_39 = arith.constant 0 : i32
      %dma_wait3A_40 = tpu.memref_slice %arg4[%add3A_25, %dma_wait3A_39] : memref<65536x128xf32, #tpu.memory_space<hbm>> -> memref<256x128xf32, #tpu.memory_space<hbm>>
      %dma_wait3A_41 = arith.constant 0 : i32
      %dma_wait3A_42 = tpu.memref_slice %arg4[%add3A_25, %dma_wait3A_41] : memref<65536x128xf32, #tpu.memory_space<hbm>> -> memref<256x128xf32, #tpu.memory_space<hbm>>
      tpu.wait_dma2 semaphore(%arg10 : memref<!tpu.dma_semaphore, #tpu.memory_space<semaphore_mem>>) src(%arg6 : memref<256x128xf32, #tpu.memory_space<vmem>>) dst(%dma_wait3A_42 : memref<256x128xf32, #tpu.memory_space<hbm>>)
      %dma_wait3A_43 = arith.constant 0 : i32
      %dma_wait3A_44 = tpu.memref_slice %arg4[%add3A_34, %dma_wait3A_43] : memref<65536x128xf32, #tpu.memory_space<hbm>> -> memref<256x128xf32, #tpu.memory_space<hbm>>
      %dma_wait3A_45 = arith.constant 0 : i32
      %dma_wait3A_46 = tpu.memref_slice %arg4[%add3A_34, %dma_wait3A_45] : memref<65536x128xf32, #tpu.memory_space<hbm>> -> memref<256x128xf32, #tpu.memory_space<hbm>>
      tpu.wait_dma2 semaphore(%arg11 : memref<!tpu.dma_semaphore, #tpu.memory_space<semaphore_mem>>) src(%arg7 : memref<256x128xf32, #tpu.memory_space<vmem>>) dst(%dma_wait3A_46 : memref<256x128xf32, #tpu.memory_space<hbm>>)
    }
    %scan3A_7 = arith.constant 4 : i32
    return
  }
}

module attributes {stable_mosaic.version = 14 : i64} {
  func.func @_topk_body(%arg0: i32, %arg1: memref<256x3xf32, #tpu.memory_space<vmem>>, %arg2: memref<1x3x1024xf32, #tpu.memory_space<vmem>>, %arg3: memref<256x16xi32, #tpu.memory_space<vmem>>) attributes {dimension_semantics = [#tpu.dimension_semantics<arbitrary>], iteration_bounds = array<i64: 4>, scalar_prefetch = 0 : i64, scratch_operands = 0 : i64, tpu.core_type = #tpu.core_type<tc>, window_params = [{transform_indices = @transform_0, window_bounds = array<i64: 256, 3>}, {pipeline_mode = #tpu.pipeline_mode<synchronous>, transform_indices = @transform_1, window_bounds = array<i64: 1, 3, 1024>}, {transform_indices = @transform_2, window_bounds = array<i64: 256, 16>}]} {
    %get3A = arith.constant 0 : index
    %get3A_0 = arith.constant 0 : index
    %get3A_1 = vector.load %arg1[%get3A, %get3A_0] : memref<256x3xf32, #tpu.memory_space<vmem>>, vector<256x3xf32>
    %get3A_2 = arith.constant 0 : index
    %get3A_3 = arith.constant 0 : index
    %get3A_4 = arith.constant 0 : index
    %get3A_5 = vector.load %arg2[%get3A_2, %get3A_3, %get3A_4] : memref<1x3x1024xf32, #tpu.memory_space<vmem>>, vector<1x3x1024xf32>
    %get3A_6 = vector.shape_cast %get3A_5 : vector<1x3x1024xf32> to vector<3x1024xf32>
    %dot_general3A = arith.constant dense<0.000000e+00> : vector<256x1024xf32>
    %dot_general3A_7 = tpu.matmul %get3A_1, %get3A_6, %dot_general3A {dimension_numbers = #tpu.dot_dimension_numbers<[1], [0], [0], [1], [0, 0, 1, 1], [], []>, transpose_lhs_hint = false} : vector<256x3xf32>, vector<3x1024xf32>, vector<256x1024xf32> -> vector<256x1024xf32>
    %slice3A = vector.extract_strided_slice %get3A_1 {offsets = [0, 0], sizes = [256, 1], strides = [1, 1]} : vector<256x3xf32> to vector<256x1xf32>
    %integer_pow3A = arith.mulf %slice3A, %slice3A : vector<256x1xf32>
    %slice3A_8 = vector.extract_strided_slice %get3A_1 {offsets = [0, 1], sizes = [256, 1], strides = [1, 1]} : vector<256x3xf32> to vector<256x1xf32>
    %integer_pow3A_9 = arith.mulf %slice3A_8, %slice3A_8 : vector<256x1xf32>
    %add3A = arith.addf %integer_pow3A, %integer_pow3A_9 : vector<256x1xf32>
    %slice3A_10 = vector.extract_strided_slice %get3A_1 {offsets = [0, 2], sizes = [256, 1], strides = [1, 1]} : vector<256x3xf32> to vector<256x1xf32>
    %integer_pow3A_11 = arith.mulf %slice3A_10, %slice3A_10 : vector<256x1xf32>
    %add3A_12 = arith.addf %add3A, %integer_pow3A_11 : vector<256x1xf32>
    %slice3A_13 = vector.extract_strided_slice %get3A_6 {offsets = [0, 0], sizes = [1, 1024], strides = [1, 1]} : vector<3x1024xf32> to vector<1x1024xf32>
    %integer_pow3A_14 = arith.mulf %slice3A_13, %slice3A_13 : vector<1x1024xf32>
    %slice3A_15 = vector.extract_strided_slice %get3A_6 {offsets = [1, 0], sizes = [1, 1024], strides = [1, 1]} : vector<3x1024xf32> to vector<1x1024xf32>
    %integer_pow3A_16 = arith.mulf %slice3A_15, %slice3A_15 : vector<1x1024xf32>
    %add3A_17 = arith.addf %integer_pow3A_14, %integer_pow3A_16 : vector<1x1024xf32>
    %slice3A_18 = vector.extract_strided_slice %get3A_6 {offsets = [2, 0], sizes = [1, 1024], strides = [1, 1]} : vector<3x1024xf32> to vector<1x1024xf32>
    %integer_pow3A_19 = arith.mulf %slice3A_18, %slice3A_18 : vector<1x1024xf32>
    %add3A_20 = arith.addf %add3A_17, %integer_pow3A_19 : vector<1x1024xf32>
    %mul3A = arith.constant -2.000000e+00 : f32
    %mul3A_21 = vector.broadcast %mul3A : f32 to vector<256x1024xf32>
    %mul3A_22 = arith.mulf %mul3A_21, %dot_general3A_7 : vector<256x1024xf32>
    %add3A_23 = vector.broadcast %add3A_12 : vector<256x1xf32> to vector<256x1024xf32>
    %add3A_24 = arith.addf %mul3A_22, %add3A_23 : vector<256x1024xf32>
    %add3A_25 = vector.broadcast %add3A_20 : vector<1x1024xf32> to vector<256x1024xf32>
    %add3A_26 = arith.addf %add3A_24, %add3A_25 : vector<256x1024xf32>
    %iota3A = tpu.iota {dimensions = array<i32: 1>} : vector<256x1024xi32>
    %iota3A_27 = tpu.iota {dimensions = array<i32: 1>} : vector<256x16xi32>
    %broadcast_in_dim3A = arith.constant 0 : i32
    %broadcast_in_dim3A_28 = vector.broadcast %broadcast_in_dim3A : i32 to vector<256x16xi32>
    %argmin3A = tpu.reduce_index %add3A_26 {axis = 1 : i32, kind = #tpu.reduction_kind<arg_min>} : vector<256x1024xf32> -> vector<256xi32>
    %broadcast_in_dim3A_29 = vector.shape_cast %argmin3A : vector<256xi32> to vector<256x1xi32>
    %eq3A = arith.constant 0 : i32
    %eq3A_30 = vector.broadcast %eq3A : i32 to vector<256x16xi32>
    %eq3A_31 = arith.cmpi eq, %iota3A_27, %eq3A_30 : vector<256x16xi32>
    %broadcast_in_dim3A_32 = vector.shape_cast %broadcast_in_dim3A_29 : vector<256x1xi32> to vector<256x1xi32>
    %broadcast_in_dim3A_33 = vector.broadcast %broadcast_in_dim3A_32 : vector<256x1xi32> to vector<256x16xi32>
    %select_n3A = arith.select %eq3A_31, %broadcast_in_dim3A_33, %broadcast_in_dim3A_28 : vector<256x16xi1>, vector<256x16xi32>
    %eq3A_34 = vector.broadcast %broadcast_in_dim3A_29 : vector<256x1xi32> to vector<256x1024xi32>
    %eq3A_35 = arith.cmpi eq, %iota3A, %eq3A_34 : vector<256x1024xi32>
    %jit3A = arith.constant 0x7F800000 : f32
    %broadcast_in_dim3A_36 = vector.broadcast %jit3A : f32 to vector<256x1024xf32>
    %select_n3A_37 = arith.select %eq3A_35, %broadcast_in_dim3A_36, %add3A_26 : vector<256x1024xi1>, vector<256x1024xf32>
    %argmin3A_38 = tpu.reduce_index %select_n3A_37 {axis = 1 : i32, kind = #tpu.reduction_kind<arg_min>} : vector<256x1024xf32> -> vector<256xi32>
    %broadcast_in_dim3A_39 = vector.shape_cast %argmin3A_38 : vector<256xi32> to vector<256x1xi32>
    %eq3A_40 = arith.constant 1 : i32
    %eq3A_41 = vector.broadcast %eq3A_40 : i32 to vector<256x16xi32>
    %eq3A_42 = arith.cmpi eq, %iota3A_27, %eq3A_41 : vector<256x16xi32>
    %broadcast_in_dim3A_43 = vector.shape_cast %broadcast_in_dim3A_39 : vector<256x1xi32> to vector<256x1xi32>
    %broadcast_in_dim3A_44 = vector.broadcast %broadcast_in_dim3A_43 : vector<256x1xi32> to vector<256x16xi32>
    %select_n3A_45 = arith.select %eq3A_42, %broadcast_in_dim3A_44, %select_n3A : vector<256x16xi1>, vector<256x16xi32>
    %eq3A_46 = vector.broadcast %broadcast_in_dim3A_39 : vector<256x1xi32> to vector<256x1024xi32>
    %eq3A_47 = arith.cmpi eq, %iota3A, %eq3A_46 : vector<256x1024xi32>
    %jit3A_48 = arith.constant 0x7F800000 : f32
    %broadcast_in_dim3A_49 = vector.broadcast %jit3A_48 : f32 to vector<256x1024xf32>
    %select_n3A_50 = arith.select %eq3A_47, %broadcast_in_dim3A_49, %select_n3A_37 : vector<256x1024xi1>, vector<256x1024xf32>
    %argmin3A_51 = tpu.reduce_index %select_n3A_50 {axis = 1 : i32, kind = #tpu.reduction_kind<arg_min>} : vector<256x1024xf32> -> vector<256xi32>
    %broadcast_in_dim3A_52 = vector.shape_cast %argmin3A_51 : vector<256xi32> to vector<256x1xi32>
    %eq3A_53 = arith.constant 2 : i32
    %eq3A_54 = vector.broadcast %eq3A_53 : i32 to vector<256x16xi32>
    %eq3A_55 = arith.cmpi eq, %iota3A_27, %eq3A_54 : vector<256x16xi32>
    %broadcast_in_dim3A_56 = vector.shape_cast %broadcast_in_dim3A_52 : vector<256x1xi32> to vector<256x1xi32>
    %broadcast_in_dim3A_57 = vector.broadcast %broadcast_in_dim3A_56 : vector<256x1xi32> to vector<256x16xi32>
    %select_n3A_58 = arith.select %eq3A_55, %broadcast_in_dim3A_57, %select_n3A_45 : vector<256x16xi1>, vector<256x16xi32>
    %eq3A_59 = vector.broadcast %broadcast_in_dim3A_52 : vector<256x1xi32> to vector<256x1024xi32>
    %eq3A_60 = arith.cmpi eq, %iota3A, %eq3A_59 : vector<256x1024xi32>
    %jit3A_61 = arith.constant 0x7F800000 : f32
    %broadcast_in_dim3A_62 = vector.broadcast %jit3A_61 : f32 to vector<256x1024xf32>
    %select_n3A_63 = arith.select %eq3A_60, %broadcast_in_dim3A_62, %select_n3A_50 : vector<256x1024xi1>, vector<256x1024xf32>
    %argmin3A_64 = tpu.reduce_index %select_n3A_63 {axis = 1 : i32, kind = #tpu.reduction_kind<arg_min>} : vector<256x1024xf32> -> vector<256xi32>
    %broadcast_in_dim3A_65 = vector.shape_cast %argmin3A_64 : vector<256xi32> to vector<256x1xi32>
    %eq3A_66 = arith.constant 3 : i32
    %eq3A_67 = vector.broadcast %eq3A_66 : i32 to vector<256x16xi32>
    %eq3A_68 = arith.cmpi eq, %iota3A_27, %eq3A_67 : vector<256x16xi32>
    %broadcast_in_dim3A_69 = vector.shape_cast %broadcast_in_dim3A_65 : vector<256x1xi32> to vector<256x1xi32>
    %broadcast_in_dim3A_70 = vector.broadcast %broadcast_in_dim3A_69 : vector<256x1xi32> to vector<256x16xi32>
    %select_n3A_71 = arith.select %eq3A_68, %broadcast_in_dim3A_70, %select_n3A_58 : vector<256x16xi1>, vector<256x16xi32>
    %eq3A_72 = vector.broadcast %broadcast_in_dim3A_65 : vector<256x1xi32> to vector<256x1024xi32>
    %eq3A_73 = arith.cmpi eq, %iota3A, %eq3A_72 : vector<256x1024xi32>
    %jit3A_74 = arith.constant 0x7F800000 : f32
    %broadcast_in_dim3A_75 = vector.broadcast %jit3A_74 : f32 to vector<256x1024xf32>
    %select_n3A_76 = arith.select %eq3A_73, %broadcast_in_dim3A_75, %select_n3A_63 : vector<256x1024xi1>, vector<256x1024xf32>
    %argmin3A_77 = tpu.reduce_index %select_n3A_76 {axis = 1 : i32, kind = #tpu.reduction_kind<arg_min>} : vector<256x1024xf32> -> vector<256xi32>
    %broadcast_in_dim3A_78 = vector.shape_cast %argmin3A_77 : vector<256xi32> to vector<256x1xi32>
    %eq3A_79 = arith.constant 4 : i32
    %eq3A_80 = vector.broadcast %eq3A_79 : i32 to vector<256x16xi32>
    %eq3A_81 = arith.cmpi eq, %iota3A_27, %eq3A_80 : vector<256x16xi32>
    %broadcast_in_dim3A_82 = vector.shape_cast %broadcast_in_dim3A_78 : vector<256x1xi32> to vector<256x1xi32>
    %broadcast_in_dim3A_83 = vector.broadcast %broadcast_in_dim3A_82 : vector<256x1xi32> to vector<256x16xi32>
    %select_n3A_84 = arith.select %eq3A_81, %broadcast_in_dim3A_83, %select_n3A_71 : vector<256x16xi1>, vector<256x16xi32>
    %eq3A_85 = vector.broadcast %broadcast_in_dim3A_78 : vector<256x1xi32> to vector<256x1024xi32>
    %eq3A_86 = arith.cmpi eq, %iota3A, %eq3A_85 : vector<256x1024xi32>
    %jit3A_87 = arith.constant 0x7F800000 : f32
    %broadcast_in_dim3A_88 = vector.broadcast %jit3A_87 : f32 to vector<256x1024xf32>
    %select_n3A_89 = arith.select %eq3A_86, %broadcast_in_dim3A_88, %select_n3A_76 : vector<256x1024xi1>, vector<256x1024xf32>
    %argmin3A_90 = tpu.reduce_index %select_n3A_89 {axis = 1 : i32, kind = #tpu.reduction_kind<arg_min>} : vector<256x1024xf32> -> vector<256xi32>
    %broadcast_in_dim3A_91 = vector.shape_cast %argmin3A_90 : vector<256xi32> to vector<256x1xi32>
    %eq3A_92 = arith.constant 5 : i32
    %eq3A_93 = vector.broadcast %eq3A_92 : i32 to vector<256x16xi32>
    %eq3A_94 = arith.cmpi eq, %iota3A_27, %eq3A_93 : vector<256x16xi32>
    %broadcast_in_dim3A_95 = vector.shape_cast %broadcast_in_dim3A_91 : vector<256x1xi32> to vector<256x1xi32>
    %broadcast_in_dim3A_96 = vector.broadcast %broadcast_in_dim3A_95 : vector<256x1xi32> to vector<256x16xi32>
    %select_n3A_97 = arith.select %eq3A_94, %broadcast_in_dim3A_96, %select_n3A_84 : vector<256x16xi1>, vector<256x16xi32>
    %eq3A_98 = vector.broadcast %broadcast_in_dim3A_91 : vector<256x1xi32> to vector<256x1024xi32>
    %eq3A_99 = arith.cmpi eq, %iota3A, %eq3A_98 : vector<256x1024xi32>
    %jit3A_100 = arith.constant 0x7F800000 : f32
    %broadcast_in_dim3A_101 = vector.broadcast %jit3A_100 : f32 to vector<256x1024xf32>
    %select_n3A_102 = arith.select %eq3A_99, %broadcast_in_dim3A_101, %select_n3A_89 : vector<256x1024xi1>, vector<256x1024xf32>
    %argmin3A_103 = tpu.reduce_index %select_n3A_102 {axis = 1 : i32, kind = #tpu.reduction_kind<arg_min>} : vector<256x1024xf32> -> vector<256xi32>
    %broadcast_in_dim3A_104 = vector.shape_cast %argmin3A_103 : vector<256xi32> to vector<256x1xi32>
    %eq3A_105 = arith.constant 6 : i32
    %eq3A_106 = vector.broadcast %eq3A_105 : i32 to vector<256x16xi32>
    %eq3A_107 = arith.cmpi eq, %iota3A_27, %eq3A_106 : vector<256x16xi32>
    %broadcast_in_dim3A_108 = vector.shape_cast %broadcast_in_dim3A_104 : vector<256x1xi32> to vector<256x1xi32>
    %broadcast_in_dim3A_109 = vector.broadcast %broadcast_in_dim3A_108 : vector<256x1xi32> to vector<256x16xi32>
    %select_n3A_110 = arith.select %eq3A_107, %broadcast_in_dim3A_109, %select_n3A_97 : vector<256x16xi1>, vector<256x16xi32>
    %eq3A_111 = vector.broadcast %broadcast_in_dim3A_104 : vector<256x1xi32> to vector<256x1024xi32>
    %eq3A_112 = arith.cmpi eq, %iota3A, %eq3A_111 : vector<256x1024xi32>
    %jit3A_113 = arith.constant 0x7F800000 : f32
    %broadcast_in_dim3A_114 = vector.broadcast %jit3A_113 : f32 to vector<256x1024xf32>
    %select_n3A_115 = arith.select %eq3A_112, %broadcast_in_dim3A_114, %select_n3A_102 : vector<256x1024xi1>, vector<256x1024xf32>
    %argmin3A_116 = tpu.reduce_index %select_n3A_115 {axis = 1 : i32, kind = #tpu.reduction_kind<arg_min>} : vector<256x1024xf32> -> vector<256xi32>
    %broadcast_in_dim3A_117 = vector.shape_cast %argmin3A_116 : vector<256xi32> to vector<256x1xi32>
    %eq3A_118 = arith.constant 7 : i32
    %eq3A_119 = vector.broadcast %eq3A_118 : i32 to vector<256x16xi32>
    %eq3A_120 = arith.cmpi eq, %iota3A_27, %eq3A_119 : vector<256x16xi32>
    %broadcast_in_dim3A_121 = vector.shape_cast %broadcast_in_dim3A_117 : vector<256x1xi32> to vector<256x1xi32>
    %broadcast_in_dim3A_122 = vector.broadcast %broadcast_in_dim3A_121 : vector<256x1xi32> to vector<256x16xi32>
    %select_n3A_123 = arith.select %eq3A_120, %broadcast_in_dim3A_122, %select_n3A_110 : vector<256x16xi1>, vector<256x16xi32>
    %eq3A_124 = vector.broadcast %broadcast_in_dim3A_117 : vector<256x1xi32> to vector<256x1024xi32>
    %eq3A_125 = arith.cmpi eq, %iota3A, %eq3A_124 : vector<256x1024xi32>
    %jit3A_126 = arith.constant 0x7F800000 : f32
    %broadcast_in_dim3A_127 = vector.broadcast %jit3A_126 : f32 to vector<256x1024xf32>
    %select_n3A_128 = arith.select %eq3A_125, %broadcast_in_dim3A_127, %select_n3A_115 : vector<256x1024xi1>, vector<256x1024xf32>
    %argmin3A_129 = tpu.reduce_index %select_n3A_128 {axis = 1 : i32, kind = #tpu.reduction_kind<arg_min>} : vector<256x1024xf32> -> vector<256xi32>
    %broadcast_in_dim3A_130 = vector.shape_cast %argmin3A_129 : vector<256xi32> to vector<256x1xi32>
    %eq3A_131 = arith.constant 8 : i32
    %eq3A_132 = vector.broadcast %eq3A_131 : i32 to vector<256x16xi32>
    %eq3A_133 = arith.cmpi eq, %iota3A_27, %eq3A_132 : vector<256x16xi32>
    %broadcast_in_dim3A_134 = vector.shape_cast %broadcast_in_dim3A_130 : vector<256x1xi32> to vector<256x1xi32>
    %broadcast_in_dim3A_135 = vector.broadcast %broadcast_in_dim3A_134 : vector<256x1xi32> to vector<256x16xi32>
    %select_n3A_136 = arith.select %eq3A_133, %broadcast_in_dim3A_135, %select_n3A_123 : vector<256x16xi1>, vector<256x16xi32>
    %eq3A_137 = vector.broadcast %broadcast_in_dim3A_130 : vector<256x1xi32> to vector<256x1024xi32>
    %eq3A_138 = arith.cmpi eq, %iota3A, %eq3A_137 : vector<256x1024xi32>
    %jit3A_139 = arith.constant 0x7F800000 : f32
    %broadcast_in_dim3A_140 = vector.broadcast %jit3A_139 : f32 to vector<256x1024xf32>
    %select_n3A_141 = arith.select %eq3A_138, %broadcast_in_dim3A_140, %select_n3A_128 : vector<256x1024xi1>, vector<256x1024xf32>
    %argmin3A_142 = tpu.reduce_index %select_n3A_141 {axis = 1 : i32, kind = #tpu.reduction_kind<arg_min>} : vector<256x1024xf32> -> vector<256xi32>
    %broadcast_in_dim3A_143 = vector.shape_cast %argmin3A_142 : vector<256xi32> to vector<256x1xi32>
    %eq3A_144 = arith.constant 9 : i32
    %eq3A_145 = vector.broadcast %eq3A_144 : i32 to vector<256x16xi32>
    %eq3A_146 = arith.cmpi eq, %iota3A_27, %eq3A_145 : vector<256x16xi32>
    %broadcast_in_dim3A_147 = vector.shape_cast %broadcast_in_dim3A_143 : vector<256x1xi32> to vector<256x1xi32>
    %broadcast_in_dim3A_148 = vector.broadcast %broadcast_in_dim3A_147 : vector<256x1xi32> to vector<256x16xi32>
    %select_n3A_149 = arith.select %eq3A_146, %broadcast_in_dim3A_148, %select_n3A_136 : vector<256x16xi1>, vector<256x16xi32>
    %eq3A_150 = vector.broadcast %broadcast_in_dim3A_143 : vector<256x1xi32> to vector<256x1024xi32>
    %eq3A_151 = arith.cmpi eq, %iota3A, %eq3A_150 : vector<256x1024xi32>
    %jit3A_152 = arith.constant 0x7F800000 : f32
    %broadcast_in_dim3A_153 = vector.broadcast %jit3A_152 : f32 to vector<256x1024xf32>
    %select_n3A_154 = arith.select %eq3A_151, %broadcast_in_dim3A_153, %select_n3A_141 : vector<256x1024xi1>, vector<256x1024xf32>
    %argmin3A_155 = tpu.reduce_index %select_n3A_154 {axis = 1 : i32, kind = #tpu.reduction_kind<arg_min>} : vector<256x1024xf32> -> vector<256xi32>
    %broadcast_in_dim3A_156 = vector.shape_cast %argmin3A_155 : vector<256xi32> to vector<256x1xi32>
    %eq3A_157 = arith.constant 10 : i32
    %eq3A_158 = vector.broadcast %eq3A_157 : i32 to vector<256x16xi32>
    %eq3A_159 = arith.cmpi eq, %iota3A_27, %eq3A_158 : vector<256x16xi32>
    %broadcast_in_dim3A_160 = vector.shape_cast %broadcast_in_dim3A_156 : vector<256x1xi32> to vector<256x1xi32>
    %broadcast_in_dim3A_161 = vector.broadcast %broadcast_in_dim3A_160 : vector<256x1xi32> to vector<256x16xi32>
    %select_n3A_162 = arith.select %eq3A_159, %broadcast_in_dim3A_161, %select_n3A_149 : vector<256x16xi1>, vector<256x16xi32>
    %eq3A_163 = vector.broadcast %broadcast_in_dim3A_156 : vector<256x1xi32> to vector<256x1024xi32>
    %eq3A_164 = arith.cmpi eq, %iota3A, %eq3A_163 : vector<256x1024xi32>
    %jit3A_165 = arith.constant 0x7F800000 : f32
    %broadcast_in_dim3A_166 = vector.broadcast %jit3A_165 : f32 to vector<256x1024xf32>
    %select_n3A_167 = arith.select %eq3A_164, %broadcast_in_dim3A_166, %select_n3A_154 : vector<256x1024xi1>, vector<256x1024xf32>
    %argmin3A_168 = tpu.reduce_index %select_n3A_167 {axis = 1 : i32, kind = #tpu.reduction_kind<arg_min>} : vector<256x1024xf32> -> vector<256xi32>
    %broadcast_in_dim3A_169 = vector.shape_cast %argmin3A_168 : vector<256xi32> to vector<256x1xi32>
    %eq3A_170 = arith.constant 11 : i32
    %eq3A_171 = vector.broadcast %eq3A_170 : i32 to vector<256x16xi32>
    %eq3A_172 = arith.cmpi eq, %iota3A_27, %eq3A_171 : vector<256x16xi32>
    %broadcast_in_dim3A_173 = vector.shape_cast %broadcast_in_dim3A_169 : vector<256x1xi32> to vector<256x1xi32>
    %broadcast_in_dim3A_174 = vector.broadcast %broadcast_in_dim3A_173 : vector<256x1xi32> to vector<256x16xi32>
    %select_n3A_175 = arith.select %eq3A_172, %broadcast_in_dim3A_174, %select_n3A_162 : vector<256x16xi1>, vector<256x16xi32>
    %eq3A_176 = vector.broadcast %broadcast_in_dim3A_169 : vector<256x1xi32> to vector<256x1024xi32>
    %eq3A_177 = arith.cmpi eq, %iota3A, %eq3A_176 : vector<256x1024xi32>
    %jit3A_178 = arith.constant 0x7F800000 : f32
    %broadcast_in_dim3A_179 = vector.broadcast %jit3A_178 : f32 to vector<256x1024xf32>
    %select_n3A_180 = arith.select %eq3A_177, %broadcast_in_dim3A_179, %select_n3A_167 : vector<256x1024xi1>, vector<256x1024xf32>
    %argmin3A_181 = tpu.reduce_index %select_n3A_180 {axis = 1 : i32, kind = #tpu.reduction_kind<arg_min>} : vector<256x1024xf32> -> vector<256xi32>
    %broadcast_in_dim3A_182 = vector.shape_cast %argmin3A_181 : vector<256xi32> to vector<256x1xi32>
    %eq3A_183 = arith.constant 12 : i32
    %eq3A_184 = vector.broadcast %eq3A_183 : i32 to vector<256x16xi32>
    %eq3A_185 = arith.cmpi eq, %iota3A_27, %eq3A_184 : vector<256x16xi32>
    %broadcast_in_dim3A_186 = vector.shape_cast %broadcast_in_dim3A_182 : vector<256x1xi32> to vector<256x1xi32>
    %broadcast_in_dim3A_187 = vector.broadcast %broadcast_in_dim3A_186 : vector<256x1xi32> to vector<256x16xi32>
    %select_n3A_188 = arith.select %eq3A_185, %broadcast_in_dim3A_187, %select_n3A_175 : vector<256x16xi1>, vector<256x16xi32>
    %eq3A_189 = vector.broadcast %broadcast_in_dim3A_182 : vector<256x1xi32> to vector<256x1024xi32>
    %eq3A_190 = arith.cmpi eq, %iota3A, %eq3A_189 : vector<256x1024xi32>
    %jit3A_191 = arith.constant 0x7F800000 : f32
    %broadcast_in_dim3A_192 = vector.broadcast %jit3A_191 : f32 to vector<256x1024xf32>
    %select_n3A_193 = arith.select %eq3A_190, %broadcast_in_dim3A_192, %select_n3A_180 : vector<256x1024xi1>, vector<256x1024xf32>
    %argmin3A_194 = tpu.reduce_index %select_n3A_193 {axis = 1 : i32, kind = #tpu.reduction_kind<arg_min>} : vector<256x1024xf32> -> vector<256xi32>
    %broadcast_in_dim3A_195 = vector.shape_cast %argmin3A_194 : vector<256xi32> to vector<256x1xi32>
    %eq3A_196 = arith.constant 13 : i32
    %eq3A_197 = vector.broadcast %eq3A_196 : i32 to vector<256x16xi32>
    %eq3A_198 = arith.cmpi eq, %iota3A_27, %eq3A_197 : vector<256x16xi32>
    %broadcast_in_dim3A_199 = vector.shape_cast %broadcast_in_dim3A_195 : vector<256x1xi32> to vector<256x1xi32>
    %broadcast_in_dim3A_200 = vector.broadcast %broadcast_in_dim3A_199 : vector<256x1xi32> to vector<256x16xi32>
    %select_n3A_201 = arith.select %eq3A_198, %broadcast_in_dim3A_200, %select_n3A_188 : vector<256x16xi1>, vector<256x16xi32>
    %eq3A_202 = vector.broadcast %broadcast_in_dim3A_195 : vector<256x1xi32> to vector<256x1024xi32>
    %eq3A_203 = arith.cmpi eq, %iota3A, %eq3A_202 : vector<256x1024xi32>
    %jit3A_204 = arith.constant 0x7F800000 : f32
    %broadcast_in_dim3A_205 = vector.broadcast %jit3A_204 : f32 to vector<256x1024xf32>
    %select_n3A_206 = arith.select %eq3A_203, %broadcast_in_dim3A_205, %select_n3A_193 : vector<256x1024xi1>, vector<256x1024xf32>
    %argmin3A_207 = tpu.reduce_index %select_n3A_206 {axis = 1 : i32, kind = #tpu.reduction_kind<arg_min>} : vector<256x1024xf32> -> vector<256xi32>
    %broadcast_in_dim3A_208 = vector.shape_cast %argmin3A_207 : vector<256xi32> to vector<256x1xi32>
    %eq3A_209 = arith.constant 14 : i32
    %eq3A_210 = vector.broadcast %eq3A_209 : i32 to vector<256x16xi32>
    %eq3A_211 = arith.cmpi eq, %iota3A_27, %eq3A_210 : vector<256x16xi32>
    %broadcast_in_dim3A_212 = vector.shape_cast %broadcast_in_dim3A_208 : vector<256x1xi32> to vector<256x1xi32>
    %broadcast_in_dim3A_213 = vector.broadcast %broadcast_in_dim3A_212 : vector<256x1xi32> to vector<256x16xi32>
    %select_n3A_214 = arith.select %eq3A_211, %broadcast_in_dim3A_213, %select_n3A_201 : vector<256x16xi1>, vector<256x16xi32>
    %eq3A_215 = vector.broadcast %broadcast_in_dim3A_208 : vector<256x1xi32> to vector<256x1024xi32>
    %eq3A_216 = arith.cmpi eq, %iota3A, %eq3A_215 : vector<256x1024xi32>
    %jit3A_217 = arith.constant 0x7F800000 : f32
    %broadcast_in_dim3A_218 = vector.broadcast %jit3A_217 : f32 to vector<256x1024xf32>
    %select_n3A_219 = arith.select %eq3A_216, %broadcast_in_dim3A_218, %select_n3A_206 : vector<256x1024xi1>, vector<256x1024xf32>
    %argmin3A_220 = tpu.reduce_index %select_n3A_219 {axis = 1 : i32, kind = #tpu.reduction_kind<arg_min>} : vector<256x1024xf32> -> vector<256xi32>
    %broadcast_in_dim3A_221 = vector.shape_cast %argmin3A_220 : vector<256xi32> to vector<256x1xi32>
    %eq3A_222 = arith.constant 15 : i32
    %eq3A_223 = vector.broadcast %eq3A_222 : i32 to vector<256x16xi32>
    %eq3A_224 = arith.cmpi eq, %iota3A_27, %eq3A_223 : vector<256x16xi32>
    %broadcast_in_dim3A_225 = vector.shape_cast %broadcast_in_dim3A_221 : vector<256x1xi32> to vector<256x1xi32>
    %broadcast_in_dim3A_226 = vector.broadcast %broadcast_in_dim3A_225 : vector<256x1xi32> to vector<256x16xi32>
    %select_n3A_227 = arith.select %eq3A_224, %broadcast_in_dim3A_226, %select_n3A_214 : vector<256x16xi1>, vector<256x16xi32>
    %add3A_228 = arith.constant 1024 : i32
    %add3A_229 = vector.broadcast %add3A_228 : i32 to vector<256x16xi32>
    %add3A_230 = arith.addi %select_n3A_227, %add3A_229 : vector<256x16xi32>
    %swap3A = arith.constant 0 : index
    %swap3A_231 = arith.constant 0 : index
    %swap3A_232 = vector.load %arg3[%swap3A, %swap3A_231] : memref<256x16xi32, #tpu.memory_space<vmem>>, vector<256x16xi32>
    tpu.vector_store %arg3[%swap3A, %swap3A_231], %add3A_230 {strides = array<i32>} : memref<256x16xi32, #tpu.memory_space<vmem>>, vector<256x16xi32>,
    return
  }
  func.func @transform_0(%arg0: i32) -> (i32, i32) {
    %c0_i32 = arith.constant 0 : i32
    %c0_i32_0 = arith.constant 0 : i32
    return %arg0, %c0_i32 : i32, i32
  }
  func.func @transform_1(%arg0: i32) -> (i32, i32, i32) {
    %c0_i32 = arith.constant 0 : i32
    %c0_i32_0 = arith.constant 0 : i32
    %c0_i32_1 = arith.constant 0 : i32
    %c0_i32_2 = arith.constant 0 : i32
    return %c0_i32, %c0_i32_0, %c0_i32_1 : i32, i32, i32
  }
  func.func @transform_2(%arg0: i32) -> (i32, i32) {
    %c0_i32 = arith.constant 0 : i32
    %c0_i32_0 = arith.constant 0 : i32
    return %arg0, %c0_i32 : i32, i32
  }
}

module attributes {stable_mosaic.version = 14 : i64} {
  func.func @_lin_bn_relu_body(%arg0: memref<512x128xf32, #tpu.memory_space<vmem>>, %arg1: memref<64x128xf32, #tpu.memory_space<vmem>>, %arg2: memref<1x64xf32, #tpu.memory_space<vmem>>, %arg3: memref<1x64xf32, #tpu.memory_space<vmem>>, %arg4: memref<1x64xf32, #tpu.memory_space<vmem>>, %arg5: memref<512x64xf32, #tpu.memory_space<vmem>>) attributes {dimension_semantics = [], scalar_prefetch = 0 : i64, scratch_operands = 0 : i64, tpu.core_type = #tpu.core_type<tc>} {
    %get3A = arith.constant 0 : index
    %get3A_0 = arith.constant 0 : index
    %get3A_1 = vector.load %arg0[%get3A, %get3A_0] : memref<512x128xf32, #tpu.memory_space<vmem>>, vector<512x128xf32>
    %get3A_2 = arith.constant 0 : index
    %get3A_3 = arith.constant 0 : index
    %get3A_4 = vector.load %arg1[%get3A_2, %get3A_3] : memref<64x128xf32, #tpu.memory_space<vmem>>, vector<64x128xf32>
    %dot_general3A = arith.constant dense<0.000000e+00> : vector<512x64xf32>
    %dot_general3A_5 = tpu.matmul %get3A_1, %get3A_4, %dot_general3A {dimension_numbers = #tpu.dot_dimension_numbers<[1], [1], [0], [0], [0, 0, 1, 0], [], []>, transpose_lhs_hint = false} : vector<512x128xf32>, vector<64x128xf32>, vector<512x64xf32> -> vector<512x64xf32>
    %get3A_6 = arith.constant 0 : index
    %get3A_7 = arith.constant 0 : index
    %get3A_8 = vector.load %arg2[%get3A_6, %get3A_7] : memref<1x64xf32, #tpu.memory_space<vmem>>, vector<1x64xf32>
    %add3A = vector.broadcast %get3A_8 : vector<1x64xf32> to vector<512x64xf32>
    %add3A_9 = arith.addf %dot_general3A_5, %add3A : vector<512x64xf32>
    %reduce_sum3A = arith.constant dense<0.000000e+00> : vector<64xf32>
    %reduce_sum3A_10 = vector.multi_reduction <add>, %add3A_9, %reduce_sum3A [0] : vector<512x64xf32> to vector<64xf32>
    %broadcast_in_dim3A = vector.shape_cast %reduce_sum3A_10 : vector<64xf32> to vector<1x64xf32>
    %div3A = arith.constant 5.120000e+02 : f32
    %div3A_11 = vector.broadcast %div3A : f32 to vector<1x64xf32>
    %div3A_12 = arith.divf %broadcast_in_dim3A, %div3A_11 : vector<1x64xf32>
    %sub3A = vector.broadcast %div3A_12 : vector<1x64xf32> to vector<512x64xf32>
    %sub3A_13 = arith.subf %add3A_9, %sub3A : vector<512x64xf32>
    %integer_pow3A = arith.mulf %sub3A_13, %sub3A_13 : vector<512x64xf32>
    %reduce_sum3A_14 = arith.constant dense<0.000000e+00> : vector<64xf32>
    %reduce_sum3A_15 = vector.multi_reduction <add>, %integer_pow3A, %reduce_sum3A_14 [0] : vector<512x64xf32> to vector<64xf32>
    %broadcast_in_dim3A_16 = vector.shape_cast %reduce_sum3A_15 : vector<64xf32> to vector<1x64xf32>
    %div3A_17 = arith.constant 5.120000e+02 : f32
    %div3A_18 = vector.broadcast %div3A_17 : f32 to vector<1x64xf32>
    %div3A_19 = arith.divf %broadcast_in_dim3A_16, %div3A_18 : vector<1x64xf32>
    %get3A_20 = arith.constant 0 : index
    %get3A_21 = arith.constant 0 : index
    %get3A_22 = vector.load %arg3[%get3A_20, %get3A_21] : memref<1x64xf32, #tpu.memory_space<vmem>>, vector<1x64xf32>
    %sub3A_23 = vector.broadcast %div3A_12 : vector<1x64xf32> to vector<512x64xf32>
    %sub3A_24 = arith.subf %add3A_9, %sub3A_23 : vector<512x64xf32>
    %mul3A = vector.broadcast %get3A_22 : vector<1x64xf32> to vector<512x64xf32>
    %mul3A_25 = arith.mulf %mul3A, %sub3A_24 : vector<512x64xf32>
    %add3A_26 = arith.constant 9.99999974E-6 : f32
    %add3A_27 = vector.broadcast %add3A_26 : f32 to vector<1x64xf32>
    %add3A_28 = arith.addf %div3A_19, %add3A_27 : vector<1x64xf32>
    %sqrt3A = math.sqrt %add3A_28 : vector<1x64xf32>
    %div3A_29 = vector.broadcast %sqrt3A : vector<1x64xf32> to vector<512x64xf32>
    %div3A_30 = arith.divf %mul3A_25, %div3A_29 : vector<512x64xf32>
    %get3A_31 = arith.constant 0 : index
    %get3A_32 = arith.constant 0 : index
    %get3A_33 = vector.load %arg4[%get3A_31, %get3A_32] : memref<1x64xf32, #tpu.memory_space<vmem>>, vector<1x64xf32>
    %add3A_34 = vector.broadcast %get3A_33 : vector<1x64xf32> to vector<512x64xf32>
    %add3A_35 = arith.addf %div3A_30, %add3A_34 : vector<512x64xf32>
    %max3A = arith.constant 0.000000e+00 : f32
    %max3A_36 = vector.broadcast %max3A : f32 to vector<512x64xf32>
    %max3A_37 = arith.maximumf %add3A_35, %max3A_36 : vector<512x64xf32>
    %swap3A = arith.constant 0 : index
    %swap3A_38 = arith.constant 0 : index
    %swap3A_39 = vector.load %arg5[%swap3A, %swap3A_38] : memref<512x64xf32, #tpu.memory_space<vmem>>, vector<512x64xf32>
    tpu.vector_store %arg5[%swap3A, %swap3A_38], %max3A_37 {strides = array<i32>} : memref<512x64xf32, #tpu.memory_space<vmem>>, vector<512x64xf32>,
    return
  }
}

module attributes {stable_mosaic.version = 14 : i64} {
  func.func @_lin_bn_relu_body(%arg0: memref<2048x64xf32, #tpu.memory_space<vmem>>, %arg1: memref<64x64xf32, #tpu.memory_space<vmem>>, %arg2: memref<1x64xf32, #tpu.memory_space<vmem>>, %arg3: memref<1x64xf32, #tpu.memory_space<vmem>>, %arg4: memref<1x64xf32, #tpu.memory_space<vmem>>, %arg5: memref<2048x64xf32, #tpu.memory_space<vmem>>) attributes {dimension_semantics = [], scalar_prefetch = 0 : i64, scratch_operands = 0 : i64, tpu.core_type = #tpu.core_type<tc>} {
    %get3A = arith.constant 0 : index
    %get3A_0 = arith.constant 0 : index
    %get3A_1 = vector.load %arg0[%get3A, %get3A_0] : memref<2048x64xf32, #tpu.memory_space<vmem>>, vector<2048x64xf32>
    %get3A_2 = arith.constant 0 : index
    %get3A_3 = arith.constant 0 : index
    %get3A_4 = vector.load %arg1[%get3A_2, %get3A_3] : memref<64x64xf32, #tpu.memory_space<vmem>>, vector<64x64xf32>
    %dot_general3A = arith.constant dense<0.000000e+00> : vector<2048x64xf32>
    %dot_general3A_5 = tpu.matmul %get3A_1, %get3A_4, %dot_general3A {dimension_numbers = #tpu.dot_dimension_numbers<[1], [1], [0], [0], [0, 0, 1, 0], [], []>, transpose_lhs_hint = false} : vector<2048x64xf32>, vector<64x64xf32>, vector<2048x64xf32> -> vector<2048x64xf32>
    %get3A_6 = arith.constant 0 : index
    %get3A_7 = arith.constant 0 : index
    %get3A_8 = vector.load %arg2[%get3A_6, %get3A_7] : memref<1x64xf32, #tpu.memory_space<vmem>>, vector<1x64xf32>
    %add3A = vector.broadcast %get3A_8 : vector<1x64xf32> to vector<2048x64xf32>
    %add3A_9 = arith.addf %dot_general3A_5, %add3A : vector<2048x64xf32>
    %reduce_sum3A = arith.constant dense<0.000000e+00> : vector<64xf32>
    %reduce_sum3A_10 = vector.multi_reduction <add>, %add3A_9, %reduce_sum3A [0] : vector<2048x64xf32> to vector<64xf32>
    %broadcast_in_dim3A = vector.shape_cast %reduce_sum3A_10 : vector<64xf32> to vector<1x64xf32>
    %div3A = arith.constant 2.048000e+03 : f32
    %div3A_11 = vector.broadcast %div3A : f32 to vector<1x64xf32>
    %div3A_12 = arith.divf %broadcast_in_dim3A, %div3A_11 : vector<1x64xf32>
    %sub3A = vector.broadcast %div3A_12 : vector<1x64xf32> to vector<2048x64xf32>
    %sub3A_13 = arith.subf %add3A_9, %sub3A : vector<2048x64xf32>
    %integer_pow3A = arith.mulf %sub3A_13, %sub3A_13 : vector<2048x64xf32>
    %reduce_sum3A_14 = arith.constant dense<0.000000e+00> : vector<64xf32>
    %reduce_sum3A_15 = vector.multi_reduction <add>, %integer_pow3A, %reduce_sum3A_14 [0] : vector<2048x64xf32> to vector<64xf32>
    %broadcast_in_dim3A_16 = vector.shape_cast %reduce_sum3A_15 : vector<64xf32> to vector<1x64xf32>
    %div3A_17 = arith.constant 2.048000e+03 : f32
    %div3A_18 = vector.broadcast %div3A_17 : f32 to vector<1x64xf32>
    %div3A_19 = arith.divf %broadcast_in_dim3A_16, %div3A_18 : vector<1x64xf32>
    %get3A_20 = arith.constant 0 : index
    %get3A_21 = arith.constant 0 : index
    %get3A_22 = vector.load %arg3[%get3A_20, %get3A_21] : memref<1x64xf32, #tpu.memory_space<vmem>>, vector<1x64xf32>
    %sub3A_23 = vector.broadcast %div3A_12 : vector<1x64xf32> to vector<2048x64xf32>
    %sub3A_24 = arith.subf %add3A_9, %sub3A_23 : vector<2048x64xf32>
    %mul3A = vector.broadcast %get3A_22 : vector<1x64xf32> to vector<2048x64xf32>
    %mul3A_25 = arith.mulf %mul3A, %sub3A_24 : vector<2048x64xf32>
    %add3A_26 = arith.constant 9.99999974E-6 : f32
    %add3A_27 = vector.broadcast %add3A_26 : f32 to vector<1x64xf32>
    %add3A_28 = arith.addf %div3A_19, %add3A_27 : vector<1x64xf32>
    %sqrt3A = math.sqrt %add3A_28 : vector<1x64xf32>
    %div3A_29 = vector.broadcast %sqrt3A : vector<1x64xf32> to vector<2048x64xf32>
    %div3A_30 = arith.divf %mul3A_25, %div3A_29 : vector<2048x64xf32>
    %get3A_31 = arith.constant 0 : index
    %get3A_32 = arith.constant 0 : index
    %get3A_33 = vector.load %arg4[%get3A_31, %get3A_32] : memref<1x64xf32, #tpu.memory_space<vmem>>, vector<1x64xf32>
    %add3A_34 = vector.broadcast %get3A_33 : vector<1x64xf32> to vector<2048x64xf32>
    %add3A_35 = arith.addf %div3A_30, %add3A_34 : vector<2048x64xf32>
    %max3A = arith.constant 0.000000e+00 : f32
    %max3A_36 = vector.broadcast %max3A : f32 to vector<2048x64xf32>
    %max3A_37 = arith.maximumf %add3A_35, %max3A_36 : vector<2048x64xf32>
    %swap3A = arith.constant 0 : index
    %swap3A_38 = arith.constant 0 : index
    %swap3A_39 = vector.load %arg5[%swap3A, %swap3A_38] : memref<2048x64xf32, #tpu.memory_space<vmem>>, vector<2048x64xf32>
    tpu.vector_store %arg5[%swap3A, %swap3A_38], %max3A_37 {strides = array<i32>} : memref<2048x64xf32, #tpu.memory_space<vmem>>, vector<2048x64xf32>,
    return
  }
}

module attributes {stable_mosaic.version = 14 : i64} {
  func.func @_tu_interp_body(%arg0: i32, %arg1: i32, %arg2: memref<256x3xf32, #tpu.memory_space<vmem>>, %arg3: memref<1x3x256xf32, #tpu.memory_space<vmem>>, %arg4: memref<1x256x64xf32, #tpu.memory_space<vmem>>, %arg5: memref<256x64xf32, #tpu.memory_space<vmem>>, %arg6: memref<256x64xf32, #tpu.memory_space<vmem>>) attributes {dimension_semantics = [#tpu.dimension_semantics<arbitrary>, #tpu.dimension_semantics<arbitrary>], iteration_bounds = array<i64: 2, 4>, scalar_prefetch = 0 : i64, scratch_operands = 0 : i64, tpu.core_type = #tpu.core_type<tc>, window_params = [{transform_indices = @transform_0, window_bounds = array<i64: 256, 3>}, {transform_indices = @transform_1, window_bounds = array<i64: 1, 3, 256>}, {transform_indices = @transform_2, window_bounds = array<i64: 1, 256, 64>}, {transform_indices = @transform_3, window_bounds = array<i64: 256, 64>}, {transform_indices = @transform_4, window_bounds = array<i64: 256, 64>}]} {
    %get3A = arith.constant 0 : index
    %get3A_0 = arith.constant 0 : index
    %get3A_1 = vector.load %arg2[%get3A, %get3A_0] : memref<256x3xf32, #tpu.memory_space<vmem>>, vector<256x3xf32>
    %get3A_2 = arith.constant 0 : index
    %get3A_3 = arith.constant 0 : index
    %get3A_4 = arith.constant 0 : index
    %get3A_5 = vector.load %arg3[%get3A_2, %get3A_3, %get3A_4] : memref<1x3x256xf32, #tpu.memory_space<vmem>>, vector<1x3x256xf32>
    %get3A_6 = vector.shape_cast %get3A_5 : vector<1x3x256xf32> to vector<3x256xf32>
    %dot_general3A = arith.constant dense<0.000000e+00> : vector<256x256xf32>
    %dot_general3A_7 = tpu.matmul %get3A_1, %get3A_6, %dot_general3A {dimension_numbers = #tpu.dot_dimension_numbers<[1], [0], [0], [1], [0, 0, 1, 1], [], []>, transpose_lhs_hint = false} : vector<256x3xf32>, vector<3x256xf32>, vector<256x256xf32> -> vector<256x256xf32>
    %slice3A = vector.extract_strided_slice %get3A_1 {offsets = [0, 0], sizes = [256, 1], strides = [1, 1]} : vector<256x3xf32> to vector<256x1xf32>
    %integer_pow3A = arith.mulf %slice3A, %slice3A : vector<256x1xf32>
    %slice3A_8 = vector.extract_strided_slice %get3A_1 {offsets = [0, 1], sizes = [256, 1], strides = [1, 1]} : vector<256x3xf32> to vector<256x1xf32>
    %integer_pow3A_9 = arith.mulf %slice3A_8, %slice3A_8 : vector<256x1xf32>
    %add3A = arith.addf %integer_pow3A, %integer_pow3A_9 : vector<256x1xf32>
    %slice3A_10 = vector.extract_strided_slice %get3A_1 {offsets = [0, 2], sizes = [256, 1], strides = [1, 1]} : vector<256x3xf32> to vector<256x1xf32>
    %integer_pow3A_11 = arith.mulf %slice3A_10, %slice3A_10 : vector<256x1xf32>
    %add3A_12 = arith.addf %add3A, %integer_pow3A_11 : vector<256x1xf32>
    %slice3A_13 = vector.extract_strided_slice %get3A_6 {offsets = [0, 0], sizes = [1, 256], strides = [1, 1]} : vector<3x256xf32> to vector<1x256xf32>
    %integer_pow3A_14 = arith.mulf %slice3A_13, %slice3A_13 : vector<1x256xf32>
    %slice3A_15 = vector.extract_strided_slice %get3A_6 {offsets = [1, 0], sizes = [1, 256], strides = [1, 1]} : vector<3x256xf32> to vector<1x256xf32>
    %integer_pow3A_16 = arith.mulf %slice3A_15, %slice3A_15 : vector<1x256xf32>
    %add3A_17 = arith.addf %integer_pow3A_14, %integer_pow3A_16 : vector<1x256xf32>
    %slice3A_18 = vector.extract_strided_slice %get3A_6 {offsets = [2, 0], sizes = [1, 256], strides = [1, 1]} : vector<3x256xf32> to vector<1x256xf32>
    %integer_pow3A_19 = arith.mulf %slice3A_18, %slice3A_18 : vector<1x256xf32>
    %add3A_20 = arith.addf %add3A_17, %integer_pow3A_19 : vector<1x256xf32>
    %mul3A = arith.constant -2.000000e+00 : f32
    %mul3A_21 = vector.broadcast %mul3A : f32 to vector<256x256xf32>
    %mul3A_22 = arith.mulf %mul3A_21, %dot_general3A_7 : vector<256x256xf32>
    %add3A_23 = vector.broadcast %add3A_12 : vector<256x1xf32> to vector<256x256xf32>
    %add3A_24 = arith.addf %mul3A_22, %add3A_23 : vector<256x256xf32>
    %add3A_25 = vector.broadcast %add3A_20 : vector<1x256xf32> to vector<256x256xf32>
    %add3A_26 = arith.addf %add3A_24, %add3A_25 : vector<256x256xf32>
    %iota3A = tpu.iota {dimensions = array<i32: 1>} : vector<256x256xi32>
    %reduce_min3A = arith.constant dense<0x7F800000> : vector<256xf32>
    %reduce_min3A_27 = vector.multi_reduction <minimumf>, %add3A_26, %reduce_min3A [1] : vector<256x256xf32> to vector<256xf32>
    %broadcast_in_dim3A = vector.shape_cast %reduce_min3A_27 : vector<256xf32> to vector<256x1xf32>
    %argmin3A = tpu.reduce_index %add3A_26 {axis = 1 : i32, kind = #tpu.reduction_kind<arg_min>} : vector<256x256xf32> -> vector<256xi32>
    %broadcast_in_dim3A_28 = vector.shape_cast %argmin3A : vector<256xi32> to vector<256x1xi32>
    %eq3A = vector.broadcast %broadcast_in_dim3A_28 : vector<256x1xi32> to vector<256x256xi32>
    %eq3A_29 = arith.cmpi eq, %iota3A, %eq3A : vector<256x256xi32>
    %jit3A = arith.constant 0x7F800000 : f32
    %broadcast_in_dim3A_30 = vector.broadcast %jit3A : f32 to vector<256x256xf32>
    %select_n3A = arith.select %eq3A_29, %broadcast_in_dim3A_30, %add3A_26 : vector<256x256xi1>, vector<256x256xf32>
    %reduce_min3A_31 = arith.constant dense<0x7F800000> : vector<256xf32>
    %reduce_min3A_32 = vector.multi_reduction <minimumf>, %select_n3A, %reduce_min3A_31 [1] : vector<256x256xf32> to vector<256xf32>
    %broadcast_in_dim3A_33 = vector.shape_cast %reduce_min3A_32 : vector<256xf32> to vector<256x1xf32>
    %argmin3A_34 = tpu.reduce_index %select_n3A {axis = 1 : i32, kind = #tpu.reduction_kind<arg_min>} : vector<256x256xf32> -> vector<256xi32>
    %broadcast_in_dim3A_35 = vector.shape_cast %argmin3A_34 : vector<256xi32> to vector<256x1xi32>
    %eq3A_36 = vector.broadcast %broadcast_in_dim3A_35 : vector<256x1xi32> to vector<256x256xi32>
    %eq3A_37 = arith.cmpi eq, %iota3A, %eq3A_36 : vector<256x256xi32>
    %jit3A_38 = arith.constant 0x7F800000 : f32
    %broadcast_in_dim3A_39 = vector.broadcast %jit3A_38 : f32 to vector<256x256xf32>
    %select_n3A_40 = arith.select %eq3A_37, %broadcast_in_dim3A_39, %select_n3A : vector<256x256xi1>, vector<256x256xf32>
    %reduce_min3A_41 = arith.constant dense<0x7F800000> : vector<256xf32>
    %reduce_min3A_42 = vector.multi_reduction <minimumf>, %select_n3A_40, %reduce_min3A_41 [1] : vector<256x256xf32> to vector<256xf32>
    %broadcast_in_dim3A_43 = vector.shape_cast %reduce_min3A_42 : vector<256xf32> to vector<256x1xf32>
    %argmin3A_44 = tpu.reduce_index %select_n3A_40 {axis = 1 : i32, kind = #tpu.reduction_kind<arg_min>} : vector<256x256xf32> -> vector<256xi32>
    %broadcast_in_dim3A_45 = vector.shape_cast %argmin3A_44 : vector<256xi32> to vector<256x1xi32>
    %add3A_46 = arith.constant 9.99999993E-9 : f32
    %add3A_47 = vector.broadcast %add3A_46 : f32 to vector<256x1xf32>
    %add3A_48 = arith.addf %broadcast_in_dim3A, %add3A_47 : vector<256x1xf32>
    %div3A = arith.constant 1.000000e+00 : f32
    %div3A_49 = vector.broadcast %div3A : f32 to vector<256x1xf32>
    %div3A_50 = arith.divf %div3A_49, %add3A_48 : vector<256x1xf32>
    %add3A_51 = arith.constant 9.99999993E-9 : f32
    %add3A_52 = vector.broadcast %add3A_51 : f32 to vector<256x1xf32>
    %add3A_53 = arith.addf %broadcast_in_dim3A_33, %add3A_52 : vector<256x1xf32>
    %div3A_54 = arith.constant 1.000000e+00 : f32
    %div3A_55 = vector.broadcast %div3A_54 : f32 to vector<256x1xf32>
    %div3A_56 = arith.divf %div3A_55, %add3A_53 : vector<256x1xf32>
    %add3A_57 = arith.constant 9.99999993E-9 : f32
    %add3A_58 = vector.broadcast %add3A_57 : f32 to vector<256x1xf32>
    %add3A_59 = arith.addf %broadcast_in_dim3A_43, %add3A_58 : vector<256x1xf32>
    %div3A_60 = arith.constant 1.000000e+00 : f32
    %div3A_61 = vector.broadcast %div3A_60 : f32 to vector<256x1xf32>
    %div3A_62 = arith.divf %div3A_61, %add3A_59 : vector<256x1xf32>
    %add3A_63 = arith.addf %div3A_50, %div3A_56 : vector<256x1xf32>
    %add3A_64 = arith.addf %add3A_63, %div3A_62 : vector<256x1xf32>
    %broadcast_in_dim3A_65 = arith.constant 0.000000e+00 : f32
    %broadcast_in_dim3A_66 = vector.broadcast %broadcast_in_dim3A_65 : f32 to vector<256x256xf32>
    %eq3A_67 = vector.broadcast %broadcast_in_dim3A_28 : vector<256x1xi32> to vector<256x256xi32>
    %eq3A_68 = arith.cmpi eq, %iota3A, %eq3A_67 : vector<256x256xi32>
    %div3A_69 = arith.divf %div3A_50, %add3A_64 : vector<256x1xf32>
    %jit3A_70 = arith.constant 0.000000e+00 : f32
    %broadcast_in_dim3A_71 = vector.shape_cast %div3A_69 : vector<256x1xf32> to vector<256x1xf32>
    %broadcast_in_dim3A_72 = vector.broadcast %broadcast_in_dim3A_71 : vector<256x1xf32> to vector<256x256xf32>
    %broadcast_in_dim3A_73 = vector.broadcast %jit3A_70 : f32 to vector<256x256xf32>
    %select_n3A_74 = arith.select %eq3A_68, %broadcast_in_dim3A_72, %broadcast_in_dim3A_73 : vector<256x256xi1>, vector<256x256xf32>
    %add3A_75 = arith.addf %broadcast_in_dim3A_66, %select_n3A_74 : vector<256x256xf32>
    %eq3A_76 = vector.broadcast %broadcast_in_dim3A_35 : vector<256x1xi32> to vector<256x256xi32>
    %eq3A_77 = arith.cmpi eq, %iota3A, %eq3A_76 : vector<256x256xi32>
    %div3A_78 = arith.divf %div3A_56, %add3A_64 : vector<256x1xf32>
    %jit3A_79 = arith.constant 0.000000e+00 : f32
    %broadcast_in_dim3A_80 = vector.shape_cast %div3A_78 : vector<256x1xf32> to vector<256x1xf32>
    %broadcast_in_dim3A_81 = vector.broadcast %broadcast_in_dim3A_80 : vector<256x1xf32> to vector<256x256xf32>
    %broadcast_in_dim3A_82 = vector.broadcast %jit3A_79 : f32 to vector<256x256xf32>
    %select_n3A_83 = arith.select %eq3A_77, %broadcast_in_dim3A_81, %broadcast_in_dim3A_82 : vector<256x256xi1>, vector<256x256xf32>
    %add3A_84 = arith.addf %add3A_75, %select_n3A_83 : vector<256x256xf32>
    %eq3A_85 = vector.broadcast %broadcast_in_dim3A_45 : vector<256x1xi32> to vector<256x256xi32>
    %eq3A_86 = arith.cmpi eq, %iota3A, %eq3A_85 : vector<256x256xi32>
    %div3A_87 = arith.divf %div3A_62, %add3A_64 : vector<256x1xf32>
    %jit3A_88 = arith.constant 0.000000e+00 : f32
    %broadcast_in_dim3A_89 = vector.shape_cast %div3A_87 : vector<256x1xf32> to vector<256x1xf32>
    %broadcast_in_dim3A_90 = vector.broadcast %broadcast_in_dim3A_89 : vector<256x1xf32> to vector<256x256xf32>
    %broadcast_in_dim3A_91 = vector.broadcast %jit3A_88 : f32 to vector<256x256xf32>
    %select_n3A_92 = arith.select %eq3A_86, %broadcast_in_dim3A_90, %broadcast_in_dim3A_91 : vector<256x256xi1>, vector<256x256xf32>
    %add3A_93 = arith.addf %add3A_84, %select_n3A_92 : vector<256x256xf32>
    %get3A_94 = arith.constant 0 : index
    %get3A_95 = arith.constant 0 : index
    %get3A_96 = arith.constant 0 : index
    %get3A_97 = vector.load %arg4[%get3A_94, %get3A_95, %get3A_96] : memref<1x256x64xf32, #tpu.memory_space<vmem>>, vector<1x256x64xf32>
    %get3A_98 = vector.shape_cast %get3A_97 : vector<1x256x64xf32> to vector<256x64xf32>
    %dot_general3A_99 = arith.constant dense<0.000000e+00> : vector<256x64xf32>
    %dot_general3A_100 = tpu.matmul %add3A_93, %get3A_98, %dot_general3A_99 {dimension_numbers = #tpu.dot_dimension_numbers<[1], [0], [0], [1], [0, 0, 1, 1], [], []>, precision = #tpu.contract_precision<fp32>, transpose_lhs_hint = false} : vector<256x256xf32>, vector<256x64xf32>, vector<256x64xf32> -> vector<256x64xf32>
    %get3A_101 = arith.constant 0 : index
    %get3A_102 = arith.constant 0 : index
    %get3A_103 = vector.load %arg5[%get3A_101, %get3A_102] : memref<256x64xf32, #tpu.memory_space<vmem>>, vector<256x64xf32>
    %add3A_104 = arith.addf %dot_general3A_100, %get3A_103 : vector<256x64xf32>
    %swap3A = arith.constant 0 : index
    %swap3A_105 = arith.constant 0 : index
    %swap3A_106 = vector.load %arg6[%swap3A, %swap3A_105] : memref<256x64xf32, #tpu.memory_space<vmem>>, vector<256x64xf32>
    tpu.vector_store %arg6[%swap3A, %swap3A_105], %add3A_104 {strides = array<i32>} : memref<256x64xf32, #tpu.memory_space<vmem>>, vector<256x64xf32>,
    return
  }
  func.func @transform_0(%arg0: i32, %arg1: i32) -> (i32, i32) {
    %mul3A = arith.constant 4 : i32
    %mul3A_0 = arith.muli %arg0, %mul3A : i32
    %add3A = arith.addi %mul3A_0, %arg1 : i32
    %c0_i32 = arith.constant 0 : i32
    %c0_i32_1 = arith.constant 0 : i32
    return %add3A, %c0_i32 : i32, i32
  }
  func.func @transform_1(%arg0: i32, %arg1: i32) -> (i32, i32, i32) {
    %c0_i32 = arith.constant 0 : i32
    %c0_i32_0 = arith.constant 0 : i32
    %c0_i32_1 = arith.constant 0 : i32
    return %arg0, %c0_i32, %c0_i32_0 : i32, i32, i32
  }
  func.func @transform_2(%arg0: i32, %arg1: i32) -> (i32, i32, i32) {
    %c0_i32 = arith.constant 0 : i32
    %c0_i32_0 = arith.constant 0 : i32
    %c0_i32_1 = arith.constant 0 : i32
    return %arg0, %c0_i32, %c0_i32_0 : i32, i32, i32
  }
  func.func @transform_3(%arg0: i32, %arg1: i32) -> (i32, i32) {
    %mul3A = arith.constant 4 : i32
    %mul3A_0 = arith.muli %arg0, %mul3A : i32
    %add3A = arith.addi %mul3A_0, %arg1 : i32
    %c0_i32 = arith.constant 0 : i32
    %c0_i32_1 = arith.constant 0 : i32
    return %add3A, %c0_i32 : i32, i32
  }
  func.func @transform_4(%arg0: i32, %arg1: i32) -> (i32, i32) {
    %mul3A = arith.constant 4 : i32
    %mul3A_0 = arith.muli %arg0, %mul3A : i32
    %add3A = arith.addi %mul3A_0, %arg1 : i32
    %c0_i32 = arith.constant 0 : i32
    %c0_i32_1 = arith.constant 0 : i32
    return %add3A, %c0_i32 : i32, i32
  }
}

module attributes {stable_mosaic.version = 14 : i64} {
  func.func @_tf_proj_body(%arg0: memref<2048x64xf32, #tpu.memory_space<vmem>>, %arg1: memref<2048x3xf32, #tpu.memory_space<vmem>>, %arg2: memref<64x64xf32, #tpu.memory_space<vmem>>, %arg3: memref<1x64xf32, #tpu.memory_space<vmem>>, %arg4: memref<64x64xf32, #tpu.memory_space<vmem>>, %arg5: memref<64x64xf32, #tpu.memory_space<vmem>>, %arg6: memref<64x64xf32, #tpu.memory_space<vmem>>, %arg7: memref<64x3xf32, #tpu.memory_space<vmem>>, %arg8: memref<2048x64xf32, #tpu.memory_space<vmem>>, %arg9: memref<2048x128xf32, #tpu.memory_space<vmem>>) attributes {dimension_semantics = [], scalar_prefetch = 0 : i64, scratch_operands = 0 : i64, tpu.core_type = #tpu.core_type<tc>} {
    %get3A = arith.constant 0 : index
    %get3A_0 = arith.constant 0 : index
    %get3A_1 = vector.load %arg0[%get3A, %get3A_0] : memref<2048x64xf32, #tpu.memory_space<vmem>>, vector<2048x64xf32>
    %get3A_2 = arith.constant 0 : index
    %get3A_3 = arith.constant 0 : index
    %get3A_4 = vector.load %arg2[%get3A_2, %get3A_3] : memref<64x64xf32, #tpu.memory_space<vmem>>, vector<64x64xf32>
    %dot_general3A = arith.constant dense<0.000000e+00> : vector<2048x64xf32>
    %dot_general3A_5 = tpu.matmul %get3A_1, %get3A_4, %dot_general3A {dimension_numbers = #tpu.dot_dimension_numbers<[1], [1], [0], [0], [0, 0, 1, 0], [], []>, transpose_lhs_hint = false} : vector<2048x64xf32>, vector<64x64xf32>, vector<2048x64xf32> -> vector<2048x64xf32>
    %get3A_6 = arith.constant 0 : index
    %get3A_7 = arith.constant 0 : index
    %get3A_8 = vector.load %arg3[%get3A_6, %get3A_7] : memref<1x64xf32, #tpu.memory_space<vmem>>, vector<1x64xf32>
    %add3A = vector.broadcast %get3A_8 : vector<1x64xf32> to vector<2048x64xf32>
    %add3A_9 = arith.addf %dot_general3A_5, %add3A : vector<2048x64xf32>
    %get3A_10 = arith.constant 0 : index
    %get3A_11 = arith.constant 0 : index
    %get3A_12 = vector.load %arg4[%get3A_10, %get3A_11] : memref<64x64xf32, #tpu.memory_space<vmem>>, vector<64x64xf32>
    %dot_general3A_13 = arith.constant dense<0.000000e+00> : vector<2048x64xf32>
    %dot_general3A_14 = tpu.matmul %add3A_9, %get3A_12, %dot_general3A_13 {dimension_numbers = #tpu.dot_dimension_numbers<[1], [1], [0], [0], [0, 0, 1, 0], [], []>, transpose_lhs_hint = false} : vector<2048x64xf32>, vector<64x64xf32>, vector<2048x64xf32> -> vector<2048x64xf32>
    %swap3A = arith.constant 0 : index
    %swap3A_15 = arith.constant 0 : index
    %swap3A_16 = vector.load %arg8[%swap3A, %swap3A_15] : memref<2048x64xf32, #tpu.memory_space<vmem>>, vector<2048x64xf32>
    tpu.vector_store %arg8[%swap3A, %swap3A_15], %dot_general3A_14 {strides = array<i32>} : memref<2048x64xf32, #tpu.memory_space<vmem>>, vector<2048x64xf32>,
    %get3A_17 = arith.constant 0 : index
    %get3A_18 = arith.constant 0 : index
    %get3A_19 = vector.load %arg5[%get3A_17, %get3A_18] : memref<64x64xf32, #tpu.memory_space<vmem>>, vector<64x64xf32>
    %dot_general3A_20 = arith.constant dense<0.000000e+00> : vector<2048x64xf32>
    %dot_general3A_21 = tpu.matmul %add3A_9, %get3A_19, %dot_general3A_20 {dimension_numbers = #tpu.dot_dimension_numbers<[1], [1], [0], [0], [0, 0, 1, 0], [], []>, transpose_lhs_hint = false} : vector<2048x64xf32>, vector<64x64xf32>, vector<2048x64xf32> -> vector<2048x64xf32>
    %bitcast_convert_type3A = tpu.bitcast %dot_general3A_21 : vector<2048x64xf32> -> vector<2048x64xi32>
    %get3A_22 = arith.constant 0 : index
    %get3A_23 = arith.constant 0 : index
    %get3A_24 = vector.load %arg6[%get3A_22, %get3A_23] : memref<64x64xf32, #tpu.memory_space<vmem>>, vector<64x64xf32>
    %dot_general3A_25 = arith.constant dense<0.000000e+00> : vector<2048x64xf32>
    %dot_general3A_26 = tpu.matmul %add3A_9, %get3A_24, %dot_general3A_25 {dimension_numbers = #tpu.dot_dimension_numbers<[1], [1], [0], [0], [0, 0, 1, 0], [], []>, transpose_lhs_hint = false} : vector<2048x64xf32>, vector<64x64xf32>, vector<2048x64xf32> -> vector<2048x64xf32>
    %bitcast_convert_type3A_27 = tpu.bitcast %dot_general3A_26 : vector<2048x64xf32> -> vector<2048x64xi32>
    %add3A_28 = arith.constant 32767 : i32
    %add3A_29 = vector.broadcast %add3A_28 : i32 to vector<2048x64xi32>
    %add3A_30 = arith.addi %bitcast_convert_type3A, %add3A_29 : vector<2048x64xi32>
    %shift_right_arithmetic3A = arith.constant 16 : i32
    %shift_right_arithmetic3A_31 = vector.broadcast %shift_right_arithmetic3A : i32 to vector<2048x64xi32>
    %shift_right_arithmetic3A_32 = arith.shrsi %bitcast_convert_type3A, %shift_right_arithmetic3A_31 : vector<2048x64xi32>
    %and3A = arith.constant 1 : i32
    %and3A_33 = vector.broadcast %and3A : i32 to vector<2048x64xi32>
    %and3A_34 = arith.andi %shift_right_arithmetic3A_32, %and3A_33 : vector<2048x64xi32>
    %add3A_35 = arith.addi %add3A_30, %and3A_34 : vector<2048x64xi32>
    %and3A_36 = arith.constant -65536 : i32
    %and3A_37 = vector.broadcast %and3A_36 : i32 to vector<2048x64xi32>
    %and3A_38 = arith.andi %add3A_35, %and3A_37 : vector<2048x64xi32>
    %add3A_39 = arith.constant 32767 : i32
    %add3A_40 = vector.broadcast %add3A_39 : i32 to vector<2048x64xi32>
    %add3A_41 = arith.addi %bitcast_convert_type3A_27, %add3A_40 : vector<2048x64xi32>
    %shift_right_arithmetic3A_42 = arith.constant 16 : i32
    %shift_right_arithmetic3A_43 = vector.broadcast %shift_right_arithmetic3A_42 : i32 to vector<2048x64xi32>
    %shift_right_arithmetic3A_44 = arith.shrsi %bitcast_convert_type3A_27, %shift_right_arithmetic3A_43 : vector<2048x64xi32>
    %and3A_45 = arith.constant 1 : i32
    %and3A_46 = vector.broadcast %and3A_45 : i32 to vector<2048x64xi32>
    %and3A_47 = arith.andi %shift_right_arithmetic3A_44, %and3A_46 : vector<2048x64xi32>
    %add3A_48 = arith.addi %add3A_41, %and3A_47 : vector<2048x64xi32>
    %and3A_49 = arith.constant -65536 : i32
    %and3A_50 = vector.broadcast %and3A_49 : i32 to vector<2048x64xi32>
    %and3A_51 = arith.andi %add3A_48, %and3A_50 : vector<2048x64xi32>
    %shift_right_arithmetic3A_52 = arith.constant 16 : i32
    %shift_right_arithmetic3A_53 = vector.broadcast %shift_right_arithmetic3A_52 : i32 to vector<2048x64xi32>
    %shift_right_arithmetic3A_54 = arith.shrsi %and3A_51, %shift_right_arithmetic3A_53 : vector<2048x64xi32>
    %and3A_55 = arith.constant 65535 : i32
    %and3A_56 = vector.broadcast %and3A_55 : i32 to vector<2048x64xi32>
    %and3A_57 = arith.andi %shift_right_arithmetic3A_54, %and3A_56 : vector<2048x64xi32>
    %or3A = arith.ori %and3A_38, %and3A_57 : vector<2048x64xi32>
    %bitcast_convert_type3A_58 = tpu.bitcast %or3A : vector<2048x64xi32> -> vector<2048x64xf32>
    %swap3A_59 = arith.constant 0 : index
    %swap3A_60 = arith.constant 0 : index
    %swap3A_61 = vector.load %arg9[%swap3A_59, %swap3A_60] : memref<2048x128xf32, #tpu.memory_space<vmem>>, vector<2048x64xf32>
    tpu.vector_store %arg9[%swap3A_59, %swap3A_60], %bitcast_convert_type3A_58 {strides = array<i32>} : memref<2048x128xf32, #tpu.memory_space<vmem>>, vector<2048x64xf32>,
    %get3A_62 = arith.constant 0 : index
    %get3A_63 = arith.constant 0 : index
    %get3A_64 = vector.load %arg1[%get3A_62, %get3A_63] : memref<2048x3xf32, #tpu.memory_space<vmem>>, vector<2048x3xf32>
    %get3A_65 = arith.constant 0 : index
    %get3A_66 = arith.constant 0 : index
    %get3A_67 = vector.load %arg7[%get3A_65, %get3A_66] : memref<64x3xf32, #tpu.memory_space<vmem>>, vector<64x3xf32>
    %dot_general3A_68 = arith.constant dense<0.000000e+00> : vector<2048x64xf32>
    %dot_general3A_69 = tpu.matmul %get3A_64, %get3A_67, %dot_general3A_68 {dimension_numbers = #tpu.dot_dimension_numbers<[1], [1], [0], [0], [0, 0, 1, 0], [], []>, precision = #tpu.contract_precision<fp32>, transpose_lhs_hint = false} : vector<2048x3xf32>, vector<64x3xf32>, vector<2048x64xf32> -> vector<2048x64xf32>
    %swap3A_70 = arith.constant 0 : index
    %swap3A_71 = arith.constant 64 : index
    %swap3A_72 = vector.load %arg9[%swap3A_70, %swap3A_71] : memref<2048x128xf32, #tpu.memory_space<vmem>>, vector<2048x64xf32>
    tpu.vector_store %arg9[%swap3A_70, %swap3A_71], %dot_general3A_69 {strides = array<i32>} : memref<2048x128xf32, #tpu.memory_space<vmem>>, vector<2048x64xf32>,
    return
  }
}

module attributes {stable_mosaic.version = 14 : i64} {
  func.func @_topk_body(%arg0: i32, %arg1: memref<256x3xf32, #tpu.memory_space<vmem>>, %arg2: memref<1x3x1024xf32, #tpu.memory_space<vmem>>, %arg3: memref<256x16xi32, #tpu.memory_space<vmem>>) attributes {dimension_semantics = [#tpu.dimension_semantics<arbitrary>], iteration_bounds = array<i64: 4>, scalar_prefetch = 0 : i64, scratch_operands = 0 : i64, tpu.core_type = #tpu.core_type<tc>, window_params = [{transform_indices = @transform_0, window_bounds = array<i64: 256, 3>}, {pipeline_mode = #tpu.pipeline_mode<synchronous>, transform_indices = @transform_1, window_bounds = array<i64: 1, 3, 1024>}, {transform_indices = @transform_2, window_bounds = array<i64: 256, 16>}]} {
    %get3A = arith.constant 0 : index
    %get3A_0 = arith.constant 0 : index
    %get3A_1 = vector.load %arg1[%get3A, %get3A_0] : memref<256x3xf32, #tpu.memory_space<vmem>>, vector<256x3xf32>
    %get3A_2 = arith.constant 0 : index
    %get3A_3 = arith.constant 0 : index
    %get3A_4 = arith.constant 0 : index
    %get3A_5 = vector.load %arg2[%get3A_2, %get3A_3, %get3A_4] : memref<1x3x1024xf32, #tpu.memory_space<vmem>>, vector<1x3x1024xf32>
    %get3A_6 = vector.shape_cast %get3A_5 : vector<1x3x1024xf32> to vector<3x1024xf32>
    %dot_general3A = arith.constant dense<0.000000e+00> : vector<256x1024xf32>
    %dot_general3A_7 = tpu.matmul %get3A_1, %get3A_6, %dot_general3A {dimension_numbers = #tpu.dot_dimension_numbers<[1], [0], [0], [1], [0, 0, 1, 1], [], []>, transpose_lhs_hint = false} : vector<256x3xf32>, vector<3x1024xf32>, vector<256x1024xf32> -> vector<256x1024xf32>
    %slice3A = vector.extract_strided_slice %get3A_1 {offsets = [0, 0], sizes = [256, 1], strides = [1, 1]} : vector<256x3xf32> to vector<256x1xf32>
    %integer_pow3A = arith.mulf %slice3A, %slice3A : vector<256x1xf32>
    %slice3A_8 = vector.extract_strided_slice %get3A_1 {offsets = [0, 1], sizes = [256, 1], strides = [1, 1]} : vector<256x3xf32> to vector<256x1xf32>
    %integer_pow3A_9 = arith.mulf %slice3A_8, %slice3A_8 : vector<256x1xf32>
    %add3A = arith.addf %integer_pow3A, %integer_pow3A_9 : vector<256x1xf32>
    %slice3A_10 = vector.extract_strided_slice %get3A_1 {offsets = [0, 2], sizes = [256, 1], strides = [1, 1]} : vector<256x3xf32> to vector<256x1xf32>
    %integer_pow3A_11 = arith.mulf %slice3A_10, %slice3A_10 : vector<256x1xf32>
    %add3A_12 = arith.addf %add3A, %integer_pow3A_11 : vector<256x1xf32>
    %slice3A_13 = vector.extract_strided_slice %get3A_6 {offsets = [0, 0], sizes = [1, 1024], strides = [1, 1]} : vector<3x1024xf32> to vector<1x1024xf32>
    %integer_pow3A_14 = arith.mulf %slice3A_13, %slice3A_13 : vector<1x1024xf32>
    %slice3A_15 = vector.extract_strided_slice %get3A_6 {offsets = [1, 0], sizes = [1, 1024], strides = [1, 1]} : vector<3x1024xf32> to vector<1x1024xf32>
    %integer_pow3A_16 = arith.mulf %slice3A_15, %slice3A_15 : vector<1x1024xf32>
    %add3A_17 = arith.addf %integer_pow3A_14, %integer_pow3A_16 : vector<1x1024xf32>
    %slice3A_18 = vector.extract_strided_slice %get3A_6 {offsets = [2, 0], sizes = [1, 1024], strides = [1, 1]} : vector<3x1024xf32> to vector<1x1024xf32>
    %integer_pow3A_19 = arith.mulf %slice3A_18, %slice3A_18 : vector<1x1024xf32>
    %add3A_20 = arith.addf %add3A_17, %integer_pow3A_19 : vector<1x1024xf32>
    %mul3A = arith.constant -2.000000e+00 : f32
    %mul3A_21 = vector.broadcast %mul3A : f32 to vector<256x1024xf32>
    %mul3A_22 = arith.mulf %mul3A_21, %dot_general3A_7 : vector<256x1024xf32>
    %add3A_23 = vector.broadcast %add3A_12 : vector<256x1xf32> to vector<256x1024xf32>
    %add3A_24 = arith.addf %mul3A_22, %add3A_23 : vector<256x1024xf32>
    %add3A_25 = vector.broadcast %add3A_20 : vector<1x1024xf32> to vector<256x1024xf32>
    %add3A_26 = arith.addf %add3A_24, %add3A_25 : vector<256x1024xf32>
    %iota3A = tpu.iota {dimensions = array<i32: 1>} : vector<256x1024xi32>
    %iota3A_27 = tpu.iota {dimensions = array<i32: 1>} : vector<256x16xi32>
    %broadcast_in_dim3A = arith.constant 0 : i32
    %broadcast_in_dim3A_28 = vector.broadcast %broadcast_in_dim3A : i32 to vector<256x16xi32>
    %argmin3A = tpu.reduce_index %add3A_26 {axis = 1 : i32, kind = #tpu.reduction_kind<arg_min>} : vector<256x1024xf32> -> vector<256xi32>
    %broadcast_in_dim3A_29 = vector.shape_cast %argmin3A : vector<256xi32> to vector<256x1xi32>
    %eq3A = arith.constant 0 : i32
    %eq3A_30 = vector.broadcast %eq3A : i32 to vector<256x16xi32>
    %eq3A_31 = arith.cmpi eq, %iota3A_27, %eq3A_30 : vector<256x16xi32>
    %broadcast_in_dim3A_32 = vector.shape_cast %broadcast_in_dim3A_29 : vector<256x1xi32> to vector<256x1xi32>
    %broadcast_in_dim3A_33 = vector.broadcast %broadcast_in_dim3A_32 : vector<256x1xi32> to vector<256x16xi32>
    %select_n3A = arith.select %eq3A_31, %broadcast_in_dim3A_33, %broadcast_in_dim3A_28 : vector<256x16xi1>, vector<256x16xi32>
    %eq3A_34 = vector.broadcast %broadcast_in_dim3A_29 : vector<256x1xi32> to vector<256x1024xi32>
    %eq3A_35 = arith.cmpi eq, %iota3A, %eq3A_34 : vector<256x1024xi32>
    %jit3A = arith.constant 0x7F800000 : f32
    %broadcast_in_dim3A_36 = vector.broadcast %jit3A : f32 to vector<256x1024xf32>
    %select_n3A_37 = arith.select %eq3A_35, %broadcast_in_dim3A_36, %add3A_26 : vector<256x1024xi1>, vector<256x1024xf32>
    %argmin3A_38 = tpu.reduce_index %select_n3A_37 {axis = 1 : i32, kind = #tpu.reduction_kind<arg_min>} : vector<256x1024xf32> -> vector<256xi32>
    %broadcast_in_dim3A_39 = vector.shape_cast %argmin3A_38 : vector<256xi32> to vector<256x1xi32>
    %eq3A_40 = arith.constant 1 : i32
    %eq3A_41 = vector.broadcast %eq3A_40 : i32 to vector<256x16xi32>
    %eq3A_42 = arith.cmpi eq, %iota3A_27, %eq3A_41 : vector<256x16xi32>
    %broadcast_in_dim3A_43 = vector.shape_cast %broadcast_in_dim3A_39 : vector<256x1xi32> to vector<256x1xi32>
    %broadcast_in_dim3A_44 = vector.broadcast %broadcast_in_dim3A_43 : vector<256x1xi32> to vector<256x16xi32>
    %select_n3A_45 = arith.select %eq3A_42, %broadcast_in_dim3A_44, %select_n3A : vector<256x16xi1>, vector<256x16xi32>
    %eq3A_46 = vector.broadcast %broadcast_in_dim3A_39 : vector<256x1xi32> to vector<256x1024xi32>
    %eq3A_47 = arith.cmpi eq, %iota3A, %eq3A_46 : vector<256x1024xi32>
    %jit3A_48 = arith.constant 0x7F800000 : f32
    %broadcast_in_dim3A_49 = vector.broadcast %jit3A_48 : f32 to vector<256x1024xf32>
    %select_n3A_50 = arith.select %eq3A_47, %broadcast_in_dim3A_49, %select_n3A_37 : vector<256x1024xi1>, vector<256x1024xf32>
    %argmin3A_51 = tpu.reduce_index %select_n3A_50 {axis = 1 : i32, kind = #tpu.reduction_kind<arg_min>} : vector<256x1024xf32> -> vector<256xi32>
    %broadcast_in_dim3A_52 = vector.shape_cast %argmin3A_51 : vector<256xi32> to vector<256x1xi32>
    %eq3A_53 = arith.constant 2 : i32
    %eq3A_54 = vector.broadcast %eq3A_53 : i32 to vector<256x16xi32>
    %eq3A_55 = arith.cmpi eq, %iota3A_27, %eq3A_54 : vector<256x16xi32>
    %broadcast_in_dim3A_56 = vector.shape_cast %broadcast_in_dim3A_52 : vector<256x1xi32> to vector<256x1xi32>
    %broadcast_in_dim3A_57 = vector.broadcast %broadcast_in_dim3A_56 : vector<256x1xi32> to vector<256x16xi32>
    %select_n3A_58 = arith.select %eq3A_55, %broadcast_in_dim3A_57, %select_n3A_45 : vector<256x16xi1>, vector<256x16xi32>
    %eq3A_59 = vector.broadcast %broadcast_in_dim3A_52 : vector<256x1xi32> to vector<256x1024xi32>
    %eq3A_60 = arith.cmpi eq, %iota3A, %eq3A_59 : vector<256x1024xi32>
    %jit3A_61 = arith.constant 0x7F800000 : f32
    %broadcast_in_dim3A_62 = vector.broadcast %jit3A_61 : f32 to vector<256x1024xf32>
    %select_n3A_63 = arith.select %eq3A_60, %broadcast_in_dim3A_62, %select_n3A_50 : vector<256x1024xi1>, vector<256x1024xf32>
    %argmin3A_64 = tpu.reduce_index %select_n3A_63 {axis = 1 : i32, kind = #tpu.reduction_kind<arg_min>} : vector<256x1024xf32> -> vector<256xi32>
    %broadcast_in_dim3A_65 = vector.shape_cast %argmin3A_64 : vector<256xi32> to vector<256x1xi32>
    %eq3A_66 = arith.constant 3 : i32
    %eq3A_67 = vector.broadcast %eq3A_66 : i32 to vector<256x16xi32>
    %eq3A_68 = arith.cmpi eq, %iota3A_27, %eq3A_67 : vector<256x16xi32>
    %broadcast_in_dim3A_69 = vector.shape_cast %broadcast_in_dim3A_65 : vector<256x1xi32> to vector<256x1xi32>
    %broadcast_in_dim3A_70 = vector.broadcast %broadcast_in_dim3A_69 : vector<256x1xi32> to vector<256x16xi32>
    %select_n3A_71 = arith.select %eq3A_68, %broadcast_in_dim3A_70, %select_n3A_58 : vector<256x16xi1>, vector<256x16xi32>
    %eq3A_72 = vector.broadcast %broadcast_in_dim3A_65 : vector<256x1xi32> to vector<256x1024xi32>
    %eq3A_73 = arith.cmpi eq, %iota3A, %eq3A_72 : vector<256x1024xi32>
    %jit3A_74 = arith.constant 0x7F800000 : f32
    %broadcast_in_dim3A_75 = vector.broadcast %jit3A_74 : f32 to vector<256x1024xf32>
    %select_n3A_76 = arith.select %eq3A_73, %broadcast_in_dim3A_75, %select_n3A_63 : vector<256x1024xi1>, vector<256x1024xf32>
    %argmin3A_77 = tpu.reduce_index %select_n3A_76 {axis = 1 : i32, kind = #tpu.reduction_kind<arg_min>} : vector<256x1024xf32> -> vector<256xi32>
    %broadcast_in_dim3A_78 = vector.shape_cast %argmin3A_77 : vector<256xi32> to vector<256x1xi32>
    %eq3A_79 = arith.constant 4 : i32
    %eq3A_80 = vector.broadcast %eq3A_79 : i32 to vector<256x16xi32>
    %eq3A_81 = arith.cmpi eq, %iota3A_27, %eq3A_80 : vector<256x16xi32>
    %broadcast_in_dim3A_82 = vector.shape_cast %broadcast_in_dim3A_78 : vector<256x1xi32> to vector<256x1xi32>
    %broadcast_in_dim3A_83 = vector.broadcast %broadcast_in_dim3A_82 : vector<256x1xi32> to vector<256x16xi32>
    %select_n3A_84 = arith.select %eq3A_81, %broadcast_in_dim3A_83, %select_n3A_71 : vector<256x16xi1>, vector<256x16xi32>
    %eq3A_85 = vector.broadcast %broadcast_in_dim3A_78 : vector<256x1xi32> to vector<256x1024xi32>
    %eq3A_86 = arith.cmpi eq, %iota3A, %eq3A_85 : vector<256x1024xi32>
    %jit3A_87 = arith.constant 0x7F800000 : f32
    %broadcast_in_dim3A_88 = vector.broadcast %jit3A_87 : f32 to vector<256x1024xf32>
    %select_n3A_89 = arith.select %eq3A_86, %broadcast_in_dim3A_88, %select_n3A_76 : vector<256x1024xi1>, vector<256x1024xf32>
    %argmin3A_90 = tpu.reduce_index %select_n3A_89 {axis = 1 : i32, kind = #tpu.reduction_kind<arg_min>} : vector<256x1024xf32> -> vector<256xi32>
    %broadcast_in_dim3A_91 = vector.shape_cast %argmin3A_90 : vector<256xi32> to vector<256x1xi32>
    %eq3A_92 = arith.constant 5 : i32
    %eq3A_93 = vector.broadcast %eq3A_92 : i32 to vector<256x16xi32>
    %eq3A_94 = arith.cmpi eq, %iota3A_27, %eq3A_93 : vector<256x16xi32>
    %broadcast_in_dim3A_95 = vector.shape_cast %broadcast_in_dim3A_91 : vector<256x1xi32> to vector<256x1xi32>
    %broadcast_in_dim3A_96 = vector.broadcast %broadcast_in_dim3A_95 : vector<256x1xi32> to vector<256x16xi32>
    %select_n3A_97 = arith.select %eq3A_94, %broadcast_in_dim3A_96, %select_n3A_84 : vector<256x16xi1>, vector<256x16xi32>
    %eq3A_98 = vector.broadcast %broadcast_in_dim3A_91 : vector<256x1xi32> to vector<256x1024xi32>
    %eq3A_99 = arith.cmpi eq, %iota3A, %eq3A_98 : vector<256x1024xi32>
    %jit3A_100 = arith.constant 0x7F800000 : f32
    %broadcast_in_dim3A_101 = vector.broadcast %jit3A_100 : f32 to vector<256x1024xf32>
    %select_n3A_102 = arith.select %eq3A_99, %broadcast_in_dim3A_101, %select_n3A_89 : vector<256x1024xi1>, vector<256x1024xf32>
    %argmin3A_103 = tpu.reduce_index %select_n3A_102 {axis = 1 : i32, kind = #tpu.reduction_kind<arg_min>} : vector<256x1024xf32> -> vector<256xi32>
    %broadcast_in_dim3A_104 = vector.shape_cast %argmin3A_103 : vector<256xi32> to vector<256x1xi32>
    %eq3A_105 = arith.constant 6 : i32
    %eq3A_106 = vector.broadcast %eq3A_105 : i32 to vector<256x16xi32>
    %eq3A_107 = arith.cmpi eq, %iota3A_27, %eq3A_106 : vector<256x16xi32>
    %broadcast_in_dim3A_108 = vector.shape_cast %broadcast_in_dim3A_104 : vector<256x1xi32> to vector<256x1xi32>
    %broadcast_in_dim3A_109 = vector.broadcast %broadcast_in_dim3A_108 : vector<256x1xi32> to vector<256x16xi32>
    %select_n3A_110 = arith.select %eq3A_107, %broadcast_in_dim3A_109, %select_n3A_97 : vector<256x16xi1>, vector<256x16xi32>
    %eq3A_111 = vector.broadcast %broadcast_in_dim3A_104 : vector<256x1xi32> to vector<256x1024xi32>
    %eq3A_112 = arith.cmpi eq, %iota3A, %eq3A_111 : vector<256x1024xi32>
    %jit3A_113 = arith.constant 0x7F800000 : f32
    %broadcast_in_dim3A_114 = vector.broadcast %jit3A_113 : f32 to vector<256x1024xf32>
    %select_n3A_115 = arith.select %eq3A_112, %broadcast_in_dim3A_114, %select_n3A_102 : vector<256x1024xi1>, vector<256x1024xf32>
    %argmin3A_116 = tpu.reduce_index %select_n3A_115 {axis = 1 : i32, kind = #tpu.reduction_kind<arg_min>} : vector<256x1024xf32> -> vector<256xi32>
    %broadcast_in_dim3A_117 = vector.shape_cast %argmin3A_116 : vector<256xi32> to vector<256x1xi32>
    %eq3A_118 = arith.constant 7 : i32
    %eq3A_119 = vector.broadcast %eq3A_118 : i32 to vector<256x16xi32>
    %eq3A_120 = arith.cmpi eq, %iota3A_27, %eq3A_119 : vector<256x16xi32>
    %broadcast_in_dim3A_121 = vector.shape_cast %broadcast_in_dim3A_117 : vector<256x1xi32> to vector<256x1xi32>
    %broadcast_in_dim3A_122 = vector.broadcast %broadcast_in_dim3A_121 : vector<256x1xi32> to vector<256x16xi32>
    %select_n3A_123 = arith.select %eq3A_120, %broadcast_in_dim3A_122, %select_n3A_110 : vector<256x16xi1>, vector<256x16xi32>
    %eq3A_124 = vector.broadcast %broadcast_in_dim3A_117 : vector<256x1xi32> to vector<256x1024xi32>
    %eq3A_125 = arith.cmpi eq, %iota3A, %eq3A_124 : vector<256x1024xi32>
    %jit3A_126 = arith.constant 0x7F800000 : f32
    %broadcast_in_dim3A_127 = vector.broadcast %jit3A_126 : f32 to vector<256x1024xf32>
    %select_n3A_128 = arith.select %eq3A_125, %broadcast_in_dim3A_127, %select_n3A_115 : vector<256x1024xi1>, vector<256x1024xf32>
    %argmin3A_129 = tpu.reduce_index %select_n3A_128 {axis = 1 : i32, kind = #tpu.reduction_kind<arg_min>} : vector<256x1024xf32> -> vector<256xi32>
    %broadcast_in_dim3A_130 = vector.shape_cast %argmin3A_129 : vector<256xi32> to vector<256x1xi32>
    %eq3A_131 = arith.constant 8 : i32
    %eq3A_132 = vector.broadcast %eq3A_131 : i32 to vector<256x16xi32>
    %eq3A_133 = arith.cmpi eq, %iota3A_27, %eq3A_132 : vector<256x16xi32>
    %broadcast_in_dim3A_134 = vector.shape_cast %broadcast_in_dim3A_130 : vector<256x1xi32> to vector<256x1xi32>
    %broadcast_in_dim3A_135 = vector.broadcast %broadcast_in_dim3A_134 : vector<256x1xi32> to vector<256x16xi32>
    %select_n3A_136 = arith.select %eq3A_133, %broadcast_in_dim3A_135, %select_n3A_123 : vector<256x16xi1>, vector<256x16xi32>
    %eq3A_137 = vector.broadcast %broadcast_in_dim3A_130 : vector<256x1xi32> to vector<256x1024xi32>
    %eq3A_138 = arith.cmpi eq, %iota3A, %eq3A_137 : vector<256x1024xi32>
    %jit3A_139 = arith.constant 0x7F800000 : f32
    %broadcast_in_dim3A_140 = vector.broadcast %jit3A_139 : f32 to vector<256x1024xf32>
    %select_n3A_141 = arith.select %eq3A_138, %broadcast_in_dim3A_140, %select_n3A_128 : vector<256x1024xi1>, vector<256x1024xf32>
    %argmin3A_142 = tpu.reduce_index %select_n3A_141 {axis = 1 : i32, kind = #tpu.reduction_kind<arg_min>} : vector<256x1024xf32> -> vector<256xi32>
    %broadcast_in_dim3A_143 = vector.shape_cast %argmin3A_142 : vector<256xi32> to vector<256x1xi32>
    %eq3A_144 = arith.constant 9 : i32
    %eq3A_145 = vector.broadcast %eq3A_144 : i32 to vector<256x16xi32>
    %eq3A_146 = arith.cmpi eq, %iota3A_27, %eq3A_145 : vector<256x16xi32>
    %broadcast_in_dim3A_147 = vector.shape_cast %broadcast_in_dim3A_143 : vector<256x1xi32> to vector<256x1xi32>
    %broadcast_in_dim3A_148 = vector.broadcast %broadcast_in_dim3A_147 : vector<256x1xi32> to vector<256x16xi32>
    %select_n3A_149 = arith.select %eq3A_146, %broadcast_in_dim3A_148, %select_n3A_136 : vector<256x16xi1>, vector<256x16xi32>
    %eq3A_150 = vector.broadcast %broadcast_in_dim3A_143 : vector<256x1xi32> to vector<256x1024xi32>
    %eq3A_151 = arith.cmpi eq, %iota3A, %eq3A_150 : vector<256x1024xi32>
    %jit3A_152 = arith.constant 0x7F800000 : f32
    %broadcast_in_dim3A_153 = vector.broadcast %jit3A_152 : f32 to vector<256x1024xf32>
    %select_n3A_154 = arith.select %eq3A_151, %broadcast_in_dim3A_153, %select_n3A_141 : vector<256x1024xi1>, vector<256x1024xf32>
    %argmin3A_155 = tpu.reduce_index %select_n3A_154 {axis = 1 : i32, kind = #tpu.reduction_kind<arg_min>} : vector<256x1024xf32> -> vector<256xi32>
    %broadcast_in_dim3A_156 = vector.shape_cast %argmin3A_155 : vector<256xi32> to vector<256x1xi32>
    %eq3A_157 = arith.constant 10 : i32
    %eq3A_158 = vector.broadcast %eq3A_157 : i32 to vector<256x16xi32>
    %eq3A_159 = arith.cmpi eq, %iota3A_27, %eq3A_158 : vector<256x16xi32>
    %broadcast_in_dim3A_160 = vector.shape_cast %broadcast_in_dim3A_156 : vector<256x1xi32> to vector<256x1xi32>
    %broadcast_in_dim3A_161 = vector.broadcast %broadcast_in_dim3A_160 : vector<256x1xi32> to vector<256x16xi32>
    %select_n3A_162 = arith.select %eq3A_159, %broadcast_in_dim3A_161, %select_n3A_149 : vector<256x16xi1>, vector<256x16xi32>
    %eq3A_163 = vector.broadcast %broadcast_in_dim3A_156 : vector<256x1xi32> to vector<256x1024xi32>
    %eq3A_164 = arith.cmpi eq, %iota3A, %eq3A_163 : vector<256x1024xi32>
    %jit3A_165 = arith.constant 0x7F800000 : f32
    %broadcast_in_dim3A_166 = vector.broadcast %jit3A_165 : f32 to vector<256x1024xf32>
    %select_n3A_167 = arith.select %eq3A_164, %broadcast_in_dim3A_166, %select_n3A_154 : vector<256x1024xi1>, vector<256x1024xf32>
    %argmin3A_168 = tpu.reduce_index %select_n3A_167 {axis = 1 : i32, kind = #tpu.reduction_kind<arg_min>} : vector<256x1024xf32> -> vector<256xi32>
    %broadcast_in_dim3A_169 = vector.shape_cast %argmin3A_168 : vector<256xi32> to vector<256x1xi32>
    %eq3A_170 = arith.constant 11 : i32
    %eq3A_171 = vector.broadcast %eq3A_170 : i32 to vector<256x16xi32>
    %eq3A_172 = arith.cmpi eq, %iota3A_27, %eq3A_171 : vector<256x16xi32>
    %broadcast_in_dim3A_173 = vector.shape_cast %broadcast_in_dim3A_169 : vector<256x1xi32> to vector<256x1xi32>
    %broadcast_in_dim3A_174 = vector.broadcast %broadcast_in_dim3A_173 : vector<256x1xi32> to vector<256x16xi32>
    %select_n3A_175 = arith.select %eq3A_172, %broadcast_in_dim3A_174, %select_n3A_162 : vector<256x16xi1>, vector<256x16xi32>
    %eq3A_176 = vector.broadcast %broadcast_in_dim3A_169 : vector<256x1xi32> to vector<256x1024xi32>
    %eq3A_177 = arith.cmpi eq, %iota3A, %eq3A_176 : vector<256x1024xi32>
    %jit3A_178 = arith.constant 0x7F800000 : f32
    %broadcast_in_dim3A_179 = vector.broadcast %jit3A_178 : f32 to vector<256x1024xf32>
    %select_n3A_180 = arith.select %eq3A_177, %broadcast_in_dim3A_179, %select_n3A_167 : vector<256x1024xi1>, vector<256x1024xf32>
    %argmin3A_181 = tpu.reduce_index %select_n3A_180 {axis = 1 : i32, kind = #tpu.reduction_kind<arg_min>} : vector<256x1024xf32> -> vector<256xi32>
    %broadcast_in_dim3A_182 = vector.shape_cast %argmin3A_181 : vector<256xi32> to vector<256x1xi32>
    %eq3A_183 = arith.constant 12 : i32
    %eq3A_184 = vector.broadcast %eq3A_183 : i32 to vector<256x16xi32>
    %eq3A_185 = arith.cmpi eq, %iota3A_27, %eq3A_184 : vector<256x16xi32>
    %broadcast_in_dim3A_186 = vector.shape_cast %broadcast_in_dim3A_182 : vector<256x1xi32> to vector<256x1xi32>
    %broadcast_in_dim3A_187 = vector.broadcast %broadcast_in_dim3A_186 : vector<256x1xi32> to vector<256x16xi32>
    %select_n3A_188 = arith.select %eq3A_185, %broadcast_in_dim3A_187, %select_n3A_175 : vector<256x16xi1>, vector<256x16xi32>
    %eq3A_189 = vector.broadcast %broadcast_in_dim3A_182 : vector<256x1xi32> to vector<256x1024xi32>
    %eq3A_190 = arith.cmpi eq, %iota3A, %eq3A_189 : vector<256x1024xi32>
    %jit3A_191 = arith.constant 0x7F800000 : f32
    %broadcast_in_dim3A_192 = vector.broadcast %jit3A_191 : f32 to vector<256x1024xf32>
    %select_n3A_193 = arith.select %eq3A_190, %broadcast_in_dim3A_192, %select_n3A_180 : vector<256x1024xi1>, vector<256x1024xf32>
    %argmin3A_194 = tpu.reduce_index %select_n3A_193 {axis = 1 : i32, kind = #tpu.reduction_kind<arg_min>} : vector<256x1024xf32> -> vector<256xi32>
    %broadcast_in_dim3A_195 = vector.shape_cast %argmin3A_194 : vector<256xi32> to vector<256x1xi32>
    %eq3A_196 = arith.constant 13 : i32
    %eq3A_197 = vector.broadcast %eq3A_196 : i32 to vector<256x16xi32>
    %eq3A_198 = arith.cmpi eq, %iota3A_27, %eq3A_197 : vector<256x16xi32>
    %broadcast_in_dim3A_199 = vector.shape_cast %broadcast_in_dim3A_195 : vector<256x1xi32> to vector<256x1xi32>
    %broadcast_in_dim3A_200 = vector.broadcast %broadcast_in_dim3A_199 : vector<256x1xi32> to vector<256x16xi32>
    %select_n3A_201 = arith.select %eq3A_198, %broadcast_in_dim3A_200, %select_n3A_188 : vector<256x16xi1>, vector<256x16xi32>
    %eq3A_202 = vector.broadcast %broadcast_in_dim3A_195 : vector<256x1xi32> to vector<256x1024xi32>
    %eq3A_203 = arith.cmpi eq, %iota3A, %eq3A_202 : vector<256x1024xi32>
    %jit3A_204 = arith.constant 0x7F800000 : f32
    %broadcast_in_dim3A_205 = vector.broadcast %jit3A_204 : f32 to vector<256x1024xf32>
    %select_n3A_206 = arith.select %eq3A_203, %broadcast_in_dim3A_205, %select_n3A_193 : vector<256x1024xi1>, vector<256x1024xf32>
    %argmin3A_207 = tpu.reduce_index %select_n3A_206 {axis = 1 : i32, kind = #tpu.reduction_kind<arg_min>} : vector<256x1024xf32> -> vector<256xi32>
    %broadcast_in_dim3A_208 = vector.shape_cast %argmin3A_207 : vector<256xi32> to vector<256x1xi32>
    %eq3A_209 = arith.constant 14 : i32
    %eq3A_210 = vector.broadcast %eq3A_209 : i32 to vector<256x16xi32>
    %eq3A_211 = arith.cmpi eq, %iota3A_27, %eq3A_210 : vector<256x16xi32>
    %broadcast_in_dim3A_212 = vector.shape_cast %broadcast_in_dim3A_208 : vector<256x1xi32> to vector<256x1xi32>
    %broadcast_in_dim3A_213 = vector.broadcast %broadcast_in_dim3A_212 : vector<256x1xi32> to vector<256x16xi32>
    %select_n3A_214 = arith.select %eq3A_211, %broadcast_in_dim3A_213, %select_n3A_201 : vector<256x16xi1>, vector<256x16xi32>
    %eq3A_215 = vector.broadcast %broadcast_in_dim3A_208 : vector<256x1xi32> to vector<256x1024xi32>
    %eq3A_216 = arith.cmpi eq, %iota3A, %eq3A_215 : vector<256x1024xi32>
    %jit3A_217 = arith.constant 0x7F800000 : f32
    %broadcast_in_dim3A_218 = vector.broadcast %jit3A_217 : f32 to vector<256x1024xf32>
    %select_n3A_219 = arith.select %eq3A_216, %broadcast_in_dim3A_218, %select_n3A_206 : vector<256x1024xi1>, vector<256x1024xf32>
    %argmin3A_220 = tpu.reduce_index %select_n3A_219 {axis = 1 : i32, kind = #tpu.reduction_kind<arg_min>} : vector<256x1024xf32> -> vector<256xi32>
    %broadcast_in_dim3A_221 = vector.shape_cast %argmin3A_220 : vector<256xi32> to vector<256x1xi32>
    %eq3A_222 = arith.constant 15 : i32
    %eq3A_223 = vector.broadcast %eq3A_222 : i32 to vector<256x16xi32>
    %eq3A_224 = arith.cmpi eq, %iota3A_27, %eq3A_223 : vector<256x16xi32>
    %broadcast_in_dim3A_225 = vector.shape_cast %broadcast_in_dim3A_221 : vector<256x1xi32> to vector<256x1xi32>
    %broadcast_in_dim3A_226 = vector.broadcast %broadcast_in_dim3A_225 : vector<256x1xi32> to vector<256x16xi32>
    %select_n3A_227 = arith.select %eq3A_224, %broadcast_in_dim3A_226, %select_n3A_214 : vector<256x16xi1>, vector<256x16xi32>
    %add3A_228 = arith.constant 0 : i32
    %add3A_229 = vector.broadcast %add3A_228 : i32 to vector<256x16xi32>
    %add3A_230 = arith.addi %select_n3A_227, %add3A_229 : vector<256x16xi32>
    %swap3A = arith.constant 0 : index
    %swap3A_231 = arith.constant 0 : index
    %swap3A_232 = vector.load %arg3[%swap3A, %swap3A_231] : memref<256x16xi32, #tpu.memory_space<vmem>>, vector<256x16xi32>
    tpu.vector_store %arg3[%swap3A, %swap3A_231], %add3A_230 {strides = array<i32>} : memref<256x16xi32, #tpu.memory_space<vmem>>, vector<256x16xi32>,
    return
  }
  func.func @transform_0(%arg0: i32) -> (i32, i32) {
    %c0_i32 = arith.constant 0 : i32
    %c0_i32_0 = arith.constant 0 : i32
    return %arg0, %c0_i32 : i32, i32
  }
  func.func @transform_1(%arg0: i32) -> (i32, i32, i32) {
    %c0_i32 = arith.constant 0 : i32
    %c0_i32_0 = arith.constant 0 : i32
    %c0_i32_1 = arith.constant 0 : i32
    %c0_i32_2 = arith.constant 0 : i32
    return %c0_i32, %c0_i32_0, %c0_i32_1 : i32, i32, i32
  }
  func.func @transform_2(%arg0: i32) -> (i32, i32) {
    %c0_i32 = arith.constant 0 : i32
    %c0_i32_0 = arith.constant 0 : i32
    return %arg0, %c0_i32 : i32, i32
  }
}

module attributes {stable_mosaic.version = 14 : i64} {
  func.func @_topk_body(%arg0: i32, %arg1: memref<256x3xf32, #tpu.memory_space<vmem>>, %arg2: memref<1x3x4096xf32, #tpu.memory_space<vmem>>, %arg3: memref<256x16xi32, #tpu.memory_space<vmem>>) attributes {dimension_semantics = [#tpu.dimension_semantics<arbitrary>], iteration_bounds = array<i64: 16>, scalar_prefetch = 0 : i64, scratch_operands = 0 : i64, tpu.core_type = #tpu.core_type<tc>, window_params = [{transform_indices = @transform_0, window_bounds = array<i64: 256, 3>}, {pipeline_mode = #tpu.pipeline_mode<synchronous>, transform_indices = @transform_1, window_bounds = array<i64: 1, 3, 4096>}, {transform_indices = @transform_2, window_bounds = array<i64: 256, 16>}]} {
    %get3A = arith.constant 0 : index
    %get3A_0 = arith.constant 0 : index
    %get3A_1 = vector.load %arg1[%get3A, %get3A_0] : memref<256x3xf32, #tpu.memory_space<vmem>>, vector<256x3xf32>
    %get3A_2 = arith.constant 0 : index
    %get3A_3 = arith.constant 0 : index
    %get3A_4 = arith.constant 0 : index
    %get3A_5 = vector.load %arg2[%get3A_2, %get3A_3, %get3A_4] : memref<1x3x4096xf32, #tpu.memory_space<vmem>>, vector<1x3x4096xf32>
    %get3A_6 = vector.shape_cast %get3A_5 : vector<1x3x4096xf32> to vector<3x4096xf32>
    %dot_general3A = arith.constant dense<0.000000e+00> : vector<256x4096xf32>
    %dot_general3A_7 = tpu.matmul %get3A_1, %get3A_6, %dot_general3A {dimension_numbers = #tpu.dot_dimension_numbers<[1], [0], [0], [1], [0, 0, 1, 1], [], []>, transpose_lhs_hint = false} : vector<256x3xf32>, vector<3x4096xf32>, vector<256x4096xf32> -> vector<256x4096xf32>
    %slice3A = vector.extract_strided_slice %get3A_1 {offsets = [0, 0], sizes = [256, 1], strides = [1, 1]} : vector<256x3xf32> to vector<256x1xf32>
    %integer_pow3A = arith.mulf %slice3A, %slice3A : vector<256x1xf32>
    %slice3A_8 = vector.extract_strided_slice %get3A_1 {offsets = [0, 1], sizes = [256, 1], strides = [1, 1]} : vector<256x3xf32> to vector<256x1xf32>
    %integer_pow3A_9 = arith.mulf %slice3A_8, %slice3A_8 : vector<256x1xf32>
    %add3A = arith.addf %integer_pow3A, %integer_pow3A_9 : vector<256x1xf32>
    %slice3A_10 = vector.extract_strided_slice %get3A_1 {offsets = [0, 2], sizes = [256, 1], strides = [1, 1]} : vector<256x3xf32> to vector<256x1xf32>
    %integer_pow3A_11 = arith.mulf %slice3A_10, %slice3A_10 : vector<256x1xf32>
    %add3A_12 = arith.addf %add3A, %integer_pow3A_11 : vector<256x1xf32>
    %slice3A_13 = vector.extract_strided_slice %get3A_6 {offsets = [0, 0], sizes = [1, 4096], strides = [1, 1]} : vector<3x4096xf32> to vector<1x4096xf32>
    %integer_pow3A_14 = arith.mulf %slice3A_13, %slice3A_13 : vector<1x4096xf32>
    %slice3A_15 = vector.extract_strided_slice %get3A_6 {offsets = [1, 0], sizes = [1, 4096], strides = [1, 1]} : vector<3x4096xf32> to vector<1x4096xf32>
    %integer_pow3A_16 = arith.mulf %slice3A_15, %slice3A_15 : vector<1x4096xf32>
    %add3A_17 = arith.addf %integer_pow3A_14, %integer_pow3A_16 : vector<1x4096xf32>
    %slice3A_18 = vector.extract_strided_slice %get3A_6 {offsets = [2, 0], sizes = [1, 4096], strides = [1, 1]} : vector<3x4096xf32> to vector<1x4096xf32>
    %integer_pow3A_19 = arith.mulf %slice3A_18, %slice3A_18 : vector<1x4096xf32>
    %add3A_20 = arith.addf %add3A_17, %integer_pow3A_19 : vector<1x4096xf32>
    %mul3A = arith.constant -2.000000e+00 : f32
    %mul3A_21 = vector.broadcast %mul3A : f32 to vector<256x4096xf32>
    %mul3A_22 = arith.mulf %mul3A_21, %dot_general3A_7 : vector<256x4096xf32>
    %add3A_23 = vector.broadcast %add3A_12 : vector<256x1xf32> to vector<256x4096xf32>
    %add3A_24 = arith.addf %mul3A_22, %add3A_23 : vector<256x4096xf32>
    %add3A_25 = vector.broadcast %add3A_20 : vector<1x4096xf32> to vector<256x4096xf32>
    %add3A_26 = arith.addf %add3A_24, %add3A_25 : vector<256x4096xf32>
    %iota3A = tpu.iota {dimensions = array<i32: 1>} : vector<256x4096xi32>
    %iota3A_27 = tpu.iota {dimensions = array<i32: 1>} : vector<256x16xi32>
    %broadcast_in_dim3A = arith.constant 0 : i32
    %broadcast_in_dim3A_28 = vector.broadcast %broadcast_in_dim3A : i32 to vector<256x16xi32>
    %argmin3A = tpu.reduce_index %add3A_26 {axis = 1 : i32, kind = #tpu.reduction_kind<arg_min>} : vector<256x4096xf32> -> vector<256xi32>
    %broadcast_in_dim3A_29 = vector.shape_cast %argmin3A : vector<256xi32> to vector<256x1xi32>
    %eq3A = arith.constant 0 : i32
    %eq3A_30 = vector.broadcast %eq3A : i32 to vector<256x16xi32>
    %eq3A_31 = arith.cmpi eq, %iota3A_27, %eq3A_30 : vector<256x16xi32>
    %broadcast_in_dim3A_32 = vector.shape_cast %broadcast_in_dim3A_29 : vector<256x1xi32> to vector<256x1xi32>
    %broadcast_in_dim3A_33 = vector.broadcast %broadcast_in_dim3A_32 : vector<256x1xi32> to vector<256x16xi32>
    %select_n3A = arith.select %eq3A_31, %broadcast_in_dim3A_33, %broadcast_in_dim3A_28 : vector<256x16xi1>, vector<256x16xi32>
    %eq3A_34 = vector.broadcast %broadcast_in_dim3A_29 : vector<256x1xi32> to vector<256x4096xi32>
    %eq3A_35 = arith.cmpi eq, %iota3A, %eq3A_34 : vector<256x4096xi32>
    %jit3A = arith.constant 0x7F800000 : f32
    %broadcast_in_dim3A_36 = vector.broadcast %jit3A : f32 to vector<256x4096xf32>
    %select_n3A_37 = arith.select %eq3A_35, %broadcast_in_dim3A_36, %add3A_26 : vector<256x4096xi1>, vector<256x4096xf32>
    %argmin3A_38 = tpu.reduce_index %select_n3A_37 {axis = 1 : i32, kind = #tpu.reduction_kind<arg_min>} : vector<256x4096xf32> -> vector<256xi32>
    %broadcast_in_dim3A_39 = vector.shape_cast %argmin3A_38 : vector<256xi32> to vector<256x1xi32>
    %eq3A_40 = arith.constant 1 : i32
    %eq3A_41 = vector.broadcast %eq3A_40 : i32 to vector<256x16xi32>
    %eq3A_42 = arith.cmpi eq, %iota3A_27, %eq3A_41 : vector<256x16xi32>
    %broadcast_in_dim3A_43 = vector.shape_cast %broadcast_in_dim3A_39 : vector<256x1xi32> to vector<256x1xi32>
    %broadcast_in_dim3A_44 = vector.broadcast %broadcast_in_dim3A_43 : vector<256x1xi32> to vector<256x16xi32>
    %select_n3A_45 = arith.select %eq3A_42, %broadcast_in_dim3A_44, %select_n3A : vector<256x16xi1>, vector<256x16xi32>
    %eq3A_46 = vector.broadcast %broadcast_in_dim3A_39 : vector<256x1xi32> to vector<256x4096xi32>
    %eq3A_47 = arith.cmpi eq, %iota3A, %eq3A_46 : vector<256x4096xi32>
    %jit3A_48 = arith.constant 0x7F800000 : f32
    %broadcast_in_dim3A_49 = vector.broadcast %jit3A_48 : f32 to vector<256x4096xf32>
    %select_n3A_50 = arith.select %eq3A_47, %broadcast_in_dim3A_49, %select_n3A_37 : vector<256x4096xi1>, vector<256x4096xf32>
    %argmin3A_51 = tpu.reduce_index %select_n3A_50 {axis = 1 : i32, kind = #tpu.reduction_kind<arg_min>} : vector<256x4096xf32> -> vector<256xi32>
    %broadcast_in_dim3A_52 = vector.shape_cast %argmin3A_51 : vector<256xi32> to vector<256x1xi32>
    %eq3A_53 = arith.constant 2 : i32
    %eq3A_54 = vector.broadcast %eq3A_53 : i32 to vector<256x16xi32>
    %eq3A_55 = arith.cmpi eq, %iota3A_27, %eq3A_54 : vector<256x16xi32>
    %broadcast_in_dim3A_56 = vector.shape_cast %broadcast_in_dim3A_52 : vector<256x1xi32> to vector<256x1xi32>
    %broadcast_in_dim3A_57 = vector.broadcast %broadcast_in_dim3A_56 : vector<256x1xi32> to vector<256x16xi32>
    %select_n3A_58 = arith.select %eq3A_55, %broadcast_in_dim3A_57, %select_n3A_45 : vector<256x16xi1>, vector<256x16xi32>
    %eq3A_59 = vector.broadcast %broadcast_in_dim3A_52 : vector<256x1xi32> to vector<256x4096xi32>
    %eq3A_60 = arith.cmpi eq, %iota3A, %eq3A_59 : vector<256x4096xi32>
    %jit3A_61 = arith.constant 0x7F800000 : f32
    %broadcast_in_dim3A_62 = vector.broadcast %jit3A_61 : f32 to vector<256x4096xf32>
    %select_n3A_63 = arith.select %eq3A_60, %broadcast_in_dim3A_62, %select_n3A_50 : vector<256x4096xi1>, vector<256x4096xf32>
    %argmin3A_64 = tpu.reduce_index %select_n3A_63 {axis = 1 : i32, kind = #tpu.reduction_kind<arg_min>} : vector<256x4096xf32> -> vector<256xi32>
    %broadcast_in_dim3A_65 = vector.shape_cast %argmin3A_64 : vector<256xi32> to vector<256x1xi32>
    %eq3A_66 = arith.constant 3 : i32
    %eq3A_67 = vector.broadcast %eq3A_66 : i32 to vector<256x16xi32>
    %eq3A_68 = arith.cmpi eq, %iota3A_27, %eq3A_67 : vector<256x16xi32>
    %broadcast_in_dim3A_69 = vector.shape_cast %broadcast_in_dim3A_65 : vector<256x1xi32> to vector<256x1xi32>
    %broadcast_in_dim3A_70 = vector.broadcast %broadcast_in_dim3A_69 : vector<256x1xi32> to vector<256x16xi32>
    %select_n3A_71 = arith.select %eq3A_68, %broadcast_in_dim3A_70, %select_n3A_58 : vector<256x16xi1>, vector<256x16xi32>
    %eq3A_72 = vector.broadcast %broadcast_in_dim3A_65 : vector<256x1xi32> to vector<256x4096xi32>
    %eq3A_73 = arith.cmpi eq, %iota3A, %eq3A_72 : vector<256x4096xi32>
    %jit3A_74 = arith.constant 0x7F800000 : f32
    %broadcast_in_dim3A_75 = vector.broadcast %jit3A_74 : f32 to vector<256x4096xf32>
    %select_n3A_76 = arith.select %eq3A_73, %broadcast_in_dim3A_75, %select_n3A_63 : vector<256x4096xi1>, vector<256x4096xf32>
    %argmin3A_77 = tpu.reduce_index %select_n3A_76 {axis = 1 : i32, kind = #tpu.reduction_kind<arg_min>} : vector<256x4096xf32> -> vector<256xi32>
    %broadcast_in_dim3A_78 = vector.shape_cast %argmin3A_77 : vector<256xi32> to vector<256x1xi32>
    %eq3A_79 = arith.constant 4 : i32
    %eq3A_80 = vector.broadcast %eq3A_79 : i32 to vector<256x16xi32>
    %eq3A_81 = arith.cmpi eq, %iota3A_27, %eq3A_80 : vector<256x16xi32>
    %broadcast_in_dim3A_82 = vector.shape_cast %broadcast_in_dim3A_78 : vector<256x1xi32> to vector<256x1xi32>
    %broadcast_in_dim3A_83 = vector.broadcast %broadcast_in_dim3A_82 : vector<256x1xi32> to vector<256x16xi32>
    %select_n3A_84 = arith.select %eq3A_81, %broadcast_in_dim3A_83, %select_n3A_71 : vector<256x16xi1>, vector<256x16xi32>
    %eq3A_85 = vector.broadcast %broadcast_in_dim3A_78 : vector<256x1xi32> to vector<256x4096xi32>
    %eq3A_86 = arith.cmpi eq, %iota3A, %eq3A_85 : vector<256x4096xi32>
    %jit3A_87 = arith.constant 0x7F800000 : f32
    %broadcast_in_dim3A_88 = vector.broadcast %jit3A_87 : f32 to vector<256x4096xf32>
    %select_n3A_89 = arith.select %eq3A_86, %broadcast_in_dim3A_88, %select_n3A_76 : vector<256x4096xi1>, vector<256x4096xf32>
    %argmin3A_90 = tpu.reduce_index %select_n3A_89 {axis = 1 : i32, kind = #tpu.reduction_kind<arg_min>} : vector<256x4096xf32> -> vector<256xi32>
    %broadcast_in_dim3A_91 = vector.shape_cast %argmin3A_90 : vector<256xi32> to vector<256x1xi32>
    %eq3A_92 = arith.constant 5 : i32
    %eq3A_93 = vector.broadcast %eq3A_92 : i32 to vector<256x16xi32>
    %eq3A_94 = arith.cmpi eq, %iota3A_27, %eq3A_93 : vector<256x16xi32>
    %broadcast_in_dim3A_95 = vector.shape_cast %broadcast_in_dim3A_91 : vector<256x1xi32> to vector<256x1xi32>
    %broadcast_in_dim3A_96 = vector.broadcast %broadcast_in_dim3A_95 : vector<256x1xi32> to vector<256x16xi32>
    %select_n3A_97 = arith.select %eq3A_94, %broadcast_in_dim3A_96, %select_n3A_84 : vector<256x16xi1>, vector<256x16xi32>
    %eq3A_98 = vector.broadcast %broadcast_in_dim3A_91 : vector<256x1xi32> to vector<256x4096xi32>
    %eq3A_99 = arith.cmpi eq, %iota3A, %eq3A_98 : vector<256x4096xi32>
    %jit3A_100 = arith.constant 0x7F800000 : f32
    %broadcast_in_dim3A_101 = vector.broadcast %jit3A_100 : f32 to vector<256x4096xf32>
    %select_n3A_102 = arith.select %eq3A_99, %broadcast_in_dim3A_101, %select_n3A_89 : vector<256x4096xi1>, vector<256x4096xf32>
    %argmin3A_103 = tpu.reduce_index %select_n3A_102 {axis = 1 : i32, kind = #tpu.reduction_kind<arg_min>} : vector<256x4096xf32> -> vector<256xi32>
    %broadcast_in_dim3A_104 = vector.shape_cast %argmin3A_103 : vector<256xi32> to vector<256x1xi32>
    %eq3A_105 = arith.constant 6 : i32
    %eq3A_106 = vector.broadcast %eq3A_105 : i32 to vector<256x16xi32>
    %eq3A_107 = arith.cmpi eq, %iota3A_27, %eq3A_106 : vector<256x16xi32>
    %broadcast_in_dim3A_108 = vector.shape_cast %broadcast_in_dim3A_104 : vector<256x1xi32> to vector<256x1xi32>
    %broadcast_in_dim3A_109 = vector.broadcast %broadcast_in_dim3A_108 : vector<256x1xi32> to vector<256x16xi32>
    %select_n3A_110 = arith.select %eq3A_107, %broadcast_in_dim3A_109, %select_n3A_97 : vector<256x16xi1>, vector<256x16xi32>
    %eq3A_111 = vector.broadcast %broadcast_in_dim3A_104 : vector<256x1xi32> to vector<256x4096xi32>
    %eq3A_112 = arith.cmpi eq, %iota3A, %eq3A_111 : vector<256x4096xi32>
    %jit3A_113 = arith.constant 0x7F800000 : f32
    %broadcast_in_dim3A_114 = vector.broadcast %jit3A_113 : f32 to vector<256x4096xf32>
    %select_n3A_115 = arith.select %eq3A_112, %broadcast_in_dim3A_114, %select_n3A_102 : vector<256x4096xi1>, vector<256x4096xf32>
    %argmin3A_116 = tpu.reduce_index %select_n3A_115 {axis = 1 : i32, kind = #tpu.reduction_kind<arg_min>} : vector<256x4096xf32> -> vector<256xi32>
    %broadcast_in_dim3A_117 = vector.shape_cast %argmin3A_116 : vector<256xi32> to vector<256x1xi32>
    %eq3A_118 = arith.constant 7 : i32
    %eq3A_119 = vector.broadcast %eq3A_118 : i32 to vector<256x16xi32>
    %eq3A_120 = arith.cmpi eq, %iota3A_27, %eq3A_119 : vector<256x16xi32>
    %broadcast_in_dim3A_121 = vector.shape_cast %broadcast_in_dim3A_117 : vector<256x1xi32> to vector<256x1xi32>
    %broadcast_in_dim3A_122 = vector.broadcast %broadcast_in_dim3A_121 : vector<256x1xi32> to vector<256x16xi32>
    %select_n3A_123 = arith.select %eq3A_120, %broadcast_in_dim3A_122, %select_n3A_110 : vector<256x16xi1>, vector<256x16xi32>
    %eq3A_124 = vector.broadcast %broadcast_in_dim3A_117 : vector<256x1xi32> to vector<256x4096xi32>
    %eq3A_125 = arith.cmpi eq, %iota3A, %eq3A_124 : vector<256x4096xi32>
    %jit3A_126 = arith.constant 0x7F800000 : f32
    %broadcast_in_dim3A_127 = vector.broadcast %jit3A_126 : f32 to vector<256x4096xf32>
    %select_n3A_128 = arith.select %eq3A_125, %broadcast_in_dim3A_127, %select_n3A_115 : vector<256x4096xi1>, vector<256x4096xf32>
    %argmin3A_129 = tpu.reduce_index %select_n3A_128 {axis = 1 : i32, kind = #tpu.reduction_kind<arg_min>} : vector<256x4096xf32> -> vector<256xi32>
    %broadcast_in_dim3A_130 = vector.shape_cast %argmin3A_129 : vector<256xi32> to vector<256x1xi32>
    %eq3A_131 = arith.constant 8 : i32
    %eq3A_132 = vector.broadcast %eq3A_131 : i32 to vector<256x16xi32>
    %eq3A_133 = arith.cmpi eq, %iota3A_27, %eq3A_132 : vector<256x16xi32>
    %broadcast_in_dim3A_134 = vector.shape_cast %broadcast_in_dim3A_130 : vector<256x1xi32> to vector<256x1xi32>
    %broadcast_in_dim3A_135 = vector.broadcast %broadcast_in_dim3A_134 : vector<256x1xi32> to vector<256x16xi32>
    %select_n3A_136 = arith.select %eq3A_133, %broadcast_in_dim3A_135, %select_n3A_123 : vector<256x16xi1>, vector<256x16xi32>
    %eq3A_137 = vector.broadcast %broadcast_in_dim3A_130 : vector<256x1xi32> to vector<256x4096xi32>
    %eq3A_138 = arith.cmpi eq, %iota3A, %eq3A_137 : vector<256x4096xi32>
    %jit3A_139 = arith.constant 0x7F800000 : f32
    %broadcast_in_dim3A_140 = vector.broadcast %jit3A_139 : f32 to vector<256x4096xf32>
    %select_n3A_141 = arith.select %eq3A_138, %broadcast_in_dim3A_140, %select_n3A_128 : vector<256x4096xi1>, vector<256x4096xf32>
    %argmin3A_142 = tpu.reduce_index %select_n3A_141 {axis = 1 : i32, kind = #tpu.reduction_kind<arg_min>} : vector<256x4096xf32> -> vector<256xi32>
    %broadcast_in_dim3A_143 = vector.shape_cast %argmin3A_142 : vector<256xi32> to vector<256x1xi32>
    %eq3A_144 = arith.constant 9 : i32
    %eq3A_145 = vector.broadcast %eq3A_144 : i32 to vector<256x16xi32>
    %eq3A_146 = arith.cmpi eq, %iota3A_27, %eq3A_145 : vector<256x16xi32>
    %broadcast_in_dim3A_147 = vector.shape_cast %broadcast_in_dim3A_143 : vector<256x1xi32> to vector<256x1xi32>
    %broadcast_in_dim3A_148 = vector.broadcast %broadcast_in_dim3A_147 : vector<256x1xi32> to vector<256x16xi32>
    %select_n3A_149 = arith.select %eq3A_146, %broadcast_in_dim3A_148, %select_n3A_136 : vector<256x16xi1>, vector<256x16xi32>
    %eq3A_150 = vector.broadcast %broadcast_in_dim3A_143 : vector<256x1xi32> to vector<256x4096xi32>
    %eq3A_151 = arith.cmpi eq, %iota3A, %eq3A_150 : vector<256x4096xi32>
    %jit3A_152 = arith.constant 0x7F800000 : f32
    %broadcast_in_dim3A_153 = vector.broadcast %jit3A_152 : f32 to vector<256x4096xf32>
    %select_n3A_154 = arith.select %eq3A_151, %broadcast_in_dim3A_153, %select_n3A_141 : vector<256x4096xi1>, vector<256x4096xf32>
    %argmin3A_155 = tpu.reduce_index %select_n3A_154 {axis = 1 : i32, kind = #tpu.reduction_kind<arg_min>} : vector<256x4096xf32> -> vector<256xi32>
    %broadcast_in_dim3A_156 = vector.shape_cast %argmin3A_155 : vector<256xi32> to vector<256x1xi32>
    %eq3A_157 = arith.constant 10 : i32
    %eq3A_158 = vector.broadcast %eq3A_157 : i32 to vector<256x16xi32>
    %eq3A_159 = arith.cmpi eq, %iota3A_27, %eq3A_158 : vector<256x16xi32>
    %broadcast_in_dim3A_160 = vector.shape_cast %broadcast_in_dim3A_156 : vector<256x1xi32> to vector<256x1xi32>
    %broadcast_in_dim3A_161 = vector.broadcast %broadcast_in_dim3A_160 : vector<256x1xi32> to vector<256x16xi32>
    %select_n3A_162 = arith.select %eq3A_159, %broadcast_in_dim3A_161, %select_n3A_149 : vector<256x16xi1>, vector<256x16xi32>
    %eq3A_163 = vector.broadcast %broadcast_in_dim3A_156 : vector<256x1xi32> to vector<256x4096xi32>
    %eq3A_164 = arith.cmpi eq, %iota3A, %eq3A_163 : vector<256x4096xi32>
    %jit3A_165 = arith.constant 0x7F800000 : f32
    %broadcast_in_dim3A_166 = vector.broadcast %jit3A_165 : f32 to vector<256x4096xf32>
    %select_n3A_167 = arith.select %eq3A_164, %broadcast_in_dim3A_166, %select_n3A_154 : vector<256x4096xi1>, vector<256x4096xf32>
    %argmin3A_168 = tpu.reduce_index %select_n3A_167 {axis = 1 : i32, kind = #tpu.reduction_kind<arg_min>} : vector<256x4096xf32> -> vector<256xi32>
    %broadcast_in_dim3A_169 = vector.shape_cast %argmin3A_168 : vector<256xi32> to vector<256x1xi32>
    %eq3A_170 = arith.constant 11 : i32
    %eq3A_171 = vector.broadcast %eq3A_170 : i32 to vector<256x16xi32>
    %eq3A_172 = arith.cmpi eq, %iota3A_27, %eq3A_171 : vector<256x16xi32>
    %broadcast_in_dim3A_173 = vector.shape_cast %broadcast_in_dim3A_169 : vector<256x1xi32> to vector<256x1xi32>
    %broadcast_in_dim3A_174 = vector.broadcast %broadcast_in_dim3A_173 : vector<256x1xi32> to vector<256x16xi32>
    %select_n3A_175 = arith.select %eq3A_172, %broadcast_in_dim3A_174, %select_n3A_162 : vector<256x16xi1>, vector<256x16xi32>
    %eq3A_176 = vector.broadcast %broadcast_in_dim3A_169 : vector<256x1xi32> to vector<256x4096xi32>
    %eq3A_177 = arith.cmpi eq, %iota3A, %eq3A_176 : vector<256x4096xi32>
    %jit3A_178 = arith.constant 0x7F800000 : f32
    %broadcast_in_dim3A_179 = vector.broadcast %jit3A_178 : f32 to vector<256x4096xf32>
    %select_n3A_180 = arith.select %eq3A_177, %broadcast_in_dim3A_179, %select_n3A_167 : vector<256x4096xi1>, vector<256x4096xf32>
    %argmin3A_181 = tpu.reduce_index %select_n3A_180 {axis = 1 : i32, kind = #tpu.reduction_kind<arg_min>} : vector<256x4096xf32> -> vector<256xi32>
    %broadcast_in_dim3A_182 = vector.shape_cast %argmin3A_181 : vector<256xi32> to vector<256x1xi32>
    %eq3A_183 = arith.constant 12 : i32
    %eq3A_184 = vector.broadcast %eq3A_183 : i32 to vector<256x16xi32>
    %eq3A_185 = arith.cmpi eq, %iota3A_27, %eq3A_184 : vector<256x16xi32>
    %broadcast_in_dim3A_186 = vector.shape_cast %broadcast_in_dim3A_182 : vector<256x1xi32> to vector<256x1xi32>
    %broadcast_in_dim3A_187 = vector.broadcast %broadcast_in_dim3A_186 : vector<256x1xi32> to vector<256x16xi32>
    %select_n3A_188 = arith.select %eq3A_185, %broadcast_in_dim3A_187, %select_n3A_175 : vector<256x16xi1>, vector<256x16xi32>
    %eq3A_189 = vector.broadcast %broadcast_in_dim3A_182 : vector<256x1xi32> to vector<256x4096xi32>
    %eq3A_190 = arith.cmpi eq, %iota3A, %eq3A_189 : vector<256x4096xi32>
    %jit3A_191 = arith.constant 0x7F800000 : f32
    %broadcast_in_dim3A_192 = vector.broadcast %jit3A_191 : f32 to vector<256x4096xf32>
    %select_n3A_193 = arith.select %eq3A_190, %broadcast_in_dim3A_192, %select_n3A_180 : vector<256x4096xi1>, vector<256x4096xf32>
    %argmin3A_194 = tpu.reduce_index %select_n3A_193 {axis = 1 : i32, kind = #tpu.reduction_kind<arg_min>} : vector<256x4096xf32> -> vector<256xi32>
    %broadcast_in_dim3A_195 = vector.shape_cast %argmin3A_194 : vector<256xi32> to vector<256x1xi32>
    %eq3A_196 = arith.constant 13 : i32
    %eq3A_197 = vector.broadcast %eq3A_196 : i32 to vector<256x16xi32>
    %eq3A_198 = arith.cmpi eq, %iota3A_27, %eq3A_197 : vector<256x16xi32>
    %broadcast_in_dim3A_199 = vector.shape_cast %broadcast_in_dim3A_195 : vector<256x1xi32> to vector<256x1xi32>
    %broadcast_in_dim3A_200 = vector.broadcast %broadcast_in_dim3A_199 : vector<256x1xi32> to vector<256x16xi32>
    %select_n3A_201 = arith.select %eq3A_198, %broadcast_in_dim3A_200, %select_n3A_188 : vector<256x16xi1>, vector<256x16xi32>
    %eq3A_202 = vector.broadcast %broadcast_in_dim3A_195 : vector<256x1xi32> to vector<256x4096xi32>
    %eq3A_203 = arith.cmpi eq, %iota3A, %eq3A_202 : vector<256x4096xi32>
    %jit3A_204 = arith.constant 0x7F800000 : f32
    %broadcast_in_dim3A_205 = vector.broadcast %jit3A_204 : f32 to vector<256x4096xf32>
    %select_n3A_206 = arith.select %eq3A_203, %broadcast_in_dim3A_205, %select_n3A_193 : vector<256x4096xi1>, vector<256x4096xf32>
    %argmin3A_207 = tpu.reduce_index %select_n3A_206 {axis = 1 : i32, kind = #tpu.reduction_kind<arg_min>} : vector<256x4096xf32> -> vector<256xi32>
    %broadcast_in_dim3A_208 = vector.shape_cast %argmin3A_207 : vector<256xi32> to vector<256x1xi32>
    %eq3A_209 = arith.constant 14 : i32
    %eq3A_210 = vector.broadcast %eq3A_209 : i32 to vector<256x16xi32>
    %eq3A_211 = arith.cmpi eq, %iota3A_27, %eq3A_210 : vector<256x16xi32>
    %broadcast_in_dim3A_212 = vector.shape_cast %broadcast_in_dim3A_208 : vector<256x1xi32> to vector<256x1xi32>
    %broadcast_in_dim3A_213 = vector.broadcast %broadcast_in_dim3A_212 : vector<256x1xi32> to vector<256x16xi32>
    %select_n3A_214 = arith.select %eq3A_211, %broadcast_in_dim3A_213, %select_n3A_201 : vector<256x16xi1>, vector<256x16xi32>
    %eq3A_215 = vector.broadcast %broadcast_in_dim3A_208 : vector<256x1xi32> to vector<256x4096xi32>
    %eq3A_216 = arith.cmpi eq, %iota3A, %eq3A_215 : vector<256x4096xi32>
    %jit3A_217 = arith.constant 0x7F800000 : f32
    %broadcast_in_dim3A_218 = vector.broadcast %jit3A_217 : f32 to vector<256x4096xf32>
    %select_n3A_219 = arith.select %eq3A_216, %broadcast_in_dim3A_218, %select_n3A_206 : vector<256x4096xi1>, vector<256x4096xf32>
    %argmin3A_220 = tpu.reduce_index %select_n3A_219 {axis = 1 : i32, kind = #tpu.reduction_kind<arg_min>} : vector<256x4096xf32> -> vector<256xi32>
    %broadcast_in_dim3A_221 = vector.shape_cast %argmin3A_220 : vector<256xi32> to vector<256x1xi32>
    %eq3A_222 = arith.constant 15 : i32
    %eq3A_223 = vector.broadcast %eq3A_222 : i32 to vector<256x16xi32>
    %eq3A_224 = arith.cmpi eq, %iota3A_27, %eq3A_223 : vector<256x16xi32>
    %broadcast_in_dim3A_225 = vector.shape_cast %broadcast_in_dim3A_221 : vector<256x1xi32> to vector<256x1xi32>
    %broadcast_in_dim3A_226 = vector.broadcast %broadcast_in_dim3A_225 : vector<256x1xi32> to vector<256x16xi32>
    %select_n3A_227 = arith.select %eq3A_224, %broadcast_in_dim3A_226, %select_n3A_214 : vector<256x16xi1>, vector<256x16xi32>
    %add3A_228 = arith.constant 4096 : i32
    %add3A_229 = vector.broadcast %add3A_228 : i32 to vector<256x16xi32>
    %add3A_230 = arith.addi %select_n3A_227, %add3A_229 : vector<256x16xi32>
    %swap3A = arith.constant 0 : index
    %swap3A_231 = arith.constant 0 : index
    %swap3A_232 = vector.load %arg3[%swap3A, %swap3A_231] : memref<256x16xi32, #tpu.memory_space<vmem>>, vector<256x16xi32>
    tpu.vector_store %arg3[%swap3A, %swap3A_231], %add3A_230 {strides = array<i32>} : memref<256x16xi32, #tpu.memory_space<vmem>>, vector<256x16xi32>,
    return
  }
  func.func @transform_0(%arg0: i32) -> (i32, i32) {
    %c0_i32 = arith.constant 0 : i32
    %c0_i32_0 = arith.constant 0 : i32
    return %arg0, %c0_i32 : i32, i32
  }
  func.func @transform_1(%arg0: i32) -> (i32, i32, i32) {
    %c0_i32 = arith.constant 0 : i32
    %c0_i32_0 = arith.constant 0 : i32
    %c0_i32_1 = arith.constant 0 : i32
    %c0_i32_2 = arith.constant 0 : i32
    return %c0_i32, %c0_i32_0, %c0_i32_1 : i32, i32, i32
  }
  func.func @transform_2(%arg0: i32) -> (i32, i32) {
    %c0_i32 = arith.constant 0 : i32
    %c0_i32_0 = arith.constant 0 : i32
    return %arg0, %c0_i32 : i32, i32
  }
}

module attributes {stable_mosaic.version = 14 : i64} {
  func.func @_lin_bn_relu_body(%arg0: memref<8192x32xf32, #tpu.memory_space<vmem>>, %arg1: memref<32x32xf32, #tpu.memory_space<vmem>>, %arg2: memref<1x32xf32, #tpu.memory_space<vmem>>, %arg3: memref<1x32xf32, #tpu.memory_space<vmem>>, %arg4: memref<1x32xf32, #tpu.memory_space<vmem>>, %arg5: memref<8192x32xf32, #tpu.memory_space<vmem>>) attributes {dimension_semantics = [], scalar_prefetch = 0 : i64, scratch_operands = 0 : i64, tpu.core_type = #tpu.core_type<tc>} {
    %get3A = arith.constant 0 : index
    %get3A_0 = arith.constant 0 : index
    %get3A_1 = vector.load %arg0[%get3A, %get3A_0] : memref<8192x32xf32, #tpu.memory_space<vmem>>, vector<8192x32xf32>
    %get3A_2 = arith.constant 0 : index
    %get3A_3 = arith.constant 0 : index
    %get3A_4 = vector.load %arg1[%get3A_2, %get3A_3] : memref<32x32xf32, #tpu.memory_space<vmem>>, vector<32x32xf32>
    %dot_general3A = arith.constant dense<0.000000e+00> : vector<8192x32xf32>
    %dot_general3A_5 = tpu.matmul %get3A_1, %get3A_4, %dot_general3A {dimension_numbers = #tpu.dot_dimension_numbers<[1], [1], [0], [0], [0, 0, 1, 0], [], []>, transpose_lhs_hint = false} : vector<8192x32xf32>, vector<32x32xf32>, vector<8192x32xf32> -> vector<8192x32xf32>
    %get3A_6 = arith.constant 0 : index
    %get3A_7 = arith.constant 0 : index
    %get3A_8 = vector.load %arg2[%get3A_6, %get3A_7] : memref<1x32xf32, #tpu.memory_space<vmem>>, vector<1x32xf32>
    %add3A = vector.broadcast %get3A_8 : vector<1x32xf32> to vector<8192x32xf32>
    %add3A_9 = arith.addf %dot_general3A_5, %add3A : vector<8192x32xf32>
    %reduce_sum3A = arith.constant dense<0.000000e+00> : vector<32xf32>
    %reduce_sum3A_10 = vector.multi_reduction <add>, %add3A_9, %reduce_sum3A [0] : vector<8192x32xf32> to vector<32xf32>
    %broadcast_in_dim3A = vector.shape_cast %reduce_sum3A_10 : vector<32xf32> to vector<1x32xf32>
    %div3A = arith.constant 8.192000e+03 : f32
    %div3A_11 = vector.broadcast %div3A : f32 to vector<1x32xf32>
    %div3A_12 = arith.divf %broadcast_in_dim3A, %div3A_11 : vector<1x32xf32>
    %sub3A = vector.broadcast %div3A_12 : vector<1x32xf32> to vector<8192x32xf32>
    %sub3A_13 = arith.subf %add3A_9, %sub3A : vector<8192x32xf32>
    %integer_pow3A = arith.mulf %sub3A_13, %sub3A_13 : vector<8192x32xf32>
    %reduce_sum3A_14 = arith.constant dense<0.000000e+00> : vector<32xf32>
    %reduce_sum3A_15 = vector.multi_reduction <add>, %integer_pow3A, %reduce_sum3A_14 [0] : vector<8192x32xf32> to vector<32xf32>
    %broadcast_in_dim3A_16 = vector.shape_cast %reduce_sum3A_15 : vector<32xf32> to vector<1x32xf32>
    %div3A_17 = arith.constant 8.192000e+03 : f32
    %div3A_18 = vector.broadcast %div3A_17 : f32 to vector<1x32xf32>
    %div3A_19 = arith.divf %broadcast_in_dim3A_16, %div3A_18 : vector<1x32xf32>
    %get3A_20 = arith.constant 0 : index
    %get3A_21 = arith.constant 0 : index
    %get3A_22 = vector.load %arg3[%get3A_20, %get3A_21] : memref<1x32xf32, #tpu.memory_space<vmem>>, vector<1x32xf32>
    %sub3A_23 = vector.broadcast %div3A_12 : vector<1x32xf32> to vector<8192x32xf32>
    %sub3A_24 = arith.subf %add3A_9, %sub3A_23 : vector<8192x32xf32>
    %mul3A = vector.broadcast %get3A_22 : vector<1x32xf32> to vector<8192x32xf32>
    %mul3A_25 = arith.mulf %mul3A, %sub3A_24 : vector<8192x32xf32>
    %add3A_26 = arith.constant 9.99999974E-6 : f32
    %add3A_27 = vector.broadcast %add3A_26 : f32 to vector<1x32xf32>
    %add3A_28 = arith.addf %div3A_19, %add3A_27 : vector<1x32xf32>
    %sqrt3A = math.sqrt %add3A_28 : vector<1x32xf32>
    %div3A_29 = vector.broadcast %sqrt3A : vector<1x32xf32> to vector<8192x32xf32>
    %div3A_30 = arith.divf %mul3A_25, %div3A_29 : vector<8192x32xf32>
    %get3A_31 = arith.constant 0 : index
    %get3A_32 = arith.constant 0 : index
    %get3A_33 = vector.load %arg4[%get3A_31, %get3A_32] : memref<1x32xf32, #tpu.memory_space<vmem>>, vector<1x32xf32>
    %add3A_34 = vector.broadcast %get3A_33 : vector<1x32xf32> to vector<8192x32xf32>
    %add3A_35 = arith.addf %div3A_30, %add3A_34 : vector<8192x32xf32>
    %max3A = arith.constant 0.000000e+00 : f32
    %max3A_36 = vector.broadcast %max3A : f32 to vector<8192x32xf32>
    %max3A_37 = arith.maximumf %add3A_35, %max3A_36 : vector<8192x32xf32>
    %swap3A = arith.constant 0 : index
    %swap3A_38 = arith.constant 0 : index
    %swap3A_39 = vector.load %arg5[%swap3A, %swap3A_38] : memref<8192x32xf32, #tpu.memory_space<vmem>>, vector<8192x32xf32>
    tpu.vector_store %arg5[%swap3A, %swap3A_38], %max3A_37 {strides = array<i32>} : memref<8192x32xf32, #tpu.memory_space<vmem>>, vector<8192x32xf32>,
    return
  }
}

module attributes {stable_mosaic.version = 14 : i64} {
  func.func @_tf_attn_body(%arg0: i32, %arg1: memref<16x128x128xf32, #tpu.memory_space<vmem>>, %arg2: memref<128x64xf32, #tpu.memory_space<vmem>>, %arg3: memref<128x64xf32, #tpu.memory_space<vmem>>, %arg4: memref<128x64xf32, #tpu.memory_space<vmem>>, %arg5: memref<1x64xf32, #tpu.memory_space<vmem>>, %arg6: memref<64x64xf32, #tpu.memory_space<vmem>>, %arg7: memref<1x64xf32, #tpu.memory_space<vmem>>, %arg8: memref<64x64xf32, #tpu.memory_space<vmem>>, %arg9: memref<1x64xf32, #tpu.memory_space<vmem>>, %arg10: memref<64x64xf32, #tpu.memory_space<vmem>>, %arg11: memref<1x64xf32, #tpu.memory_space<vmem>>, %arg12: memref<64x64xf32, #tpu.memory_space<vmem>>, %arg13: memref<1x64xf32, #tpu.memory_space<vmem>>, %arg14: memref<128x64xf32, #tpu.memory_space<vmem>>) attributes {dimension_semantics = [#tpu.dimension_semantics<arbitrary>], iteration_bounds = array<i64: 8>, scalar_prefetch = 0 : i64, scratch_operands = 0 : i64, tpu.core_type = #tpu.core_type<tc>, window_params = [{transform_indices = @transform_0, window_bounds = array<i64: 16, 128, 128>}, {transform_indices = @transform_1, window_bounds = array<i64: 128, 64>}, {transform_indices = @transform_2, window_bounds = array<i64: 128, 64>}, {transform_indices = @transform_3, window_bounds = array<i64: 128, 64>}, {pipeline_mode = #tpu.pipeline_mode<synchronous>, transform_indices = @transform_4, window_bounds = array<i64: 1, 64>}, {pipeline_mode = #tpu.pipeline_mode<synchronous>, transform_indices = @transform_5, window_bounds = array<i64: 64, 64>}, {pipeline_mode = #tpu.pipeline_mode<synchronous>, transform_indices = @transform_6, window_bounds = array<i64: 1, 64>}, {pipeline_mode = #tpu.pipeline_mode<synchronous>, transform_indices = @transform_7, window_bounds = array<i64: 64, 64>}, {pipeline_mode = #tpu.pipeline_mode<synchronous>, transform_indices = @transform_8, window_bounds = array<i64: 1, 64>}, {pipeline_mode = #tpu.pipeline_mode<synchronous>, transform_indices = @transform_9, window_bounds = array<i64: 64, 64>}, {pipeline_mode = #tpu.pipeline_mode<synchronous>, transform_indices = @transform_10, window_bounds = array<i64: 1, 64>}, {pipeline_mode = #tpu.pipeline_mode<synchronous>, transform_indices = @transform_11, window_bounds = array<i64: 64, 64>}, {pipeline_mode = #tpu.pipeline_mode<synchronous>, transform_indices = @transform_12, window_bounds = array<i64: 1, 64>}, {transform_indices = @transform_13, window_bounds = array<i64: 128, 64>}]} {
    %get3A = arith.constant 0 : index
    %get3A_0 = arith.constant 0 : index
    %get3A_1 = vector.load %arg2[%get3A, %get3A_0] : memref<128x64xf32, #tpu.memory_space<vmem>>, vector<128x64xf32>
    %get3A_2 = arith.constant 0 : index
    %get3A_3 = arith.constant 0 : index
    %get3A_4 = vector.load %arg3[%get3A_2, %get3A_3] : memref<128x64xf32, #tpu.memory_space<vmem>>, vector<128x64xf32>
    %get3A_5 = arith.constant 0 : index
    %get3A_6 = arith.constant 0 : index
    %get3A_7 = vector.load %arg5[%get3A_5, %get3A_6] : memref<1x64xf32, #tpu.memory_space<vmem>>, vector<1x64xf32>
    %add3A = vector.broadcast %get3A_7 : vector<1x64xf32> to vector<128x64xf32>
    %add3A_8 = arith.addf %get3A_4, %add3A : vector<128x64xf32>
    %get3A_9 = arith.constant 0 : index
    %get3A_10 = arith.constant 0 : index
    %get3A_11 = vector.load %arg6[%get3A_9, %get3A_10] : memref<64x64xf32, #tpu.memory_space<vmem>>, vector<64x64xf32>
    %get3A_12 = arith.constant 0 : index
    %get3A_13 = arith.constant 0 : index
    %get3A_14 = vector.load %arg8[%get3A_12, %get3A_13] : memref<64x64xf32, #tpu.memory_space<vmem>>, vector<64x64xf32>
    %get3A_15 = arith.constant 0 : index
    %get3A_16 = arith.constant 0 : index
    %get3A_17 = vector.load %arg10[%get3A_15, %get3A_16] : memref<64x64xf32, #tpu.memory_space<vmem>>, vector<64x64xf32>
    %get3A_18 = arith.constant 0 : index
    %get3A_19 = arith.constant 0 : index
    %get3A_20 = arith.constant 0 : index
    %get3A_21 = vector.load %arg1[%get3A_18, %get3A_19, %get3A_20] : memref<16x128x128xf32, #tpu.memory_space<vmem>>, vector<16x128x128xf32>
    %reshape3A = vector.shape_cast %get3A_21 : vector<16x128x128xf32> to vector<2048x128xf32>
    %slice3A = vector.extract_strided_slice %reshape3A {offsets = [0, 0], sizes = [2048, 64], strides = [1, 1]} : vector<2048x128xf32> to vector<2048x64xf32>
    %bitcast_convert_type3A = tpu.bitcast %slice3A : vector<2048x64xf32> -> vector<2048x64xi32>
    %and3A = arith.constant -65536 : i32
    %and3A_22 = vector.broadcast %and3A : i32 to vector<2048x64xi32>
    %and3A_23 = arith.andi %bitcast_convert_type3A, %and3A_22 : vector<2048x64xi32>
    %bitcast_convert_type3A_24 = tpu.bitcast %and3A_23 : vector<2048x64xi32> -> vector<2048x64xf32>
    %shift_left3A = arith.constant 16 : i32
    %shift_left3A_25 = vector.broadcast %shift_left3A : i32 to vector<2048x64xi32>
    %shift_left3A_26 = arith.shli %bitcast_convert_type3A, %shift_left3A_25 : vector<2048x64xi32>
    %bitcast_convert_type3A_27 = tpu.bitcast %shift_left3A_26 : vector<2048x64xi32> -> vector<2048x64xf32>
    %broadcast_in_dim3A = vector.shape_cast %get3A_1 : vector<128x64xf32> to vector<1x128x64xf32>
    %broadcast_in_dim3A_28 = vector.shape_cast %broadcast_in_dim3A : vector<1x128x64xf32> to vector<1x128x64xf32>
    %broadcast_in_dim3A_29 = vector.broadcast %broadcast_in_dim3A_28 : vector<1x128x64xf32> to vector<16x128x64xf32>
    %reshape3A_30 = vector.shape_cast %broadcast_in_dim3A_29 : vector<16x128x64xf32> to vector<2048x64xf32>
    %broadcast_in_dim3A_31 = vector.shape_cast %add3A_8 : vector<128x64xf32> to vector<1x128x64xf32>
    %broadcast_in_dim3A_32 = vector.shape_cast %broadcast_in_dim3A_31 : vector<1x128x64xf32> to vector<1x128x64xf32>
    %broadcast_in_dim3A_33 = vector.broadcast %broadcast_in_dim3A_32 : vector<1x128x64xf32> to vector<16x128x64xf32>
    %reshape3A_34 = vector.shape_cast %broadcast_in_dim3A_33 : vector<16x128x64xf32> to vector<2048x64xf32>
    %slice3A_35 = vector.extract_strided_slice %reshape3A {offsets = [0, 64], sizes = [2048, 64], strides = [1, 1]} : vector<2048x128xf32> to vector<2048x64xf32>
    %sub3A = arith.subf %reshape3A_34, %slice3A_35 : vector<2048x64xf32>
    %max3A = arith.constant 0.000000e+00 : f32
    %max3A_36 = vector.broadcast %max3A : f32 to vector<2048x64xf32>
    %max3A_37 = arith.maximumf %sub3A, %max3A_36 : vector<2048x64xf32>
    %dot_general3A = arith.constant dense<0.000000e+00> : vector<2048x64xf32>
    %dot_general3A_38 = tpu.matmul %max3A_37, %get3A_11, %dot_general3A {dimension_numbers = #tpu.dot_dimension_numbers<[1], [1], [0], [0], [0, 0, 1, 0], [], []>, transpose_lhs_hint = false} : vector<2048x64xf32>, vector<64x64xf32>, vector<2048x64xf32> -> vector<2048x64xf32>
    %get3A_39 = arith.constant 0 : index
    %get3A_40 = arith.constant 0 : index
    %get3A_41 = vector.load %arg7[%get3A_39, %get3A_40] : memref<1x64xf32, #tpu.memory_space<vmem>>, vector<1x64xf32>
    %add3A_42 = vector.broadcast %get3A_41 : vector<1x64xf32> to vector<2048x64xf32>
    %add3A_43 = arith.addf %dot_general3A_38, %add3A_42 : vector<2048x64xf32>
    %sub3A_44 = arith.subf %reshape3A_30, %bitcast_convert_type3A_24 : vector<2048x64xf32>
    %add3A_45 = arith.addf %sub3A_44, %add3A_43 : vector<2048x64xf32>
    %dot_general3A_46 = arith.constant dense<0.000000e+00> : vector<2048x64xf32>
    %dot_general3A_47 = tpu.matmul %add3A_45, %get3A_14, %dot_general3A_46 {dimension_numbers = #tpu.dot_dimension_numbers<[1], [1], [0], [0], [0, 0, 1, 0], [], []>, transpose_lhs_hint = false} : vector<2048x64xf32>, vector<64x64xf32>, vector<2048x64xf32> -> vector<2048x64xf32>
    %get3A_48 = arith.constant 0 : index
    %get3A_49 = arith.constant 0 : index
    %get3A_50 = vector.load %arg9[%get3A_48, %get3A_49] : memref<1x64xf32, #tpu.memory_space<vmem>>, vector<1x64xf32>
    %add3A_51 = vector.broadcast %get3A_50 : vector<1x64xf32> to vector<2048x64xf32>
    %add3A_52 = arith.addf %dot_general3A_47, %add3A_51 : vector<2048x64xf32>
    %max3A_53 = arith.constant 0.000000e+00 : f32
    %max3A_54 = vector.broadcast %max3A_53 : f32 to vector<2048x64xf32>
    %max3A_55 = arith.maximumf %add3A_52, %max3A_54 : vector<2048x64xf32>
    %dot_general3A_56 = arith.constant dense<0.000000e+00> : vector<2048x64xf32>
    %dot_general3A_57 = tpu.matmul %max3A_55, %get3A_17, %dot_general3A_56 {dimension_numbers = #tpu.dot_dimension_numbers<[1], [1], [0], [0], [0, 0, 1, 0], [], []>, transpose_lhs_hint = false} : vector<2048x64xf32>, vector<64x64xf32>, vector<2048x64xf32> -> vector<2048x64xf32>
    %get3A_58 = arith.constant 0 : index
    %get3A_59 = arith.constant 0 : index
    %get3A_60 = vector.load %arg11[%get3A_58, %get3A_59] : memref<1x64xf32, #tpu.memory_space<vmem>>, vector<1x64xf32>
    %add3A_61 = vector.broadcast %get3A_60 : vector<1x64xf32> to vector<2048x64xf32>
    %add3A_62 = arith.addf %dot_general3A_57, %add3A_61 : vector<2048x64xf32>
    %mul3A = arith.constant 1.250000e-01 : f32
    %mul3A_63 = vector.broadcast %mul3A : f32 to vector<2048x64xf32>
    %mul3A_64 = arith.mulf %add3A_62, %mul3A_63 : vector<2048x64xf32>
    %add3A_65 = arith.addf %bitcast_convert_type3A_27, %add3A_43 : vector<2048x64xf32>
    %slice3A_66 = vector.extract_strided_slice %mul3A_64 {offsets = [0, 0], sizes = [128, 64], strides = [1, 1]} : vector<2048x64xf32> to vector<128x64xf32>
    %slice3A_67 = vector.extract_strided_slice %mul3A_64 {offsets = [128, 0], sizes = [128, 64], strides = [1, 1]} : vector<2048x64xf32> to vector<128x64xf32>
    %slice3A_68 = vector.extract_strided_slice %mul3A_64 {offsets = [256, 0], sizes = [128, 64], strides = [1, 1]} : vector<2048x64xf32> to vector<128x64xf32>
    %slice3A_69 = vector.extract_strided_slice %mul3A_64 {offsets = [384, 0], sizes = [128, 64], strides = [1, 1]} : vector<2048x64xf32> to vector<128x64xf32>
    %slice3A_70 = vector.extract_strided_slice %mul3A_64 {offsets = [512, 0], sizes = [128, 64], strides = [1, 1]} : vector<2048x64xf32> to vector<128x64xf32>
    %slice3A_71 = vector.extract_strided_slice %mul3A_64 {offsets = [640, 0], sizes = [128, 64], strides = [1, 1]} : vector<2048x64xf32> to vector<128x64xf32>
    %slice3A_72 = vector.extract_strided_slice %mul3A_64 {offsets = [768, 0], sizes = [128, 64], strides = [1, 1]} : vector<2048x64xf32> to vector<128x64xf32>
    %slice3A_73 = vector.extract_strided_slice %mul3A_64 {offsets = [896, 0], sizes = [128, 64], strides = [1, 1]} : vector<2048x64xf32> to vector<128x64xf32>
    %slice3A_74 = vector.extract_strided_slice %mul3A_64 {offsets = [1024, 0], sizes = [128, 64], strides = [1, 1]} : vector<2048x64xf32> to vector<128x64xf32>
    %slice3A_75 = vector.extract_strided_slice %mul3A_64 {offsets = [1152, 0], sizes = [128, 64], strides = [1, 1]} : vector<2048x64xf32> to vector<128x64xf32>
    %slice3A_76 = vector.extract_strided_slice %mul3A_64 {offsets = [1280, 0], sizes = [128, 64], strides = [1, 1]} : vector<2048x64xf32> to vector<128x64xf32>
    %slice3A_77 = vector.extract_strided_slice %mul3A_64 {offsets = [1408, 0], sizes = [128, 64], strides = [1, 1]} : vector<2048x64xf32> to vector<128x64xf32>
    %slice3A_78 = vector.extract_strided_slice %mul3A_64 {offsets = [1536, 0], sizes = [128, 64], strides = [1, 1]} : vector<2048x64xf32> to vector<128x64xf32>
    %slice3A_79 = vector.extract_strided_slice %mul3A_64 {offsets = [1664, 0], sizes = [128, 64], strides = [1, 1]} : vector<2048x64xf32> to vector<128x64xf32>
    %slice3A_80 = vector.extract_strided_slice %mul3A_64 {offsets = [1792, 0], sizes = [128, 64], strides = [1, 1]} : vector<2048x64xf32> to vector<128x64xf32>
    %slice3A_81 = vector.extract_strided_slice %mul3A_64 {offsets = [1920, 0], sizes = [128, 64], strides = [1, 1]} : vector<2048x64xf32> to vector<128x64xf32>
    %max3A_82 = arith.maximumf %slice3A_66, %slice3A_67 : vector<128x64xf32>
    %max3A_83 = arith.maximumf %max3A_82, %slice3A_68 : vector<128x64xf32>
    %max3A_84 = arith.maximumf %max3A_83, %slice3A_69 : vector<128x64xf32>
    %max3A_85 = arith.maximumf %max3A_84, %slice3A_70 : vector<128x64xf32>
    %max3A_86 = arith.maximumf %max3A_85, %slice3A_71 : vector<128x64xf32>
    %max3A_87 = arith.maximumf %max3A_86, %slice3A_72 : vector<128x64xf32>
    %max3A_88 = arith.maximumf %max3A_87, %slice3A_73 : vector<128x64xf32>
    %max3A_89 = arith.maximumf %max3A_88, %slice3A_74 : vector<128x64xf32>
    %max3A_90 = arith.maximumf %max3A_89, %slice3A_75 : vector<128x64xf32>
    %max3A_91 = arith.maximumf %max3A_90, %slice3A_76 : vector<128x64xf32>
    %max3A_92 = arith.maximumf %max3A_91, %slice3A_77 : vector<128x64xf32>
    %max3A_93 = arith.maximumf %max3A_92, %slice3A_78 : vector<128x64xf32>
    %max3A_94 = arith.maximumf %max3A_93, %slice3A_79 : vector<128x64xf32>
    %max3A_95 = arith.maximumf %max3A_94, %slice3A_80 : vector<128x64xf32>
    %max3A_96 = arith.maximumf %max3A_95, %slice3A_81 : vector<128x64xf32>
    %sub3A_97 = arith.subf %slice3A_66, %max3A_96 : vector<128x64xf32>
    %exp3A = math.exp %sub3A_97 : vector<128x64xf32>
    %sub3A_98 = arith.subf %slice3A_67, %max3A_96 : vector<128x64xf32>
    %exp3A_99 = math.exp %sub3A_98 : vector<128x64xf32>
    %sub3A_100 = arith.subf %slice3A_68, %max3A_96 : vector<128x64xf32>
    %exp3A_101 = math.exp %sub3A_100 : vector<128x64xf32>
    %sub3A_102 = arith.subf %slice3A_69, %max3A_96 : vector<128x64xf32>
    %exp3A_103 = math.exp %sub3A_102 : vector<128x64xf32>
    %sub3A_104 = arith.subf %slice3A_70, %max3A_96 : vector<128x64xf32>
    %exp3A_105 = math.exp %sub3A_104 : vector<128x64xf32>
    %sub3A_106 = arith.subf %slice3A_71, %max3A_96 : vector<128x64xf32>
    %exp3A_107 = math.exp %sub3A_106 : vector<128x64xf32>
    %sub3A_108 = arith.subf %slice3A_72, %max3A_96 : vector<128x64xf32>
    %exp3A_109 = math.exp %sub3A_108 : vector<128x64xf32>
    %sub3A_110 = arith.subf %slice3A_73, %max3A_96 : vector<128x64xf32>
    %exp3A_111 = math.exp %sub3A_110 : vector<128x64xf32>
    %sub3A_112 = arith.subf %slice3A_74, %max3A_96 : vector<128x64xf32>
    %exp3A_113 = math.exp %sub3A_112 : vector<128x64xf32>
    %sub3A_114 = arith.subf %slice3A_75, %max3A_96 : vector<128x64xf32>
    %exp3A_115 = math.exp %sub3A_114 : vector<128x64xf32>
    %sub3A_116 = arith.subf %slice3A_76, %max3A_96 : vector<128x64xf32>
    %exp3A_117 = math.exp %sub3A_116 : vector<128x64xf32>
    %sub3A_118 = arith.subf %slice3A_77, %max3A_96 : vector<128x64xf32>
    %exp3A_119 = math.exp %sub3A_118 : vector<128x64xf32>
    %sub3A_120 = arith.subf %slice3A_78, %max3A_96 : vector<128x64xf32>
    %exp3A_121 = math.exp %sub3A_120 : vector<128x64xf32>
    %sub3A_122 = arith.subf %slice3A_79, %max3A_96 : vector<128x64xf32>
    %exp3A_123 = math.exp %sub3A_122 : vector<128x64xf32>
    %sub3A_124 = arith.subf %slice3A_80, %max3A_96 : vector<128x64xf32>
    %exp3A_125 = math.exp %sub3A_124 : vector<128x64xf32>
    %sub3A_126 = arith.subf %slice3A_81, %max3A_96 : vector<128x64xf32>
    %exp3A_127 = math.exp %sub3A_126 : vector<128x64xf32>
    %add3A_128 = arith.addf %exp3A, %exp3A_99 : vector<128x64xf32>
    %add3A_129 = arith.addf %add3A_128, %exp3A_101 : vector<128x64xf32>
    %add3A_130 = arith.addf %add3A_129, %exp3A_103 : vector<128x64xf32>
    %add3A_131 = arith.addf %add3A_130, %exp3A_105 : vector<128x64xf32>
    %add3A_132 = arith.addf %add3A_131, %exp3A_107 : vector<128x64xf32>
    %add3A_133 = arith.addf %add3A_132, %exp3A_109 : vector<128x64xf32>
    %add3A_134 = arith.addf %add3A_133, %exp3A_111 : vector<128x64xf32>
    %add3A_135 = arith.addf %add3A_134, %exp3A_113 : vector<128x64xf32>
    %add3A_136 = arith.addf %add3A_135, %exp3A_115 : vector<128x64xf32>
    %add3A_137 = arith.addf %add3A_136, %exp3A_117 : vector<128x64xf32>
    %add3A_138 = arith.addf %add3A_137, %exp3A_119 : vector<128x64xf32>
    %add3A_139 = arith.addf %add3A_138, %exp3A_121 : vector<128x64xf32>
    %add3A_140 = arith.addf %add3A_139, %exp3A_123 : vector<128x64xf32>
    %add3A_141 = arith.addf %add3A_140, %exp3A_125 : vector<128x64xf32>
    %add3A_142 = arith.addf %add3A_141, %exp3A_127 : vector<128x64xf32>
    %broadcast_in_dim3A_143 = arith.constant 0.000000e+00 : f32
    %broadcast_in_dim3A_144 = vector.broadcast %broadcast_in_dim3A_143 : f32 to vector<128x64xf32>
    %slice3A_145 = vector.extract_strided_slice %add3A_65 {offsets = [0, 0], sizes = [128, 64], strides = [1, 1]} : vector<2048x64xf32> to vector<128x64xf32>
    %mul3A_146 = arith.mulf %exp3A, %slice3A_145 : vector<128x64xf32>
    %add3A_147 = arith.addf %broadcast_in_dim3A_144, %mul3A_146 : vector<128x64xf32>
    %slice3A_148 = vector.extract_strided_slice %add3A_65 {offsets = [128, 0], sizes = [128, 64], strides = [1, 1]} : vector<2048x64xf32> to vector<128x64xf32>
    %mul3A_149 = arith.mulf %exp3A_99, %slice3A_148 : vector<128x64xf32>
    %add3A_150 = arith.addf %add3A_147, %mul3A_149 : vector<128x64xf32>
    %slice3A_151 = vector.extract_strided_slice %add3A_65 {offsets = [256, 0], sizes = [128, 64], strides = [1, 1]} : vector<2048x64xf32> to vector<128x64xf32>
    %mul3A_152 = arith.mulf %exp3A_101, %slice3A_151 : vector<128x64xf32>
    %add3A_153 = arith.addf %add3A_150, %mul3A_152 : vector<128x64xf32>
    %slice3A_154 = vector.extract_strided_slice %add3A_65 {offsets = [384, 0], sizes = [128, 64], strides = [1, 1]} : vector<2048x64xf32> to vector<128x64xf32>
    %mul3A_155 = arith.mulf %exp3A_103, %slice3A_154 : vector<128x64xf32>
    %add3A_156 = arith.addf %add3A_153, %mul3A_155 : vector<128x64xf32>
    %slice3A_157 = vector.extract_strided_slice %add3A_65 {offsets = [512, 0], sizes = [128, 64], strides = [1, 1]} : vector<2048x64xf32> to vector<128x64xf32>
    %mul3A_158 = arith.mulf %exp3A_105, %slice3A_157 : vector<128x64xf32>
    %add3A_159 = arith.addf %add3A_156, %mul3A_158 : vector<128x64xf32>
    %slice3A_160 = vector.extract_strided_slice %add3A_65 {offsets = [640, 0], sizes = [128, 64], strides = [1, 1]} : vector<2048x64xf32> to vector<128x64xf32>
    %mul3A_161 = arith.mulf %exp3A_107, %slice3A_160 : vector<128x64xf32>
    %add3A_162 = arith.addf %add3A_159, %mul3A_161 : vector<128x64xf32>
    %slice3A_163 = vector.extract_strided_slice %add3A_65 {offsets = [768, 0], sizes = [128, 64], strides = [1, 1]} : vector<2048x64xf32> to vector<128x64xf32>
    %mul3A_164 = arith.mulf %exp3A_109, %slice3A_163 : vector<128x64xf32>
    %add3A_165 = arith.addf %add3A_162, %mul3A_164 : vector<128x64xf32>
    %slice3A_166 = vector.extract_strided_slice %add3A_65 {offsets = [896, 0], sizes = [128, 64], strides = [1, 1]} : vector<2048x64xf32> to vector<128x64xf32>
    %mul3A_167 = arith.mulf %exp3A_111, %slice3A_166 : vector<128x64xf32>
    %add3A_168 = arith.addf %add3A_165, %mul3A_167 : vector<128x64xf32>
    %slice3A_169 = vector.extract_strided_slice %add3A_65 {offsets = [1024, 0], sizes = [128, 64], strides = [1, 1]} : vector<2048x64xf32> to vector<128x64xf32>
    %mul3A_170 = arith.mulf %exp3A_113, %slice3A_169 : vector<128x64xf32>
    %add3A_171 = arith.addf %add3A_168, %mul3A_170 : vector<128x64xf32>
    %slice3A_172 = vector.extract_strided_slice %add3A_65 {offsets = [1152, 0], sizes = [128, 64], strides = [1, 1]} : vector<2048x64xf32> to vector<128x64xf32>
    %mul3A_173 = arith.mulf %exp3A_115, %slice3A_172 : vector<128x64xf32>
    %add3A_174 = arith.addf %add3A_171, %mul3A_173 : vector<128x64xf32>
    %slice3A_175 = vector.extract_strided_slice %add3A_65 {offsets = [1280, 0], sizes = [128, 64], strides = [1, 1]} : vector<2048x64xf32> to vector<128x64xf32>
    %mul3A_176 = arith.mulf %exp3A_117, %slice3A_175 : vector<128x64xf32>
    %add3A_177 = arith.addf %add3A_174, %mul3A_176 : vector<128x64xf32>
    %slice3A_178 = vector.extract_strided_slice %add3A_65 {offsets = [1408, 0], sizes = [128, 64], strides = [1, 1]} : vector<2048x64xf32> to vector<128x64xf32>
    %mul3A_179 = arith.mulf %exp3A_119, %slice3A_178 : vector<128x64xf32>
    %add3A_180 = arith.addf %add3A_177, %mul3A_179 : vector<128x64xf32>
    %slice3A_181 = vector.extract_strided_slice %add3A_65 {offsets = [1536, 0], sizes = [128, 64], strides = [1, 1]} : vector<2048x64xf32> to vector<128x64xf32>
    %mul3A_182 = arith.mulf %exp3A_121, %slice3A_181 : vector<128x64xf32>
    %add3A_183 = arith.addf %add3A_180, %mul3A_182 : vector<128x64xf32>
    %slice3A_184 = vector.extract_strided_slice %add3A_65 {offsets = [1664, 0], sizes = [128, 64], strides = [1, 1]} : vector<2048x64xf32> to vector<128x64xf32>
    %mul3A_185 = arith.mulf %exp3A_123, %slice3A_184 : vector<128x64xf32>
    %add3A_186 = arith.addf %add3A_183, %mul3A_185 : vector<128x64xf32>
    %slice3A_187 = vector.extract_strided_slice %add3A_65 {offsets = [1792, 0], sizes = [128, 64], strides = [1, 1]} : vector<2048x64xf32> to vector<128x64xf32>
    %mul3A_188 = arith.mulf %exp3A_125, %slice3A_187 : vector<128x64xf32>
    %add3A_189 = arith.addf %add3A_186, %mul3A_188 : vector<128x64xf32>
    %slice3A_190 = vector.extract_strided_slice %add3A_65 {offsets = [1920, 0], sizes = [128, 64], strides = [1, 1]} : vector<2048x64xf32> to vector<128x64xf32>
    %mul3A_191 = arith.mulf %exp3A_127, %slice3A_190 : vector<128x64xf32>
    %add3A_192 = arith.addf %add3A_189, %mul3A_191 : vector<128x64xf32>
    %div3A = arith.divf %add3A_192, %add3A_142 : vector<128x64xf32>
    %get3A_193 = arith.constant 0 : index
    %get3A_194 = arith.constant 0 : index
    %get3A_195 = vector.load %arg12[%get3A_193, %get3A_194] : memref<64x64xf32, #tpu.memory_space<vmem>>, vector<64x64xf32>
    %dot_general3A_196 = arith.constant dense<0.000000e+00> : vector<128x64xf32>
    %dot_general3A_197 = tpu.matmul %div3A, %get3A_195, %dot_general3A_196 {dimension_numbers = #tpu.dot_dimension_numbers<[1], [1], [0], [0], [0, 0, 1, 0], [], []>, transpose_lhs_hint = false} : vector<128x64xf32>, vector<64x64xf32>, vector<128x64xf32> -> vector<128x64xf32>
    %get3A_198 = arith.constant 0 : index
    %get3A_199 = arith.constant 0 : index
    %get3A_200 = vector.load %arg13[%get3A_198, %get3A_199] : memref<1x64xf32, #tpu.memory_space<vmem>>, vector<1x64xf32>
    %add3A_201 = vector.broadcast %get3A_200 : vector<1x64xf32> to vector<128x64xf32>
    %add3A_202 = arith.addf %dot_general3A_197, %add3A_201 : vector<128x64xf32>
    %get3A_203 = arith.constant 0 : index
    %get3A_204 = arith.constant 0 : index
    %get3A_205 = vector.load %arg4[%get3A_203, %get3A_204] : memref<128x64xf32, #tpu.memory_space<vmem>>, vector<128x64xf32>
    %add3A_206 = arith.addf %add3A_202, %get3A_205 : vector<128x64xf32>
    %swap3A = arith.constant 0 : index
    %swap3A_207 = arith.constant 0 : index
    %swap3A_208 = vector.load %arg14[%swap3A, %swap3A_207] : memref<128x64xf32, #tpu.memory_space<vmem>>, vector<128x64xf32>
    tpu.vector_store %arg14[%swap3A, %swap3A_207], %add3A_206 {strides = array<i32>} : memref<128x64xf32, #tpu.memory_space<vmem>>, vector<128x64xf32>,
    return
  }
  func.func @transform_0(%arg0: i32) -> (i32, i32, i32) {
    %c0_i32 = arith.constant 0 : i32
    %c0_i32_0 = arith.constant 0 : i32
    %c0_i32_1 = arith.constant 0 : i32
    return %c0_i32, %arg0, %c0_i32_0 : i32, i32, i32
  }
  func.func @transform_1(%arg0: i32) -> (i32, i32) {
    %c0_i32 = arith.constant 0 : i32
    %c0_i32_0 = arith.constant 0 : i32
    return %arg0, %c0_i32 : i32, i32
  }
  func.func @transform_2(%arg0: i32) -> (i32, i32) {
    %c0_i32 = arith.constant 0 : i32
    %c0_i32_0 = arith.constant 0 : i32
    return %arg0, %c0_i32 : i32, i32
  }
  func.func @transform_3(%arg0: i32) -> (i32, i32) {
    %c0_i32 = arith.constant 0 : i32
    %c0_i32_0 = arith.constant 0 : i32
    return %arg0, %c0_i32 : i32, i32
  }
  func.func @transform_4(%arg0: i32) -> (i32, i32) {
    %c0_i32 = arith.constant 0 : i32
    %c0_i32_0 = arith.constant 0 : i32
    %c0_i32_1 = arith.constant 0 : i32
    return %c0_i32, %c0_i32_0 : i32, i32
  }
  func.func @transform_5(%arg0: i32) -> (i32, i32) {
    %c0_i32 = arith.constant 0 : i32
    %c0_i32_0 = arith.constant 0 : i32
    %c0_i32_1 = arith.constant 0 : i32
    return %c0_i32, %c0_i32_0 : i32, i32
  }
  func.func @transform_6(%arg0: i32) -> (i32, i32) {
    %c0_i32 = arith.constant 0 : i32
    %c0_i32_0 = arith.constant 0 : i32
    %c0_i32_1 = arith.constant 0 : i32
    return %c0_i32, %c0_i32_0 : i32, i32
  }
  func.func @transform_7(%arg0: i32) -> (i32, i32) {
    %c0_i32 = arith.constant 0 : i32
    %c0_i32_0 = arith.constant 0 : i32
    %c0_i32_1 = arith.constant 0 : i32
    return %c0_i32, %c0_i32_0 : i32, i32
  }
  func.func @transform_8(%arg0: i32) -> (i32, i32) {
    %c0_i32 = arith.constant 0 : i32
    %c0_i32_0 = arith.constant 0 : i32
    %c0_i32_1 = arith.constant 0 : i32
    return %c0_i32, %c0_i32_0 : i32, i32
  }
  func.func @transform_9(%arg0: i32) -> (i32, i32) {
    %c0_i32 = arith.constant 0 : i32
    %c0_i32_0 = arith.constant 0 : i32
    %c0_i32_1 = arith.constant 0 : i32
    return %c0_i32, %c0_i32_0 : i32, i32
  }
  func.func @transform_10(%arg0: i32) -> (i32, i32) {
    %c0_i32 = arith.constant 0 : i32
    %c0_i32_0 = arith.constant 0 : i32
    %c0_i32_1 = arith.constant 0 : i32
    return %c0_i32, %c0_i32_0 : i32, i32
  }
  func.func @transform_11(%arg0: i32) -> (i32, i32) {
    %c0_i32 = arith.constant 0 : i32
    %c0_i32_0 = arith.constant 0 : i32
    %c0_i32_1 = arith.constant 0 : i32
    return %c0_i32, %c0_i32_0 : i32, i32
  }
  func.func @transform_12(%arg0: i32) -> (i32, i32) {
    %c0_i32 = arith.constant 0 : i32
    %c0_i32_0 = arith.constant 0 : i32
    %c0_i32_1 = arith.constant 0 : i32
    return %c0_i32, %c0_i32_0 : i32, i32
  }
  func.func @transform_13(%arg0: i32) -> (i32, i32) {
    %c0_i32 = arith.constant 0 : i32
    %c0_i32_0 = arith.constant 0 : i32
    return %arg0, %c0_i32 : i32, i32
  }
}

module attributes {stable_mosaic.version = 14 : i64} {
  func.func @_lin_bn_relu_body(%arg0: memref<2048x64xf32, #tpu.memory_space<vmem>>, %arg1: memref<32x64xf32, #tpu.memory_space<vmem>>, %arg2: memref<1x32xf32, #tpu.memory_space<vmem>>, %arg3: memref<1x32xf32, #tpu.memory_space<vmem>>, %arg4: memref<1x32xf32, #tpu.memory_space<vmem>>, %arg5: memref<2048x32xf32, #tpu.memory_space<vmem>>) attributes {dimension_semantics = [], scalar_prefetch = 0 : i64, scratch_operands = 0 : i64, tpu.core_type = #tpu.core_type<tc>} {
    %get3A = arith.constant 0 : index
    %get3A_0 = arith.constant 0 : index
    %get3A_1 = vector.load %arg0[%get3A, %get3A_0] : memref<2048x64xf32, #tpu.memory_space<vmem>>, vector<2048x64xf32>
    %get3A_2 = arith.constant 0 : index
    %get3A_3 = arith.constant 0 : index
    %get3A_4 = vector.load %arg1[%get3A_2, %get3A_3] : memref<32x64xf32, #tpu.memory_space<vmem>>, vector<32x64xf32>
    %dot_general3A = arith.constant dense<0.000000e+00> : vector<2048x32xf32>
    %dot_general3A_5 = tpu.matmul %get3A_1, %get3A_4, %dot_general3A {dimension_numbers = #tpu.dot_dimension_numbers<[1], [1], [0], [0], [0, 0, 1, 0], [], []>, transpose_lhs_hint = false} : vector<2048x64xf32>, vector<32x64xf32>, vector<2048x32xf32> -> vector<2048x32xf32>
    %get3A_6 = arith.constant 0 : index
    %get3A_7 = arith.constant 0 : index
    %get3A_8 = vector.load %arg2[%get3A_6, %get3A_7] : memref<1x32xf32, #tpu.memory_space<vmem>>, vector<1x32xf32>
    %add3A = vector.broadcast %get3A_8 : vector<1x32xf32> to vector<2048x32xf32>
    %add3A_9 = arith.addf %dot_general3A_5, %add3A : vector<2048x32xf32>
    %reduce_sum3A = arith.constant dense<0.000000e+00> : vector<32xf32>
    %reduce_sum3A_10 = vector.multi_reduction <add>, %add3A_9, %reduce_sum3A [0] : vector<2048x32xf32> to vector<32xf32>
    %broadcast_in_dim3A = vector.shape_cast %reduce_sum3A_10 : vector<32xf32> to vector<1x32xf32>
    %div3A = arith.constant 2.048000e+03 : f32
    %div3A_11 = vector.broadcast %div3A : f32 to vector<1x32xf32>
    %div3A_12 = arith.divf %broadcast_in_dim3A, %div3A_11 : vector<1x32xf32>
    %sub3A = vector.broadcast %div3A_12 : vector<1x32xf32> to vector<2048x32xf32>
    %sub3A_13 = arith.subf %add3A_9, %sub3A : vector<2048x32xf32>
    %integer_pow3A = arith.mulf %sub3A_13, %sub3A_13 : vector<2048x32xf32>
    %reduce_sum3A_14 = arith.constant dense<0.000000e+00> : vector<32xf32>
    %reduce_sum3A_15 = vector.multi_reduction <add>, %integer_pow3A, %reduce_sum3A_14 [0] : vector<2048x32xf32> to vector<32xf32>
    %broadcast_in_dim3A_16 = vector.shape_cast %reduce_sum3A_15 : vector<32xf32> to vector<1x32xf32>
    %div3A_17 = arith.constant 2.048000e+03 : f32
    %div3A_18 = vector.broadcast %div3A_17 : f32 to vector<1x32xf32>
    %div3A_19 = arith.divf %broadcast_in_dim3A_16, %div3A_18 : vector<1x32xf32>
    %get3A_20 = arith.constant 0 : index
    %get3A_21 = arith.constant 0 : index
    %get3A_22 = vector.load %arg3[%get3A_20, %get3A_21] : memref<1x32xf32, #tpu.memory_space<vmem>>, vector<1x32xf32>
    %sub3A_23 = vector.broadcast %div3A_12 : vector<1x32xf32> to vector<2048x32xf32>
    %sub3A_24 = arith.subf %add3A_9, %sub3A_23 : vector<2048x32xf32>
    %mul3A = vector.broadcast %get3A_22 : vector<1x32xf32> to vector<2048x32xf32>
    %mul3A_25 = arith.mulf %mul3A, %sub3A_24 : vector<2048x32xf32>
    %add3A_26 = arith.constant 9.99999974E-6 : f32
    %add3A_27 = vector.broadcast %add3A_26 : f32 to vector<1x32xf32>
    %add3A_28 = arith.addf %div3A_19, %add3A_27 : vector<1x32xf32>
    %sqrt3A = math.sqrt %add3A_28 : vector<1x32xf32>
    %div3A_29 = vector.broadcast %sqrt3A : vector<1x32xf32> to vector<2048x32xf32>
    %div3A_30 = arith.divf %mul3A_25, %div3A_29 : vector<2048x32xf32>
    %get3A_31 = arith.constant 0 : index
    %get3A_32 = arith.constant 0 : index
    %get3A_33 = vector.load %arg4[%get3A_31, %get3A_32] : memref<1x32xf32, #tpu.memory_space<vmem>>, vector<1x32xf32>
    %add3A_34 = vector.broadcast %get3A_33 : vector<1x32xf32> to vector<2048x32xf32>
    %add3A_35 = arith.addf %div3A_30, %add3A_34 : vector<2048x32xf32>
    %max3A = arith.constant 0.000000e+00 : f32
    %max3A_36 = vector.broadcast %max3A : f32 to vector<2048x32xf32>
    %max3A_37 = arith.maximumf %add3A_35, %max3A_36 : vector<2048x32xf32>
    %swap3A = arith.constant 0 : index
    %swap3A_38 = arith.constant 0 : index
    %swap3A_39 = vector.load %arg5[%swap3A, %swap3A_38] : memref<2048x32xf32, #tpu.memory_space<vmem>>, vector<2048x32xf32>
    tpu.vector_store %arg5[%swap3A, %swap3A_38], %max3A_37 {strides = array<i32>} : memref<2048x32xf32, #tpu.memory_space<vmem>>, vector<2048x32xf32>,
    return
  }
}

module attributes {stable_mosaic.version = 14 : i64} {
  func.func @_tu_interp_body(%arg0: i32, %arg1: i32, %arg2: memref<256x3xf32, #tpu.memory_space<vmem>>, %arg3: memref<1x3x1024xf32, #tpu.memory_space<vmem>>, %arg4: memref<1x1024x32xf32, #tpu.memory_space<vmem>>, %arg5: memref<256x32xf32, #tpu.memory_space<vmem>>, %arg6: memref<256x32xf32, #tpu.memory_space<vmem>>) attributes {dimension_semantics = [#tpu.dimension_semantics<arbitrary>, #tpu.dimension_semantics<arbitrary>], iteration_bounds = array<i64: 2, 16>, scalar_prefetch = 0 : i64, scratch_operands = 0 : i64, tpu.core_type = #tpu.core_type<tc>, window_params = [{transform_indices = @transform_0, window_bounds = array<i64: 256, 3>}, {transform_indices = @transform_1, window_bounds = array<i64: 1, 3, 1024>}, {transform_indices = @transform_2, window_bounds = array<i64: 1, 1024, 32>}, {transform_indices = @transform_3, window_bounds = array<i64: 256, 32>}, {transform_indices = @transform_4, window_bounds = array<i64: 256, 32>}]} {
    %get3A = arith.constant 0 : index
    %get3A_0 = arith.constant 0 : index
    %get3A_1 = vector.load %arg2[%get3A, %get3A_0] : memref<256x3xf32, #tpu.memory_space<vmem>>, vector<256x3xf32>
    %get3A_2 = arith.constant 0 : index
    %get3A_3 = arith.constant 0 : index
    %get3A_4 = arith.constant 0 : index
    %get3A_5 = vector.load %arg3[%get3A_2, %get3A_3, %get3A_4] : memref<1x3x1024xf32, #tpu.memory_space<vmem>>, vector<1x3x1024xf32>
    %get3A_6 = vector.shape_cast %get3A_5 : vector<1x3x1024xf32> to vector<3x1024xf32>
    %dot_general3A = arith.constant dense<0.000000e+00> : vector<256x1024xf32>
    %dot_general3A_7 = tpu.matmul %get3A_1, %get3A_6, %dot_general3A {dimension_numbers = #tpu.dot_dimension_numbers<[1], [0], [0], [1], [0, 0, 1, 1], [], []>, transpose_lhs_hint = false} : vector<256x3xf32>, vector<3x1024xf32>, vector<256x1024xf32> -> vector<256x1024xf32>
    %slice3A = vector.extract_strided_slice %get3A_1 {offsets = [0, 0], sizes = [256, 1], strides = [1, 1]} : vector<256x3xf32> to vector<256x1xf32>
    %integer_pow3A = arith.mulf %slice3A, %slice3A : vector<256x1xf32>
    %slice3A_8 = vector.extract_strided_slice %get3A_1 {offsets = [0, 1], sizes = [256, 1], strides = [1, 1]} : vector<256x3xf32> to vector<256x1xf32>
    %integer_pow3A_9 = arith.mulf %slice3A_8, %slice3A_8 : vector<256x1xf32>
    %add3A = arith.addf %integer_pow3A, %integer_pow3A_9 : vector<256x1xf32>
    %slice3A_10 = vector.extract_strided_slice %get3A_1 {offsets = [0, 2], sizes = [256, 1], strides = [1, 1]} : vector<256x3xf32> to vector<256x1xf32>
    %integer_pow3A_11 = arith.mulf %slice3A_10, %slice3A_10 : vector<256x1xf32>
    %add3A_12 = arith.addf %add3A, %integer_pow3A_11 : vector<256x1xf32>
    %slice3A_13 = vector.extract_strided_slice %get3A_6 {offsets = [0, 0], sizes = [1, 1024], strides = [1, 1]} : vector<3x1024xf32> to vector<1x1024xf32>
    %integer_pow3A_14 = arith.mulf %slice3A_13, %slice3A_13 : vector<1x1024xf32>
    %slice3A_15 = vector.extract_strided_slice %get3A_6 {offsets = [1, 0], sizes = [1, 1024], strides = [1, 1]} : vector<3x1024xf32> to vector<1x1024xf32>
    %integer_pow3A_16 = arith.mulf %slice3A_15, %slice3A_15 : vector<1x1024xf32>
    %add3A_17 = arith.addf %integer_pow3A_14, %integer_pow3A_16 : vector<1x1024xf32>
    %slice3A_18 = vector.extract_strided_slice %get3A_6 {offsets = [2, 0], sizes = [1, 1024], strides = [1, 1]} : vector<3x1024xf32> to vector<1x1024xf32>
    %integer_pow3A_19 = arith.mulf %slice3A_18, %slice3A_18 : vector<1x1024xf32>
    %add3A_20 = arith.addf %add3A_17, %integer_pow3A_19 : vector<1x1024xf32>
    %mul3A = arith.constant -2.000000e+00 : f32
    %mul3A_21 = vector.broadcast %mul3A : f32 to vector<256x1024xf32>
    %mul3A_22 = arith.mulf %mul3A_21, %dot_general3A_7 : vector<256x1024xf32>
    %add3A_23 = vector.broadcast %add3A_12 : vector<256x1xf32> to vector<256x1024xf32>
    %add3A_24 = arith.addf %mul3A_22, %add3A_23 : vector<256x1024xf32>
    %add3A_25 = vector.broadcast %add3A_20 : vector<1x1024xf32> to vector<256x1024xf32>
    %add3A_26 = arith.addf %add3A_24, %add3A_25 : vector<256x1024xf32>
    %iota3A = tpu.iota {dimensions = array<i32: 1>} : vector<256x1024xi32>
    %reduce_min3A = arith.constant dense<0x7F800000> : vector<256xf32>
    %reduce_min3A_27 = vector.multi_reduction <minimumf>, %add3A_26, %reduce_min3A [1] : vector<256x1024xf32> to vector<256xf32>
    %broadcast_in_dim3A = vector.shape_cast %reduce_min3A_27 : vector<256xf32> to vector<256x1xf32>
    %argmin3A = tpu.reduce_index %add3A_26 {axis = 1 : i32, kind = #tpu.reduction_kind<arg_min>} : vector<256x1024xf32> -> vector<256xi32>
    %broadcast_in_dim3A_28 = vector.shape_cast %argmin3A : vector<256xi32> to vector<256x1xi32>
    %eq3A = vector.broadcast %broadcast_in_dim3A_28 : vector<256x1xi32> to vector<256x1024xi32>
    %eq3A_29 = arith.cmpi eq, %iota3A, %eq3A : vector<256x1024xi32>
    %jit3A = arith.constant 0x7F800000 : f32
    %broadcast_in_dim3A_30 = vector.broadcast %jit3A : f32 to vector<256x1024xf32>
    %select_n3A = arith.select %eq3A_29, %broadcast_in_dim3A_30, %add3A_26 : vector<256x1024xi1>, vector<256x1024xf32>
    %reduce_min3A_31 = arith.constant dense<0x7F800000> : vector<256xf32>
    %reduce_min3A_32 = vector.multi_reduction <minimumf>, %select_n3A, %reduce_min3A_31 [1] : vector<256x1024xf32> to vector<256xf32>
    %broadcast_in_dim3A_33 = vector.shape_cast %reduce_min3A_32 : vector<256xf32> to vector<256x1xf32>
    %argmin3A_34 = tpu.reduce_index %select_n3A {axis = 1 : i32, kind = #tpu.reduction_kind<arg_min>} : vector<256x1024xf32> -> vector<256xi32>
    %broadcast_in_dim3A_35 = vector.shape_cast %argmin3A_34 : vector<256xi32> to vector<256x1xi32>
    %eq3A_36 = vector.broadcast %broadcast_in_dim3A_35 : vector<256x1xi32> to vector<256x1024xi32>
    %eq3A_37 = arith.cmpi eq, %iota3A, %eq3A_36 : vector<256x1024xi32>
    %jit3A_38 = arith.constant 0x7F800000 : f32
    %broadcast_in_dim3A_39 = vector.broadcast %jit3A_38 : f32 to vector<256x1024xf32>
    %select_n3A_40 = arith.select %eq3A_37, %broadcast_in_dim3A_39, %select_n3A : vector<256x1024xi1>, vector<256x1024xf32>
    %reduce_min3A_41 = arith.constant dense<0x7F800000> : vector<256xf32>
    %reduce_min3A_42 = vector.multi_reduction <minimumf>, %select_n3A_40, %reduce_min3A_41 [1] : vector<256x1024xf32> to vector<256xf32>
    %broadcast_in_dim3A_43 = vector.shape_cast %reduce_min3A_42 : vector<256xf32> to vector<256x1xf32>
    %argmin3A_44 = tpu.reduce_index %select_n3A_40 {axis = 1 : i32, kind = #tpu.reduction_kind<arg_min>} : vector<256x1024xf32> -> vector<256xi32>
    %broadcast_in_dim3A_45 = vector.shape_cast %argmin3A_44 : vector<256xi32> to vector<256x1xi32>
    %add3A_46 = arith.constant 9.99999993E-9 : f32
    %add3A_47 = vector.broadcast %add3A_46 : f32 to vector<256x1xf32>
    %add3A_48 = arith.addf %broadcast_in_dim3A, %add3A_47 : vector<256x1xf32>
    %div3A = arith.constant 1.000000e+00 : f32
    %div3A_49 = vector.broadcast %div3A : f32 to vector<256x1xf32>
    %div3A_50 = arith.divf %div3A_49, %add3A_48 : vector<256x1xf32>
    %add3A_51 = arith.constant 9.99999993E-9 : f32
    %add3A_52 = vector.broadcast %add3A_51 : f32 to vector<256x1xf32>
    %add3A_53 = arith.addf %broadcast_in_dim3A_33, %add3A_52 : vector<256x1xf32>
    %div3A_54 = arith.constant 1.000000e+00 : f32
    %div3A_55 = vector.broadcast %div3A_54 : f32 to vector<256x1xf32>
    %div3A_56 = arith.divf %div3A_55, %add3A_53 : vector<256x1xf32>
    %add3A_57 = arith.constant 9.99999993E-9 : f32
    %add3A_58 = vector.broadcast %add3A_57 : f32 to vector<256x1xf32>
    %add3A_59 = arith.addf %broadcast_in_dim3A_43, %add3A_58 : vector<256x1xf32>
    %div3A_60 = arith.constant 1.000000e+00 : f32
    %div3A_61 = vector.broadcast %div3A_60 : f32 to vector<256x1xf32>
    %div3A_62 = arith.divf %div3A_61, %add3A_59 : vector<256x1xf32>
    %add3A_63 = arith.addf %div3A_50, %div3A_56 : vector<256x1xf32>
    %add3A_64 = arith.addf %add3A_63, %div3A_62 : vector<256x1xf32>
    %broadcast_in_dim3A_65 = arith.constant 0.000000e+00 : f32
    %broadcast_in_dim3A_66 = vector.broadcast %broadcast_in_dim3A_65 : f32 to vector<256x1024xf32>
    %eq3A_67 = vector.broadcast %broadcast_in_dim3A_28 : vector<256x1xi32> to vector<256x1024xi32>
    %eq3A_68 = arith.cmpi eq, %iota3A, %eq3A_67 : vector<256x1024xi32>
    %div3A_69 = arith.divf %div3A_50, %add3A_64 : vector<256x1xf32>
    %jit3A_70 = arith.constant 0.000000e+00 : f32
    %broadcast_in_dim3A_71 = vector.shape_cast %div3A_69 : vector<256x1xf32> to vector<256x1xf32>
    %broadcast_in_dim3A_72 = vector.broadcast %broadcast_in_dim3A_71 : vector<256x1xf32> to vector<256x1024xf32>
    %broadcast_in_dim3A_73 = vector.broadcast %jit3A_70 : f32 to vector<256x1024xf32>
    %select_n3A_74 = arith.select %eq3A_68, %broadcast_in_dim3A_72, %broadcast_in_dim3A_73 : vector<256x1024xi1>, vector<256x1024xf32>
    %add3A_75 = arith.addf %broadcast_in_dim3A_66, %select_n3A_74 : vector<256x1024xf32>
    %eq3A_76 = vector.broadcast %broadcast_in_dim3A_35 : vector<256x1xi32> to vector<256x1024xi32>
    %eq3A_77 = arith.cmpi eq, %iota3A, %eq3A_76 : vector<256x1024xi32>
    %div3A_78 = arith.divf %div3A_56, %add3A_64 : vector<256x1xf32>
    %jit3A_79 = arith.constant 0.000000e+00 : f32
    %broadcast_in_dim3A_80 = vector.shape_cast %div3A_78 : vector<256x1xf32> to vector<256x1xf32>
    %broadcast_in_dim3A_81 = vector.broadcast %broadcast_in_dim3A_80 : vector<256x1xf32> to vector<256x1024xf32>
    %broadcast_in_dim3A_82 = vector.broadcast %jit3A_79 : f32 to vector<256x1024xf32>
    %select_n3A_83 = arith.select %eq3A_77, %broadcast_in_dim3A_81, %broadcast_in_dim3A_82 : vector<256x1024xi1>, vector<256x1024xf32>
    %add3A_84 = arith.addf %add3A_75, %select_n3A_83 : vector<256x1024xf32>
    %eq3A_85 = vector.broadcast %broadcast_in_dim3A_45 : vector<256x1xi32> to vector<256x1024xi32>
    %eq3A_86 = arith.cmpi eq, %iota3A, %eq3A_85 : vector<256x1024xi32>
    %div3A_87 = arith.divf %div3A_62, %add3A_64 : vector<256x1xf32>
    %jit3A_88 = arith.constant 0.000000e+00 : f32
    %broadcast_in_dim3A_89 = vector.shape_cast %div3A_87 : vector<256x1xf32> to vector<256x1xf32>
    %broadcast_in_dim3A_90 = vector.broadcast %broadcast_in_dim3A_89 : vector<256x1xf32> to vector<256x1024xf32>
    %broadcast_in_dim3A_91 = vector.broadcast %jit3A_88 : f32 to vector<256x1024xf32>
    %select_n3A_92 = arith.select %eq3A_86, %broadcast_in_dim3A_90, %broadcast_in_dim3A_91 : vector<256x1024xi1>, vector<256x1024xf32>
    %add3A_93 = arith.addf %add3A_84, %select_n3A_92 : vector<256x1024xf32>
    %get3A_94 = arith.constant 0 : index
    %get3A_95 = arith.constant 0 : index
    %get3A_96 = arith.constant 0 : index
    %get3A_97 = vector.load %arg4[%get3A_94, %get3A_95, %get3A_96] : memref<1x1024x32xf32, #tpu.memory_space<vmem>>, vector<1x1024x32xf32>
    %get3A_98 = vector.shape_cast %get3A_97 : vector<1x1024x32xf32> to vector<1024x32xf32>
    %dot_general3A_99 = arith.constant dense<0.000000e+00> : vector<256x32xf32>
    %dot_general3A_100 = tpu.matmul %add3A_93, %get3A_98, %dot_general3A_99 {dimension_numbers = #tpu.dot_dimension_numbers<[1], [0], [0], [1], [0, 0, 1, 1], [], []>, precision = #tpu.contract_precision<fp32>, transpose_lhs_hint = false} : vector<256x1024xf32>, vector<1024x32xf32>, vector<256x32xf32> -> vector<256x32xf32>
    %get3A_101 = arith.constant 0 : index
    %get3A_102 = arith.constant 0 : index
    %get3A_103 = vector.load %arg5[%get3A_101, %get3A_102] : memref<256x32xf32, #tpu.memory_space<vmem>>, vector<256x32xf32>
    %add3A_104 = arith.addf %dot_general3A_100, %get3A_103 : vector<256x32xf32>
    %swap3A = arith.constant 0 : index
    %swap3A_105 = arith.constant 0 : index
    %swap3A_106 = vector.load %arg6[%swap3A, %swap3A_105] : memref<256x32xf32, #tpu.memory_space<vmem>>, vector<256x32xf32>
    tpu.vector_store %arg6[%swap3A, %swap3A_105], %add3A_104 {strides = array<i32>} : memref<256x32xf32, #tpu.memory_space<vmem>>, vector<256x32xf32>,
    return
  }
  func.func @transform_0(%arg0: i32, %arg1: i32) -> (i32, i32) {
    %mul3A = arith.constant 16 : i32
    %mul3A_0 = arith.muli %arg0, %mul3A : i32
    %add3A = arith.addi %mul3A_0, %arg1 : i32
    %c0_i32 = arith.constant 0 : i32
    %c0_i32_1 = arith.constant 0 : i32
    return %add3A, %c0_i32 : i32, i32
  }
  func.func @transform_1(%arg0: i32, %arg1: i32) -> (i32, i32, i32) {
    %c0_i32 = arith.constant 0 : i32
    %c0_i32_0 = arith.constant 0 : i32
    %c0_i32_1 = arith.constant 0 : i32
    return %arg0, %c0_i32, %c0_i32_0 : i32, i32, i32
  }
  func.func @transform_2(%arg0: i32, %arg1: i32) -> (i32, i32, i32) {
    %c0_i32 = arith.constant 0 : i32
    %c0_i32_0 = arith.constant 0 : i32
    %c0_i32_1 = arith.constant 0 : i32
    return %arg0, %c0_i32, %c0_i32_0 : i32, i32, i32
  }
  func.func @transform_3(%arg0: i32, %arg1: i32) -> (i32, i32) {
    %mul3A = arith.constant 16 : i32
    %mul3A_0 = arith.muli %arg0, %mul3A : i32
    %add3A = arith.addi %mul3A_0, %arg1 : i32
    %c0_i32 = arith.constant 0 : i32
    %c0_i32_1 = arith.constant 0 : i32
    return %add3A, %c0_i32 : i32, i32
  }
  func.func @transform_4(%arg0: i32, %arg1: i32) -> (i32, i32) {
    %mul3A = arith.constant 16 : i32
    %mul3A_0 = arith.muli %arg0, %mul3A : i32
    %add3A = arith.addi %mul3A_0, %arg1 : i32
    %c0_i32 = arith.constant 0 : i32
    %c0_i32_1 = arith.constant 0 : i32
    return %add3A, %c0_i32 : i32, i32
  }
}

module attributes {stable_mosaic.version = 14 : i64} {
  func.func @_tf_proj_body(%arg0: memref<8192x32xf32, #tpu.memory_space<vmem>>, %arg1: memref<8192x3xf32, #tpu.memory_space<vmem>>, %arg2: memref<64x32xf32, #tpu.memory_space<vmem>>, %arg3: memref<1x64xf32, #tpu.memory_space<vmem>>, %arg4: memref<64x64xf32, #tpu.memory_space<vmem>>, %arg5: memref<64x64xf32, #tpu.memory_space<vmem>>, %arg6: memref<64x64xf32, #tpu.memory_space<vmem>>, %arg7: memref<64x3xf32, #tpu.memory_space<vmem>>, %arg8: memref<8192x64xf32, #tpu.memory_space<vmem>>, %arg9: memref<8192x128xf32, #tpu.memory_space<vmem>>) attributes {dimension_semantics = [], scalar_prefetch = 0 : i64, scratch_operands = 0 : i64, tpu.core_type = #tpu.core_type<tc>} {
    %get3A = arith.constant 0 : index
    %get3A_0 = arith.constant 0 : index
    %get3A_1 = vector.load %arg0[%get3A, %get3A_0] : memref<8192x32xf32, #tpu.memory_space<vmem>>, vector<8192x32xf32>
    %get3A_2 = arith.constant 0 : index
    %get3A_3 = arith.constant 0 : index
    %get3A_4 = vector.load %arg2[%get3A_2, %get3A_3] : memref<64x32xf32, #tpu.memory_space<vmem>>, vector<64x32xf32>
    %dot_general3A = arith.constant dense<0.000000e+00> : vector<8192x64xf32>
    %dot_general3A_5 = tpu.matmul %get3A_1, %get3A_4, %dot_general3A {dimension_numbers = #tpu.dot_dimension_numbers<[1], [1], [0], [0], [0, 0, 1, 0], [], []>, transpose_lhs_hint = false} : vector<8192x32xf32>, vector<64x32xf32>, vector<8192x64xf32> -> vector<8192x64xf32>
    %get3A_6 = arith.constant 0 : index
    %get3A_7 = arith.constant 0 : index
    %get3A_8 = vector.load %arg3[%get3A_6, %get3A_7] : memref<1x64xf32, #tpu.memory_space<vmem>>, vector<1x64xf32>
    %add3A = vector.broadcast %get3A_8 : vector<1x64xf32> to vector<8192x64xf32>
    %add3A_9 = arith.addf %dot_general3A_5, %add3A : vector<8192x64xf32>
    %get3A_10 = arith.constant 0 : index
    %get3A_11 = arith.constant 0 : index
    %get3A_12 = vector.load %arg4[%get3A_10, %get3A_11] : memref<64x64xf32, #tpu.memory_space<vmem>>, vector<64x64xf32>
    %dot_general3A_13 = arith.constant dense<0.000000e+00> : vector<8192x64xf32>
    %dot_general3A_14 = tpu.matmul %add3A_9, %get3A_12, %dot_general3A_13 {dimension_numbers = #tpu.dot_dimension_numbers<[1], [1], [0], [0], [0, 0, 1, 0], [], []>, transpose_lhs_hint = false} : vector<8192x64xf32>, vector<64x64xf32>, vector<8192x64xf32> -> vector<8192x64xf32>
    %swap3A = arith.constant 0 : index
    %swap3A_15 = arith.constant 0 : index
    %swap3A_16 = vector.load %arg8[%swap3A, %swap3A_15] : memref<8192x64xf32, #tpu.memory_space<vmem>>, vector<8192x64xf32>
    tpu.vector_store %arg8[%swap3A, %swap3A_15], %dot_general3A_14 {strides = array<i32>} : memref<8192x64xf32, #tpu.memory_space<vmem>>, vector<8192x64xf32>,
    %get3A_17 = arith.constant 0 : index
    %get3A_18 = arith.constant 0 : index
    %get3A_19 = vector.load %arg5[%get3A_17, %get3A_18] : memref<64x64xf32, #tpu.memory_space<vmem>>, vector<64x64xf32>
    %dot_general3A_20 = arith.constant dense<0.000000e+00> : vector<8192x64xf32>
    %dot_general3A_21 = tpu.matmul %add3A_9, %get3A_19, %dot_general3A_20 {dimension_numbers = #tpu.dot_dimension_numbers<[1], [1], [0], [0], [0, 0, 1, 0], [], []>, transpose_lhs_hint = false} : vector<8192x64xf32>, vector<64x64xf32>, vector<8192x64xf32> -> vector<8192x64xf32>
    %bitcast_convert_type3A = tpu.bitcast %dot_general3A_21 : vector<8192x64xf32> -> vector<8192x64xi32>
    %get3A_22 = arith.constant 0 : index
    %get3A_23 = arith.constant 0 : index
    %get3A_24 = vector.load %arg6[%get3A_22, %get3A_23] : memref<64x64xf32, #tpu.memory_space<vmem>>, vector<64x64xf32>
    %dot_general3A_25 = arith.constant dense<0.000000e+00> : vector<8192x64xf32>
    %dot_general3A_26 = tpu.matmul %add3A_9, %get3A_24, %dot_general3A_25 {dimension_numbers = #tpu.dot_dimension_numbers<[1], [1], [0], [0], [0, 0, 1, 0], [], []>, transpose_lhs_hint = false} : vector<8192x64xf32>, vector<64x64xf32>, vector<8192x64xf32> -> vector<8192x64xf32>
    %bitcast_convert_type3A_27 = tpu.bitcast %dot_general3A_26 : vector<8192x64xf32> -> vector<8192x64xi32>
    %add3A_28 = arith.constant 32767 : i32
    %add3A_29 = vector.broadcast %add3A_28 : i32 to vector<8192x64xi32>
    %add3A_30 = arith.addi %bitcast_convert_type3A, %add3A_29 : vector<8192x64xi32>
    %shift_right_arithmetic3A = arith.constant 16 : i32
    %shift_right_arithmetic3A_31 = vector.broadcast %shift_right_arithmetic3A : i32 to vector<8192x64xi32>
    %shift_right_arithmetic3A_32 = arith.shrsi %bitcast_convert_type3A, %shift_right_arithmetic3A_31 : vector<8192x64xi32>
    %and3A = arith.constant 1 : i32
    %and3A_33 = vector.broadcast %and3A : i32 to vector<8192x64xi32>
    %and3A_34 = arith.andi %shift_right_arithmetic3A_32, %and3A_33 : vector<8192x64xi32>
    %add3A_35 = arith.addi %add3A_30, %and3A_34 : vector<8192x64xi32>
    %and3A_36 = arith.constant -65536 : i32
    %and3A_37 = vector.broadcast %and3A_36 : i32 to vector<8192x64xi32>
    %and3A_38 = arith.andi %add3A_35, %and3A_37 : vector<8192x64xi32>
    %add3A_39 = arith.constant 32767 : i32
    %add3A_40 = vector.broadcast %add3A_39 : i32 to vector<8192x64xi32>
    %add3A_41 = arith.addi %bitcast_convert_type3A_27, %add3A_40 : vector<8192x64xi32>
    %shift_right_arithmetic3A_42 = arith.constant 16 : i32
    %shift_right_arithmetic3A_43 = vector.broadcast %shift_right_arithmetic3A_42 : i32 to vector<8192x64xi32>
    %shift_right_arithmetic3A_44 = arith.shrsi %bitcast_convert_type3A_27, %shift_right_arithmetic3A_43 : vector<8192x64xi32>
    %and3A_45 = arith.constant 1 : i32
    %and3A_46 = vector.broadcast %and3A_45 : i32 to vector<8192x64xi32>
    %and3A_47 = arith.andi %shift_right_arithmetic3A_44, %and3A_46 : vector<8192x64xi32>
    %add3A_48 = arith.addi %add3A_41, %and3A_47 : vector<8192x64xi32>
    %and3A_49 = arith.constant -65536 : i32
    %and3A_50 = vector.broadcast %and3A_49 : i32 to vector<8192x64xi32>
    %and3A_51 = arith.andi %add3A_48, %and3A_50 : vector<8192x64xi32>
    %shift_right_arithmetic3A_52 = arith.constant 16 : i32
    %shift_right_arithmetic3A_53 = vector.broadcast %shift_right_arithmetic3A_52 : i32 to vector<8192x64xi32>
    %shift_right_arithmetic3A_54 = arith.shrsi %and3A_51, %shift_right_arithmetic3A_53 : vector<8192x64xi32>
    %and3A_55 = arith.constant 65535 : i32
    %and3A_56 = vector.broadcast %and3A_55 : i32 to vector<8192x64xi32>
    %and3A_57 = arith.andi %shift_right_arithmetic3A_54, %and3A_56 : vector<8192x64xi32>
    %or3A = arith.ori %and3A_38, %and3A_57 : vector<8192x64xi32>
    %bitcast_convert_type3A_58 = tpu.bitcast %or3A : vector<8192x64xi32> -> vector<8192x64xf32>
    %swap3A_59 = arith.constant 0 : index
    %swap3A_60 = arith.constant 0 : index
    %swap3A_61 = vector.load %arg9[%swap3A_59, %swap3A_60] : memref<8192x128xf32, #tpu.memory_space<vmem>>, vector<8192x64xf32>
    tpu.vector_store %arg9[%swap3A_59, %swap3A_60], %bitcast_convert_type3A_58 {strides = array<i32>} : memref<8192x128xf32, #tpu.memory_space<vmem>>, vector<8192x64xf32>,
    %get3A_62 = arith.constant 0 : index
    %get3A_63 = arith.constant 0 : index
    %get3A_64 = vector.load %arg1[%get3A_62, %get3A_63] : memref<8192x3xf32, #tpu.memory_space<vmem>>, vector<8192x3xf32>
    %get3A_65 = arith.constant 0 : index
    %get3A_66 = arith.constant 0 : index
    %get3A_67 = vector.load %arg7[%get3A_65, %get3A_66] : memref<64x3xf32, #tpu.memory_space<vmem>>, vector<64x3xf32>
    %dot_general3A_68 = arith.constant dense<0.000000e+00> : vector<8192x64xf32>
    %dot_general3A_69 = tpu.matmul %get3A_64, %get3A_67, %dot_general3A_68 {dimension_numbers = #tpu.dot_dimension_numbers<[1], [1], [0], [0], [0, 0, 1, 0], [], []>, precision = #tpu.contract_precision<fp32>, transpose_lhs_hint = false} : vector<8192x3xf32>, vector<64x3xf32>, vector<8192x64xf32> -> vector<8192x64xf32>
    %swap3A_70 = arith.constant 0 : index
    %swap3A_71 = arith.constant 64 : index
    %swap3A_72 = vector.load %arg9[%swap3A_70, %swap3A_71] : memref<8192x128xf32, #tpu.memory_space<vmem>>, vector<8192x64xf32>
    tpu.vector_store %arg9[%swap3A_70, %swap3A_71], %dot_general3A_69 {strides = array<i32>} : memref<8192x128xf32, #tpu.memory_space<vmem>>, vector<8192x64xf32>,
    return
  }
}

module attributes {stable_mosaic.version = 14 : i64} {
  func.func @_topk_body(%arg0: i32, %arg1: memref<256x3xf32, #tpu.memory_space<vmem>>, %arg2: memref<1x3x4096xf32, #tpu.memory_space<vmem>>, %arg3: memref<256x16xi32, #tpu.memory_space<vmem>>) attributes {dimension_semantics = [#tpu.dimension_semantics<arbitrary>], iteration_bounds = array<i64: 16>, scalar_prefetch = 0 : i64, scratch_operands = 0 : i64, tpu.core_type = #tpu.core_type<tc>, window_params = [{transform_indices = @transform_0, window_bounds = array<i64: 256, 3>}, {pipeline_mode = #tpu.pipeline_mode<synchronous>, transform_indices = @transform_1, window_bounds = array<i64: 1, 3, 4096>}, {transform_indices = @transform_2, window_bounds = array<i64: 256, 16>}]} {
    %get3A = arith.constant 0 : index
    %get3A_0 = arith.constant 0 : index
    %get3A_1 = vector.load %arg1[%get3A, %get3A_0] : memref<256x3xf32, #tpu.memory_space<vmem>>, vector<256x3xf32>
    %get3A_2 = arith.constant 0 : index
    %get3A_3 = arith.constant 0 : index
    %get3A_4 = arith.constant 0 : index
    %get3A_5 = vector.load %arg2[%get3A_2, %get3A_3, %get3A_4] : memref<1x3x4096xf32, #tpu.memory_space<vmem>>, vector<1x3x4096xf32>
    %get3A_6 = vector.shape_cast %get3A_5 : vector<1x3x4096xf32> to vector<3x4096xf32>
    %dot_general3A = arith.constant dense<0.000000e+00> : vector<256x4096xf32>
    %dot_general3A_7 = tpu.matmul %get3A_1, %get3A_6, %dot_general3A {dimension_numbers = #tpu.dot_dimension_numbers<[1], [0], [0], [1], [0, 0, 1, 1], [], []>, transpose_lhs_hint = false} : vector<256x3xf32>, vector<3x4096xf32>, vector<256x4096xf32> -> vector<256x4096xf32>
    %slice3A = vector.extract_strided_slice %get3A_1 {offsets = [0, 0], sizes = [256, 1], strides = [1, 1]} : vector<256x3xf32> to vector<256x1xf32>
    %integer_pow3A = arith.mulf %slice3A, %slice3A : vector<256x1xf32>
    %slice3A_8 = vector.extract_strided_slice %get3A_1 {offsets = [0, 1], sizes = [256, 1], strides = [1, 1]} : vector<256x3xf32> to vector<256x1xf32>
    %integer_pow3A_9 = arith.mulf %slice3A_8, %slice3A_8 : vector<256x1xf32>
    %add3A = arith.addf %integer_pow3A, %integer_pow3A_9 : vector<256x1xf32>
    %slice3A_10 = vector.extract_strided_slice %get3A_1 {offsets = [0, 2], sizes = [256, 1], strides = [1, 1]} : vector<256x3xf32> to vector<256x1xf32>
    %integer_pow3A_11 = arith.mulf %slice3A_10, %slice3A_10 : vector<256x1xf32>
    %add3A_12 = arith.addf %add3A, %integer_pow3A_11 : vector<256x1xf32>
    %slice3A_13 = vector.extract_strided_slice %get3A_6 {offsets = [0, 0], sizes = [1, 4096], strides = [1, 1]} : vector<3x4096xf32> to vector<1x4096xf32>
    %integer_pow3A_14 = arith.mulf %slice3A_13, %slice3A_13 : vector<1x4096xf32>
    %slice3A_15 = vector.extract_strided_slice %get3A_6 {offsets = [1, 0], sizes = [1, 4096], strides = [1, 1]} : vector<3x4096xf32> to vector<1x4096xf32>
    %integer_pow3A_16 = arith.mulf %slice3A_15, %slice3A_15 : vector<1x4096xf32>
    %add3A_17 = arith.addf %integer_pow3A_14, %integer_pow3A_16 : vector<1x4096xf32>
    %slice3A_18 = vector.extract_strided_slice %get3A_6 {offsets = [2, 0], sizes = [1, 4096], strides = [1, 1]} : vector<3x4096xf32> to vector<1x4096xf32>
    %integer_pow3A_19 = arith.mulf %slice3A_18, %slice3A_18 : vector<1x4096xf32>
    %add3A_20 = arith.addf %add3A_17, %integer_pow3A_19 : vector<1x4096xf32>
    %mul3A = arith.constant -2.000000e+00 : f32
    %mul3A_21 = vector.broadcast %mul3A : f32 to vector<256x4096xf32>
    %mul3A_22 = arith.mulf %mul3A_21, %dot_general3A_7 : vector<256x4096xf32>
    %add3A_23 = vector.broadcast %add3A_12 : vector<256x1xf32> to vector<256x4096xf32>
    %add3A_24 = arith.addf %mul3A_22, %add3A_23 : vector<256x4096xf32>
    %add3A_25 = vector.broadcast %add3A_20 : vector<1x4096xf32> to vector<256x4096xf32>
    %add3A_26 = arith.addf %add3A_24, %add3A_25 : vector<256x4096xf32>
    %iota3A = tpu.iota {dimensions = array<i32: 1>} : vector<256x4096xi32>
    %iota3A_27 = tpu.iota {dimensions = array<i32: 1>} : vector<256x16xi32>
    %broadcast_in_dim3A = arith.constant 0 : i32
    %broadcast_in_dim3A_28 = vector.broadcast %broadcast_in_dim3A : i32 to vector<256x16xi32>
    %argmin3A = tpu.reduce_index %add3A_26 {axis = 1 : i32, kind = #tpu.reduction_kind<arg_min>} : vector<256x4096xf32> -> vector<256xi32>
    %broadcast_in_dim3A_29 = vector.shape_cast %argmin3A : vector<256xi32> to vector<256x1xi32>
    %eq3A = arith.constant 0 : i32
    %eq3A_30 = vector.broadcast %eq3A : i32 to vector<256x16xi32>
    %eq3A_31 = arith.cmpi eq, %iota3A_27, %eq3A_30 : vector<256x16xi32>
    %broadcast_in_dim3A_32 = vector.shape_cast %broadcast_in_dim3A_29 : vector<256x1xi32> to vector<256x1xi32>
    %broadcast_in_dim3A_33 = vector.broadcast %broadcast_in_dim3A_32 : vector<256x1xi32> to vector<256x16xi32>
    %select_n3A = arith.select %eq3A_31, %broadcast_in_dim3A_33, %broadcast_in_dim3A_28 : vector<256x16xi1>, vector<256x16xi32>
    %eq3A_34 = vector.broadcast %broadcast_in_dim3A_29 : vector<256x1xi32> to vector<256x4096xi32>
    %eq3A_35 = arith.cmpi eq, %iota3A, %eq3A_34 : vector<256x4096xi32>
    %jit3A = arith.constant 0x7F800000 : f32
    %broadcast_in_dim3A_36 = vector.broadcast %jit3A : f32 to vector<256x4096xf32>
    %select_n3A_37 = arith.select %eq3A_35, %broadcast_in_dim3A_36, %add3A_26 : vector<256x4096xi1>, vector<256x4096xf32>
    %argmin3A_38 = tpu.reduce_index %select_n3A_37 {axis = 1 : i32, kind = #tpu.reduction_kind<arg_min>} : vector<256x4096xf32> -> vector<256xi32>
    %broadcast_in_dim3A_39 = vector.shape_cast %argmin3A_38 : vector<256xi32> to vector<256x1xi32>
    %eq3A_40 = arith.constant 1 : i32
    %eq3A_41 = vector.broadcast %eq3A_40 : i32 to vector<256x16xi32>
    %eq3A_42 = arith.cmpi eq, %iota3A_27, %eq3A_41 : vector<256x16xi32>
    %broadcast_in_dim3A_43 = vector.shape_cast %broadcast_in_dim3A_39 : vector<256x1xi32> to vector<256x1xi32>
    %broadcast_in_dim3A_44 = vector.broadcast %broadcast_in_dim3A_43 : vector<256x1xi32> to vector<256x16xi32>
    %select_n3A_45 = arith.select %eq3A_42, %broadcast_in_dim3A_44, %select_n3A : vector<256x16xi1>, vector<256x16xi32>
    %eq3A_46 = vector.broadcast %broadcast_in_dim3A_39 : vector<256x1xi32> to vector<256x4096xi32>
    %eq3A_47 = arith.cmpi eq, %iota3A, %eq3A_46 : vector<256x4096xi32>
    %jit3A_48 = arith.constant 0x7F800000 : f32
    %broadcast_in_dim3A_49 = vector.broadcast %jit3A_48 : f32 to vector<256x4096xf32>
    %select_n3A_50 = arith.select %eq3A_47, %broadcast_in_dim3A_49, %select_n3A_37 : vector<256x4096xi1>, vector<256x4096xf32>
    %argmin3A_51 = tpu.reduce_index %select_n3A_50 {axis = 1 : i32, kind = #tpu.reduction_kind<arg_min>} : vector<256x4096xf32> -> vector<256xi32>
    %broadcast_in_dim3A_52 = vector.shape_cast %argmin3A_51 : vector<256xi32> to vector<256x1xi32>
    %eq3A_53 = arith.constant 2 : i32
    %eq3A_54 = vector.broadcast %eq3A_53 : i32 to vector<256x16xi32>
    %eq3A_55 = arith.cmpi eq, %iota3A_27, %eq3A_54 : vector<256x16xi32>
    %broadcast_in_dim3A_56 = vector.shape_cast %broadcast_in_dim3A_52 : vector<256x1xi32> to vector<256x1xi32>
    %broadcast_in_dim3A_57 = vector.broadcast %broadcast_in_dim3A_56 : vector<256x1xi32> to vector<256x16xi32>
    %select_n3A_58 = arith.select %eq3A_55, %broadcast_in_dim3A_57, %select_n3A_45 : vector<256x16xi1>, vector<256x16xi32>
    %eq3A_59 = vector.broadcast %broadcast_in_dim3A_52 : vector<256x1xi32> to vector<256x4096xi32>
    %eq3A_60 = arith.cmpi eq, %iota3A, %eq3A_59 : vector<256x4096xi32>
    %jit3A_61 = arith.constant 0x7F800000 : f32
    %broadcast_in_dim3A_62 = vector.broadcast %jit3A_61 : f32 to vector<256x4096xf32>
    %select_n3A_63 = arith.select %eq3A_60, %broadcast_in_dim3A_62, %select_n3A_50 : vector<256x4096xi1>, vector<256x4096xf32>
    %argmin3A_64 = tpu.reduce_index %select_n3A_63 {axis = 1 : i32, kind = #tpu.reduction_kind<arg_min>} : vector<256x4096xf32> -> vector<256xi32>
    %broadcast_in_dim3A_65 = vector.shape_cast %argmin3A_64 : vector<256xi32> to vector<256x1xi32>
    %eq3A_66 = arith.constant 3 : i32
    %eq3A_67 = vector.broadcast %eq3A_66 : i32 to vector<256x16xi32>
    %eq3A_68 = arith.cmpi eq, %iota3A_27, %eq3A_67 : vector<256x16xi32>
    %broadcast_in_dim3A_69 = vector.shape_cast %broadcast_in_dim3A_65 : vector<256x1xi32> to vector<256x1xi32>
    %broadcast_in_dim3A_70 = vector.broadcast %broadcast_in_dim3A_69 : vector<256x1xi32> to vector<256x16xi32>
    %select_n3A_71 = arith.select %eq3A_68, %broadcast_in_dim3A_70, %select_n3A_58 : vector<256x16xi1>, vector<256x16xi32>
    %eq3A_72 = vector.broadcast %broadcast_in_dim3A_65 : vector<256x1xi32> to vector<256x4096xi32>
    %eq3A_73 = arith.cmpi eq, %iota3A, %eq3A_72 : vector<256x4096xi32>
    %jit3A_74 = arith.constant 0x7F800000 : f32
    %broadcast_in_dim3A_75 = vector.broadcast %jit3A_74 : f32 to vector<256x4096xf32>
    %select_n3A_76 = arith.select %eq3A_73, %broadcast_in_dim3A_75, %select_n3A_63 : vector<256x4096xi1>, vector<256x4096xf32>
    %argmin3A_77 = tpu.reduce_index %select_n3A_76 {axis = 1 : i32, kind = #tpu.reduction_kind<arg_min>} : vector<256x4096xf32> -> vector<256xi32>
    %broadcast_in_dim3A_78 = vector.shape_cast %argmin3A_77 : vector<256xi32> to vector<256x1xi32>
    %eq3A_79 = arith.constant 4 : i32
    %eq3A_80 = vector.broadcast %eq3A_79 : i32 to vector<256x16xi32>
    %eq3A_81 = arith.cmpi eq, %iota3A_27, %eq3A_80 : vector<256x16xi32>
    %broadcast_in_dim3A_82 = vector.shape_cast %broadcast_in_dim3A_78 : vector<256x1xi32> to vector<256x1xi32>
    %broadcast_in_dim3A_83 = vector.broadcast %broadcast_in_dim3A_82 : vector<256x1xi32> to vector<256x16xi32>
    %select_n3A_84 = arith.select %eq3A_81, %broadcast_in_dim3A_83, %select_n3A_71 : vector<256x16xi1>, vector<256x16xi32>
    %eq3A_85 = vector.broadcast %broadcast_in_dim3A_78 : vector<256x1xi32> to vector<256x4096xi32>
    %eq3A_86 = arith.cmpi eq, %iota3A, %eq3A_85 : vector<256x4096xi32>
    %jit3A_87 = arith.constant 0x7F800000 : f32
    %broadcast_in_dim3A_88 = vector.broadcast %jit3A_87 : f32 to vector<256x4096xf32>
    %select_n3A_89 = arith.select %eq3A_86, %broadcast_in_dim3A_88, %select_n3A_76 : vector<256x4096xi1>, vector<256x4096xf32>
    %argmin3A_90 = tpu.reduce_index %select_n3A_89 {axis = 1 : i32, kind = #tpu.reduction_kind<arg_min>} : vector<256x4096xf32> -> vector<256xi32>
    %broadcast_in_dim3A_91 = vector.shape_cast %argmin3A_90 : vector<256xi32> to vector<256x1xi32>
    %eq3A_92 = arith.constant 5 : i32
    %eq3A_93 = vector.broadcast %eq3A_92 : i32 to vector<256x16xi32>
    %eq3A_94 = arith.cmpi eq, %iota3A_27, %eq3A_93 : vector<256x16xi32>
    %broadcast_in_dim3A_95 = vector.shape_cast %broadcast_in_dim3A_91 : vector<256x1xi32> to vector<256x1xi32>
    %broadcast_in_dim3A_96 = vector.broadcast %broadcast_in_dim3A_95 : vector<256x1xi32> to vector<256x16xi32>
    %select_n3A_97 = arith.select %eq3A_94, %broadcast_in_dim3A_96, %select_n3A_84 : vector<256x16xi1>, vector<256x16xi32>
    %eq3A_98 = vector.broadcast %broadcast_in_dim3A_91 : vector<256x1xi32> to vector<256x4096xi32>
    %eq3A_99 = arith.cmpi eq, %iota3A, %eq3A_98 : vector<256x4096xi32>
    %jit3A_100 = arith.constant 0x7F800000 : f32
    %broadcast_in_dim3A_101 = vector.broadcast %jit3A_100 : f32 to vector<256x4096xf32>
    %select_n3A_102 = arith.select %eq3A_99, %broadcast_in_dim3A_101, %select_n3A_89 : vector<256x4096xi1>, vector<256x4096xf32>
    %argmin3A_103 = tpu.reduce_index %select_n3A_102 {axis = 1 : i32, kind = #tpu.reduction_kind<arg_min>} : vector<256x4096xf32> -> vector<256xi32>
    %broadcast_in_dim3A_104 = vector.shape_cast %argmin3A_103 : vector<256xi32> to vector<256x1xi32>
    %eq3A_105 = arith.constant 6 : i32
    %eq3A_106 = vector.broadcast %eq3A_105 : i32 to vector<256x16xi32>
    %eq3A_107 = arith.cmpi eq, %iota3A_27, %eq3A_106 : vector<256x16xi32>
    %broadcast_in_dim3A_108 = vector.shape_cast %broadcast_in_dim3A_104 : vector<256x1xi32> to vector<256x1xi32>
    %broadcast_in_dim3A_109 = vector.broadcast %broadcast_in_dim3A_108 : vector<256x1xi32> to vector<256x16xi32>
    %select_n3A_110 = arith.select %eq3A_107, %broadcast_in_dim3A_109, %select_n3A_97 : vector<256x16xi1>, vector<256x16xi32>
    %eq3A_111 = vector.broadcast %broadcast_in_dim3A_104 : vector<256x1xi32> to vector<256x4096xi32>
    %eq3A_112 = arith.cmpi eq, %iota3A, %eq3A_111 : vector<256x4096xi32>
    %jit3A_113 = arith.constant 0x7F800000 : f32
    %broadcast_in_dim3A_114 = vector.broadcast %jit3A_113 : f32 to vector<256x4096xf32>
    %select_n3A_115 = arith.select %eq3A_112, %broadcast_in_dim3A_114, %select_n3A_102 : vector<256x4096xi1>, vector<256x4096xf32>
    %argmin3A_116 = tpu.reduce_index %select_n3A_115 {axis = 1 : i32, kind = #tpu.reduction_kind<arg_min>} : vector<256x4096xf32> -> vector<256xi32>
    %broadcast_in_dim3A_117 = vector.shape_cast %argmin3A_116 : vector<256xi32> to vector<256x1xi32>
    %eq3A_118 = arith.constant 7 : i32
    %eq3A_119 = vector.broadcast %eq3A_118 : i32 to vector<256x16xi32>
    %eq3A_120 = arith.cmpi eq, %iota3A_27, %eq3A_119 : vector<256x16xi32>
    %broadcast_in_dim3A_121 = vector.shape_cast %broadcast_in_dim3A_117 : vector<256x1xi32> to vector<256x1xi32>
    %broadcast_in_dim3A_122 = vector.broadcast %broadcast_in_dim3A_121 : vector<256x1xi32> to vector<256x16xi32>
    %select_n3A_123 = arith.select %eq3A_120, %broadcast_in_dim3A_122, %select_n3A_110 : vector<256x16xi1>, vector<256x16xi32>
    %eq3A_124 = vector.broadcast %broadcast_in_dim3A_117 : vector<256x1xi32> to vector<256x4096xi32>
    %eq3A_125 = arith.cmpi eq, %iota3A, %eq3A_124 : vector<256x4096xi32>
    %jit3A_126 = arith.constant 0x7F800000 : f32
    %broadcast_in_dim3A_127 = vector.broadcast %jit3A_126 : f32 to vector<256x4096xf32>
    %select_n3A_128 = arith.select %eq3A_125, %broadcast_in_dim3A_127, %select_n3A_115 : vector<256x4096xi1>, vector<256x4096xf32>
    %argmin3A_129 = tpu.reduce_index %select_n3A_128 {axis = 1 : i32, kind = #tpu.reduction_kind<arg_min>} : vector<256x4096xf32> -> vector<256xi32>
    %broadcast_in_dim3A_130 = vector.shape_cast %argmin3A_129 : vector<256xi32> to vector<256x1xi32>
    %eq3A_131 = arith.constant 8 : i32
    %eq3A_132 = vector.broadcast %eq3A_131 : i32 to vector<256x16xi32>
    %eq3A_133 = arith.cmpi eq, %iota3A_27, %eq3A_132 : vector<256x16xi32>
    %broadcast_in_dim3A_134 = vector.shape_cast %broadcast_in_dim3A_130 : vector<256x1xi32> to vector<256x1xi32>
    %broadcast_in_dim3A_135 = vector.broadcast %broadcast_in_dim3A_134 : vector<256x1xi32> to vector<256x16xi32>
    %select_n3A_136 = arith.select %eq3A_133, %broadcast_in_dim3A_135, %select_n3A_123 : vector<256x16xi1>, vector<256x16xi32>
    %eq3A_137 = vector.broadcast %broadcast_in_dim3A_130 : vector<256x1xi32> to vector<256x4096xi32>
    %eq3A_138 = arith.cmpi eq, %iota3A, %eq3A_137 : vector<256x4096xi32>
    %jit3A_139 = arith.constant 0x7F800000 : f32
    %broadcast_in_dim3A_140 = vector.broadcast %jit3A_139 : f32 to vector<256x4096xf32>
    %select_n3A_141 = arith.select %eq3A_138, %broadcast_in_dim3A_140, %select_n3A_128 : vector<256x4096xi1>, vector<256x4096xf32>
    %argmin3A_142 = tpu.reduce_index %select_n3A_141 {axis = 1 : i32, kind = #tpu.reduction_kind<arg_min>} : vector<256x4096xf32> -> vector<256xi32>
    %broadcast_in_dim3A_143 = vector.shape_cast %argmin3A_142 : vector<256xi32> to vector<256x1xi32>
    %eq3A_144 = arith.constant 9 : i32
    %eq3A_145 = vector.broadcast %eq3A_144 : i32 to vector<256x16xi32>
    %eq3A_146 = arith.cmpi eq, %iota3A_27, %eq3A_145 : vector<256x16xi32>
    %broadcast_in_dim3A_147 = vector.shape_cast %broadcast_in_dim3A_143 : vector<256x1xi32> to vector<256x1xi32>
    %broadcast_in_dim3A_148 = vector.broadcast %broadcast_in_dim3A_147 : vector<256x1xi32> to vector<256x16xi32>
    %select_n3A_149 = arith.select %eq3A_146, %broadcast_in_dim3A_148, %select_n3A_136 : vector<256x16xi1>, vector<256x16xi32>
    %eq3A_150 = vector.broadcast %broadcast_in_dim3A_143 : vector<256x1xi32> to vector<256x4096xi32>
    %eq3A_151 = arith.cmpi eq, %iota3A, %eq3A_150 : vector<256x4096xi32>
    %jit3A_152 = arith.constant 0x7F800000 : f32
    %broadcast_in_dim3A_153 = vector.broadcast %jit3A_152 : f32 to vector<256x4096xf32>
    %select_n3A_154 = arith.select %eq3A_151, %broadcast_in_dim3A_153, %select_n3A_141 : vector<256x4096xi1>, vector<256x4096xf32>
    %argmin3A_155 = tpu.reduce_index %select_n3A_154 {axis = 1 : i32, kind = #tpu.reduction_kind<arg_min>} : vector<256x4096xf32> -> vector<256xi32>
    %broadcast_in_dim3A_156 = vector.shape_cast %argmin3A_155 : vector<256xi32> to vector<256x1xi32>
    %eq3A_157 = arith.constant 10 : i32
    %eq3A_158 = vector.broadcast %eq3A_157 : i32 to vector<256x16xi32>
    %eq3A_159 = arith.cmpi eq, %iota3A_27, %eq3A_158 : vector<256x16xi32>
    %broadcast_in_dim3A_160 = vector.shape_cast %broadcast_in_dim3A_156 : vector<256x1xi32> to vector<256x1xi32>
    %broadcast_in_dim3A_161 = vector.broadcast %broadcast_in_dim3A_160 : vector<256x1xi32> to vector<256x16xi32>
    %select_n3A_162 = arith.select %eq3A_159, %broadcast_in_dim3A_161, %select_n3A_149 : vector<256x16xi1>, vector<256x16xi32>
    %eq3A_163 = vector.broadcast %broadcast_in_dim3A_156 : vector<256x1xi32> to vector<256x4096xi32>
    %eq3A_164 = arith.cmpi eq, %iota3A, %eq3A_163 : vector<256x4096xi32>
    %jit3A_165 = arith.constant 0x7F800000 : f32
    %broadcast_in_dim3A_166 = vector.broadcast %jit3A_165 : f32 to vector<256x4096xf32>
    %select_n3A_167 = arith.select %eq3A_164, %broadcast_in_dim3A_166, %select_n3A_154 : vector<256x4096xi1>, vector<256x4096xf32>
    %argmin3A_168 = tpu.reduce_index %select_n3A_167 {axis = 1 : i32, kind = #tpu.reduction_kind<arg_min>} : vector<256x4096xf32> -> vector<256xi32>
    %broadcast_in_dim3A_169 = vector.shape_cast %argmin3A_168 : vector<256xi32> to vector<256x1xi32>
    %eq3A_170 = arith.constant 11 : i32
    %eq3A_171 = vector.broadcast %eq3A_170 : i32 to vector<256x16xi32>
    %eq3A_172 = arith.cmpi eq, %iota3A_27, %eq3A_171 : vector<256x16xi32>
    %broadcast_in_dim3A_173 = vector.shape_cast %broadcast_in_dim3A_169 : vector<256x1xi32> to vector<256x1xi32>
    %broadcast_in_dim3A_174 = vector.broadcast %broadcast_in_dim3A_173 : vector<256x1xi32> to vector<256x16xi32>
    %select_n3A_175 = arith.select %eq3A_172, %broadcast_in_dim3A_174, %select_n3A_162 : vector<256x16xi1>, vector<256x16xi32>
    %eq3A_176 = vector.broadcast %broadcast_in_dim3A_169 : vector<256x1xi32> to vector<256x4096xi32>
    %eq3A_177 = arith.cmpi eq, %iota3A, %eq3A_176 : vector<256x4096xi32>
    %jit3A_178 = arith.constant 0x7F800000 : f32
    %broadcast_in_dim3A_179 = vector.broadcast %jit3A_178 : f32 to vector<256x4096xf32>
    %select_n3A_180 = arith.select %eq3A_177, %broadcast_in_dim3A_179, %select_n3A_167 : vector<256x4096xi1>, vector<256x4096xf32>
    %argmin3A_181 = tpu.reduce_index %select_n3A_180 {axis = 1 : i32, kind = #tpu.reduction_kind<arg_min>} : vector<256x4096xf32> -> vector<256xi32>
    %broadcast_in_dim3A_182 = vector.shape_cast %argmin3A_181 : vector<256xi32> to vector<256x1xi32>
    %eq3A_183 = arith.constant 12 : i32
    %eq3A_184 = vector.broadcast %eq3A_183 : i32 to vector<256x16xi32>
    %eq3A_185 = arith.cmpi eq, %iota3A_27, %eq3A_184 : vector<256x16xi32>
    %broadcast_in_dim3A_186 = vector.shape_cast %broadcast_in_dim3A_182 : vector<256x1xi32> to vector<256x1xi32>
    %broadcast_in_dim3A_187 = vector.broadcast %broadcast_in_dim3A_186 : vector<256x1xi32> to vector<256x16xi32>
    %select_n3A_188 = arith.select %eq3A_185, %broadcast_in_dim3A_187, %select_n3A_175 : vector<256x16xi1>, vector<256x16xi32>
    %eq3A_189 = vector.broadcast %broadcast_in_dim3A_182 : vector<256x1xi32> to vector<256x4096xi32>
    %eq3A_190 = arith.cmpi eq, %iota3A, %eq3A_189 : vector<256x4096xi32>
    %jit3A_191 = arith.constant 0x7F800000 : f32
    %broadcast_in_dim3A_192 = vector.broadcast %jit3A_191 : f32 to vector<256x4096xf32>
    %select_n3A_193 = arith.select %eq3A_190, %broadcast_in_dim3A_192, %select_n3A_180 : vector<256x4096xi1>, vector<256x4096xf32>
    %argmin3A_194 = tpu.reduce_index %select_n3A_193 {axis = 1 : i32, kind = #tpu.reduction_kind<arg_min>} : vector<256x4096xf32> -> vector<256xi32>
    %broadcast_in_dim3A_195 = vector.shape_cast %argmin3A_194 : vector<256xi32> to vector<256x1xi32>
    %eq3A_196 = arith.constant 13 : i32
    %eq3A_197 = vector.broadcast %eq3A_196 : i32 to vector<256x16xi32>
    %eq3A_198 = arith.cmpi eq, %iota3A_27, %eq3A_197 : vector<256x16xi32>
    %broadcast_in_dim3A_199 = vector.shape_cast %broadcast_in_dim3A_195 : vector<256x1xi32> to vector<256x1xi32>
    %broadcast_in_dim3A_200 = vector.broadcast %broadcast_in_dim3A_199 : vector<256x1xi32> to vector<256x16xi32>
    %select_n3A_201 = arith.select %eq3A_198, %broadcast_in_dim3A_200, %select_n3A_188 : vector<256x16xi1>, vector<256x16xi32>
    %eq3A_202 = vector.broadcast %broadcast_in_dim3A_195 : vector<256x1xi32> to vector<256x4096xi32>
    %eq3A_203 = arith.cmpi eq, %iota3A, %eq3A_202 : vector<256x4096xi32>
    %jit3A_204 = arith.constant 0x7F800000 : f32
    %broadcast_in_dim3A_205 = vector.broadcast %jit3A_204 : f32 to vector<256x4096xf32>
    %select_n3A_206 = arith.select %eq3A_203, %broadcast_in_dim3A_205, %select_n3A_193 : vector<256x4096xi1>, vector<256x4096xf32>
    %argmin3A_207 = tpu.reduce_index %select_n3A_206 {axis = 1 : i32, kind = #tpu.reduction_kind<arg_min>} : vector<256x4096xf32> -> vector<256xi32>
    %broadcast_in_dim3A_208 = vector.shape_cast %argmin3A_207 : vector<256xi32> to vector<256x1xi32>
    %eq3A_209 = arith.constant 14 : i32
    %eq3A_210 = vector.broadcast %eq3A_209 : i32 to vector<256x16xi32>
    %eq3A_211 = arith.cmpi eq, %iota3A_27, %eq3A_210 : vector<256x16xi32>
    %broadcast_in_dim3A_212 = vector.shape_cast %broadcast_in_dim3A_208 : vector<256x1xi32> to vector<256x1xi32>
    %broadcast_in_dim3A_213 = vector.broadcast %broadcast_in_dim3A_212 : vector<256x1xi32> to vector<256x16xi32>
    %select_n3A_214 = arith.select %eq3A_211, %broadcast_in_dim3A_213, %select_n3A_201 : vector<256x16xi1>, vector<256x16xi32>
    %eq3A_215 = vector.broadcast %broadcast_in_dim3A_208 : vector<256x1xi32> to vector<256x4096xi32>
    %eq3A_216 = arith.cmpi eq, %iota3A, %eq3A_215 : vector<256x4096xi32>
    %jit3A_217 = arith.constant 0x7F800000 : f32
    %broadcast_in_dim3A_218 = vector.broadcast %jit3A_217 : f32 to vector<256x4096xf32>
    %select_n3A_219 = arith.select %eq3A_216, %broadcast_in_dim3A_218, %select_n3A_206 : vector<256x4096xi1>, vector<256x4096xf32>
    %argmin3A_220 = tpu.reduce_index %select_n3A_219 {axis = 1 : i32, kind = #tpu.reduction_kind<arg_min>} : vector<256x4096xf32> -> vector<256xi32>
    %broadcast_in_dim3A_221 = vector.shape_cast %argmin3A_220 : vector<256xi32> to vector<256x1xi32>
    %eq3A_222 = arith.constant 15 : i32
    %eq3A_223 = vector.broadcast %eq3A_222 : i32 to vector<256x16xi32>
    %eq3A_224 = arith.cmpi eq, %iota3A_27, %eq3A_223 : vector<256x16xi32>
    %broadcast_in_dim3A_225 = vector.shape_cast %broadcast_in_dim3A_221 : vector<256x1xi32> to vector<256x1xi32>
    %broadcast_in_dim3A_226 = vector.broadcast %broadcast_in_dim3A_225 : vector<256x1xi32> to vector<256x16xi32>
    %select_n3A_227 = arith.select %eq3A_224, %broadcast_in_dim3A_226, %select_n3A_214 : vector<256x16xi1>, vector<256x16xi32>
    %add3A_228 = arith.constant 0 : i32
    %add3A_229 = vector.broadcast %add3A_228 : i32 to vector<256x16xi32>
    %add3A_230 = arith.addi %select_n3A_227, %add3A_229 : vector<256x16xi32>
    %swap3A = arith.constant 0 : index
    %swap3A_231 = arith.constant 0 : index
    %swap3A_232 = vector.load %arg3[%swap3A, %swap3A_231] : memref<256x16xi32, #tpu.memory_space<vmem>>, vector<256x16xi32>
    tpu.vector_store %arg3[%swap3A, %swap3A_231], %add3A_230 {strides = array<i32>} : memref<256x16xi32, #tpu.memory_space<vmem>>, vector<256x16xi32>,
    return
  }
  func.func @transform_0(%arg0: i32) -> (i32, i32) {
    %c0_i32 = arith.constant 0 : i32
    %c0_i32_0 = arith.constant 0 : i32
    return %arg0, %c0_i32 : i32, i32
  }
  func.func @transform_1(%arg0: i32) -> (i32, i32, i32) {
    %c0_i32 = arith.constant 0 : i32
    %c0_i32_0 = arith.constant 0 : i32
    %c0_i32_1 = arith.constant 0 : i32
    %c0_i32_2 = arith.constant 0 : i32
    return %c0_i32, %c0_i32_0, %c0_i32_1 : i32, i32, i32
  }
  func.func @transform_2(%arg0: i32) -> (i32, i32) {
    %c0_i32 = arith.constant 0 : i32
    %c0_i32_0 = arith.constant 0 : i32
    return %arg0, %c0_i32 : i32, i32
  }
}

module attributes {stable_mosaic.version = 14 : i64} {
  func.func @_tf_attn_body(%arg0: i32, %arg1: memref<16x128x128xf32, #tpu.memory_space<vmem>>, %arg2: memref<128x64xf32, #tpu.memory_space<vmem>>, %arg3: memref<128x64xf32, #tpu.memory_space<vmem>>, %arg4: memref<128x32xf32, #tpu.memory_space<vmem>>, %arg5: memref<1x64xf32, #tpu.memory_space<vmem>>, %arg6: memref<64x64xf32, #tpu.memory_space<vmem>>, %arg7: memref<1x64xf32, #tpu.memory_space<vmem>>, %arg8: memref<64x64xf32, #tpu.memory_space<vmem>>, %arg9: memref<1x64xf32, #tpu.memory_space<vmem>>, %arg10: memref<64x64xf32, #tpu.memory_space<vmem>>, %arg11: memref<1x64xf32, #tpu.memory_space<vmem>>, %arg12: memref<32x64xf32, #tpu.memory_space<vmem>>, %arg13: memref<1x32xf32, #tpu.memory_space<vmem>>, %arg14: memref<128x32xf32, #tpu.memory_space<vmem>>) attributes {dimension_semantics = [#tpu.dimension_semantics<arbitrary>], iteration_bounds = array<i64: 32>, scalar_prefetch = 0 : i64, scratch_operands = 0 : i64, tpu.core_type = #tpu.core_type<tc>, window_params = [{transform_indices = @transform_0, window_bounds = array<i64: 16, 128, 128>}, {transform_indices = @transform_1, window_bounds = array<i64: 128, 64>}, {transform_indices = @transform_2, window_bounds = array<i64: 128, 64>}, {transform_indices = @transform_3, window_bounds = array<i64: 128, 32>}, {pipeline_mode = #tpu.pipeline_mode<synchronous>, transform_indices = @transform_4, window_bounds = array<i64: 1, 64>}, {pipeline_mode = #tpu.pipeline_mode<synchronous>, transform_indices = @transform_5, window_bounds = array<i64: 64, 64>}, {pipeline_mode = #tpu.pipeline_mode<synchronous>, transform_indices = @transform_6, window_bounds = array<i64: 1, 64>}, {pipeline_mode = #tpu.pipeline_mode<synchronous>, transform_indices = @transform_7, window_bounds = array<i64: 64, 64>}, {pipeline_mode = #tpu.pipeline_mode<synchronous>, transform_indices = @transform_8, window_bounds = array<i64: 1, 64>}, {pipeline_mode = #tpu.pipeline_mode<synchronous>, transform_indices = @transform_9, window_bounds = array<i64: 64, 64>}, {pipeline_mode = #tpu.pipeline_mode<synchronous>, transform_indices = @transform_10, window_bounds = array<i64: 1, 64>}, {pipeline_mode = #tpu.pipeline_mode<synchronous>, transform_indices = @transform_11, window_bounds = array<i64: 32, 64>}, {pipeline_mode = #tpu.pipeline_mode<synchronous>, transform_indices = @transform_12, window_bounds = array<i64: 1, 32>}, {transform_indices = @transform_13, window_bounds = array<i64: 128, 32>}]} {
    %get3A = arith.constant 0 : index
    %get3A_0 = arith.constant 0 : index
    %get3A_1 = vector.load %arg2[%get3A, %get3A_0] : memref<128x64xf32, #tpu.memory_space<vmem>>, vector<128x64xf32>
    %get3A_2 = arith.constant 0 : index
    %get3A_3 = arith.constant 0 : index
    %get3A_4 = vector.load %arg3[%get3A_2, %get3A_3] : memref<128x64xf32, #tpu.memory_space<vmem>>, vector<128x64xf32>
    %get3A_5 = arith.constant 0 : index
    %get3A_6 = arith.constant 0 : index
    %get3A_7 = vector.load %arg5[%get3A_5, %get3A_6] : memref<1x64xf32, #tpu.memory_space<vmem>>, vector<1x64xf32>
    %add3A = vector.broadcast %get3A_7 : vector<1x64xf32> to vector<128x64xf32>
    %add3A_8 = arith.addf %get3A_4, %add3A : vector<128x64xf32>
    %get3A_9 = arith.constant 0 : index
    %get3A_10 = arith.constant 0 : index
    %get3A_11 = vector.load %arg6[%get3A_9, %get3A_10] : memref<64x64xf32, #tpu.memory_space<vmem>>, vector<64x64xf32>
    %get3A_12 = arith.constant 0 : index
    %get3A_13 = arith.constant 0 : index
    %get3A_14 = vector.load %arg8[%get3A_12, %get3A_13] : memref<64x64xf32, #tpu.memory_space<vmem>>, vector<64x64xf32>
    %get3A_15 = arith.constant 0 : index
    %get3A_16 = arith.constant 0 : index
    %get3A_17 = vector.load %arg10[%get3A_15, %get3A_16] : memref<64x64xf32, #tpu.memory_space<vmem>>, vector<64x64xf32>
    %get3A_18 = arith.constant 0 : index
    %get3A_19 = arith.constant 0 : index
    %get3A_20 = arith.constant 0 : index
    %get3A_21 = vector.load %arg1[%get3A_18, %get3A_19, %get3A_20] : memref<16x128x128xf32, #tpu.memory_space<vmem>>, vector<16x128x128xf32>
    %reshape3A = vector.shape_cast %get3A_21 : vector<16x128x128xf32> to vector<2048x128xf32>
    %slice3A = vector.extract_strided_slice %reshape3A {offsets = [0, 0], sizes = [2048, 64], strides = [1, 1]} : vector<2048x128xf32> to vector<2048x64xf32>
    %bitcast_convert_type3A = tpu.bitcast %slice3A : vector<2048x64xf32> -> vector<2048x64xi32>
    %and3A = arith.constant -65536 : i32
    %and3A_22 = vector.broadcast %and3A : i32 to vector<2048x64xi32>
    %and3A_23 = arith.andi %bitcast_convert_type3A, %and3A_22 : vector<2048x64xi32>
    %bitcast_convert_type3A_24 = tpu.bitcast %and3A_23 : vector<2048x64xi32> -> vector<2048x64xf32>
    %shift_left3A = arith.constant 16 : i32
    %shift_left3A_25 = vector.broadcast %shift_left3A : i32 to vector<2048x64xi32>
    %shift_left3A_26 = arith.shli %bitcast_convert_type3A, %shift_left3A_25 : vector<2048x64xi32>
    %bitcast_convert_type3A_27 = tpu.bitcast %shift_left3A_26 : vector<2048x64xi32> -> vector<2048x64xf32>
    %broadcast_in_dim3A = vector.shape_cast %get3A_1 : vector<128x64xf32> to vector<1x128x64xf32>
    %broadcast_in_dim3A_28 = vector.shape_cast %broadcast_in_dim3A : vector<1x128x64xf32> to vector<1x128x64xf32>
    %broadcast_in_dim3A_29 = vector.broadcast %broadcast_in_dim3A_28 : vector<1x128x64xf32> to vector<16x128x64xf32>
    %reshape3A_30 = vector.shape_cast %broadcast_in_dim3A_29 : vector<16x128x64xf32> to vector<2048x64xf32>
    %broadcast_in_dim3A_31 = vector.shape_cast %add3A_8 : vector<128x64xf32> to vector<1x128x64xf32>
    %broadcast_in_dim3A_32 = vector.shape_cast %broadcast_in_dim3A_31 : vector<1x128x64xf32> to vector<1x128x64xf32>
    %broadcast_in_dim3A_33 = vector.broadcast %broadcast_in_dim3A_32 : vector<1x128x64xf32> to vector<16x128x64xf32>
    %reshape3A_34 = vector.shape_cast %broadcast_in_dim3A_33 : vector<16x128x64xf32> to vector<2048x64xf32>
    %slice3A_35 = vector.extract_strided_slice %reshape3A {offsets = [0, 64], sizes = [2048, 64], strides = [1, 1]} : vector<2048x128xf32> to vector<2048x64xf32>
    %sub3A = arith.subf %reshape3A_34, %slice3A_35 : vector<2048x64xf32>
    %max3A = arith.constant 0.000000e+00 : f32
    %max3A_36 = vector.broadcast %max3A : f32 to vector<2048x64xf32>
    %max3A_37 = arith.maximumf %sub3A, %max3A_36 : vector<2048x64xf32>
    %dot_general3A = arith.constant dense<0.000000e+00> : vector<2048x64xf32>
    %dot_general3A_38 = tpu.matmul %max3A_37, %get3A_11, %dot_general3A {dimension_numbers = #tpu.dot_dimension_numbers<[1], [1], [0], [0], [0, 0, 1, 0], [], []>, transpose_lhs_hint = false} : vector<2048x64xf32>, vector<64x64xf32>, vector<2048x64xf32> -> vector<2048x64xf32>
    %get3A_39 = arith.constant 0 : index
    %get3A_40 = arith.constant 0 : index
    %get3A_41 = vector.load %arg7[%get3A_39, %get3A_40] : memref<1x64xf32, #tpu.memory_space<vmem>>, vector<1x64xf32>
    %add3A_42 = vector.broadcast %get3A_41 : vector<1x64xf32> to vector<2048x64xf32>
    %add3A_43 = arith.addf %dot_general3A_38, %add3A_42 : vector<2048x64xf32>
    %sub3A_44 = arith.subf %reshape3A_30, %bitcast_convert_type3A_24 : vector<2048x64xf32>
    %add3A_45 = arith.addf %sub3A_44, %add3A_43 : vector<2048x64xf32>
    %dot_general3A_46 = arith.constant dense<0.000000e+00> : vector<2048x64xf32>
    %dot_general3A_47 = tpu.matmul %add3A_45, %get3A_14, %dot_general3A_46 {dimension_numbers = #tpu.dot_dimension_numbers<[1], [1], [0], [0], [0, 0, 1, 0], [], []>, transpose_lhs_hint = false} : vector<2048x64xf32>, vector<64x64xf32>, vector<2048x64xf32> -> vector<2048x64xf32>
    %get3A_48 = arith.constant 0 : index
    %get3A_49 = arith.constant 0 : index
    %get3A_50 = vector.load %arg9[%get3A_48, %get3A_49] : memref<1x64xf32, #tpu.memory_space<vmem>>, vector<1x64xf32>
    %add3A_51 = vector.broadcast %get3A_50 : vector<1x64xf32> to vector<2048x64xf32>
    %add3A_52 = arith.addf %dot_general3A_47, %add3A_51 : vector<2048x64xf32>
    %max3A_53 = arith.constant 0.000000e+00 : f32
    %max3A_54 = vector.broadcast %max3A_53 : f32 to vector<2048x64xf32>
    %max3A_55 = arith.maximumf %add3A_52, %max3A_54 : vector<2048x64xf32>
    %dot_general3A_56 = arith.constant dense<0.000000e+00> : vector<2048x64xf32>
    %dot_general3A_57 = tpu.matmul %max3A_55, %get3A_17, %dot_general3A_56 {dimension_numbers = #tpu.dot_dimension_numbers<[1], [1], [0], [0], [0, 0, 1, 0], [], []>, transpose_lhs_hint = false} : vector<2048x64xf32>, vector<64x64xf32>, vector<2048x64xf32> -> vector<2048x64xf32>
    %get3A_58 = arith.constant 0 : index
    %get3A_59 = arith.constant 0 : index
    %get3A_60 = vector.load %arg11[%get3A_58, %get3A_59] : memref<1x64xf32, #tpu.memory_space<vmem>>, vector<1x64xf32>
    %add3A_61 = vector.broadcast %get3A_60 : vector<1x64xf32> to vector<2048x64xf32>
    %add3A_62 = arith.addf %dot_general3A_57, %add3A_61 : vector<2048x64xf32>
    %mul3A = arith.constant 1.250000e-01 : f32
    %mul3A_63 = vector.broadcast %mul3A : f32 to vector<2048x64xf32>
    %mul3A_64 = arith.mulf %add3A_62, %mul3A_63 : vector<2048x64xf32>
    %add3A_65 = arith.addf %bitcast_convert_type3A_27, %add3A_43 : vector<2048x64xf32>
    %slice3A_66 = vector.extract_strided_slice %mul3A_64 {offsets = [0, 0], sizes = [128, 64], strides = [1, 1]} : vector<2048x64xf32> to vector<128x64xf32>
    %slice3A_67 = vector.extract_strided_slice %mul3A_64 {offsets = [128, 0], sizes = [128, 64], strides = [1, 1]} : vector<2048x64xf32> to vector<128x64xf32>
    %slice3A_68 = vector.extract_strided_slice %mul3A_64 {offsets = [256, 0], sizes = [128, 64], strides = [1, 1]} : vector<2048x64xf32> to vector<128x64xf32>
    %slice3A_69 = vector.extract_strided_slice %mul3A_64 {offsets = [384, 0], sizes = [128, 64], strides = [1, 1]} : vector<2048x64xf32> to vector<128x64xf32>
    %slice3A_70 = vector.extract_strided_slice %mul3A_64 {offsets = [512, 0], sizes = [128, 64], strides = [1, 1]} : vector<2048x64xf32> to vector<128x64xf32>
    %slice3A_71 = vector.extract_strided_slice %mul3A_64 {offsets = [640, 0], sizes = [128, 64], strides = [1, 1]} : vector<2048x64xf32> to vector<128x64xf32>
    %slice3A_72 = vector.extract_strided_slice %mul3A_64 {offsets = [768, 0], sizes = [128, 64], strides = [1, 1]} : vector<2048x64xf32> to vector<128x64xf32>
    %slice3A_73 = vector.extract_strided_slice %mul3A_64 {offsets = [896, 0], sizes = [128, 64], strides = [1, 1]} : vector<2048x64xf32> to vector<128x64xf32>
    %slice3A_74 = vector.extract_strided_slice %mul3A_64 {offsets = [1024, 0], sizes = [128, 64], strides = [1, 1]} : vector<2048x64xf32> to vector<128x64xf32>
    %slice3A_75 = vector.extract_strided_slice %mul3A_64 {offsets = [1152, 0], sizes = [128, 64], strides = [1, 1]} : vector<2048x64xf32> to vector<128x64xf32>
    %slice3A_76 = vector.extract_strided_slice %mul3A_64 {offsets = [1280, 0], sizes = [128, 64], strides = [1, 1]} : vector<2048x64xf32> to vector<128x64xf32>
    %slice3A_77 = vector.extract_strided_slice %mul3A_64 {offsets = [1408, 0], sizes = [128, 64], strides = [1, 1]} : vector<2048x64xf32> to vector<128x64xf32>
    %slice3A_78 = vector.extract_strided_slice %mul3A_64 {offsets = [1536, 0], sizes = [128, 64], strides = [1, 1]} : vector<2048x64xf32> to vector<128x64xf32>
    %slice3A_79 = vector.extract_strided_slice %mul3A_64 {offsets = [1664, 0], sizes = [128, 64], strides = [1, 1]} : vector<2048x64xf32> to vector<128x64xf32>
    %slice3A_80 = vector.extract_strided_slice %mul3A_64 {offsets = [1792, 0], sizes = [128, 64], strides = [1, 1]} : vector<2048x64xf32> to vector<128x64xf32>
    %slice3A_81 = vector.extract_strided_slice %mul3A_64 {offsets = [1920, 0], sizes = [128, 64], strides = [1, 1]} : vector<2048x64xf32> to vector<128x64xf32>
    %max3A_82 = arith.maximumf %slice3A_66, %slice3A_67 : vector<128x64xf32>
    %max3A_83 = arith.maximumf %max3A_82, %slice3A_68 : vector<128x64xf32>
    %max3A_84 = arith.maximumf %max3A_83, %slice3A_69 : vector<128x64xf32>
    %max3A_85 = arith.maximumf %max3A_84, %slice3A_70 : vector<128x64xf32>
    %max3A_86 = arith.maximumf %max3A_85, %slice3A_71 : vector<128x64xf32>
    %max3A_87 = arith.maximumf %max3A_86, %slice3A_72 : vector<128x64xf32>
    %max3A_88 = arith.maximumf %max3A_87, %slice3A_73 : vector<128x64xf32>
    %max3A_89 = arith.maximumf %max3A_88, %slice3A_74 : vector<128x64xf32>
    %max3A_90 = arith.maximumf %max3A_89, %slice3A_75 : vector<128x64xf32>
    %max3A_91 = arith.maximumf %max3A_90, %slice3A_76 : vector<128x64xf32>
    %max3A_92 = arith.maximumf %max3A_91, %slice3A_77 : vector<128x64xf32>
    %max3A_93 = arith.maximumf %max3A_92, %slice3A_78 : vector<128x64xf32>
    %max3A_94 = arith.maximumf %max3A_93, %slice3A_79 : vector<128x64xf32>
    %max3A_95 = arith.maximumf %max3A_94, %slice3A_80 : vector<128x64xf32>
    %max3A_96 = arith.maximumf %max3A_95, %slice3A_81 : vector<128x64xf32>
    %sub3A_97 = arith.subf %slice3A_66, %max3A_96 : vector<128x64xf32>
    %exp3A = math.exp %sub3A_97 : vector<128x64xf32>
    %sub3A_98 = arith.subf %slice3A_67, %max3A_96 : vector<128x64xf32>
    %exp3A_99 = math.exp %sub3A_98 : vector<128x64xf32>
    %sub3A_100 = arith.subf %slice3A_68, %max3A_96 : vector<128x64xf32>
    %exp3A_101 = math.exp %sub3A_100 : vector<128x64xf32>
    %sub3A_102 = arith.subf %slice3A_69, %max3A_96 : vector<128x64xf32>
    %exp3A_103 = math.exp %sub3A_102 : vector<128x64xf32>
    %sub3A_104 = arith.subf %slice3A_70, %max3A_96 : vector<128x64xf32>
    %exp3A_105 = math.exp %sub3A_104 : vector<128x64xf32>
    %sub3A_106 = arith.subf %slice3A_71, %max3A_96 : vector<128x64xf32>
    %exp3A_107 = math.exp %sub3A_106 : vector<128x64xf32>
    %sub3A_108 = arith.subf %slice3A_72, %max3A_96 : vector<128x64xf32>
    %exp3A_109 = math.exp %sub3A_108 : vector<128x64xf32>
    %sub3A_110 = arith.subf %slice3A_73, %max3A_96 : vector<128x64xf32>
    %exp3A_111 = math.exp %sub3A_110 : vector<128x64xf32>
    %sub3A_112 = arith.subf %slice3A_74, %max3A_96 : vector<128x64xf32>
    %exp3A_113 = math.exp %sub3A_112 : vector<128x64xf32>
    %sub3A_114 = arith.subf %slice3A_75, %max3A_96 : vector<128x64xf32>
    %exp3A_115 = math.exp %sub3A_114 : vector<128x64xf32>
    %sub3A_116 = arith.subf %slice3A_76, %max3A_96 : vector<128x64xf32>
    %exp3A_117 = math.exp %sub3A_116 : vector<128x64xf32>
    %sub3A_118 = arith.subf %slice3A_77, %max3A_96 : vector<128x64xf32>
    %exp3A_119 = math.exp %sub3A_118 : vector<128x64xf32>
    %sub3A_120 = arith.subf %slice3A_78, %max3A_96 : vector<128x64xf32>
    %exp3A_121 = math.exp %sub3A_120 : vector<128x64xf32>
    %sub3A_122 = arith.subf %slice3A_79, %max3A_96 : vector<128x64xf32>
    %exp3A_123 = math.exp %sub3A_122 : vector<128x64xf32>
    %sub3A_124 = arith.subf %slice3A_80, %max3A_96 : vector<128x64xf32>
    %exp3A_125 = math.exp %sub3A_124 : vector<128x64xf32>
    %sub3A_126 = arith.subf %slice3A_81, %max3A_96 : vector<128x64xf32>
    %exp3A_127 = math.exp %sub3A_126 : vector<128x64xf32>
    %add3A_128 = arith.addf %exp3A, %exp3A_99 : vector<128x64xf32>
    %add3A_129 = arith.addf %add3A_128, %exp3A_101 : vector<128x64xf32>
    %add3A_130 = arith.addf %add3A_129, %exp3A_103 : vector<128x64xf32>
    %add3A_131 = arith.addf %add3A_130, %exp3A_105 : vector<128x64xf32>
    %add3A_132 = arith.addf %add3A_131, %exp3A_107 : vector<128x64xf32>
    %add3A_133 = arith.addf %add3A_132, %exp3A_109 : vector<128x64xf32>
    %add3A_134 = arith.addf %add3A_133, %exp3A_111 : vector<128x64xf32>
    %add3A_135 = arith.addf %add3A_134, %exp3A_113 : vector<128x64xf32>
    %add3A_136 = arith.addf %add3A_135, %exp3A_115 : vector<128x64xf32>
    %add3A_137 = arith.addf %add3A_136, %exp3A_117 : vector<128x64xf32>
    %add3A_138 = arith.addf %add3A_137, %exp3A_119 : vector<128x64xf32>
    %add3A_139 = arith.addf %add3A_138, %exp3A_121 : vector<128x64xf32>
    %add3A_140 = arith.addf %add3A_139, %exp3A_123 : vector<128x64xf32>
    %add3A_141 = arith.addf %add3A_140, %exp3A_125 : vector<128x64xf32>
    %add3A_142 = arith.addf %add3A_141, %exp3A_127 : vector<128x64xf32>
    %broadcast_in_dim3A_143 = arith.constant 0.000000e+00 : f32
    %broadcast_in_dim3A_144 = vector.broadcast %broadcast_in_dim3A_143 : f32 to vector<128x64xf32>
    %slice3A_145 = vector.extract_strided_slice %add3A_65 {offsets = [0, 0], sizes = [128, 64], strides = [1, 1]} : vector<2048x64xf32> to vector<128x64xf32>
    %mul3A_146 = arith.mulf %exp3A, %slice3A_145 : vector<128x64xf32>
    %add3A_147 = arith.addf %broadcast_in_dim3A_144, %mul3A_146 : vector<128x64xf32>
    %slice3A_148 = vector.extract_strided_slice %add3A_65 {offsets = [128, 0], sizes = [128, 64], strides = [1, 1]} : vector<2048x64xf32> to vector<128x64xf32>
    %mul3A_149 = arith.mulf %exp3A_99, %slice3A_148 : vector<128x64xf32>
    %add3A_150 = arith.addf %add3A_147, %mul3A_149 : vector<128x64xf32>
    %slice3A_151 = vector.extract_strided_slice %add3A_65 {offsets = [256, 0], sizes = [128, 64], strides = [1, 1]} : vector<2048x64xf32> to vector<128x64xf32>
    %mul3A_152 = arith.mulf %exp3A_101, %slice3A_151 : vector<128x64xf32>
    %add3A_153 = arith.addf %add3A_150, %mul3A_152 : vector<128x64xf32>
    %slice3A_154 = vector.extract_strided_slice %add3A_65 {offsets = [384, 0], sizes = [128, 64], strides = [1, 1]} : vector<2048x64xf32> to vector<128x64xf32>
    %mul3A_155 = arith.mulf %exp3A_103, %slice3A_154 : vector<128x64xf32>
    %add3A_156 = arith.addf %add3A_153, %mul3A_155 : vector<128x64xf32>
    %slice3A_157 = vector.extract_strided_slice %add3A_65 {offsets = [512, 0], sizes = [128, 64], strides = [1, 1]} : vector<2048x64xf32> to vector<128x64xf32>
    %mul3A_158 = arith.mulf %exp3A_105, %slice3A_157 : vector<128x64xf32>
    %add3A_159 = arith.addf %add3A_156, %mul3A_158 : vector<128x64xf32>
    %slice3A_160 = vector.extract_strided_slice %add3A_65 {offsets = [640, 0], sizes = [128, 64], strides = [1, 1]} : vector<2048x64xf32> to vector<128x64xf32>
    %mul3A_161 = arith.mulf %exp3A_107, %slice3A_160 : vector<128x64xf32>
    %add3A_162 = arith.addf %add3A_159, %mul3A_161 : vector<128x64xf32>
    %slice3A_163 = vector.extract_strided_slice %add3A_65 {offsets = [768, 0], sizes = [128, 64], strides = [1, 1]} : vector<2048x64xf32> to vector<128x64xf32>
    %mul3A_164 = arith.mulf %exp3A_109, %slice3A_163 : vector<128x64xf32>
    %add3A_165 = arith.addf %add3A_162, %mul3A_164 : vector<128x64xf32>
    %slice3A_166 = vector.extract_strided_slice %add3A_65 {offsets = [896, 0], sizes = [128, 64], strides = [1, 1]} : vector<2048x64xf32> to vector<128x64xf32>
    %mul3A_167 = arith.mulf %exp3A_111, %slice3A_166 : vector<128x64xf32>
    %add3A_168 = arith.addf %add3A_165, %mul3A_167 : vector<128x64xf32>
    %slice3A_169 = vector.extract_strided_slice %add3A_65 {offsets = [1024, 0], sizes = [128, 64], strides = [1, 1]} : vector<2048x64xf32> to vector<128x64xf32>
    %mul3A_170 = arith.mulf %exp3A_113, %slice3A_169 : vector<128x64xf32>
    %add3A_171 = arith.addf %add3A_168, %mul3A_170 : vector<128x64xf32>
    %slice3A_172 = vector.extract_strided_slice %add3A_65 {offsets = [1152, 0], sizes = [128, 64], strides = [1, 1]} : vector<2048x64xf32> to vector<128x64xf32>
    %mul3A_173 = arith.mulf %exp3A_115, %slice3A_172 : vector<128x64xf32>
    %add3A_174 = arith.addf %add3A_171, %mul3A_173 : vector<128x64xf32>
    %slice3A_175 = vector.extract_strided_slice %add3A_65 {offsets = [1280, 0], sizes = [128, 64], strides = [1, 1]} : vector<2048x64xf32> to vector<128x64xf32>
    %mul3A_176 = arith.mulf %exp3A_117, %slice3A_175 : vector<128x64xf32>
    %add3A_177 = arith.addf %add3A_174, %mul3A_176 : vector<128x64xf32>
    %slice3A_178 = vector.extract_strided_slice %add3A_65 {offsets = [1408, 0], sizes = [128, 64], strides = [1, 1]} : vector<2048x64xf32> to vector<128x64xf32>
    %mul3A_179 = arith.mulf %exp3A_119, %slice3A_178 : vector<128x64xf32>
    %add3A_180 = arith.addf %add3A_177, %mul3A_179 : vector<128x64xf32>
    %slice3A_181 = vector.extract_strided_slice %add3A_65 {offsets = [1536, 0], sizes = [128, 64], strides = [1, 1]} : vector<2048x64xf32> to vector<128x64xf32>
    %mul3A_182 = arith.mulf %exp3A_121, %slice3A_181 : vector<128x64xf32>
    %add3A_183 = arith.addf %add3A_180, %mul3A_182 : vector<128x64xf32>
    %slice3A_184 = vector.extract_strided_slice %add3A_65 {offsets = [1664, 0], sizes = [128, 64], strides = [1, 1]} : vector<2048x64xf32> to vector<128x64xf32>
    %mul3A_185 = arith.mulf %exp3A_123, %slice3A_184 : vector<128x64xf32>
    %add3A_186 = arith.addf %add3A_183, %mul3A_185 : vector<128x64xf32>
    %slice3A_187 = vector.extract_strided_slice %add3A_65 {offsets = [1792, 0], sizes = [128, 64], strides = [1, 1]} : vector<2048x64xf32> to vector<128x64xf32>
    %mul3A_188 = arith.mulf %exp3A_125, %slice3A_187 : vector<128x64xf32>
    %add3A_189 = arith.addf %add3A_186, %mul3A_188 : vector<128x64xf32>
    %slice3A_190 = vector.extract_strided_slice %add3A_65 {offsets = [1920, 0], sizes = [128, 64], strides = [1, 1]} : vector<2048x64xf32> to vector<128x64xf32>
    %mul3A_191 = arith.mulf %exp3A_127, %slice3A_190 : vector<128x64xf32>
    %add3A_192 = arith.addf %add3A_189, %mul3A_191 : vector<128x64xf32>
    %div3A = arith.divf %add3A_192, %add3A_142 : vector<128x64xf32>
    %get3A_193 = arith.constant 0 : index
    %get3A_194 = arith.constant 0 : index
    %get3A_195 = vector.load %arg12[%get3A_193, %get3A_194] : memref<32x64xf32, #tpu.memory_space<vmem>>, vector<32x64xf32>
    %dot_general3A_196 = arith.constant dense<0.000000e+00> : vector<128x32xf32>
    %dot_general3A_197 = tpu.matmul %div3A, %get3A_195, %dot_general3A_196 {dimension_numbers = #tpu.dot_dimension_numbers<[1], [1], [0], [0], [0, 0, 1, 0], [], []>, transpose_lhs_hint = false} : vector<128x64xf32>, vector<32x64xf32>, vector<128x32xf32> -> vector<128x32xf32>
    %get3A_198 = arith.constant 0 : index
    %get3A_199 = arith.constant 0 : index
    %get3A_200 = vector.load %arg13[%get3A_198, %get3A_199] : memref<1x32xf32, #tpu.memory_space<vmem>>, vector<1x32xf32>
    %add3A_201 = vector.broadcast %get3A_200 : vector<1x32xf32> to vector<128x32xf32>
    %add3A_202 = arith.addf %dot_general3A_197, %add3A_201 : vector<128x32xf32>
    %get3A_203 = arith.constant 0 : index
    %get3A_204 = arith.constant 0 : index
    %get3A_205 = vector.load %arg4[%get3A_203, %get3A_204] : memref<128x32xf32, #tpu.memory_space<vmem>>, vector<128x32xf32>
    %add3A_206 = arith.addf %add3A_202, %get3A_205 : vector<128x32xf32>
    %swap3A = arith.constant 0 : index
    %swap3A_207 = arith.constant 0 : index
    %swap3A_208 = vector.load %arg14[%swap3A, %swap3A_207] : memref<128x32xf32, #tpu.memory_space<vmem>>, vector<128x32xf32>
    tpu.vector_store %arg14[%swap3A, %swap3A_207], %add3A_206 {strides = array<i32>} : memref<128x32xf32, #tpu.memory_space<vmem>>, vector<128x32xf32>,
    return
  }
  func.func @transform_0(%arg0: i32) -> (i32, i32, i32) {
    %c0_i32 = arith.constant 0 : i32
    %c0_i32_0 = arith.constant 0 : i32
    %c0_i32_1 = arith.constant 0 : i32
    return %c0_i32, %arg0, %c0_i32_0 : i32, i32, i32
  }
  func.func @transform_1(%arg0: i32) -> (i32, i32) {
    %c0_i32 = arith.constant 0 : i32
    %c0_i32_0 = arith.constant 0 : i32
    return %arg0, %c0_i32 : i32, i32
  }
  func.func @transform_2(%arg0: i32) -> (i32, i32) {
    %c0_i32 = arith.constant 0 : i32
    %c0_i32_0 = arith.constant 0 : i32
    return %arg0, %c0_i32 : i32, i32
  }
  func.func @transform_3(%arg0: i32) -> (i32, i32) {
    %c0_i32 = arith.constant 0 : i32
    %c0_i32_0 = arith.constant 0 : i32
    return %arg0, %c0_i32 : i32, i32
  }
  func.func @transform_4(%arg0: i32) -> (i32, i32) {
    %c0_i32 = arith.constant 0 : i32
    %c0_i32_0 = arith.constant 0 : i32
    %c0_i32_1 = arith.constant 0 : i32
    return %c0_i32, %c0_i32_0 : i32, i32
  }
  func.func @transform_5(%arg0: i32) -> (i32, i32) {
    %c0_i32 = arith.constant 0 : i32
    %c0_i32_0 = arith.constant 0 : i32
    %c0_i32_1 = arith.constant 0 : i32
    return %c0_i32, %c0_i32_0 : i32, i32
  }
  func.func @transform_6(%arg0: i32) -> (i32, i32) {
    %c0_i32 = arith.constant 0 : i32
    %c0_i32_0 = arith.constant 0 : i32
    %c0_i32_1 = arith.constant 0 : i32
    return %c0_i32, %c0_i32_0 : i32, i32
  }
  func.func @transform_7(%arg0: i32) -> (i32, i32) {
    %c0_i32 = arith.constant 0 : i32
    %c0_i32_0 = arith.constant 0 : i32
    %c0_i32_1 = arith.constant 0 : i32
    return %c0_i32, %c0_i32_0 : i32, i32
  }
  func.func @transform_8(%arg0: i32) -> (i32, i32) {
    %c0_i32 = arith.constant 0 : i32
    %c0_i32_0 = arith.constant 0 : i32
    %c0_i32_1 = arith.constant 0 : i32
    return %c0_i32, %c0_i32_0 : i32, i32
  }
  func.func @transform_9(%arg0: i32) -> (i32, i32) {
    %c0_i32 = arith.constant 0 : i32
    %c0_i32_0 = arith.constant 0 : i32
    %c0_i32_1 = arith.constant 0 : i32
    return %c0_i32, %c0_i32_0 : i32, i32
  }
  func.func @transform_10(%arg0: i32) -> (i32, i32) {
    %c0_i32 = arith.constant 0 : i32
    %c0_i32_0 = arith.constant 0 : i32
    %c0_i32_1 = arith.constant 0 : i32
    return %c0_i32, %c0_i32_0 : i32, i32
  }
  func.func @transform_11(%arg0: i32) -> (i32, i32) {
    %c0_i32 = arith.constant 0 : i32
    %c0_i32_0 = arith.constant 0 : i32
    %c0_i32_1 = arith.constant 0 : i32
    return %c0_i32, %c0_i32_0 : i32, i32
  }
  func.func @transform_12(%arg0: i32) -> (i32, i32) {
    %c0_i32 = arith.constant 0 : i32
    %c0_i32_0 = arith.constant 0 : i32
    %c0_i32_1 = arith.constant 0 : i32
    return %c0_i32, %c0_i32_0 : i32, i32
  }
  func.func @transform_13(%arg0: i32) -> (i32, i32) {
    %c0_i32 = arith.constant 0 : i32
    %c0_i32_0 = arith.constant 0 : i32
    return %arg0, %c0_i32 : i32, i32
  }
}

</mosaic_0001>

<sc_bundles>
// kernel: kernel.22.cloned.1.call-start
scs
__scs_entry_jumppad:
0x0: {  	(pc) =	sbr.rel $0x88, $3  }
0x1: {  	(tag) =	ssettag $0x0;
	lr =	simm.s32 $0x1  }
0x2: {  	[smem:$0x3F6D] =	sst lr;
	_ =	strace $0xD0000000  }
0x3: {  	_ = 	snop  }
0x4: {  	_ = 	snop  }
0x5: {  	_ = 	snop  }
0x6: {  	_ = 	snop  }
0x7: {  	_ = 	snop  }
__scs_overlays_trampoline_lowered:
0x8: {  	[smem:$0x3F7C] =	sst s0  }
0x9: {  	[smem:$0x3F7D] =	sst s1  }
0xa: {  	[smem:$0x3F7E] =	sst s2  }
0xb: {  	[smem:$0x3F7F] =	sst s3  }
0xc: {  	[smem:$0x3F80] =	sst s4  }
0xd: {  	[smem:$0x3F81] =	sst s5  }
0xe: {  	[smem:$0x3F82] =	sst s6  }
0xf: {  	[smem:$0x3F83] =	sst s7  }
0x10: {  	[smem:$0x3F84] =	sst s8  }
0x11: {  	[smem:$0x3F85] =	sst s9;
	s0 =	simm.s32 @!p0 $0x0  }
0x12: {  	s1 =	sld [smem:$0x3F6B];
	s0 =	simm.s32 @p0 $0x1  }
0x13: {  	[smem:$0x3F86] =	sst s0;
	s0 =	simm.s32 @!p1 $0x0  }
0x14: {  	s2 =	sld [smem:$0x3F6A];
	s0 =	simm.s32 @p1 $0x1  }
0x15: {  	[smem:$0x3F87] =	sst s0;
	s0 =	simm.s32 @!p2 $0x0  }
0x16: {  	s3 =	sld [smem:$0x3FDB];
	s0 =	simm.s32 @p2 $0x1  }
0x17: {  	s4 =	simm.s32 $0x1BF5;
	[smem:$0x3F89] =	sst s0  }
0x18: {  	s0 =	sld [smem:$0x3F6C];
	_ =	swait.ge [sflag:s4], $0x0  }
0x19: {  	s7 =	sld [smem:$0x3F6D]  }
0x1a: {  	s8 =	sadd.s32 $0xFFFFE003, lr  }
0x1b: {  	s9 =	sadd.s32 $0xFFFFFEF7, lr;
	s5 =	simm.s32 $0xFFFFFFFF;
	p2 =	slt.u32 s8, $0xFFFFF086  }
0x1c: {  	p1 =	slt.u32 s9, $0xF7A;
	s5 =	simm.s32 @!p2 $0x0  }
0x1d: {  	s5 =	simm.s32 @p1 $0x1;
	p0 =	seq.s32 s7, s2  }
0x1e: {  	s7 =	smul.u32 @!p0 $0xF7A, s2;
	p2 =	seq.s32 @!p0 s5, $0x0  }
0x1f: {  	s9 =	smul.u32 $0xF7A, s1;
	s8 =	simm.s32 @!p0 $0x1BF5;
	p2 =	por !p2, p0  }
0x20: {  	[sflag:s8] =	ssyncset.s32 @!p0 $0xFFFFF086;
	s6 =	sadd.s32 @!p0 s3, s7;
	s7 =	simm.s32 @!p0 $0x108  }
0x21: {  	s3 =	sadd.s32 s3, s9;
	s6 =	sadd.s32 @!p0 $0x88, s6;
	s7 =	simm.s32 @p2 $0x1082  }
0x22: {  	[simem:s7], [sflag:s8] =	dma.local @!p0 [hbm:s6], $0xF7A  }
0x23: {  	s9 =	sor.u32 $0xD0000000, s2;
	s6 =	simm.s32 $0x108;
	_ =	swait.ge @!p0 [sflag:s8], $0x0  }
0x24: {  	s3 =	sadd.s32 $0x88, s3;
	s6 =	simm.s32 @!p1 $0x1082;
	[sflag:s4] =	ssyncset.s32 $0xFFFFF086  }
0x25: {  	[simem:s6], [sflag:s4] =	dma.local [hbm:s3], $0xF7A  }
0x26: {  	[smem:$0x3F6D] =	sst s1;
	(tag) =	ssettag s2;
	_ =	strace s9  }
0x27: {  	s1 =	sld [smem:$0x3F7D]  }
0x28: {  	s2 =	sld [smem:$0x3F7E]  }
0x29: {  	s4 =	sld [smem:$0x3F80]  }
0x2a: {  	p0 =	seq.s32 s5, $0x0;
	s5 =	sld [smem:$0x3F81]  }
0x2b: {  	s6 =	sld [smem:$0x3F82]  }
0x2c: {  	s7 =	sld [smem:$0x3F83]  }
0x2d: {  	s3 =	simm.s32 $0x108;
	s8 =	sld [smem:$0x3F84]  }
0x2e: {  	s3 =	simm.s32 @!p0 $0x1082;
	s9 =	sld [smem:$0x3F85]  }
0x2f: {  	lr =	sadd.s32 s0, s3;
	s0 =	sld [smem:$0x3F7C]  }
0x30: {  	s3 =	sld [smem:$0x3F7F]  }
0x31: {  	[smem:$0x3F88] =	sst s10  }
0x32: {  	s10 =	sld [smem:$0x3F86];
	_ =	sdelay $0x3  }
0x33: {  	p0 =	seq.s32 s10, $0x1;
	s10 =	sld [smem:$0x3F88];
	_ =	sdelay $0x3  }
0x34: {  	[smem:$0x3F88] =	sst s10  }
0x35: {  	s10 =	sld [smem:$0x3F87];
	_ =	sdelay $0x3  }
0x36: {  	p1 =	seq.s32 s10, $0x1;
	s10 =	sld [smem:$0x3F88];
	_ =	sdelay $0x3  }
0x37: {  	[smem:$0x3F88] =	sst s10  }
0x38: {  	s10 =	sld [smem:$0x3F89]  }
0x39: {  	_ = 	snop;
	(pc) =	sbr.ind lr, $3  }
0x3a: {  	_ = 	snop  }
0x3b: {  	_ = 	snop  }
0x3c: {  	p2 =	seq.s32 s10, $0x1;
	s10 =	sld [smem:$0x3F88]  }
0x3d: {  	_ =	shalt  }
0x3e: {  	_ =	shalt  }
0x3f: {  	_ =	shalt  }
0x40: {  	_ =	shalt  }
0x41: {  	_ =	shalt  }
0x42: {  	_ =	shalt  }
0x43: {  	_ =	shalt  }
0x44: {  	_ =	shalt  }
0x45: {  	_ =	shalt  }
0x46: {  	_ =	shalt  }
0x47: {  	_ =	shalt  }
0x48: {  	_ =	shalt  }
0x49: {  	_ =	shalt  }
0x4a: {  	_ =	shalt  }
0x4b: {  	_ =	shalt  }
0x4c: {  	_ =	shalt  }
0x4d: {  	_ =	shalt  }
0x4e: {  	_ =	shalt  }
0x4f: {  	_ =	shalt  }
0x50: {  	_ =	shalt  }
0x51: {  	_ =	shalt  }
0x52: {  	_ =	shalt  }
0x53: {  	_ =	shalt  }
0x54: {  	_ =	shalt  }
0x55: {  	_ =	shalt  }
0x56: {  	_ =	shalt  }
0x57: {  	_ =	shalt  }
0x58: {  	_ =	shalt  }
0x59: {  	_ =	shalt  }
0x5a: {  	_ =	shalt  }
0x5b: {  	_ =	shalt  }
0x5c: {  	_ =	shalt  }
0x5d: {  	_ =	shalt  }
0x5e: {  	_ =	shalt  }
0x5f: {  	_ =	shalt  }
0x60: {  	_ =	shalt  }
0x61: {  	_ =	shalt  }
0x62: {  	_ =	shalt  }
0x63: {  	_ =	shalt  }
0x64: {  	_ =	shalt  }
0x65: {  	_ =	shalt  }
0x66: {  	_ =	shalt  }
0x67: {  	_ =	shalt  }
0x68: {  	_ =	shalt  }
0x69: {  	_ =	shalt  }
0x6a: {  	_ =	shalt  }
0x6b: {  	_ =	shalt  }
0x6c: {  	_ =	shalt  }
0x6d: {  	_ =	shalt  }
0x6e: {  	_ =	shalt  }
0x6f: {  	_ =	shalt  }
0x70: {  	_ =	shalt  }
0x71: {  	_ =	shalt  }
0x72: {  	_ =	shalt  }
0x73: {  	_ =	shalt  }
0x74: {  	_ =	shalt  }
0x75: {  	_ =	shalt  }
0x76: {  	_ =	shalt  }
0x77: {  	_ =	shalt  }
0x78: {  	_ =	shalt  }
0x79: {  	_ =	shalt  }
0x7a: {  	_ =	shalt  }
0x7b: {  	_ =	shalt  }
0x7c: {  	_ =	shalt  }
0x7d: {  	_ =	shalt  }
0x7e: {  	_ =	shalt  }
0x7f: {  	_ =	shalt  }
0x80: {  	_ =	shalt  }
0x81: {  	_ =	shalt  }
0x82: {  	_ =	shalt  }
0x83: {  	_ =	shalt  }
0x84: {  	_ =	shalt  }
0x85: {  	_ =	shalt  }
0x86: {  	_ =	shalt  }
0x87: {  	_ =	shalt  }
.Lfunc_end0:
.L_simem_size_0:
called_computation_lowered:
.L_overlay_start_0:
0x88: {  	s2 =	sld [smem:$0x3FD9]  }
0x89: {  	s3 =	sld [smem:$0x3FFE];
	_ =	sdelay $0x1  }
0x8a: {  	s1 =	srdreg.scid  }
0x8b: {  	s0 =	sand.u32 $0x1, s1  }
0x8c: {  	s15 =	sshll.u32 s0, $0xA;
	s2 =	sadd.s32 s3, s2  }
0x8d: {  	s2 =	sadd.s32 s2, s15  }
0x8e: {  	[smem:$0x3F94] =	sst s2  }
0x8f: {  	_ = 	snop  }
0x90: {  	s2 =	sld [smem:$0x3FD0];
	_ =	sdelay $0x2  }
0x91: {  	s16 =	simm.s32 $0xB;
	s4 =	simm.s32 $0x10  }
0x92: {  	[smem:s4], [sflag:s16] =	dma.local [hbm:s2], $0x1  }
0x93: {  	_ =	swait.eq [sflag:s16], $0x1  }
0x94: {  	[sflag:s16] =	ssyncset.done $0x0  }
0x95: {  	[sflag:s16] =	ssyncadd.s32 $0xFFFFFFFF  }
0x96: {  	s17 =	sld [smem:$0x11];
	(tm) =	ssettm $0x1  }
0x97: {  	s18 =	sld [smem:$0x3FFB];
	_ =	sdelay $0x3  }
0x98: {  	_ =	strace s18  }
0x99: {  	s2 =	sld [smem:$0x3FFC];
	_ =	sdelay $0x3  }
0x9a: {  	_ =	strace s2  }
0x9b: {  	s2 =	sld [smem:$0x3FFD];
	_ =	sdelay $0x3  }
0x9c: {  	_ =	strace s2  }
0x9d: {  	_ =	strace $0x8FFFFFFF  }
0x9e: {  	s19 =	sld [smem:$0x3FDB];
	_ =	sdelay $0x1  }
0x9f: {  	s20 =	simm.s32 $_scs_section_size  }
0xa0: {  	s5 =	simm.s32 $_size__tile_overlayer_lowered;
	s6 =	simm.s32 $_tile_overlayer_lowered  }
0xa1: {  	s7 =	simm.s32 $0x1BFF;
	s21 =	sshll.u32 s6, $0x1;
	s4 =	sadd.s32 s20, s19  }
0xa2: {  	s22 =	simm.s32 $0x0;
	s5 =	sshll.u32 s5, $0x1;
	s6 =	sadd.s32 s21, s4  }
0xa3: {  	[timem:s22], [sflag:s7] =	dma.local [hbm:s6], s5  }
0xa4: {  	_ =	swait.ge [sflag:s7], s5  }
0xa5: {  	s5 =	ssub.s32 $0x0, s5;
	[sflag:s7] =	ssyncset.done $0x0  }
0xa6: {  	[sflag:s7] =	ssyncadd.s32 s5;
	_ =	sdelay $0x1  }
0xa7: {  	s23 =	simm.s32 $0x1B8B  }
0xa8: {  	_ =	swait.ge [sflag:s23], $0x1  }
0xa9: {  	[sflag:s23] =	ssyncset.done $0x0  }
0xaa: {  	[sflag:s23] =	ssyncadd.s32 $0xFFFFFFFF  }
0xab: {  	s5 =	sld [smem:$0x0]  }
0xac: {  	s6 =	sand.u32 $0xFFFFFFFE, s1  }
0xad: {  	p0 =	sne.s32 s1, s6  }
0xae: {  	s6 =	sshll.u32 @p0 s6, $0xE  }
0xaf: {  	s6 =	sadd.s32 @p0 $0x11B8D, s6;
	s7 =	sshll.u32 @p0 s5, $0x11  }
0xb0: {  	s6 =	sor.u32 @p0 s7, s6  }
0xb1: {  	[sflag:s6] =	ssyncadd.remote.s32 @p0 $0x1;
	_ =	sdelay $0x1  }
0xb2: {  	s6 =	simm.s32 @p0 $0x1B8D  }
0xb3: {  	_ =	swait.eq @p0 [sflag:s6], $0x1  }
0xb4: {  	[sflag:s6] =	ssyncadd.s32 @p0 $0xFFFFFFFF  }
0xb5: {  	s7 =	sshll.u32 @!p0 s1, $0xE  }
0xb6: {  	s7 =	sor.u32 @!p0 $0x4000, s7;
	s6 =	simm.s32 @!p0 $0x1B8D  }
0xb7: {  	s5 =	sshll.u32 @!p0 s5, $0x11;
	s7 =	sadd.s32 @!p0 $0x11B8D, s7;
	_ =	swait.eq @!p0 [sflag:s6], $0x1  }
0xb8: {  	s5 =	sor.u32 @!p0 s5, s7;
	[sflag:s6] =	ssyncadd.s32 @!p0 $0xFFFFFFFF  }
0xb9: {  	s25 =	simm.s32 $0x1B8E;
	s24 =	sld [smem:$0x3FFE];
	[sflag:s5] =	ssyncadd.remote.s32 @!p0 $0x1  }
0xba: {  	s26 =	simm.s32 $execute0_lowered;
	[smem:$0x3FD2] =	sst s25  }
0xbb: {  	s6 =	sshll.u32 s26, $0x1;
	_ =	strace $0x80000049;
	[dreg:$0x1] =	wrdreg $0xFFFFFFFF  }
0xbc: {  	s28 =	simm.s32 $_size_execute0_lowered;
	s4 =	sadd.s32 s4, s6;
	[dreg:$0x0] =	wrdreg $0x0  }
0xbd: {  	s6 =	sshll.u32 s28, $0x1;
	[dreg:$0x2] =	wrdreg s4  }
0xbe: {  	[dreg:$0x3] =	wrdreg s6  }
0xbf: {  	[dreg:$0x4] =	wrdreg $0xC0  }
0xc0: {  	_ =	task [dreg:s22], $0x5FFFF  }
0xc1: {  	[dreg:$0x1] =	wrdreg $0xFFFFFFFF  }
0xc2: {  	[dreg:$0x0] =	wrdreg $0x60  }
0xc3: {  	[dreg:$0x2] =	wrdreg s17  }
0xc4: {  	[dreg:$0x3] =	wrdreg s24  }
0xc5: {  	[dreg:$0x4] =	wrdreg $0x9  }
0xc6: {  	_ =	task.clear_ibuf [dreg:s22], $0x5FFFF;
	_ =	strace $0x90000049  }
0xc7: {  	s29 =	simm.s32 $0x9;
	_ =	strace $0x8000004B  }
0xc8: {  	_ =	swait.ge [sflag:s29], $0x1  }
0xc9: {  	[sflag:s29] =	ssyncadd.s32 $0xFFFFFFFF  }
0xca: {  	_ =	strace $0x9000004B  }
0xcb: {  	_ =	sfence  }
0xcc: {  	s30 =	sld [smem:$0x0];
	_ =	sdelay $0x2  }
0xcd: {  	s31 =	sshll.u32 s1, $0xD;
	s1 =	sshrl.u32 s1, $0x2  }
0xce: {  	s4 =	sand.u32 $0x4000, s31;
	s1 =	sadd.s32 s1, s30  }
0xcf: {  	s0 =	sor.u32 s4, s0;
	s1 =	sshll.u32 s1, $0x11  }
0xd0: {  	s0 =	sor.u32 s1, s0  }
0xd1: {  	s0 =	sadd.s32 $0x8F2B, s0  }
0xd2: {  	[sflag:s0] =	ssyncadd.remote.s32 $0x1  }
0xd3: {  	_ =	sfence.sel $0xFFFF  }
0xd4: {  	[dreg:$0x0] =	wrdreg $0xFFFFFFFF;
	(pc) =	sbr.abs _section_cstart, $3  }
0xd5: {  	[dreg:$0x1] =	wrdreg $0xFFFFFFFF  }
0xd6: {  	_ =	task.clear_ibuf [dreg:s22], $0x2FFFF;
	_ =	strace $0x9FFFFFFF  }
0xd7: {  	(tm) =	ssettm $0x7FFFFFFF  }
tec
execute0_lowered:
.L_overlay_start_1:
0x0: {  	(tag) =	ssettag $0x1  }
0x1: {  	s1 =	srdreg.scid  }
0x2: {  	s0 =	stileid.u32;
	s12 =	sand.u32 $0x1, s1  }
0x3: {  	s31 =	sshll.u32 s0, $0xA;
	s3 =	sshll.u32 s12, $0x9  }
0x4: {  	s2 =	rddreg [dreg:$0x0];
	s11 =	sor.u32 s3, s31  }
0x5: {  	s10 =	rddreg [dreg:$0x1];
	s3 =	simm.s32 $0x0;
	s4 =	sshrl.u32 s11, $0x3  }
0x6: {  	s5 =	simm.s32 $0x5;
	[smem:$0x7FF] =	sst s3;
	s4 =	sadd.s32 s4, s10  }
0x7: {  	s1 =	rddreg [dreg:$0x2];
	_ =	strace $0x8000004A;
	s4 =	sadd.s32 $0x49000, s4  }
0x8: {  	[tilespmem:s3], [sflag:$0x5] =	stream.linear.gather [hbm4b:s4+s3], $0x200, $0x38;
	[tilespmem:$0x10200] =	vst v63  }
0x9: {  	_ =	swait.ge [sflag:s5], $0x200  }
0xa: {  	[sflag:s5] =	ssyncset.done $0x0  }
0xb: {  	s6 =	simm.s32 $0x100;
	s7 =	simm.s32 $0x200;
	[sflag:s5] =	ssyncadd.s32 $0xFFFFFE00  }
0xc: {  	[tilespmem:s7], [sflag:$0x1] =	stream.indirect.gather [hbm4b:s2+s6], $0x80, s3, s6, $0xb8;
	[tilespmem:$0x10200] =	vst v63  }
0xd: {  	s8 =	simm.s32 $0x8200;
	s9 =	simm.s32 $0x1  }
0xe: {  	[tilespmem:s8], [sflag:$0x2] =	stream.indirect.gather [hbm4b:s2+s6], $0x80, s6, s6, $0xb8;
	[tilespmem:$0x10200] =	vst v63  }
0xf: {  	s14 =	ssub.s32 $0x2, s12;
	s11 =	sshll.u32 s11, $0x4;
	_ =	swait.ge [sflag:s9], $0x8000  }
0x10: {  	s15 =	sshrl.u32 s14, $0x1;
	s13 =	sadd.s32 s11, s10;
	[sflag:s9] =	ssyncset.done $0x0  }
0x11: {  	s11 =	simm.s32 $0x2;
	s10 =	sadd.s32 $0x49800, s13;
	[sflag:s9] =	ssyncadd.s32 $0xFFFF8000  }
0x12: {  	[hbm4b:s10+s3] =	stream.linear.scatter [tilespmem:s7], [sflag:$0x3], $0x8000, $0x38;
	[tilespmem:$0x10200] =	vst v63  }
0x13: {  	s14 =	ssub.s32 s14, s15;
	_ =	swait.ge [sflag:s11], $0x8000  }
0x14: {  	s15 =	smax.u32 s14, $0x1;
	s12 =	sadd.s32 $0x4A800, s13;
	[sflag:s11] =	ssyncset.done $0x0  }
0x15: {  	s13 =	simm.s32 $0x3;
	p0 =	sne.s32 s15, $0x1;
	[sflag:s11] =	ssyncadd.s32 $0xFFFF8000  }
0x16: {  	[hbm4b:s12+s3] =	stream.linear.scatter [tilespmem:s8], [sflag:$0x4], $0x8000, $0x38;
	[tilespmem:$0x10200] =	vst v63  }
.Ltmp0:
0x17: {  	_ =	swait.ge [sflag:s13], $0x8000;
	(pc) =	sbr.rel @!p0 .LBB2_2-.Ltmp0, $4  }
0x18: {  	[sflag:s13] =	ssyncset.done $0x0  }
0x19: {  	s14 =	simm.s32 $0x4;
	[sflag:s13] =	ssyncadd.s32 $0xFFFF8000  }
0x1a: {  	_ =	swait.ge [sflag:s14], $0x8000  }
0x1b: {  	s15 =	sadd.s32 $0xFFFFFFFF, s15;
	[sflag:s14] =	ssyncset.done $0x0  }
.LBB2_1:
0x1c: {  	p0 =	sne.s32 s15, $0x1;
	s15 =	sadd.s32 $0xFFFFFFFF, s15;
	[sflag:s14] =	ssyncadd.s32 $0xFFFF8000  }
0x1d: {  	[tilespmem:s3], [sflag:$0x5] =	stream.linear.gather [hbm4b:s4+s3], $0x200, $0x38;
	[tilespmem:$0x10200] =	vst v63  }
0x1e: {  	_ =	swait.ge [sflag:s5], $0x200  }
0x1f: {  	[sflag:s5] =	ssyncset.done $0x0  }
0x20: {  	[sflag:s5] =	ssyncadd.s32 $0xFFFFFE00  }
0x21: {  	[tilespmem:s7], [sflag:$0x1] =	stream.indirect.gather [hbm4b:s2+s6], $0x80, s3, s6, $0xb8;
	[tilespmem:$0x10200] =	vst v63  }
0x22: {  	_ = 	snop  }
0x23: {  	[tilespmem:s8], [sflag:$0x2] =	stream.indirect.gather [hbm4b:s2+s6], $0x80, s6, s6, $0xb8;
	[tilespmem:$0x10200] =	vst v63  }
0x24: {  	_ =	swait.ge [sflag:s9], $0x8000  }
0x25: {  	[sflag:s9] =	ssyncset.done $0x0  }
0x26: {  	[sflag:s9] =	ssyncadd.s32 $0xFFFF8000  }
0x27: {  	[hbm4b:s10+s3] =	stream.linear.scatter [tilespmem:s7], [sflag:$0x3], $0x8000, $0x38;
	[tilespmem:$0x10200] =	vst v63  }
0x28: {  	_ =	swait.ge [sflag:s11], $0x8000  }
0x29: {  	[sflag:s11] =	ssyncset.done $0x0  }
0x2a: {  	[sflag:s11] =	ssyncadd.s32 $0xFFFF8000  }
0x2b: {  	[hbm4b:s12+s3] =	stream.linear.scatter [tilespmem:s8], [sflag:$0x4], $0x8000, $0x38;
	[tilespmem:$0x10200] =	vst v63  }
.Ltmp1:
0x2c: {  	_ =	swait.ge [sflag:s13], $0x8000;
	(pc) =	sbr.rel @p0 .LBB2_1-.Ltmp1, $4  }
0x2d: {  	[sflag:s13] =	ssyncset.done $0x0  }
0x2e: {  	[sflag:s13] =	ssyncadd.s32 $0xFFFF8000  }
0x2f: {  	_ =	swait.ge [sflag:s14], $0x8000  }
0x30: {  	[sflag:s14] =	ssyncset.done $0x0  }
.LBB2_2:
0x31: {  	[sflag:s14] =	ssyncadd.s32 $0xFFFF8000  }
0x32: {  	_ =	sfence.sel $0x180000  }
0x33: {  	[bflag:$0x0] =	sbarrier.arrive $0xFFFF  }
0x34: {  	p0 =	sne.s32 s0, $0x0;
	_ =	strace $0x9000004A  }
0x35: {  	s0 =	sadd.s32 @!p0 $0x100000, s1;
	[bflag:$0x2] =	sbarrier.arrive $0xFFFF  }
0x36: {  	[sflag:s0] =	ssyncadd.tile.s32 @!p0 $0x1;
	_ =	shalt  }
.Lfunc_end2:
_tile_overlayer_lowered:
.L_overlay_start_2:
0x37: {  	(tag) =	ssettag $0x2  }
0x38: {  	s0 =	rddreg [dreg:$0x0];
	s2 =	stileid.u32  }
0x39: {  	s1 =	rddreg [dreg:$0x1];
	p0 =	sne.s32 s2, $0x0  }
0x3a: {  	s3 =	rddreg [dreg:$0x2];
	[bflag:$0x3] =	sbarrier.arrive $0xFFFF;
	s2 =	simm.s32 @!p0 $0x1C05  }
0x3b: {  	[timem:s3], [sflag:s2] =	dma.local @!p0 [hbm:s0], s1  }
0x3c: {  	s0 =	simm.s32 @!p0 $0x5  }
0x3d: {  	_ =	swait.ge @!p0 [sflag:s0], s1  }
0x3e: {  	s1 =	ssub.s32 @!p0 $0x0, s1;
	[sflag:s0] =	ssyncset.done @!p0 $0x0  }
0x3f: {  	[sflag:s0] =	ssyncadd.s32 @!p0 s1  }
0x40: {  	[bflag:$0x3] =	sbarrier.arrive $0xFFFF  }
0x41: {  	_ =	shalt  }

// kernel: kernel.25.cloned.1.call-start
scs
__scs_entry_jumppad:
0x0: {  	(pc) =	sbr.rel $0x88, $3  }
0x1: {  	(tag) =	ssettag $0x0;
	lr =	simm.s32 $0x1  }
0x2: {  	[smem:$0x3F6D] =	sst lr;
	_ =	strace $0xD0000000  }
0x3: {  	_ = 	snop  }
0x4: {  	_ = 	snop  }
0x5: {  	_ = 	snop  }
0x6: {  	_ = 	snop  }
0x7: {  	_ = 	snop  }
__scs_overlays_trampoline_lowered:
0x8: {  	[smem:$0x3F7C] =	sst s0  }
0x9: {  	[smem:$0x3F7D] =	sst s1  }
0xa: {  	[smem:$0x3F7E] =	sst s2  }
0xb: {  	[smem:$0x3F7F] =	sst s3  }
0xc: {  	[smem:$0x3F80] =	sst s4  }
0xd: {  	[smem:$0x3F81] =	sst s5  }
0xe: {  	[smem:$0x3F82] =	sst s6  }
0xf: {  	[smem:$0x3F83] =	sst s7  }
0x10: {  	[smem:$0x3F84] =	sst s8  }
0x11: {  	[smem:$0x3F85] =	sst s9;
	s0 =	simm.s32 @!p0 $0x0  }
0x12: {  	s1 =	sld [smem:$0x3F6B];
	s0 =	simm.s32 @p0 $0x1  }
0x13: {  	[smem:$0x3F86] =	sst s0;
	s0 =	simm.s32 @!p1 $0x0  }
0x14: {  	s2 =	sld [smem:$0x3F6A];
	s0 =	simm.s32 @p1 $0x1  }
0x15: {  	[smem:$0x3F87] =	sst s0;
	s0 =	simm.s32 @!p2 $0x0  }
0x16: {  	s3 =	sld [smem:$0x3FDB];
	s0 =	simm.s32 @p2 $0x1  }
0x17: {  	s4 =	simm.s32 $0x1BF5;
	[smem:$0x3F89] =	sst s0  }
0x18: {  	s0 =	sld [smem:$0x3F6C];
	_ =	swait.ge [sflag:s4], $0x0  }
0x19: {  	s7 =	sld [smem:$0x3F6D]  }
0x1a: {  	s8 =	sadd.s32 $0xFFFFE003, lr  }
0x1b: {  	s9 =	sadd.s32 $0xFFFFFEF7, lr;
	s5 =	simm.s32 $0xFFFFFFFF;
	p2 =	slt.u32 s8, $0xFFFFF086  }
0x1c: {  	p1 =	slt.u32 s9, $0xF7A;
	s5 =	simm.s32 @!p2 $0x0  }
0x1d: {  	s5 =	simm.s32 @p1 $0x1;
	p0 =	seq.s32 s7, s2  }
0x1e: {  	s7 =	smul.u32 @!p0 $0xF7A, s2;
	p2 =	seq.s32 @!p0 s5, $0x0  }
0x1f: {  	s9 =	smul.u32 $0xF7A, s1;
	s8 =	simm.s32 @!p0 $0x1BF5;
	p2 =	por !p2, p0  }
0x20: {  	[sflag:s8] =	ssyncset.s32 @!p0 $0xFFFFF086;
	s6 =	sadd.s32 @!p0 s3, s7;
	s7 =	simm.s32 @!p0 $0x108  }
0x21: {  	s3 =	sadd.s32 s3, s9;
	s6 =	sadd.s32 @!p0 $0x88, s6;
	s7 =	simm.s32 @p2 $0x1082  }
0x22: {  	[simem:s7], [sflag:s8] =	dma.local @!p0 [hbm:s6], $0xF7A  }
0x23: {  	s9 =	sor.u32 $0xD0000000, s2;
	s6 =	simm.s32 $0x108;
	_ =	swait.ge @!p0 [sflag:s8], $0x0  }
0x24: {  	s3 =	sadd.s32 $0x88, s3;
	s6 =	simm.s32 @!p1 $0x1082;
	[sflag:s4] =	ssyncset.s32 $0xFFFFF086  }
0x25: {  	[simem:s6], [sflag:s4] =	dma.local [hbm:s3], $0xF7A  }
0x26: {  	[smem:$0x3F6D] =	sst s1;
	(tag) =	ssettag s2;
	_ =	strace s9  }
0x27: {  	s1 =	sld [smem:$0x3F7D]  }
0x28: {  	s2 =	sld [smem:$0x3F7E]  }
0x29: {  	s4 =	sld [smem:$0x3F80]  }
0x2a: {  	p0 =	seq.s32 s5, $0x0;
	s5 =	sld [smem:$0x3F81]  }
0x2b: {  	s6 =	sld [smem:$0x3F82]  }
0x2c: {  	s7 =	sld [smem:$0x3F83]  }
0x2d: {  	s3 =	simm.s32 $0x108;
	s8 =	sld [smem:$0x3F84]  }
0x2e: {  	s3 =	simm.s32 @!p0 $0x1082;
	s9 =	sld [smem:$0x3F85]  }
0x2f: {  	lr =	sadd.s32 s0, s3;
	s0 =	sld [smem:$0x3F7C]  }
0x30: {  	s3 =	sld [smem:$0x3F7F]  }
0x31: {  	[smem:$0x3F88] =	sst s10  }
0x32: {  	s10 =	sld [smem:$0x3F86];
	_ =	sdelay $0x3  }
0x33: {  	p0 =	seq.s32 s10, $0x1;
	s10 =	sld [smem:$0x3F88];
	_ =	sdelay $0x3  }
0x34: {  	[smem:$0x3F88] =	sst s10  }
0x35: {  	s10 =	sld [smem:$0x3F87];
	_ =	sdelay $0x3  }
0x36: {  	p1 =	seq.s32 s10, $0x1;
	s10 =	sld [smem:$0x3F88];
	_ =	sdelay $0x3  }
0x37: {  	[smem:$0x3F88] =	sst s10  }
0x38: {  	s10 =	sld [smem:$0x3F89]  }
0x39: {  	_ = 	snop;
	(pc) =	sbr.ind lr, $3  }
0x3a: {  	_ = 	snop  }
0x3b: {  	_ = 	snop  }
0x3c: {  	p2 =	seq.s32 s10, $0x1;
	s10 =	sld [smem:$0x3F88]  }
0x3d: {  	_ =	shalt  }
0x3e: {  	_ =	shalt  }
0x3f: {  	_ =	shalt  }
0x40: {  	_ =	shalt  }
0x41: {  	_ =	shalt  }
0x42: {  	_ =	shalt  }
0x43: {  	_ =	shalt  }
0x44: {  	_ =	shalt  }
0x45: {  	_ =	shalt  }
0x46: {  	_ =	shalt  }
0x47: {  	_ =	shalt  }
0x48: {  	_ =	shalt  }
0x49: {  	_ =	shalt  }
0x4a: {  	_ =	shalt  }
0x4b: {  	_ =	shalt  }
0x4c: {  	_ =	shalt  }
0x4d: {  	_ =	shalt  }
0x4e: {  	_ =	shalt  }
0x4f: {  	_ =	shalt  }
0x50: {  	_ =	shalt  }
0x51: {  	_ =	shalt  }
0x52: {  	_ =	shalt  }
0x53: {  	_ =	shalt  }
0x54: {  	_ =	shalt  }
0x55: {  	_ =	shalt  }
0x56: {  	_ =	shalt  }
0x57: {  	_ =	shalt  }
0x58: {  	_ =	shalt  }
0x59: {  	_ =	shalt  }
0x5a: {  	_ =	shalt  }
0x5b: {  	_ =	shalt  }
0x5c: {  	_ =	shalt  }
0x5d: {  	_ =	shalt  }
0x5e: {  	_ =	shalt  }
0x5f: {  	_ =	shalt  }
0x60: {  	_ =	shalt  }
0x61: {  	_ =	shalt  }
0x62: {  	_ =	shalt  }
0x63: {  	_ =	shalt  }
0x64: {  	_ =	shalt  }
0x65: {  	_ =	shalt  }
0x66: {  	_ =	shalt  }
0x67: {  	_ =	shalt  }
0x68: {  	_ =	shalt  }
0x69: {  	_ =	shalt  }
0x6a: {  	_ =	shalt  }
0x6b: {  	_ =	shalt  }
0x6c: {  	_ =	shalt  }
0x6d: {  	_ =	shalt  }
0x6e: {  	_ =	shalt  }
0x6f: {  	_ =	shalt  }
0x70: {  	_ =	shalt  }
0x71: {  	_ =	shalt  }
0x72: {  	_ =	shalt  }
0x73: {  	_ =	shalt  }
0x74: {  	_ =	shalt  }
0x75: {  	_ =	shalt  }
0x76: {  	_ =	shalt  }
0x77: {  	_ =	shalt  }
0x78: {  	_ =	shalt  }
0x79: {  	_ =	shalt  }
0x7a: {  	_ =	shalt  }
0x7b: {  	_ =	shalt  }
0x7c: {  	_ =	shalt  }
0x7d: {  	_ =	shalt  }
0x7e: {  	_ =	shalt  }
0x7f: {  	_ =	shalt  }
0x80: {  	_ =	shalt  }
0x81: {  	_ =	shalt  }
0x82: {  	_ =	shalt  }
0x83: {  	_ =	shalt  }
0x84: {  	_ =	shalt  }
0x85: {  	_ =	shalt  }
0x86: {  	_ =	shalt  }
0x87: {  	_ =	shalt  }
.Lfunc_end0:
.L_simem_size_0:
called_computation.1_lowered:
.L_overlay_start_0:
0x88: {  	s2 =	sld [smem:$0x3FD9]  }
0x89: {  	s3 =	sld [smem:$0x3FFE];
	_ =	sdelay $0x1  }
0x8a: {  	s1 =	srdreg.scid  }
0x8b: {  	s0 =	sand.u32 $0x1, s1  }
0x8c: {  	s14 =	sshll.u32 s0, $0xA;
	s2 =	sadd.s32 s3, s2  }
0x8d: {  	s2 =	sadd.s32 s2, s14  }
0x8e: {  	[smem:$0x3F94] =	sst s2  }
0x8f: {  	_ = 	snop  }
0x90: {  	s2 =	sld [smem:$0x3FD0];
	_ =	sdelay $0x2  }
0x91: {  	s15 =	simm.s32 $0xB;
	s4 =	simm.s32 $0x10  }
0x92: {  	[smem:s4], [sflag:s15] =	dma.local [hbm:s2], $0x1  }
0x93: {  	_ =	swait.eq [sflag:s15], $0x1  }
0x94: {  	[sflag:s15] =	ssyncset.done $0x0  }
0x95: {  	s16 =	sld [smem:$0x10];
	[sflag:s15] =	ssyncadd.s32 $0xFFFFFFFF  }
0x96: {  	s17 =	sld [smem:$0x11];
	(tm) =	ssettm $0x1  }
0x97: {  	s18 =	sld [smem:$0x3FFB];
	_ =	sdelay $0x3  }
0x98: {  	_ =	strace s18  }
0x99: {  	s4 =	sld [smem:$0x3FFC];
	_ =	sdelay $0x3  }
0x9a: {  	_ =	strace s4  }
0x9b: {  	s4 =	sld [smem:$0x3FFD];
	_ =	sdelay $0x3  }
0x9c: {  	_ =	strace s4  }
0x9d: {  	_ =	strace $0x8FFFFFFF  }
0x9e: {  	s19 =	sld [smem:$0x3FDB];
	_ =	sdelay $0x1  }
0x9f: {  	s5 =	simm.s32 $_scs_section_size  }
0xa0: {  	s6 =	simm.s32 $_size__tile_overlayer_lowered;
	s7 =	simm.s32 $_tile_overlayer_lowered  }
0xa1: {  	s22 =	simm.s32 $0x1BFF;
	s21 =	sshll.u32 s7, $0x1;
	s4 =	sadd.s32 s5, s19  }
0xa2: {  	s8 =	simm.s32 $0x0;
	s20 =	sshll.u32 s6, $0x1;
	s6 =	sadd.s32 s21, s4  }
0xa3: {  	[timem:s8], [sflag:s22] =	dma.local [hbm:s6], s20  }
0xa4: {  	_ =	swait.ge [sflag:s22], s20  }
0xa5: {  	s5 =	ssub.s32 $0x0, s20;
	[sflag:s22] =	ssyncset.done $0x0  }
0xa6: {  	[sflag:s22] =	ssyncadd.s32 s5;
	_ =	sdelay $0x1  }
0xa7: {  	s23 =	simm.s32 $0x1B8B  }
0xa8: {  	_ =	swait.ge [sflag:s23], $0x1  }
0xa9: {  	[sflag:s23] =	ssyncset.done $0x0  }
0xaa: {  	s25 =	simm.s32 $0x1B8E;
	s24 =	sld [smem:$0x3FFE];
	[sflag:s23] =	ssyncadd.s32 $0xFFFFFFFF  }
0xab: {  	s26 =	simm.s32 $execute0_lowered;
	[smem:$0x3FD2] =	sst s25  }
0xac: {  	s6 =	sshll.u32 s26, $0x1;
	_ =	strace $0x80000046;
	[dreg:$0x1] =	wrdreg $0xFFFFFFFF  }
0xad: {  	s28 =	simm.s32 $_size_execute0_lowered;
	s4 =	sadd.s32 s4, s6;
	[dreg:$0x0] =	wrdreg $0x0  }
0xae: {  	s6 =	sshll.u32 s28, $0x1;
	[dreg:$0x2] =	wrdreg s4  }
0xaf: {  	[dreg:$0x3] =	wrdreg s6  }
0xb0: {  	[dreg:$0x4] =	wrdreg $0xC0  }
0xb1: {  	_ =	task [dreg:s8], $0x5FFFF  }
0xb2: {  	[dreg:$0x1] =	wrdreg $0xFFFFFFFF  }
0xb3: {  	[dreg:$0x0] =	wrdreg $0x60  }
0xb4: {  	[dreg:$0x2] =	wrdreg s17  }
0xb5: {  	[dreg:$0x3] =	wrdreg s16  }
0xb6: {  	[dreg:$0x4] =	wrdreg s24  }
0xb7: {  	[dreg:$0x5] =	wrdreg $0xA  }
0xb8: {  	_ =	task.clear_ibuf [dreg:s8], $0x6FFFF;
	_ =	strace $0x90000046  }
0xb9: {  	s29 =	simm.s32 $0xA;
	_ =	strace $0x80000048  }
0xba: {  	_ =	swait.ge [sflag:s29], $0x1  }
0xbb: {  	[sflag:s29] =	ssyncadd.s32 $0xFFFFFFFF  }
0xbc: {  	_ =	strace $0x90000048  }
0xbd: {  	_ =	sfence  }
0xbe: {  	s30 =	sld [smem:$0x0];
	_ =	sdelay $0x2  }
0xbf: {  	s31 =	sshll.u32 s1, $0xD;
	s1 =	sshrl.u32 s1, $0x2  }
0xc0: {  	s3 =	sand.u32 $0x4000, s31;
	s1 =	sadd.s32 s1, s30  }
0xc1: {  	s0 =	sor.u32 s3, s0;
	s1 =	sshll.u32 s1, $0x11  }
0xc2: {  	s0 =	sor.u32 s1, s0  }
0xc3: {  	s0 =	sadd.s32 $0x8F2B, s0  }
0xc4: {  	[sflag:s0] =	ssyncadd.remote.s32 $0x1  }
0xc5: {  	_ =	sfence.sel $0xFFFF  }
0xc6: {  	[dreg:$0x0] =	wrdreg $0xFFFFFFFF;
	(pc) =	sbr.abs _section_cstart, $3  }
0xc7: {  	[dreg:$0x1] =	wrdreg $0xFFFFFFFF  }
0xc8: {  	_ =	task.clear_ibuf [dreg:s8], $0x2FFFF;
	_ =	strace $0x9FFFFFFF  }
0xc9: {  	(tm) =	ssettm $0x7FFFFFFF  }
tec
execute0_lowered:
.L_overlay_start_1:
0x0: {  	(tag) =	ssettag $0x1  }
0x1: {  	s1 =	rddreg [dreg:$0x0];
	s2 =	srdreg.scid  }
0x2: {  	s4 =	rddreg [dreg:$0x1];
	s0 =	stileid.u32;
	s12 =	sand.u32 $0x1, s2  }
0x3: {  	s10 =	rddreg [dreg:$0x2];
	s5 =	sshll.u32 s0, $0xA;
	s6 =	sshll.u32 s12, $0x9  }
0x4: {  	s3 =	simm.s32 $0x0;
	s2 =	rddreg [dreg:$0x3];
	s11 =	sor.u32 s6, s5  }
0x5: {  	[smem:$0x7FF] =	sst s3;
	s5 =	sshrl.u32 s11, $0x3  }
0x6: {  	_ =	strace $0x80000047;
	s4 =	sadd.s32 s4, s5;
	s5 =	simm.s32 $0x5  }
0x7: {  	[tilespmem:s3], [sflag:$0x5] =	stream.linear.gather [hbm4b:s4+s3], $0x200, $0x38;
	[tilespmem:$0x10200] =	vst v63  }
0x8: {  	_ =	swait.ge [sflag:s5], $0x200  }
0x9: {  	[sflag:s5] =	ssyncset.done $0x0  }
0xa: {  	s7 =	simm.s32 $0x200;
	s6 =	simm.s32 $0x100;
	[sflag:s5] =	ssyncadd.s32 $0xFFFFFE00  }
0xb: {  	[tilespmem:s7], [sflag:$0x1] =	stream.indirect.gather [hbm4b:s1+s6], $0x80, s3, s6, $0xb8;
	[tilespmem:$0x10200] =	vst v63  }
0xc: {  	s8 =	simm.s32 $0x8200;
	s9 =	simm.s32 $0x1  }
0xd: {  	[tilespmem:s8], [sflag:$0x2] =	stream.indirect.gather [hbm4b:s1+s6], $0x80, s6, s6, $0xb8;
	[tilespmem:$0x10200] =	vst v63  }
0xe: {  	s14 =	ssub.s32 $0x2, s12;
	s11 =	sshll.u32 s11, $0x4;
	_ =	swait.ge [sflag:s9], $0x8000  }
0xf: {  	s15 =	sshrl.u32 s14, $0x1;
	s13 =	sadd.s32 s11, s10;
	[sflag:s9] =	ssyncset.done $0x0  }
0x10: {  	s11 =	simm.s32 $0x2;
	s10 =	sadd.s32 $0x9000, s13;
	[sflag:s9] =	ssyncadd.s32 $0xFFFF8000  }
0x11: {  	[hbm4b:s10+s3] =	stream.linear.scatter [tilespmem:s7], [sflag:$0x3], $0x8000, $0x38;
	[tilespmem:$0x10200] =	vst v63  }
0x12: {  	s14 =	ssub.s32 s14, s15;
	_ =	swait.ge [sflag:s11], $0x8000  }
0x13: {  	s15 =	smax.u32 s14, $0x1;
	s12 =	sadd.s32 $0xA000, s13;
	[sflag:s11] =	ssyncset.done $0x0  }
0x14: {  	s13 =	simm.s32 $0x3;
	p0 =	sne.s32 s15, $0x1;
	[sflag:s11] =	ssyncadd.s32 $0xFFFF8000  }
0x15: {  	[hbm4b:s12+s3] =	stream.linear.scatter [tilespmem:s8], [sflag:$0x4], $0x8000, $0x38;
	[tilespmem:$0x10200] =	vst v63  }
.Ltmp0:
0x16: {  	_ =	swait.ge [sflag:s13], $0x8000;
	(pc) =	sbr.rel @!p0 .LBB2_2-.Ltmp0, $4  }
0x17: {  	[sflag:s13] =	ssyncset.done $0x0  }
0x18: {  	s14 =	simm.s32 $0x4;
	[sflag:s13] =	ssyncadd.s32 $0xFFFF8000  }
0x19: {  	_ =	swait.ge [sflag:s14], $0x8000  }
0x1a: {  	s15 =	sadd.s32 $0xFFFFFFFF, s15;
	[sflag:s14] =	ssyncset.done $0x0  }
.LBB2_1:
0x1b: {  	p0 =	sne.s32 s15, $0x1;
	s15 =	sadd.s32 $0xFFFFFFFF, s15;
	[sflag:s14] =	ssyncadd.s32 $0xFFFF8000  }
0x1c: {  	[tilespmem:s3], [sflag:$0x5] =	stream.linear.gather [hbm4b:s4+s3], $0x200, $0x38;
	[tilespmem:$0x10200] =	vst v63  }
0x1d: {  	_ =	swait.ge [sflag:s5], $0x200  }
0x1e: {  	[sflag:s5] =	ssyncset.done $0x0  }
0x1f: {  	[sflag:s5] =	ssyncadd.s32 $0xFFFFFE00  }
0x20: {  	[tilespmem:s7], [sflag:$0x1] =	stream.indirect.gather [hbm4b:s1+s6], $0x80, s3, s6, $0xb8;
	[tilespmem:$0x10200] =	vst v63  }
0x21: {  	_ = 	snop  }
0x22: {  	[tilespmem:s8], [sflag:$0x2] =	stream.indirect.gather [hbm4b:s1+s6], $0x80, s6, s6, $0xb8;
	[tilespmem:$0x10200] =	vst v63  }
0x23: {  	_ =	swait.ge [sflag:s9], $0x8000  }
0x24: {  	[sflag:s9] =	ssyncset.done $0x0  }
0x25: {  	[sflag:s9] =	ssyncadd.s32 $0xFFFF8000  }
0x26: {  	[hbm4b:s10+s3] =	stream.linear.scatter [tilespmem:s7], [sflag:$0x3], $0x8000, $0x38;
	[tilespmem:$0x10200] =	vst v63  }
0x27: {  	_ =	swait.ge [sflag:s11], $0x8000  }
0x28: {  	[sflag:s11] =	ssyncset.done $0x0  }
0x29: {  	[sflag:s11] =	ssyncadd.s32 $0xFFFF8000  }
0x2a: {  	[hbm4b:s12+s3] =	stream.linear.scatter [tilespmem:s8], [sflag:$0x4], $0x8000, $0x38;
	[tilespmem:$0x10200] =	vst v63  }
.Ltmp1:
0x2b: {  	_ =	swait.ge [sflag:s13], $0x8000;
	(pc) =	sbr.rel @p0 .LBB2_1-.Ltmp1, $4  }
0x2c: {  	[sflag:s13] =	ssyncset.done $0x0  }
0x2d: {  	[sflag:s13] =	ssyncadd.s32 $0xFFFF8000  }
0x2e: {  	_ =	swait.ge [sflag:s14], $0x8000  }
0x2f: {  	[sflag:s14] =	ssyncset.done $0x0  }
.LBB2_2:
0x30: {  	[sflag:s14] =	ssyncadd.s32 $0xFFFF8000  }
0x31: {  	_ =	sfence.sel $0x180000  }
0x32: {  	[bflag:$0x0] =	sbarrier.arrive $0xFFFF  }
0x33: {  	p0 =	sne.s32 s0, $0x0;
	_ =	strace $0x90000047  }
0x34: {  	s0 =	sadd.s32 @!p0 $0x100000, s2;
	[bflag:$0x2] =	sbarrier.arrive $0xFFFF  }
0x35: {  	[sflag:s0] =	ssyncadd.tile.s32 @!p0 $0x1;
	_ =	shalt  }
.Lfunc_end2:
_tile_overlayer_lowered:
.L_overlay_start_2:
0x36: {  	(tag) =	ssettag $0x2  }
0x37: {  	s0 =	rddreg [dreg:$0x0];
	s2 =	stileid.u32  }
0x38: {  	s1 =	rddreg [dreg:$0x1];
	p0 =	sne.s32 s2, $0x0  }
0x39: {  	s3 =	rddreg [dreg:$0x2];
	[bflag:$0x3] =	sbarrier.arrive $0xFFFF;
	s2 =	simm.s32 @!p0 $0x1C05  }
0x3a: {  	[timem:s3], [sflag:s2] =	dma.local @!p0 [hbm:s0], s1  }
0x3b: {  	s0 =	simm.s32 @!p0 $0x5  }
0x3c: {  	_ =	swait.ge @!p0 [sflag:s0], s1  }
0x3d: {  	s1 =	ssub.s32 @!p0 $0x0, s1;
	[sflag:s0] =	ssyncset.done @!p0 $0x0  }
0x3e: {  	[sflag:s0] =	ssyncadd.s32 @!p0 s1  }
0x3f: {  	[bflag:$0x3] =	sbarrier.arrive $0xFFFF  }
0x40: {  	_ =	shalt  }

// kernel: kernel.28.cloned.1.call-start
scs
__scs_entry_jumppad:
0x0: {  	(pc) =	sbr.rel $0x88, $3  }
0x1: {  	(tag) =	ssettag $0x0;
	lr =	simm.s32 $0x1  }
0x2: {  	[smem:$0x3F6D] =	sst lr;
	_ =	strace $0xD0000000  }
0x3: {  	_ = 	snop  }
0x4: {  	_ = 	snop  }
0x5: {  	_ = 	snop  }
0x6: {  	_ = 	snop  }
0x7: {  	_ = 	snop  }
__scs_overlays_trampoline_lowered:
0x8: {  	[smem:$0x3F7C] =	sst s0  }
0x9: {  	[smem:$0x3F7D] =	sst s1  }
0xa: {  	[smem:$0x3F7E] =	sst s2  }
0xb: {  	[smem:$0x3F7F] =	sst s3  }
0xc: {  	[smem:$0x3F80] =	sst s4  }
0xd: {  	[smem:$0x3F81] =	sst s5  }
0xe: {  	[smem:$0x3F82] =	sst s6  }
0xf: {  	[smem:$0x3F83] =	sst s7  }
0x10: {  	[smem:$0x3F84] =	sst s8  }
0x11: {  	[smem:$0x3F85] =	sst s9;
	s0 =	simm.s32 @!p0 $0x0  }
0x12: {  	s1 =	sld [smem:$0x3F6B];
	s0 =	simm.s32 @p0 $0x1  }
0x13: {  	[smem:$0x3F86] =	sst s0;
	s0 =	simm.s32 @!p1 $0x0  }
0x14: {  	s2 =	sld [smem:$0x3F6A];
	s0 =	simm.s32 @p1 $0x1  }
0x15: {  	[smem:$0x3F87] =	sst s0;
	s0 =	simm.s32 @!p2 $0x0  }
0x16: {  	s3 =	sld [smem:$0x3FDB];
	s0 =	simm.s32 @p2 $0x1  }
0x17: {  	s4 =	simm.s32 $0x1BF5;
	[smem:$0x3F89] =	sst s0  }
0x18: {  	s0 =	sld [smem:$0x3F6C];
	_ =	swait.ge [sflag:s4], $0x0  }
0x19: {  	s7 =	sld [smem:$0x3F6D]  }
0x1a: {  	s8 =	sadd.s32 $0xFFFFE003, lr  }
0x1b: {  	s9 =	sadd.s32 $0xFFFFFEF7, lr;
	s5 =	simm.s32 $0xFFFFFFFF;
	p2 =	slt.u32 s8, $0xFFFFF086  }
0x1c: {  	p1 =	slt.u32 s9, $0xF7A;
	s5 =	simm.s32 @!p2 $0x0  }
0x1d: {  	s5 =	simm.s32 @p1 $0x1;
	p0 =	seq.s32 s7, s2  }
0x1e: {  	s7 =	smul.u32 @!p0 $0xF7A, s2;
	p2 =	seq.s32 @!p0 s5, $0x0  }
0x1f: {  	s9 =	smul.u32 $0xF7A, s1;
	s8 =	simm.s32 @!p0 $0x1BF5;
	p2 =	por !p2, p0  }
0x20: {  	[sflag:s8] =	ssyncset.s32 @!p0 $0xFFFFF086;
	s6 =	sadd.s32 @!p0 s3, s7;
	s7 =	simm.s32 @!p0 $0x108  }
0x21: {  	s3 =	sadd.s32 s3, s9;
	s6 =	sadd.s32 @!p0 $0x88, s6;
	s7 =	simm.s32 @p2 $0x1082  }
0x22: {  	[simem:s7], [sflag:s8] =	dma.local @!p0 [hbm:s6], $0xF7A  }
0x23: {  	s9 =	sor.u32 $0xD0000000, s2;
	s6 =	simm.s32 $0x108;
	_ =	swait.ge @!p0 [sflag:s8], $0x0  }
0x24: {  	s3 =	sadd.s32 $0x88, s3;
	s6 =	simm.s32 @!p1 $0x1082;
	[sflag:s4] =	ssyncset.s32 $0xFFFFF086  }
0x25: {  	[simem:s6], [sflag:s4] =	dma.local [hbm:s3], $0xF7A  }
0x26: {  	[smem:$0x3F6D] =	sst s1;
	(tag) =	ssettag s2;
	_ =	strace s9  }
0x27: {  	s1 =	sld [smem:$0x3F7D]  }
0x28: {  	s2 =	sld [smem:$0x3F7E]  }
0x29: {  	s4 =	sld [smem:$0x3F80]  }
0x2a: {  	p0 =	seq.s32 s5, $0x0;
	s5 =	sld [smem:$0x3F81]  }
0x2b: {  	s6 =	sld [smem:$0x3F82]  }
0x2c: {  	s7 =	sld [smem:$0x3F83]  }
0x2d: {  	s3 =	simm.s32 $0x108;
	s8 =	sld [smem:$0x3F84]  }
0x2e: {  	s3 =	simm.s32 @!p0 $0x1082;
	s9 =	sld [smem:$0x3F85]  }
0x2f: {  	lr =	sadd.s32 s0, s3;
	s0 =	sld [smem:$0x3F7C]  }
0x30: {  	s3 =	sld [smem:$0x3F7F]  }
0x31: {  	[smem:$0x3F88] =	sst s10  }
0x32: {  	s10 =	sld [smem:$0x3F86];
	_ =	sdelay $0x3  }
0x33: {  	p0 =	seq.s32 s10, $0x1;
	s10 =	sld [smem:$0x3F88];
	_ =	sdelay $0x3  }
0x34: {  	[smem:$0x3F88] =	sst s10  }
0x35: {  	s10 =	sld [smem:$0x3F87];
	_ =	sdelay $0x3  }
0x36: {  	p1 =	seq.s32 s10, $0x1;
	s10 =	sld [smem:$0x3F88];
	_ =	sdelay $0x3  }
0x37: {  	[smem:$0x3F88] =	sst s10  }
0x38: {  	s10 =	sld [smem:$0x3F89]  }
0x39: {  	_ = 	snop;
	(pc) =	sbr.ind lr, $3  }
0x3a: {  	_ = 	snop  }
0x3b: {  	_ = 	snop  }
0x3c: {  	p2 =	seq.s32 s10, $0x1;
	s10 =	sld [smem:$0x3F88]  }
0x3d: {  	_ =	shalt  }
0x3e: {  	_ =	shalt  }
0x3f: {  	_ =	shalt  }
0x40: {  	_ =	shalt  }
0x41: {  	_ =	shalt  }
0x42: {  	_ =	shalt  }
0x43: {  	_ =	shalt  }
0x44: {  	_ =	shalt  }
0x45: {  	_ =	shalt  }
0x46: {  	_ =	shalt  }
0x47: {  	_ =	shalt  }
0x48: {  	_ =	shalt  }
0x49: {  	_ =	shalt  }
0x4a: {  	_ =	shalt  }
0x4b: {  	_ =	shalt  }
0x4c: {  	_ =	shalt  }
0x4d: {  	_ =	shalt  }
0x4e: {  	_ =	shalt  }
0x4f: {  	_ =	shalt  }
0x50: {  	_ =	shalt  }
0x51: {  	_ =	shalt  }
0x52: {  	_ =	shalt  }
0x53: {  	_ =	shalt  }
0x54: {  	_ =	shalt  }
0x55: {  	_ =	shalt  }
0x56: {  	_ =	shalt  }
0x57: {  	_ =	shalt  }
0x58: {  	_ =	shalt  }
0x59: {  	_ =	shalt  }
0x5a: {  	_ =	shalt  }
0x5b: {  	_ =	shalt  }
0x5c: {  	_ =	shalt  }
0x5d: {  	_ =	shalt  }
0x5e: {  	_ =	shalt  }
0x5f: {  	_ =	shalt  }
0x60: {  	_ =	shalt  }
0x61: {  	_ =	shalt  }
0x62: {  	_ =	shalt  }
0x63: {  	_ =	shalt  }
0x64: {  	_ =	shalt  }
0x65: {  	_ =	shalt  }
0x66: {  	_ =	shalt  }
0x67: {  	_ =	shalt  }
0x68: {  	_ =	shalt  }
0x69: {  	_ =	shalt  }
0x6a: {  	_ =	shalt  }
0x6b: {  	_ =	shalt  }
0x6c: {  	_ =	shalt  }
0x6d: {  	_ =	shalt  }
0x6e: {  	_ =	shalt  }
0x6f: {  	_ =	shalt  }
0x70: {  	_ =	shalt  }
0x71: {  	_ =	shalt  }
0x72: {  	_ =	shalt  }
0x73: {  	_ =	shalt  }
0x74: {  	_ =	shalt  }
0x75: {  	_ =	shalt  }
0x76: {  	_ =	shalt  }
0x77: {  	_ =	shalt  }
0x78: {  	_ =	shalt  }
0x79: {  	_ =	shalt  }
0x7a: {  	_ =	shalt  }
0x7b: {  	_ =	shalt  }
0x7c: {  	_ =	shalt  }
0x7d: {  	_ =	shalt  }
0x7e: {  	_ =	shalt  }
0x7f: {  	_ =	shalt  }
0x80: {  	_ =	shalt  }
0x81: {  	_ =	shalt  }
0x82: {  	_ =	shalt  }
0x83: {  	_ =	shalt  }
0x84: {  	_ =	shalt  }
0x85: {  	_ =	shalt  }
0x86: {  	_ =	shalt  }
0x87: {  	_ =	shalt  }
.Lfunc_end0:
.L_simem_size_0:
called_computation.2_lowered:
.L_overlay_start_0:
0x88: {  	s2 =	sld [smem:$0x3FD9]  }
0x89: {  	s3 =	sld [smem:$0x3FFE];
	_ =	sdelay $0x1  }
0x8a: {  	s1 =	srdreg.scid  }
0x8b: {  	s0 =	sand.u32 $0x1, s1  }
0x8c: {  	s15 =	sshll.u32 s0, $0xA;
	s2 =	sadd.s32 s3, s2  }
0x8d: {  	s2 =	sadd.s32 s2, s15  }
0x8e: {  	[smem:$0x3F94] =	sst s2  }
0x8f: {  	_ = 	snop  }
0x90: {  	s2 =	sld [smem:$0x3FD0];
	_ =	sdelay $0x2  }
0x91: {  	s16 =	simm.s32 $0xB;
	s4 =	simm.s32 $0x10  }
0x92: {  	[smem:s4], [sflag:s16] =	dma.local [hbm:s2], $0x1  }
0x93: {  	_ =	swait.eq [sflag:s16], $0x1  }
0x94: {  	[sflag:s16] =	ssyncset.done $0x0  }
0x95: {  	[sflag:s16] =	ssyncadd.s32 $0xFFFFFFFF  }
0x96: {  	s17 =	sld [smem:$0x11];
	(tm) =	ssettm $0x1  }
0x97: {  	s18 =	sld [smem:$0x3FFB];
	_ =	sdelay $0x3  }
0x98: {  	_ =	strace s18  }
0x99: {  	s2 =	sld [smem:$0x3FFC];
	_ =	sdelay $0x3  }
0x9a: {  	_ =	strace s2  }
0x9b: {  	s2 =	sld [smem:$0x3FFD];
	_ =	sdelay $0x3  }
0x9c: {  	_ =	strace s2  }
0x9d: {  	_ =	strace $0x8FFFFFFF  }
0x9e: {  	s19 =	sld [smem:$0x3FDB];
	_ =	sdelay $0x1  }
0x9f: {  	s20 =	simm.s32 $_scs_section_size  }
0xa0: {  	s5 =	simm.s32 $_size__tile_overlayer_lowered;
	s6 =	simm.s32 $_tile_overlayer_lowered  }
0xa1: {  	s7 =	simm.s32 $0x1BFF;
	s21 =	sshll.u32 s6, $0x1;
	s4 =	sadd.s32 s20, s19  }
0xa2: {  	s22 =	simm.s32 $0x0;
	s5 =	sshll.u32 s5, $0x1;
	s6 =	sadd.s32 s21, s4  }
0xa3: {  	[timem:s22], [sflag:s7] =	dma.local [hbm:s6], s5  }
0xa4: {  	_ =	swait.ge [sflag:s7], s5  }
0xa5: {  	s5 =	ssub.s32 $0x0, s5;
	[sflag:s7] =	ssyncset.done $0x0  }
0xa6: {  	[sflag:s7] =	ssyncadd.s32 s5;
	_ =	sdelay $0x1  }
0xa7: {  	s23 =	simm.s32 $0x1B8B  }
0xa8: {  	_ =	swait.ge [sflag:s23], $0x1  }
0xa9: {  	[sflag:s23] =	ssyncset.done $0x0  }
0xaa: {  	[sflag:s23] =	ssyncadd.s32 $0xFFFFFFFF  }
0xab: {  	s5 =	sld [smem:$0x0]  }
0xac: {  	s6 =	sand.u32 $0xFFFFFFFE, s1  }
0xad: {  	p0 =	sne.s32 s1, s6  }
0xae: {  	s6 =	sshll.u32 @p0 s6, $0xE  }
0xaf: {  	s6 =	sadd.s32 @p0 $0x11B8D, s6;
	s7 =	sshll.u32 @p0 s5, $0x11  }
0xb0: {  	s6 =	sor.u32 @p0 s7, s6  }
0xb1: {  	[sflag:s6] =	ssyncadd.remote.s32 @p0 $0x1;
	_ =	sdelay $0x1  }
0xb2: {  	s6 =	simm.s32 @p0 $0x1B8D  }
0xb3: {  	_ =	swait.eq @p0 [sflag:s6], $0x1  }
0xb4: {  	[sflag:s6] =	ssyncadd.s32 @p0 $0xFFFFFFFF  }
0xb5: {  	s7 =	sshll.u32 @!p0 s1, $0xE  }
0xb6: {  	s7 =	sor.u32 @!p0 $0x4000, s7;
	s6 =	simm.s32 @!p0 $0x1B8D  }
0xb7: {  	s5 =	sshll.u32 @!p0 s5, $0x11;
	s7 =	sadd.s32 @!p0 $0x11B8D, s7;
	_ =	swait.eq @!p0 [sflag:s6], $0x1  }
0xb8: {  	s5 =	sor.u32 @!p0 s5, s7;
	[sflag:s6] =	ssyncadd.s32 @!p0 $0xFFFFFFFF  }
0xb9: {  	s25 =	simm.s32 $0x1B8E;
	s24 =	sld [smem:$0x3FFE];
	[sflag:s5] =	ssyncadd.remote.s32 @!p0 $0x1  }
0xba: {  	s26 =	simm.s32 $execute0_lowered;
	[smem:$0x3FD2] =	sst s25  }
0xbb: {  	s6 =	sshll.u32 s26, $0x1;
	_ =	strace $0x8000004F;
	[dreg:$0x1] =	wrdreg $0xFFFFFFFF  }
0xbc: {  	s28 =	simm.s32 $_size_execute0_lowered;
	s4 =	sadd.s32 s4, s6;
	[dreg:$0x0] =	wrdreg $0x0  }
0xbd: {  	s6 =	sshll.u32 s28, $0x1;
	[dreg:$0x2] =	wrdreg s4  }
0xbe: {  	[dreg:$0x3] =	wrdreg s6  }
0xbf: {  	[dreg:$0x4] =	wrdreg $0xC0  }
0xc0: {  	_ =	task [dreg:s22], $0x5FFFF  }
0xc1: {  	[dreg:$0x1] =	wrdreg $0xFFFFFFFF  }
0xc2: {  	[dreg:$0x0] =	wrdreg $0x60  }
0xc3: {  	[dreg:$0x2] =	wrdreg s24  }
0xc4: {  	[dreg:$0x3] =	wrdreg s17  }
0xc5: {  	[dreg:$0x4] =	wrdreg $0x9  }
0xc6: {  	_ =	task.clear_ibuf [dreg:s22], $0x5FFFF;
	_ =	strace $0x9000004F  }
0xc7: {  	s29 =	simm.s32 $0x9;
	_ =	strace $0x80000051  }
0xc8: {  	_ =	swait.ge [sflag:s29], $0x1  }
0xc9: {  	[sflag:s29] =	ssyncadd.s32 $0xFFFFFFFF  }
0xca: {  	_ =	strace $0x90000051  }
0xcb: {  	_ =	sfence  }
0xcc: {  	s30 =	sld [smem:$0x0];
	_ =	sdelay $0x2  }
0xcd: {  	s31 =	sshll.u32 s1, $0xD;
	s1 =	sshrl.u32 s1, $0x2  }
0xce: {  	s4 =	sand.u32 $0x4000, s31;
	s1 =	sadd.s32 s1, s30  }
0xcf: {  	s0 =	sor.u32 s4, s0;
	s1 =	sshll.u32 s1, $0x11  }
0xd0: {  	s0 =	sor.u32 s1, s0  }
0xd1: {  	s0 =	sadd.s32 $0x8F2B, s0  }
0xd2: {  	[sflag:s0] =	ssyncadd.remote.s32 $0x1  }
0xd3: {  	_ =	sfence.sel $0xFFFF  }
0xd4: {  	[dreg:$0x0] =	wrdreg $0xFFFFFFFF;
	(pc) =	sbr.abs _section_cstart, $3  }
0xd5: {  	[dreg:$0x1] =	wrdreg $0xFFFFFFFF  }
0xd6: {  	_ =	task.clear_ibuf [dreg:s22], $0x2FFFF;
	_ =	strace $0x9FFFFFFF  }
0xd7: {  	(tm) =	ssettm $0x7FFFFFFF  }
tec
execute0_lowered:
.L_overlay_start_1:
0x0: {  	(tag) =	ssettag $0x1  }
0x1: {  	s1 =	srdreg.scid  }
0x2: {  	s10 =	rddreg [dreg:$0x0];
	s0 =	stileid.u32;
	s26 =	sand.u32 $0x1, s1  }
0x3: {  	s3 =	rddreg [dreg:$0x1];
	s4 =	sshll.u32 s0, $0xC;
	s5 =	sshll.u32 s26, $0xB  }
0x4: {  	s2 =	simm.s32 $0x0;
	s1 =	rddreg [dreg:$0x2];
	s11 =	sor.u32 s5, s4  }
0x5: {  	[smem:$0x7FF] =	sst s2;
	s4 =	sshrl.u32 s11, $0x3  }
0x6: {  	_ =	strace $0x80000050;
	s3 =	sadd.s32 s3, s4;
	s4 =	simm.s32 $0x5  }
0x7: {  	[tilespmem:s2], [sflag:$0x5] =	stream.linear.gather [hbm4b:s3+s2], $0x800, $0x38;
	[tilespmem:$0x10800] =	vst v63  }
0x8: {  	_ =	swait.ge [sflag:s4], $0x800  }
0x9: {  	s6 =	simm.s32 $0x100;
	[sflag:s4] =	ssyncset.done $0x0  }
0xa: {  	s7 =	simm.s32 $0x800;
	s5 =	sadd.s32 $0x9000, s10;
	[sflag:s4] =	ssyncadd.s32 $0xFFFFF800  }
0xb: {  	[tilespmem:s7], [sflag:$0x1] =	stream.indirect.gather [hbm4b:s5+s6], $0x80, s2, s6, $0xb8;
	[tilespmem:$0x10800] =	vst v63  }
0xc: {  	s8 =	simm.s32 $0x8800;
	s9 =	simm.s32 $0x1  }
0xd: {  	[tilespmem:s8], [sflag:$0x2] =	stream.indirect.gather [hbm4b:s5+s6], $0x80, s6, s6, $0xb8;
	[tilespmem:$0x10800] =	vst v63  }
0xe: {  	s11 =	sshll.u32 s11, $0x4;
	_ =	swait.ge [sflag:s9], $0x8000  }
0xf: {  	s28 =	sadd.s32 s11, s10;
	[sflag:s9] =	ssyncset.done $0x0  }
0x10: {  	s11 =	simm.s32 $0x2;
	s10 =	sadd.s32 $0x18B800, s28;
	[sflag:s9] =	ssyncadd.s32 $0xFFFF8000  }
0x11: {  	[hbm4b:s10+s2] =	stream.linear.scatter [tilespmem:s7], [sflag:$0x3], $0x8000, $0x38;
	[tilespmem:$0x10800] =	vst v63  }
0x12: {  	_ =	swait.ge [sflag:s11], $0x8000  }
0x13: {  	[sflag:s11] =	ssyncset.done $0x0  }
0x14: {  	s13 =	simm.s32 $0x3;
	s12 =	sadd.s32 $0x18C800, s28;
	[sflag:s11] =	ssyncadd.s32 $0xFFFF8000  }
0x15: {  	[hbm4b:s12+s2] =	stream.linear.scatter [tilespmem:s8], [sflag:$0x4], $0x8000, $0x38;
	[tilespmem:$0x10800] =	vst v63  }
0x16: {  	_ =	swait.ge [sflag:s13], $0x8000  }
0x17: {  	[sflag:s13] =	ssyncset.done $0x0  }
0x18: {  	s14 =	simm.s32 $0x4;
	[sflag:s13] =	ssyncadd.s32 $0xFFFF8000  }
0x19: {  	_ =	swait.ge [sflag:s14], $0x8000  }
0x1a: {  	[sflag:s14] =	ssyncset.done $0x0  }
0x1b: {  	s15 =	simm.s32 $0x200;
	[sflag:s14] =	ssyncadd.s32 $0xFFFF8000  }
0x1c: {  	[tilespmem:s7], [sflag:$0x1] =	stream.indirect.gather [hbm4b:s5+s6], $0x80, s15, s6, $0xb8;
	[tilespmem:$0x10800] =	vst v63  }
0x1d: {  	s16 =	simm.s32 $0x300  }
0x1e: {  	[tilespmem:s8], [sflag:$0x2] =	stream.indirect.gather [hbm4b:s5+s6], $0x80, s16, s6, $0xb8;
	[tilespmem:$0x10800] =	vst v63  }
0x1f: {  	_ =	swait.ge [sflag:s9], $0x8000  }
0x20: {  	[sflag:s9] =	ssyncset.done $0x0  }
0x21: {  	s17 =	sadd.s32 $0x18D800, s28;
	[sflag:s9] =	ssyncadd.s32 $0xFFFF8000  }
0x22: {  	[hbm4b:s17+s2] =	stream.linear.scatter [tilespmem:s7], [sflag:$0x3], $0x8000, $0x38;
	[tilespmem:$0x10800] =	vst v63  }
0x23: {  	_ =	swait.ge [sflag:s11], $0x8000  }
0x24: {  	[sflag:s11] =	ssyncset.done $0x0  }
0x25: {  	s18 =	sadd.s32 $0x18E800, s28;
	[sflag:s11] =	ssyncadd.s32 $0xFFFF8000  }
0x26: {  	[hbm4b:s18+s2] =	stream.linear.scatter [tilespmem:s8], [sflag:$0x4], $0x8000, $0x38;
	[tilespmem:$0x10800] =	vst v63  }
0x27: {  	_ =	swait.ge [sflag:s13], $0x8000  }
0x28: {  	[sflag:s13] =	ssyncset.done $0x0  }
0x29: {  	[sflag:s13] =	ssyncadd.s32 $0xFFFF8000  }
0x2a: {  	_ =	swait.ge [sflag:s14], $0x8000  }
0x2b: {  	[sflag:s14] =	ssyncset.done $0x0  }
0x2c: {  	s19 =	simm.s32 $0x400;
	[sflag:s14] =	ssyncadd.s32 $0xFFFF8000  }
0x2d: {  	[tilespmem:s7], [sflag:$0x1] =	stream.indirect.gather [hbm4b:s5+s6], $0x80, s19, s6, $0xb8;
	[tilespmem:$0x10800] =	vst v63  }
0x2e: {  	s20 =	simm.s32 $0x500  }
0x2f: {  	[tilespmem:s8], [sflag:$0x2] =	stream.indirect.gather [hbm4b:s5+s6], $0x80, s20, s6, $0xb8;
	[tilespmem:$0x10800] =	vst v63  }
0x30: {  	_ =	swait.ge [sflag:s9], $0x8000  }
0x31: {  	[sflag:s9] =	ssyncset.done $0x0  }
0x32: {  	s21 =	sadd.s32 $0x18F800, s28;
	[sflag:s9] =	ssyncadd.s32 $0xFFFF8000  }
0x33: {  	[hbm4b:s21+s2] =	stream.linear.scatter [tilespmem:s7], [sflag:$0x3], $0x8000, $0x38;
	[tilespmem:$0x10800] =	vst v63  }
0x34: {  	_ =	swait.ge [sflag:s11], $0x8000  }
0x35: {  	[sflag:s11] =	ssyncset.done $0x0  }
0x36: {  	s22 =	sadd.s32 $0x190800, s28;
	[sflag:s11] =	ssyncadd.s32 $0xFFFF8000  }
0x37: {  	[hbm4b:s22+s2] =	stream.linear.scatter [tilespmem:s8], [sflag:$0x4], $0x8000, $0x38;
	[tilespmem:$0x10800] =	vst v63  }
0x38: {  	_ =	swait.ge [sflag:s13], $0x8000  }
0x39: {  	[sflag:s13] =	ssyncset.done $0x0  }
0x3a: {  	[sflag:s13] =	ssyncadd.s32 $0xFFFF8000  }
0x3b: {  	_ =	swait.ge [sflag:s14], $0x8000  }
0x3c: {  	[sflag:s14] =	ssyncset.done $0x0  }
0x3d: {  	s23 =	simm.s32 $0x600;
	[sflag:s14] =	ssyncadd.s32 $0xFFFF8000  }
0x3e: {  	[tilespmem:s7], [sflag:$0x1] =	stream.indirect.gather [hbm4b:s5+s6], $0x80, s23, s6, $0xb8;
	[tilespmem:$0x10800] =	vst v63  }
0x3f: {  	s24 =	simm.s32 $0x700  }
0x40: {  	[tilespmem:s8], [sflag:$0x2] =	stream.indirect.gather [hbm4b:s5+s6], $0x80, s24, s6, $0xb8;
	[tilespmem:$0x10800] =	vst v63  }
0x41: {  	_ =	swait.ge [sflag:s9], $0x8000  }
0x42: {  	s29 =	ssub.s32 $0x2, s26;
	s25 =	sadd.s32 $0x191800, s28;
	[sflag:s9] =	ssyncset.done $0x0  }
0x43: {  	s26 =	sadd.s32 $0x192800, s28;
	s28 =	sshrl.u32 s29, $0x1;
	[sflag:s9] =	ssyncadd.s32 $0xFFFF8000  }
0x44: {  	[hbm4b:s25+s2] =	stream.linear.scatter [tilespmem:s7], [sflag:$0x3], $0x8000, $0x38;
	[tilespmem:$0x10800] =	vst v63  }
0x45: {  	s28 =	ssub.s32 s29, s28;
	_ =	swait.ge [sflag:s11], $0x8000  }
0x46: {  	s28 =	smax.u32 s28, $0x1;
	[sflag:s11] =	ssyncset.done $0x0  }
0x47: {  	p0 =	sne.s32 s28, $0x1;
	[sflag:s11] =	ssyncadd.s32 $0xFFFF8000  }
0x48: {  	[hbm4b:s26+s2] =	stream.linear.scatter [tilespmem:s8], [sflag:$0x4], $0x8000, $0x38;
	[tilespmem:$0x10800] =	vst v63  }
.Ltmp0:
0x49: {  	_ =	swait.ge [sflag:s13], $0x8000;
	(pc) =	sbr.rel @!p0 .LBB2_2-.Ltmp0, $4  }
0x4a: {  	[sflag:s13] =	ssyncset.done $0x0  }
0x4b: {  	[sflag:s13] =	ssyncadd.s32 $0xFFFF8000  }
0x4c: {  	_ =	swait.ge [sflag:s14], $0x8000  }
0x4d: {  	s28 =	sadd.s32 $0xFFFFFFFF, s28;
	[sflag:s14] =	ssyncset.done $0x0  }
.LBB2_1:
0x4e: {  	p0 =	sne.s32 s28, $0x1;
	s28 =	sadd.s32 $0xFFFFFFFF, s28;
	[sflag:s14] =	ssyncadd.s32 $0xFFFF8000  }
0x4f: {  	[tilespmem:s2], [sflag:$0x5] =	stream.linear.gather [hbm4b:s3+s2], $0x800, $0x38;
	[tilespmem:$0x10800] =	vst v63  }
0x50: {  	_ =	swait.ge [sflag:s4], $0x800  }
0x51: {  	[sflag:s4] =	ssyncset.done $0x0  }
0x52: {  	[sflag:s4] =	ssyncadd.s32 $0xFFFFF800  }
0x53: {  	[tilespmem:s7], [sflag:$0x1] =	stream.indirect.gather [hbm4b:s5+s6], $0x80, s2, s6, $0xb8;
	[tilespmem:$0x10800] =	vst v63  }
0x54: {  	_ = 	snop  }
0x55: {  	[tilespmem:s8], [sflag:$0x2] =	stream.indirect.gather [hbm4b:s5+s6], $0x80, s6, s6, $0xb8;
	[tilespmem:$0x10800] =	vst v63  }
0x56: {  	_ =	swait.ge [sflag:s9], $0x8000  }
0x57: {  	[sflag:s9] =	ssyncset.done $0x0  }
0x58: {  	[sflag:s9] =	ssyncadd.s32 $0xFFFF8000  }
0x59: {  	[hbm4b:s10+s2] =	stream.linear.scatter [tilespmem:s7], [sflag:$0x3], $0x8000, $0x38;
	[tilespmem:$0x10800] =	vst v63  }
0x5a: {  	_ =	swait.ge [sflag:s11], $0x8000  }
0x5b: {  	[sflag:s11] =	ssyncset.done $0x0  }
0x5c: {  	[sflag:s11] =	ssyncadd.s32 $0xFFFF8000  }
0x5d: {  	[hbm4b:s12+s2] =	stream.linear.scatter [tilespmem:s8], [sflag:$0x4], $0x8000, $0x38;
	[tilespmem:$0x10800] =	vst v63  }
0x5e: {  	_ =	swait.ge [sflag:s13], $0x8000  }
0x5f: {  	[sflag:s13] =	ssyncset.done $0x0  }
0x60: {  	[sflag:s13] =	ssyncadd.s32 $0xFFFF8000  }
0x61: {  	_ =	swait.ge [sflag:s14], $0x8000  }
0x62: {  	[sflag:s14] =	ssyncset.done $0x0  }
0x63: {  	[sflag:s14] =	ssyncadd.s32 $0xFFFF8000  }
0x64: {  	[tilespmem:s7], [sflag:$0x1] =	stream.indirect.gather [hbm4b:s5+s6], $0x80, s15, s6, $0xb8;
	[tilespmem:$0x10800] =	vst v63  }
0x65: {  	_ = 	snop  }
0x66: {  	[tilespmem:s8], [sflag:$0x2] =	stream.indirect.gather [hbm4b:s5+s6], $0x80, s16, s6, $0xb8;
	[tilespmem:$0x10800] =	vst v63  }
0x67: {  	_ =	swait.ge [sflag:s9], $0x8000  }
0x68: {  	[sflag:s9] =	ssyncset.done $0x0  }
0x69: {  	[sflag:s9] =	ssyncadd.s32 $0xFFFF8000  }
0x6a: {  	[hbm4b:s17+s2] =	stream.linear.scatter [tilespmem:s7], [sflag:$0x3], $0x8000, $0x38;
	[tilespmem:$0x10800] =	vst v63  }
0x6b: {  	_ =	swait.ge [sflag:s11], $0x8000  }
0x6c: {  	[sflag:s11] =	ssyncset.done $0x0  }
0x6d: {  	[sflag:s11] =	ssyncadd.s32 $0xFFFF8000  }
0x6e: {  	[hbm4b:s18+s2] =	stream.linear.scatter [tilespmem:s8], [sflag:$0x4], $0x8000, $0x38;
	[tilespmem:$0x10800] =	vst v63  }
0x6f: {  	_ =	swait.ge [sflag:s13], $0x8000  }
0x70: {  	[sflag:s13] =	ssyncset.done $0x0  }
0x71: {  	[sflag:s13] =	ssyncadd.s32 $0xFFFF8000  }
0x72: {  	_ =	swait.ge [sflag:s14], $0x8000  }
0x73: {  	[sflag:s14] =	ssyncset.done $0x0  }
0x74: {  	[sflag:s14] =	ssyncadd.s32 $0xFFFF8000  }
0x75: {  	[tilespmem:s7], [sflag:$0x1] =	stream.indirect.gather [hbm4b:s5+s6], $0x80, s19, s6, $0xb8;
	[tilespmem:$0x10800] =	vst v63  }
0x76: {  	_ = 	snop  }
0x77: {  	[tilespmem:s8], [sflag:$0x2] =	stream.indirect.gather [hbm4b:s5+s6], $0x80, s20, s6, $0xb8;
	[tilespmem:$0x10800] =	vst v63  }
0x78: {  	_ =	swait.ge [sflag:s9], $0x8000  }
0x79: {  	[sflag:s9] =	ssyncset.done $0x0  }
0x7a: {  	[sflag:s9] =	ssyncadd.s32 $0xFFFF8000  }
0x7b: {  	[hbm4b:s21+s2] =	stream.linear.scatter [tilespmem:s7], [sflag:$0x3], $0x8000, $0x38;
	[tilespmem:$0x10800] =	vst v63  }
0x7c: {  	_ =	swait.ge [sflag:s11], $0x8000  }
0x7d: {  	[sflag:s11] =	ssyncset.done $0x0  }
0x7e: {  	[sflag:s11] =	ssyncadd.s32 $0xFFFF8000  }
0x7f: {  	[hbm4b:s22+s2] =	stream.linear.scatter [tilespmem:s8], [sflag:$0x4], $0x8000, $0x38;
	[tilespmem:$0x10800] =	vst v63  }
0x80: {  	_ =	swait.ge [sflag:s13], $0x8000  }
0x81: {  	[sflag:s13] =	ssyncset.done $0x0  }
0x82: {  	[sflag:s13] =	ssyncadd.s32 $0xFFFF8000  }
0x83: {  	_ =	swait.ge [sflag:s14], $0x8000  }
0x84: {  	[sflag:s14] =	ssyncset.done $0x0  }
0x85: {  	[sflag:s14] =	ssyncadd.s32 $0xFFFF8000  }
0x86: {  	[tilespmem:s7], [sflag:$0x1] =	stream.indirect.gather [hbm4b:s5+s6], $0x80, s23, s6, $0xb8;
	[tilespmem:$0x10800] =	vst v63  }
0x87: {  	_ = 	snop  }
0x88: {  	[tilespmem:s8], [sflag:$0x2] =	stream.indirect.gather [hbm4b:s5+s6], $0x80, s24, s6, $0xb8;
	[tilespmem:$0x10800] =	vst v63  }
0x89: {  	_ =	swait.ge [sflag:s9], $0x8000  }
0x8a: {  	[sflag:s9] =	ssyncset.done $0x0  }
0x8b: {  	[sflag:s9] =	ssyncadd.s32 $0xFFFF8000  }
0x8c: {  	[hbm4b:s25+s2] =	stream.linear.scatter [tilespmem:s7], [sflag:$0x3], $0x8000, $0x38;
	[tilespmem:$0x10800] =	vst v63  }
0x8d: {  	_ =	swait.ge [sflag:s11], $0x8000  }
0x8e: {  	[sflag:s11] =	ssyncset.done $0x0  }
0x8f: {  	[sflag:s11] =	ssyncadd.s32 $0xFFFF8000  }
0x90: {  	[hbm4b:s26+s2] =	stream.linear.scatter [tilespmem:s8], [sflag:$0x4], $0x8000, $0x38;
	[tilespmem:$0x10800] =	vst v63  }
.Ltmp1:
0x91: {  	_ =	swait.ge [sflag:s13], $0x8000;
	(pc) =	sbr.rel @p0 .LBB2_1-.Ltmp1, $4  }
0x92: {  	[sflag:s13] =	ssyncset.done $0x0  }
0x93: {  	[sflag:s13] =	ssyncadd.s32 $0xFFFF8000  }
0x94: {  	_ =	swait.ge [sflag:s14], $0x8000  }
0x95: {  	[sflag:s14] =	ssyncset.done $0x0  }
.LBB2_2:
0x96: {  	[sflag:s14] =	ssyncadd.s32 $0xFFFF8000  }
0x97: {  	_ =	sfence.sel $0x180000  }
0x98: {  	[bflag:$0x0] =	sbarrier.arrive $0xFFFF  }
0x99: {  	p0 =	sne.s32 s0, $0x0;
	_ =	strace $0x90000050  }
0x9a: {  	s0 =	sadd.s32 @!p0 $0x100000, s1;
	[bflag:$0x2] =	sbarrier.arrive $0xFFFF  }
0x9b: {  	[sflag:s0] =	ssyncadd.tile.s32 @!p0 $0x1;
	_ =	shalt  }
.Lfunc_end2:
_tile_overlayer_lowered:
.L_overlay_start_2:
0x9c: {  	(tag) =	ssettag $0x2  }
0x9d: {  	s0 =	rddreg [dreg:$0x0];
	s2 =	stileid.u32  }
0x9e: {  	s1 =	rddreg [dreg:$0x1];
	p0 =	sne.s32 s2, $0x0  }
0x9f: {  	s3 =	rddreg [dreg:$0x2];
	[bflag:$0x3] =	sbarrier.arrive $0xFFFF;
	s2 =	simm.s32 @!p0 $0x1C05  }
0xa0: {  	[timem:s3], [sflag:s2] =	dma.local @!p0 [hbm:s0], s1  }
0xa1: {  	s0 =	simm.s32 @!p0 $0x5  }
0xa2: {  	_ =	swait.ge @!p0 [sflag:s0], s1  }
0xa3: {  	s1 =	ssub.s32 @!p0 $0x0, s1;
	[sflag:s0] =	ssyncset.done @!p0 $0x0  }
0xa4: {  	[sflag:s0] =	ssyncadd.s32 @!p0 s1  }
0xa5: {  	[bflag:$0x3] =	sbarrier.arrive $0xFFFF  }
0xa6: {  	_ =	shalt  }

// kernel: kernel.31.cloned.1.call-start
scs
__scs_entry_jumppad:
0x0: {  	(pc) =	sbr.rel $0x88, $3  }
0x1: {  	(tag) =	ssettag $0x0;
	lr =	simm.s32 $0x1  }
0x2: {  	[smem:$0x3F6D] =	sst lr;
	_ =	strace $0xD0000000  }
0x3: {  	_ = 	snop  }
0x4: {  	_ = 	snop  }
0x5: {  	_ = 	snop  }
0x6: {  	_ = 	snop  }
0x7: {  	_ = 	snop  }
__scs_overlays_trampoline_lowered:
0x8: {  	[smem:$0x3F7C] =	sst s0  }
0x9: {  	[smem:$0x3F7D] =	sst s1  }
0xa: {  	[smem:$0x3F7E] =	sst s2  }
0xb: {  	[smem:$0x3F7F] =	sst s3  }
0xc: {  	[smem:$0x3F80] =	sst s4  }
0xd: {  	[smem:$0x3F81] =	sst s5  }
0xe: {  	[smem:$0x3F82] =	sst s6  }
0xf: {  	[smem:$0x3F83] =	sst s7  }
0x10: {  	[smem:$0x3F84] =	sst s8  }
0x11: {  	[smem:$0x3F85] =	sst s9;
	s0 =	simm.s32 @!p0 $0x0  }
0x12: {  	s1 =	sld [smem:$0x3F6B];
	s0 =	simm.s32 @p0 $0x1  }
0x13: {  	[smem:$0x3F86] =	sst s0;
	s0 =	simm.s32 @!p1 $0x0  }
0x14: {  	s2 =	sld [smem:$0x3F6A];
	s0 =	simm.s32 @p1 $0x1  }
0x15: {  	[smem:$0x3F87] =	sst s0;
	s0 =	simm.s32 @!p2 $0x0  }
0x16: {  	s3 =	sld [smem:$0x3FDB];
	s0 =	simm.s32 @p2 $0x1  }
0x17: {  	s4 =	simm.s32 $0x1BF5;
	[smem:$0x3F89] =	sst s0  }
0x18: {  	s0 =	sld [smem:$0x3F6C];
	_ =	swait.ge [sflag:s4], $0x0  }
0x19: {  	s7 =	sld [smem:$0x3F6D]  }
0x1a: {  	s8 =	sadd.s32 $0xFFFFE003, lr  }
0x1b: {  	s9 =	sadd.s32 $0xFFFFFEF7, lr;
	s5 =	simm.s32 $0xFFFFFFFF;
	p2 =	slt.u32 s8, $0xFFFFF086  }
0x1c: {  	p1 =	slt.u32 s9, $0xF7A;
	s5 =	simm.s32 @!p2 $0x0  }
0x1d: {  	s5 =	simm.s32 @p1 $0x1;
	p0 =	seq.s32 s7, s2  }
0x1e: {  	s7 =	smul.u32 @!p0 $0xF7A, s2;
	p2 =	seq.s32 @!p0 s5, $0x0  }
0x1f: {  	s9 =	smul.u32 $0xF7A, s1;
	s8 =	simm.s32 @!p0 $0x1BF5;
	p2 =	por !p2, p0  }
0x20: {  	[sflag:s8] =	ssyncset.s32 @!p0 $0xFFFFF086;
	s6 =	sadd.s32 @!p0 s3, s7;
	s7 =	simm.s32 @!p0 $0x108  }
0x21: {  	s3 =	sadd.s32 s3, s9;
	s6 =	sadd.s32 @!p0 $0x88, s6;
	s7 =	simm.s32 @p2 $0x1082  }
0x22: {  	[simem:s7], [sflag:s8] =	dma.local @!p0 [hbm:s6], $0xF7A  }
0x23: {  	s9 =	sor.u32 $0xD0000000, s2;
	s6 =	simm.s32 $0x108;
	_ =	swait.ge @!p0 [sflag:s8], $0x0  }
0x24: {  	s3 =	sadd.s32 $0x88, s3;
	s6 =	simm.s32 @!p1 $0x1082;
	[sflag:s4] =	ssyncset.s32 $0xFFFFF086  }
0x25: {  	[simem:s6], [sflag:s4] =	dma.local [hbm:s3], $0xF7A  }
0x26: {  	[smem:$0x3F6D] =	sst s1;
	(tag) =	ssettag s2;
	_ =	strace s9  }
0x27: {  	s1 =	sld [smem:$0x3F7D]  }
0x28: {  	s2 =	sld [smem:$0x3F7E]  }
0x29: {  	s4 =	sld [smem:$0x3F80]  }
0x2a: {  	p0 =	seq.s32 s5, $0x0;
	s5 =	sld [smem:$0x3F81]  }
0x2b: {  	s6 =	sld [smem:$0x3F82]  }
0x2c: {  	s7 =	sld [smem:$0x3F83]  }
0x2d: {  	s3 =	simm.s32 $0x108;
	s8 =	sld [smem:$0x3F84]  }
0x2e: {  	s3 =	simm.s32 @!p0 $0x1082;
	s9 =	sld [smem:$0x3F85]  }
0x2f: {  	lr =	sadd.s32 s0, s3;
	s0 =	sld [smem:$0x3F7C]  }
0x30: {  	s3 =	sld [smem:$0x3F7F]  }
0x31: {  	[smem:$0x3F88] =	sst s10  }
0x32: {  	s10 =	sld [smem:$0x3F86];
	_ =	sdelay $0x3  }
0x33: {  	p0 =	seq.s32 s10, $0x1;
	s10 =	sld [smem:$0x3F88];
	_ =	sdelay $0x3  }
0x34: {  	[smem:$0x3F88] =	sst s10  }
0x35: {  	s10 =	sld [smem:$0x3F87];
	_ =	sdelay $0x3  }
0x36: {  	p1 =	seq.s32 s10, $0x1;
	s10 =	sld [smem:$0x3F88];
	_ =	sdelay $0x3  }
0x37: {  	[smem:$0x3F88] =	sst s10  }
0x38: {  	s10 =	sld [smem:$0x3F89]  }
0x39: {  	_ = 	snop;
	(pc) =	sbr.ind lr, $3  }
0x3a: {  	_ = 	snop  }
0x3b: {  	_ = 	snop  }
0x3c: {  	p2 =	seq.s32 s10, $0x1;
	s10 =	sld [smem:$0x3F88]  }
0x3d: {  	_ =	shalt  }
0x3e: {  	_ =	shalt  }
0x3f: {  	_ =	shalt  }
0x40: {  	_ =	shalt  }
0x41: {  	_ =	shalt  }
0x42: {  	_ =	shalt  }
0x43: {  	_ =	shalt  }
0x44: {  	_ =	shalt  }
0x45: {  	_ =	shalt  }
0x46: {  	_ =	shalt  }
0x47: {  	_ =	shalt  }
0x48: {  	_ =	shalt  }
0x49: {  	_ =	shalt  }
0x4a: {  	_ =	shalt  }
0x4b: {  	_ =	shalt  }
0x4c: {  	_ =	shalt  }
0x4d: {  	_ =	shalt  }
0x4e: {  	_ =	shalt  }
0x4f: {  	_ =	shalt  }
0x50: {  	_ =	shalt  }
0x51: {  	_ =	shalt  }
0x52: {  	_ =	shalt  }
0x53: {  	_ =	shalt  }
0x54: {  	_ =	shalt  }
0x55: {  	_ =	shalt  }
0x56: {  	_ =	shalt  }
0x57: {  	_ =	shalt  }
0x58: {  	_ =	shalt  }
0x59: {  	_ =	shalt  }
0x5a: {  	_ =	shalt  }
0x5b: {  	_ =	shalt  }
0x5c: {  	_ =	shalt  }
0x5d: {  	_ =	shalt  }
0x5e: {  	_ =	shalt  }
0x5f: {  	_ =	shalt  }
0x60: {  	_ =	shalt  }
0x61: {  	_ =	shalt  }
0x62: {  	_ =	shalt  }
0x63: {  	_ =	shalt  }
0x64: {  	_ =	shalt  }
0x65: {  	_ =	shalt  }
0x66: {  	_ =	shalt  }
0x67: {  	_ =	shalt  }
0x68: {  	_ =	shalt  }
0x69: {  	_ =	shalt  }
0x6a: {  	_ =	shalt  }
0x6b: {  	_ =	shalt  }
0x6c: {  	_ =	shalt  }
0x6d: {  	_ =	shalt  }
0x6e: {  	_ =	shalt  }
0x6f: {  	_ =	shalt  }
0x70: {  	_ =	shalt  }
0x71: {  	_ =	shalt  }
0x72: {  	_ =	shalt  }
0x73: {  	_ =	shalt  }
0x74: {  	_ =	shalt  }
0x75: {  	_ =	shalt  }
0x76: {  	_ =	shalt  }
0x77: {  	_ =	shalt  }
0x78: {  	_ =	shalt  }
0x79: {  	_ =	shalt  }
0x7a: {  	_ =	shalt  }
0x7b: {  	_ =	shalt  }
0x7c: {  	_ =	shalt  }
0x7d: {  	_ =	shalt  }
0x7e: {  	_ =	shalt  }
0x7f: {  	_ =	shalt  }
0x80: {  	_ =	shalt  }
0x81: {  	_ =	shalt  }
0x82: {  	_ =	shalt  }
0x83: {  	_ =	shalt  }
0x84: {  	_ =	shalt  }
0x85: {  	_ =	shalt  }
0x86: {  	_ =	shalt  }
0x87: {  	_ =	shalt  }
.Lfunc_end0:
.L_simem_size_0:
called_computation.3_lowered:
.L_overlay_start_0:
0x88: {  	s2 =	sld [smem:$0x3FD9]  }
0x89: {  	s3 =	sld [smem:$0x3FFE];
	_ =	sdelay $0x1  }
0x8a: {  	s1 =	srdreg.scid  }
0x8b: {  	s0 =	sand.u32 $0x1, s1  }
0x8c: {  	s16 =	sshll.u32 s0, $0xA;
	s2 =	sadd.s32 s3, s2  }
0x8d: {  	s2 =	sadd.s32 s2, s16  }
0x8e: {  	[smem:$0x3F94] =	sst s2  }
0x8f: {  	_ = 	snop  }
0x90: {  	(tm) =	ssettm $0x1  }
0x91: {  	s17 =	sld [smem:$0x3FFB];
	_ =	sdelay $0x3  }
0x92: {  	_ =	strace s17  }
0x93: {  	s2 =	sld [smem:$0x3FFC];
	_ =	sdelay $0x3  }
0x94: {  	_ =	strace s2  }
0x95: {  	s2 =	sld [smem:$0x3FFD];
	_ =	sdelay $0x3  }
0x96: {  	_ =	strace s2  }
0x97: {  	_ =	strace $0x8FFFFFFF  }
0x98: {  	s18 =	sld [smem:$0x3FDB];
	_ =	sdelay $0x1  }
0x99: {  	s19 =	simm.s32 $_scs_section_size  }
0x9a: {  	s4 =	simm.s32 $_size__tile_overlayer_lowered;
	s5 =	simm.s32 $_tile_overlayer_lowered  }
0x9b: {  	s22 =	simm.s32 $0x1BFF;
	s21 =	sshll.u32 s5, $0x1;
	s2 =	sadd.s32 s19, s18  }
0x9c: {  	s6 =	simm.s32 $0x0;
	s20 =	sshll.u32 s4, $0x1;
	s4 =	sadd.s32 s21, s2  }
0x9d: {  	[timem:s6], [sflag:s22] =	dma.local [hbm:s4], s20  }
0x9e: {  	_ =	swait.ge [sflag:s22], s20  }
0x9f: {  	s3 =	ssub.s32 $0x0, s20;
	[sflag:s22] =	ssyncset.done $0x0  }
0xa0: {  	[sflag:s22] =	ssyncadd.s32 s3;
	_ =	sdelay $0x1  }
0xa1: {  	s23 =	simm.s32 $0x1B8B  }
0xa2: {  	_ =	swait.ge [sflag:s23], $0x1  }
0xa3: {  	[sflag:s23] =	ssyncset.done $0x0  }
0xa4: {  	s25 =	simm.s32 $0x1B8E;
	s24 =	sld [smem:$0x3FFE];
	[sflag:s23] =	ssyncadd.s32 $0xFFFFFFFF  }
0xa5: {  	s26 =	simm.s32 $execute0_lowered;
	[smem:$0x3FD2] =	sst s25  }
0xa6: {  	s4 =	sshll.u32 s26, $0x1;
	_ =	strace $0x8000004C;
	[dreg:$0x1] =	wrdreg $0xFFFFFFFF  }
0xa7: {  	s28 =	simm.s32 $_size_execute0_lowered;
	s2 =	sadd.s32 s2, s4;
	[dreg:$0x0] =	wrdreg $0x0  }
0xa8: {  	s4 =	sshll.u32 s28, $0x1;
	[dreg:$0x2] =	wrdreg s2  }
0xa9: {  	[dreg:$0x3] =	wrdreg s4  }
0xaa: {  	[dreg:$0x4] =	wrdreg $0xC0  }
0xab: {  	_ =	task [dreg:s6], $0x5FFFF  }
0xac: {  	[dreg:$0x1] =	wrdreg $0xFFFFFFFF  }
0xad: {  	[dreg:$0x0] =	wrdreg $0x60  }
0xae: {  	[dreg:$0x2] =	wrdreg s24  }
0xaf: {  	[dreg:$0x3] =	wrdreg $0xA  }
0xb0: {  	_ =	task.clear_ibuf [dreg:s6], $0x4FFFF;
	_ =	strace $0x9000004C  }
0xb1: {  	s29 =	simm.s32 $0xA;
	_ =	strace $0x8000004E  }
0xb2: {  	_ =	swait.ge [sflag:s29], $0x1  }
0xb3: {  	[sflag:s29] =	ssyncadd.s32 $0xFFFFFFFF  }
0xb4: {  	_ =	strace $0x9000004E  }
0xb5: {  	_ =	sfence  }
0xb6: {  	s30 =	sld [smem:$0x0];
	_ =	sdelay $0x2  }
0xb7: {  	s31 =	sshll.u32 s1, $0xD;
	s1 =	sshrl.u32 s1, $0x2  }
0xb8: {  	s3 =	sand.u32 $0x4000, s31;
	s1 =	sadd.s32 s1, s30  }
0xb9: {  	s0 =	sor.u32 s3, s0;
	s1 =	sshll.u32 s1, $0x11  }
0xba: {  	s0 =	sor.u32 s1, s0  }
0xbb: {  	s0 =	sadd.s32 $0x8F2B, s0  }
0xbc: {  	[sflag:s0] =	ssyncadd.remote.s32 $0x1  }
0xbd: {  	_ =	sfence.sel $0xFFFF  }
0xbe: {  	[dreg:$0x0] =	wrdreg $0xFFFFFFFF;
	(pc) =	sbr.abs _section_cstart, $3  }
0xbf: {  	[dreg:$0x1] =	wrdreg $0xFFFFFFFF  }
0xc0: {  	_ =	task.clear_ibuf [dreg:s6], $0x2FFFF;
	_ =	strace $0x9FFFFFFF  }
0xc1: {  	(tm) =	ssettm $0x7FFFFFFF  }
tec
execute0_lowered:
.L_overlay_start_1:
0x0: {  	(tag) =	ssettag $0x1  }
0x1: {  	s1 =	srdreg.scid  }
0x2: {  	s0 =	stileid.u32;
	s26 =	sand.u32 $0x1, s1  }
0x3: {  	s31 =	sshll.u32 s0, $0xC;
	s2 =	sshll.u32 s26, $0xB  }
0x4: {  	s11 =	sor.u32 s2, s31  }
0x5: {  	s10 =	rddreg [dreg:$0x0];
	s2 =	simm.s32 $0x0;
	s3 =	sshrl.u32 s11, $0x3  }
0x6: {  	s4 =	simm.s32 $0x5;
	[smem:$0x7FF] =	sst s2;
	s3 =	sadd.s32 s3, s10  }
0x7: {  	s1 =	rddreg [dreg:$0x1];
	_ =	strace $0x8000004D;
	s3 =	sadd.s32 $0x89800, s3  }
0x8: {  	[tilespmem:s2], [sflag:$0x5] =	stream.linear.gather [hbm4b:s3+s2], $0x800, $0x38;
	[tilespmem:$0x10800] =	vst v63  }
0x9: {  	_ =	swait.ge [sflag:s4], $0x800  }
0xa: {  	s6 =	simm.s32 $0x100;
	[sflag:s4] =	ssyncset.done $0x0  }
0xb: {  	s7 =	simm.s32 $0x800;
	s5 =	sadd.s32 $0x9000, s10;
	[sflag:s4] =	ssyncadd.s32 $0xFFFFF800  }
0xc: {  	[tilespmem:s7], [sflag:$0x1] =	stream.indirect.gather [hbm4b:s5+s6], $0x80, s2, s6, $0xb8;
	[tilespmem:$0x10800] =	vst v63  }
0xd: {  	s8 =	simm.s32 $0x8800;
	s9 =	simm.s32 $0x1  }
0xe: {  	[tilespmem:s8], [sflag:$0x2] =	stream.indirect.gather [hbm4b:s5+s6], $0x80, s6, s6, $0xb8;
	[tilespmem:$0x10800] =	vst v63  }
0xf: {  	s11 =	sshll.u32 s11, $0x4;
	_ =	swait.ge [sflag:s9], $0x8000  }
0x10: {  	s28 =	sadd.s32 s11, s10;
	[sflag:s9] =	ssyncset.done $0x0  }
0x11: {  	s11 =	simm.s32 $0x2;
	s10 =	sadd.s32 $0x8B800, s28;
	[sflag:s9] =	ssyncadd.s32 $0xFFFF8000  }
0x12: {  	[hbm4b:s10+s2] =	stream.linear.scatter [tilespmem:s7], [sflag:$0x3], $0x8000, $0x38;
	[tilespmem:$0x10800] =	vst v63  }
0x13: {  	_ =	swait.ge [sflag:s11], $0x8000  }
0x14: {  	[sflag:s11] =	ssyncset.done $0x0  }
0x15: {  	s13 =	simm.s32 $0x3;
	s12 =	sadd.s32 $0x8C800, s28;
	[sflag:s11] =	ssyncadd.s32 $0xFFFF8000  }
0x16: {  	[hbm4b:s12+s2] =	stream.linear.scatter [tilespmem:s8], [sflag:$0x4], $0x8000, $0x38;
	[tilespmem:$0x10800] =	vst v63  }
0x17: {  	_ =	swait.ge [sflag:s13], $0x8000  }
0x18: {  	[sflag:s13] =	ssyncset.done $0x0  }
0x19: {  	s14 =	simm.s32 $0x4;
	[sflag:s13] =	ssyncadd.s32 $0xFFFF8000  }
0x1a: {  	_ =	swait.ge [sflag:s14], $0x8000  }
0x1b: {  	[sflag:s14] =	ssyncset.done $0x0  }
0x1c: {  	s15 =	simm.s32 $0x200;
	[sflag:s14] =	ssyncadd.s32 $0xFFFF8000  }
0x1d: {  	[tilespmem:s7], [sflag:$0x1] =	stream.indirect.gather [hbm4b:s5+s6], $0x80, s15, s6, $0xb8;
	[tilespmem:$0x10800] =	vst v63  }
0x1e: {  	s16 =	simm.s32 $0x300  }
0x1f: {  	[tilespmem:s8], [sflag:$0x2] =	stream.indirect.gather [hbm4b:s5+s6], $0x80, s16, s6, $0xb8;
	[tilespmem:$0x10800] =	vst v63  }
0x20: {  	_ =	swait.ge [sflag:s9], $0x8000  }
0x21: {  	[sflag:s9] =	ssyncset.done $0x0  }
0x22: {  	s17 =	sadd.s32 $0x8D800, s28;
	[sflag:s9] =	ssyncadd.s32 $0xFFFF8000  }
0x23: {  	[hbm4b:s17+s2] =	stream.linear.scatter [tilespmem:s7], [sflag:$0x3], $0x8000, $0x38;
	[tilespmem:$0x10800] =	vst v63  }
0x24: {  	_ =	swait.ge [sflag:s11], $0x8000  }
0x25: {  	[sflag:s11] =	ssyncset.done $0x0  }
0x26: {  	s18 =	sadd.s32 $0x8E800, s28;
	[sflag:s11] =	ssyncadd.s32 $0xFFFF8000  }
0x27: {  	[hbm4b:s18+s2] =	stream.linear.scatter [tilespmem:s8], [sflag:$0x4], $0x8000, $0x38;
	[tilespmem:$0x10800] =	vst v63  }
0x28: {  	_ =	swait.ge [sflag:s13], $0x8000  }
0x29: {  	[sflag:s13] =	ssyncset.done $0x0  }
0x2a: {  	[sflag:s13] =	ssyncadd.s32 $0xFFFF8000  }
0x2b: {  	_ =	swait.ge [sflag:s14], $0x8000  }
0x2c: {  	[sflag:s14] =	ssyncset.done $0x0  }
0x2d: {  	s19 =	simm.s32 $0x400;
	[sflag:s14] =	ssyncadd.s32 $0xFFFF8000  }
0x2e: {  	[tilespmem:s7], [sflag:$0x1] =	stream.indirect.gather [hbm4b:s5+s6], $0x80, s19, s6, $0xb8;
	[tilespmem:$0x10800] =	vst v63  }
0x2f: {  	s20 =	simm.s32 $0x500  }
0x30: {  	[tilespmem:s8], [sflag:$0x2] =	stream.indirect.gather [hbm4b:s5+s6], $0x80, s20, s6, $0xb8;
	[tilespmem:$0x10800] =	vst v63  }
0x31: {  	_ =	swait.ge [sflag:s9], $0x8000  }
0x32: {  	[sflag:s9] =	ssyncset.done $0x0  }
0x33: {  	s21 =	sadd.s32 $0x8F800, s28;
	[sflag:s9] =	ssyncadd.s32 $0xFFFF8000  }
0x34: {  	[hbm4b:s21+s2] =	stream.linear.scatter [tilespmem:s7], [sflag:$0x3], $0x8000, $0x38;
	[tilespmem:$0x10800] =	vst v63  }
0x35: {  	_ =	swait.ge [sflag:s11], $0x8000  }
0x36: {  	[sflag:s11] =	ssyncset.done $0x0  }
0x37: {  	s22 =	sadd.s32 $0x90800, s28;
	[sflag:s11] =	ssyncadd.s32 $0xFFFF8000  }
0x38: {  	[hbm4b:s22+s2] =	stream.linear.scatter [tilespmem:s8], [sflag:$0x4], $0x8000, $0x38;
	[tilespmem:$0x10800] =	vst v63  }
0x39: {  	_ =	swait.ge [sflag:s13], $0x8000  }
0x3a: {  	[sflag:s13] =	ssyncset.done $0x0  }
0x3b: {  	[sflag:s13] =	ssyncadd.s32 $0xFFFF8000  }
0x3c: {  	_ =	swait.ge [sflag:s14], $0x8000  }
0x3d: {  	[sflag:s14] =	ssyncset.done $0x0  }
0x3e: {  	s23 =	simm.s32 $0x600;
	[sflag:s14] =	ssyncadd.s32 $0xFFFF8000  }
0x3f: {  	[tilespmem:s7], [sflag:$0x1] =	stream.indirect.gather [hbm4b:s5+s6], $0x80, s23, s6, $0xb8;
	[tilespmem:$0x10800] =	vst v63  }
0x40: {  	s24 =	simm.s32 $0x700  }
0x41: {  	[tilespmem:s8], [sflag:$0x2] =	stream.indirect.gather [hbm4b:s5+s6], $0x80, s24, s6, $0xb8;
	[tilespmem:$0x10800] =	vst v63  }
0x42: {  	_ =	swait.ge [sflag:s9], $0x8000  }
0x43: {  	s29 =	ssub.s32 $0x2, s26;
	s25 =	sadd.s32 $0x91800, s28;
	[sflag:s9] =	ssyncset.done $0x0  }
0x44: {  	s26 =	sadd.s32 $0x92800, s28;
	s28 =	sshrl.u32 s29, $0x1;
	[sflag:s9] =	ssyncadd.s32 $0xFFFF8000  }
0x45: {  	[hbm4b:s25+s2] =	stream.linear.scatter [tilespmem:s7], [sflag:$0x3], $0x8000, $0x38;
	[tilespmem:$0x10800] =	vst v63  }
0x46: {  	s28 =	ssub.s32 s29, s28;
	_ =	swait.ge [sflag:s11], $0x8000  }
0x47: {  	s28 =	smax.u32 s28, $0x1;
	[sflag:s11] =	ssyncset.done $0x0  }
0x48: {  	p0 =	sne.s32 s28, $0x1;
	[sflag:s11] =	ssyncadd.s32 $0xFFFF8000  }
0x49: {  	[hbm4b:s26+s2] =	stream.linear.scatter [tilespmem:s8], [sflag:$0x4], $0x8000, $0x38;
	[tilespmem:$0x10800] =	vst v63  }
.Ltmp0:
0x4a: {  	_ =	swait.ge [sflag:s13], $0x8000;
	(pc) =	sbr.rel @!p0 .LBB2_2-.Ltmp0, $4  }
0x4b: {  	[sflag:s13] =	ssyncset.done $0x0  }
0x4c: {  	[sflag:s13] =	ssyncadd.s32 $0xFFFF8000  }
0x4d: {  	_ =	swait.ge [sflag:s14], $0x8000  }
0x4e: {  	s28 =	sadd.s32 $0xFFFFFFFF, s28;
	[sflag:s14] =	ssyncset.done $0x0  }
.LBB2_1:
0x4f: {  	p0 =	sne.s32 s28, $0x1;
	s28 =	sadd.s32 $0xFFFFFFFF, s28;
	[sflag:s14] =	ssyncadd.s32 $0xFFFF8000  }
0x50: {  	[tilespmem:s2], [sflag:$0x5] =	stream.linear.gather [hbm4b:s3+s2], $0x800, $0x38;
	[tilespmem:$0x10800] =	vst v63  }
0x51: {  	_ =	swait.ge [sflag:s4], $0x800  }
0x52: {  	[sflag:s4] =	ssyncset.done $0x0  }
0x53: {  	[sflag:s4] =	ssyncadd.s32 $0xFFFFF800  }
0x54: {  	[tilespmem:s7], [sflag:$0x1] =	stream.indirect.gather [hbm4b:s5+s6], $0x80, s2, s6, $0xb8;
	[tilespmem:$0x10800] =	vst v63  }
0x55: {  	_ = 	snop  }
0x56: {  	[tilespmem:s8], [sflag:$0x2] =	stream.indirect.gather [hbm4b:s5+s6], $0x80, s6, s6, $0xb8;
	[tilespmem:$0x10800] =	vst v63  }
0x57: {  	_ =	swait.ge [sflag:s9], $0x8000  }
0x58: {  	[sflag:s9] =	ssyncset.done $0x0  }
0x59: {  	[sflag:s9] =	ssyncadd.s32 $0xFFFF8000  }
0x5a: {  	[hbm4b:s10+s2] =	stream.linear.scatter [tilespmem:s7], [sflag:$0x3], $0x8000, $0x38;
	[tilespmem:$0x10800] =	vst v63  }
0x5b: {  	_ =	swait.ge [sflag:s11], $0x8000  }
0x5c: {  	[sflag:s11] =	ssyncset.done $0x0  }
0x5d: {  	[sflag:s11] =	ssyncadd.s32 $0xFFFF8000  }
0x5e: {  	[hbm4b:s12+s2] =	stream.linear.scatter [tilespmem:s8], [sflag:$0x4], $0x8000, $0x38;
	[tilespmem:$0x10800] =	vst v63  }
0x5f: {  	_ =	swait.ge [sflag:s13], $0x8000  }
0x60: {  	[sflag:s13] =	ssyncset.done $0x0  }
0x61: {  	[sflag:s13] =	ssyncadd.s32 $0xFFFF8000  }
0x62: {  	_ =	swait.ge [sflag:s14], $0x8000  }
0x63: {  	[sflag:s14] =	ssyncset.done $0x0  }
0x64: {  	[sflag:s14] =	ssyncadd.s32 $0xFFFF8000  }
0x65: {  	[tilespmem:s7], [sflag:$0x1] =	stream.indirect.gather [hbm4b:s5+s6], $0x80, s15, s6, $0xb8;
	[tilespmem:$0x10800] =	vst v63  }
0x66: {  	_ = 	snop  }
0x67: {  	[tilespmem:s8], [sflag:$0x2] =	stream.indirect.gather [hbm4b:s5+s6], $0x80, s16, s6, $0xb8;
	[tilespmem:$0x10800] =	vst v63  }
0x68: {  	_ =	swait.ge [sflag:s9], $0x8000  }
0x69: {  	[sflag:s9] =	ssyncset.done $0x0  }
0x6a: {  	[sflag:s9] =	ssyncadd.s32 $0xFFFF8000  }
0x6b: {  	[hbm4b:s17+s2] =	stream.linear.scatter [tilespmem:s7], [sflag:$0x3], $0x8000, $0x38;
	[tilespmem:$0x10800] =	vst v63  }
0x6c: {  	_ =	swait.ge [sflag:s11], $0x8000  }
0x6d: {  	[sflag:s11] =	ssyncset.done $0x0  }
0x6e: {  	[sflag:s11] =	ssyncadd.s32 $0xFFFF8000  }
0x6f: {  	[hbm4b:s18+s2] =	stream.linear.scatter [tilespmem:s8], [sflag:$0x4], $0x8000, $0x38;
	[tilespmem:$0x10800] =	vst v63  }
0x70: {  	_ =	swait.ge [sflag:s13], $0x8000  }
0x71: {  	[sflag:s13] =	ssyncset.done $0x0  }
0x72: {  	[sflag:s13] =	ssyncadd.s32 $0xFFFF8000  }
0x73: {  	_ =	swait.ge [sflag:s14], $0x8000  }
0x74: {  	[sflag:s14] =	ssyncset.done $0x0  }
0x75: {  	[sflag:s14] =	ssyncadd.s32 $0xFFFF8000  }
0x76: {  	[tilespmem:s7], [sflag:$0x1] =	stream.indirect.gather [hbm4b:s5+s6], $0x80, s19, s6, $0xb8;
	[tilespmem:$0x10800] =	vst v63  }
0x77: {  	_ = 	snop  }
0x78: {  	[tilespmem:s8], [sflag:$0x2] =	stream.indirect.gather [hbm4b:s5+s6], $0x80, s20, s6, $0xb8;
	[tilespmem:$0x10800] =	vst v63  }
0x79: {  	_ =	swait.ge [sflag:s9], $0x8000  }
0x7a: {  	[sflag:s9] =	ssyncset.done $0x0  }
0x7b: {  	[sflag:s9] =	ssyncadd.s32 $0xFFFF8000  }
0x7c: {  	[hbm4b:s21+s2] =	stream.linear.scatter [tilespmem:s7], [sflag:$0x3], $0x8000, $0x38;
	[tilespmem:$0x10800] =	vst v63  }
0x7d: {  	_ =	swait.ge [sflag:s11], $0x8000  }
0x7e: {  	[sflag:s11] =	ssyncset.done $0x0  }
0x7f: {  	[sflag:s11] =	ssyncadd.s32 $0xFFFF8000  }
0x80: {  	[hbm4b:s22+s2] =	stream.linear.scatter [tilespmem:s8], [sflag:$0x4], $0x8000, $0x38;
	[tilespmem:$0x10800] =	vst v63  }
0x81: {  	_ =	swait.ge [sflag:s13], $0x8000  }
0x82: {  	[sflag:s13] =	ssyncset.done $0x0  }
0x83: {  	[sflag:s13] =	ssyncadd.s32 $0xFFFF8000  }
0x84: {  	_ =	swait.ge [sflag:s14], $0x8000  }
0x85: {  	[sflag:s14] =	ssyncset.done $0x0  }
0x86: {  	[sflag:s14] =	ssyncadd.s32 $0xFFFF8000  }
0x87: {  	[tilespmem:s7], [sflag:$0x1] =	stream.indirect.gather [hbm4b:s5+s6], $0x80, s23, s6, $0xb8;
	[tilespmem:$0x10800] =	vst v63  }
0x88: {  	_ = 	snop  }
0x89: {  	[tilespmem:s8], [sflag:$0x2] =	stream.indirect.gather [hbm4b:s5+s6], $0x80, s24, s6, $0xb8;
	[tilespmem:$0x10800] =	vst v63  }
0x8a: {  	_ =	swait.ge [sflag:s9], $0x8000  }
0x8b: {  	[sflag:s9] =	ssyncset.done $0x0  }
0x8c: {  	[sflag:s9] =	ssyncadd.s32 $0xFFFF8000  }
0x8d: {  	[hbm4b:s25+s2] =	stream.linear.scatter [tilespmem:s7], [sflag:$0x3], $0x8000, $0x38;
	[tilespmem:$0x10800] =	vst v63  }
0x8e: {  	_ =	swait.ge [sflag:s11], $0x8000  }
0x8f: {  	[sflag:s11] =	ssyncset.done $0x0  }
0x90: {  	[sflag:s11] =	ssyncadd.s32 $0xFFFF8000  }
0x91: {  	[hbm4b:s26+s2] =	stream.linear.scatter [tilespmem:s8], [sflag:$0x4], $0x8000, $0x38;
	[tilespmem:$0x10800] =	vst v63  }
.Ltmp1:
0x92: {  	_ =	swait.ge [sflag:s13], $0x8000;
	(pc) =	sbr.rel @p0 .LBB2_1-.Ltmp1, $4  }
0x93: {  	[sflag:s13] =	ssyncset.done $0x0  }
0x94: {  	[sflag:s13] =	ssyncadd.s32 $0xFFFF8000  }
0x95: {  	_ =	swait.ge [sflag:s14], $0x8000  }
0x96: {  	[sflag:s14] =	ssyncset.done $0x0  }
.LBB2_2:
0x97: {  	[sflag:s14] =	ssyncadd.s32 $0xFFFF8000  }
0x98: {  	_ =	sfence.sel $0x180000  }
0x99: {  	[bflag:$0x0] =	sbarrier.arrive $0xFFFF  }
0x9a: {  	p0 =	sne.s32 s0, $0x0;
	_ =	strace $0x9000004D  }
0x9b: {  	s0 =	sadd.s32 @!p0 $0x100000, s1;
	[bflag:$0x2] =	sbarrier.arrive $0xFFFF  }
0x9c: {  	[sflag:s0] =	ssyncadd.tile.s32 @!p0 $0x1;
	_ =	shalt  }
.Lfunc_end2:
_tile_overlayer_lowered:
.L_overlay_start_2:
0x9d: {  	(tag) =	ssettag $0x2  }
0x9e: {  	s0 =	rddreg [dreg:$0x0];
	s2 =	stileid.u32  }
0x9f: {  	s1 =	rddreg [dreg:$0x1];
	p0 =	sne.s32 s2, $0x0  }
0xa0: {  	s3 =	rddreg [dreg:$0x2];
	[bflag:$0x3] =	sbarrier.arrive $0xFFFF;
	s2 =	simm.s32 @!p0 $0x1C05  }
0xa1: {  	[timem:s3], [sflag:s2] =	dma.local @!p0 [hbm:s0], s1  }
0xa2: {  	s0 =	simm.s32 @!p0 $0x5  }
0xa3: {  	_ =	swait.ge @!p0 [sflag:s0], s1  }
0xa4: {  	s1 =	ssub.s32 @!p0 $0x0, s1;
	[sflag:s0] =	ssyncset.done @!p0 $0x0  }
0xa5: {  	[sflag:s0] =	ssyncadd.s32 @!p0 s1  }
0xa6: {  	[bflag:$0x3] =	sbarrier.arrive $0xFFFF  }
0xa7: {  	_ =	shalt  }

</sc_bundles>
